<compile_context>
chip_gen: v7x
topology: tpu7x:2x2x1
jax: 0.10.2.dev20260603
libtpu: 0.0.44.dev20260713+nightly
codegen_flags: <defaults>
</compile_context>

<pallas_src>
import functools

import jax
import jax.numpy as jnp
from jax import lax
from jax.experimental import pallas as pl
from jax.experimental.pallas import tpu as pltpu
from jax.experimental.pallas import tpu_sc as plsc

N = 10000
NPAD = 10240
E = 320000
D = 128
H = 128
C = 64
G = 128

NC = 2
NS = 16
NW = NC * NS
EG = 128
E_ALL = E + N
GPT = 82
E_PAD = NW * EG * GPT
ROWS_PER_SUB = NPAD // NS


def _zero_vmem_rows(buf, nrows, width):
    z = jnp.zeros((16,), jnp.float32)

    def body(i, _):
        for j in range(width // 16):
            buf[i, pl.ds(j * 16, 16)] = z
        return 0

    lax.fori_loop(0, nrows, body, 0)


def _fill_vmem_rows(buf, nrows, width, value):
    v = jnp.full((16,), value, jnp.float32)

    def body(i, _):
        for j in range(width // 16):
            buf[i, pl.ds(j * 16, 16)] = v
        return 0

    lax.fori_loop(0, nrows, body, 0)


def _copy_rows_to_shared(buf, acc_sh, base):
    full, rem = divmod(ROWS_PER_SUB, EG)
    for g in range(full):
        pltpu.sync_copy(buf, acc_sh.at[pl.ds(base + g * EG, EG)])
    if rem:
        pltpu.sync_copy(buf.at[pl.ds(0, rem)],
                        acc_sh.at[pl.ds(base + full * EG, rem)])


def _unpack_group(pk_v, j, sbuf, dbuf):
    for k in range(EG // 16):
        v = pk_v[j, pl.ds(k * 16, 16)]
        if sbuf is not None:
            sbuf[pl.ds(k * 16, 16)] = v & 0xFFFF
        dbuf[pl.ds(k * 16, 16)] = v >> 16


def _deg_body(pk_hbm, out_hbm, pk_v, ones_v, dbuf, acc_sh):
    c = lax.axis_index("c")
    s = lax.axis_index("s")
    wid = s * NC + c

    _zero_vmem_rows(ones_v, EG, H)
    _copy_rows_to_shared(ones_v, acc_sh, s * ROWS_PER_SUB)
    _fill_vmem_rows(ones_v, EG, H, 1.0)
    plsc.subcore_barrier()

    pltpu.sync_copy(pk_hbm.at[wid], pk_v)

    def body(j, _):
        _unpack_group(pk_v, j, None, dbuf)
        pltpu.sync_copy(ones_v, acc_sh.at[dbuf], add=True)
        return 0

    lax.fori_loop(0, GPT, body, 0)
    plsc.subcore_barrier()

    pltpu.sync_copy(
        acc_sh.at[pl.ds(s * ROWS_PER_SUB, ROWS_PER_SUB)],
        out_hbm.at[c, pl.ds(s * ROWS_PER_SUB, ROWS_PER_SUB)],
    )


def _prop_body(table_hbm, pk_hbm, out_hbm, pk_v, sa, da, sb, db, rows0,
               rows1, acc_sh, semA, semB):
    c = lax.axis_index("c")
    s = lax.axis_index("s")
    wid = s * NC + c

    _zero_vmem_rows(rows0, EG, H)
    _copy_rows_to_shared(rows0, acc_sh, s * ROWS_PER_SUB)
    plsc.subcore_barrier()

    pltpu.sync_copy(pk_hbm.at[wid], pk_v)

    _unpack_group(pk_v, 0, sa, da)
    pltpu.async_copy(table_hbm.at[sa], rows0, semA)

    def body(jj, _):
        j0 = 2 * jj
        _unpack_group(pk_v, j0 + 1, sb, db)
        pltpu.async_copy(table_hbm.at[sb], rows1, semB)
        pltpu.make_async_copy(table_hbm.at[pl.ds(0, EG)], rows0, semA).wait()
        pltpu.sync_copy(rows0, acc_sh.at[da], add=True)

        _unpack_group(pk_v, jnp.minimum(j0 + 2, GPT - 1), sa, da)
        pltpu.async_copy(table_hbm.at[sa], rows0, semA)

        pltpu.make_async_copy(table_hbm.at[pl.ds(0, EG)], rows1, semB).wait()
        pltpu.sync_copy(rows1, acc_sh.at[db], add=True)
        return 0

    lax.fori_loop(0, GPT // 2, body, 0)
    pltpu.make_async_copy(table_hbm.at[pl.ds(0, EG)], rows0, semA).wait()
    plsc.subcore_barrier()

    pltpu.sync_copy(
        acc_sh.at[pl.ds(s * ROWS_PER_SUB, ROWS_PER_SUB)],
        out_hbm.at[c, pl.ds(s * ROWS_PER_SUB, ROWS_PER_SUB)],
    )


@functools.cache
def _sc_kernels():
    mesh = plsc.VectorSubcoreMesh(core_axis_name="c", subcore_axis_name="s")
    deg = pl.kernel(
        _deg_body,
        out_type=jax.ShapeDtypeStruct((NC, NPAD, H), jnp.float32),
        mesh=mesh,
        scratch_types=[
            pltpu.VMEM((GPT, EG), jnp.int32),
            pltpu.VMEM((EG, H), jnp.float32),
            pltpu.VMEM((EG,), jnp.int32),
            pltpu.VMEM_SHARED((NPAD, H), jnp.float32),
        ],
    )
    prop = pl.kernel(
        _prop_body,
        out_type=jax.ShapeDtypeStruct((NC, NPAD, H), jnp.float32),
        mesh=mesh,
        scratch_types=[
            pltpu.VMEM((GPT, EG), jnp.int32),
            pltpu.VMEM((EG,), jnp.int32),
            pltpu.VMEM((EG,), jnp.int32),
            pltpu.VMEM((EG,), jnp.int32),
            pltpu.VMEM((EG,), jnp.int32),
            pltpu.VMEM((EG, H), jnp.float32),
            pltpu.VMEM((EG, H), jnp.float32),
            pltpu.VMEM_SHARED((NPAD, H), jnp.float32),
            pltpu.SemaphoreType.DMA,
            pltpu.SemaphoreType.DMA,
        ],
    )
    return deg, prop



_BM = 1024
_GRID = NPAD // _BM
_EROWS = E // EG
_TROWS = (E_PAD - E) // EG


def _tc_pack_body(eb, pkb):
    e = eb[...]
    pk = e[0] | (e[1] << 16)
    p = (E + lax.broadcasted_iota(jnp.int32, (_TROWS, EG), 0) * EG
         + lax.broadcasted_iota(jnp.int32, (_TROWS, EG), 1))
    v = jnp.where(p < E_ALL, p - E, N + (p - E_ALL) % (NPAD - N))
    pkb[...] = jnp.concatenate([pk, v | (v << 16)], axis=0)


def _tc_pack(edge_index):
    return pl.pallas_call(
        _tc_pack_body,
        in_specs=[pl.BlockSpec((2, _EROWS, EG), lambda: (0, 0, 0))],
        out_specs=pl.BlockSpec((_EROWS + _TROWS, EG), lambda: (0, 0)),
        out_shape=jax.ShapeDtypeStruct((_EROWS + _TROWS, EG), jnp.int32),
    )(edge_index.reshape(2, _EROWS, EG))


def _dinv_block(degb):
    deg = degb[0, :, 0:1] + degb[1, :, 0:1]
    return lax.rsqrt(jnp.maximum(deg, 1.0))


def _tc_matmul_body(xb, wb, tb):
    tb[...] = jnp.dot(xb[...], wb[...], preferred_element_type=jnp.float32)


def _tc_matmul(x_pad, w):
    return pl.pallas_call(
        _tc_matmul_body,
        grid=(_GRID,),
        in_specs=[
            pl.BlockSpec((_BM, D), lambda i: (i, 0)),
            pl.BlockSpec((D, H), lambda i: (0, 0)),
        ],
        out_specs=pl.BlockSpec((_BM, H), lambda i: (i, 0)),
        out_shape=jax.ShapeDtypeStruct((NPAD, H), jnp.float32),
    )(x_pad, w)


def _tc_scale_body(tb, degb, tableb, dinvb):
    dinv = _dinv_block(degb[...])
    tableb[...] = tb[...] * dinv
    dinvb[...] = jnp.broadcast_to(dinv, (_BM, H))


def _tc_scale(t0, degp):
    return pl.pallas_call(
        _tc_scale_body,
        grid=(_GRID,),
        in_specs=[
            pl.BlockSpec((_BM, H), lambda i: (i, 0)),
            pl.BlockSpec((NC, _BM, H), lambda i: (0, i, 0)),
        ],
        out_specs=[
            pl.BlockSpec((_BM, H), lambda i: (i, 0)),
            pl.BlockSpec((_BM, H), lambda i: (i, 0)),
        ],
        out_shape=[
            jax.ShapeDtypeStruct((NPAD, H), jnp.float32),
            jax.ShapeDtypeStruct((NPAD, H), jnp.float32),
        ],
    )(t0, degp)


def _tc_mid_body(accb, dinvb, bb, wb, tableb):
    dinv = dinvb[:, 0:1]
    acc = accb[0] + accb[1]
    h = jnp.maximum(acc * dinv + bb[...], 0.0)
    t = jnp.dot(h, wb[...], preferred_element_type=jnp.float32)
    tableb[...] = t * dinv


def _tc_mid(accp, dinv, b_row, w):
    return pl.pallas_call(
        _tc_mid_body,
        grid=(_GRID,),
        in_specs=[
            pl.BlockSpec((NC, _BM, H), lambda i: (0, i, 0)),
            pl.BlockSpec((_BM, H), lambda i: (i, 0)),
            pl.BlockSpec((1, H), lambda i: (0, 0)),
            pl.BlockSpec((H, H), lambda i: (0, 0)),
        ],
        out_specs=pl.BlockSpec((_BM, H), lambda i: (i, 0)),
        out_shape=jax.ShapeDtypeStruct((NPAD, H), jnp.float32),
    )(accp, dinv, b_row, w)


def _tc_final_body(accb, dinvb, bb, wlb, blb, batchb, y_out, gm_out,
                   sums_s, cnts_s):
    i = pl.program_id(0)

    @pl.when(i == 0)
    def _():
        sums_s[...] = jnp.zeros_like(sums_s)
        cnts_s[...] = jnp.zeros_like(cnts_s)

    dinv = dinvb[:, 0:1]
    acc = accb[0] + accb[1]
    h = jnp.maximum(acc * dinv + bb[...], 0.0)
    oh = (batchb[...] == lax.broadcasted_iota(jnp.int32, (_BM, G), 1))
    oh = oh.astype(jnp.float32)
    sums_s[...] += lax.dot_general(
        oh, h, (((0,), (0,)), ((), ())), preferred_element_type=jnp.float32)
    cnts_s[...] += lax.dot_general(
        oh, jnp.ones((_BM, 1), jnp.float32), (((0,), (0,)), ((), ())),
        preferred_element_type=jnp.float32)

    @pl.when(i == pl.num_programs(0) - 1)
    def _():
        gm = sums_s[...] / jnp.maximum(cnts_s[...], 1.0)
        gm_out[...] = gm
        y_out[...] = jnp.dot(gm, wlb[...],
                             preferred_element_type=jnp.float32) + blb[...]


def _tc_final(accp, dinv, b_row, wl, bl_row, batch2d):
    return pl.pallas_call(
        _tc_final_body,
        grid=(_GRID,),
        in_specs=[
            pl.BlockSpec((NC, _BM, H), lambda i: (0, i, 0)),
            pl.BlockSpec((_BM, H), lambda i: (i, 0)),
            pl.BlockSpec((1, H), lambda i: (0, 0)),
            pl.BlockSpec((H, C), lambda i: (0, 0)),
            pl.BlockSpec((1, C), lambda i: (0, 0)),
            pl.BlockSpec((_BM, 1), lambda i: (i, 0)),
        ],
        out_specs=[
            pl.BlockSpec((G, C), lambda i: (0, 0)),
            pl.BlockSpec((G, H), lambda i: (0, 0)),
        ],
        out_shape=[
            jax.ShapeDtypeStruct((G, C), jnp.float32),
            jax.ShapeDtypeStruct((G, H), jnp.float32),
        ],
        scratch_shapes=[
            pltpu.VMEM((G, H), jnp.float32),
            pltpu.VMEM((G, 1), jnp.float32),
        ],
    )(accp, dinv, b_row, wl, bl_row, batch2d)


def kernel(x, edge_index, batch, W0, b0, W1, b1, W2, b2, Wl, bl):
    x_pad = jnp.pad(x, ((0, NPAD - N), (0, 0)))
    pk_blk = _tc_pack(edge_index).reshape(NW, GPT, EG)
    batch2d = jnp.pad(batch, (0, NPAD - N), constant_values=G).reshape(NPAD, 1)
    b0r = b0.reshape(1, H)
    b1r = b1.reshape(1, H)
    b2r = b2.reshape(1, H)
    blr = bl.reshape(1, C)

    deg_kernel, prop_kernel = _sc_kernels()
    t0 = _tc_matmul(x_pad, W0)
    degp = deg_kernel(pk_blk)

    table, dinv = _tc_scale(t0, degp)
    accp = prop_kernel(table, pk_blk)
    table = _tc_mid(accp, dinv, b0r, W1)
    accp = prop_kernel(table, pk_blk)
    table = _tc_mid(accp, dinv, b1r, W2)
    accp = prop_kernel(table, pk_blk)
    y, gm = _tc_final(accp, dinv, b2r, Wl, blr, batch2d)
    return (y, gm)

# --- scband reference (transcript-rebuilt; emitter-appended) ---
"""Pipeline reference for scband-block-gnn-64080912056838 (READ-ONLY COPY).

The authoritative reference and input builder live on the scoring server;
editing this copy changes nothing except your own understanding.
"""

import jax, jax.numpy as jnp
import numpy as np

N_NODES = 10000
N_EDGES = 320000
D_FEAT = 128
HIDDEN = 128
N_CLASSES = 64
N_GRAPHS = 128


def _glorot(key, shape):
    fan_in, fan_out = shape[0], shape[1]
    limit = (6.0 / (fan_in + fan_out)) ** 0.5
    return jax.random.uniform(key, shape, jnp.float32, -limit, limit)


def _gcn_norm(edge_index, n):
    # add self loops, symmetric normalization (PyG GCNConv default)
    loop = jnp.arange(n, dtype=edge_index.dtype)
    src = jnp.concatenate([edge_index[0], loop])
    dst = jnp.concatenate([edge_index[1], loop])
    deg = jnp.zeros((n,), jnp.float32).at[dst].add(1.0)
    dinv = jnp.where(deg > 0, deg ** -0.5, 0.0)
    norm = dinv[src] * dinv[dst]
    return src, dst, norm


def _gcn_conv(x, src, dst, norm, W, b):
    xw = x @ W
    msg = xw[src] * norm[:, None]
    out = jnp.zeros((x.shape[0], W.shape[1]), jnp.float32).at[dst].add(msg)
    return out + b


def setup_inputs(seed: int = 0) -> dict:
    key = jax.random.key(seed)
    ks = jax.random.split(key, 12)
    x = jax.random.normal(ks[0], (N_NODES, D_FEAT), jnp.float32)
    edge_index = jax.random.randint(ks[1], (2, N_EDGES), 0, N_NODES, jnp.int64 if jax.config.jax_enable_x64 else jnp.int32).astype(jnp.int32)
    batch = jnp.sort(jax.random.randint(ks[2], (N_NODES,), 0, N_GRAPHS)).astype(jnp.int32)
    W0 = _glorot(ks[3], (D_FEAT, HIDDEN)); b0 = jnp.zeros((HIDDEN,), jnp.float32)
    W1 = _glorot(ks[4], (HIDDEN, HIDDEN)); b1 = jnp.zeros((HIDDEN,), jnp.float32)
    W2 = _glorot(ks[5], (HIDDEN, HIDDEN)); b2 = jnp.zeros((HIDDEN,), jnp.float32)
    Wl = _glorot(ks[6], (HIDDEN, N_CLASSES)); bl = jnp.zeros((N_CLASSES,), jnp.float32)
    return {"x": x, "edge_index": edge_index, "batch": batch,
            "W0": W0, "b0": b0, "W1": W1, "b1": b1, "W2": W2, "b2": b2,
            "Wl": Wl, "bl": bl}


def reference(x, edge_index, batch, W0, b0, W1, b1, W2, b2, Wl, bl):
    n = x.shape[0]
    src, dst, norm = _gcn_norm(edge_index, n)
    h = jax.nn.relu(_gcn_conv(x, src, dst, norm, W0, b0))
    h = jax.nn.relu(_gcn_conv(h, src, dst, norm, W1, b1))
    h = jax.nn.relu(_gcn_conv(h, src, dst, norm, W2, b2))
    # global_mean_pool
    sums = jax.ops.segment_sum(h, batch, num_segments=N_GRAPHS)
    counts = jax.ops.segment_sum(jnp.ones((n,), jnp.float32), batch, num_segments=N_GRAPHS)
    global_mean = sums / jnp.clip(counts, 1.0)[:, None]
    # dropout identity in eval mode
    y = global_mean @ Wl + bl
    return (y, global_mean)

if __name__ == "__main__":
    import jax
    _d = setup_inputs()
    print(jax.jit(kernel)(*tuple(_d.values())))

</pallas_src>

<mosaic_0001>
#map = affine_map<(d0, d1) -> (0, 0, 0)>
module attributes {stable_mosaic.version = 14 : i64} {
  func.func @_deg_body(%arg0: i32, %arg1: i32, %arg2: memref<32x82x128xi32, #tpu.memory_space<hbm>>, %arg3: memref<2x10240x128xf32, #tpu.memory_space<hbm>>, %arg4: memref<82x128xi32, #tpu.memory_space<vmem>>, %arg5: memref<128x128xf32, #tpu.memory_space<vmem>>, %arg6: memref<128xi32, #tpu.memory_space<vmem>>, %arg7: memref<10240x128xf32, #tpu.memory_space<vmem_shared>>) attributes {dimension_semantics = [#tpu.dimension_semantics<core_parallel>, #tpu.dimension_semantics<subcore_parallel>], iteration_bounds = array<i64: 2, 16>, scalar_prefetch = 0 : i64, scratch_operands = 4 : i64, tpu.core_type = #tpu.core_type<sc_vector_subcore>, window_params = [{transform_indices = #map}, {transform_indices = #map}]} {
    %mul3A = arith.constant 2 : i32
    %mul3A_0 = arith.muli %arg1, %mul3A : i32
    %add3A = arith.addi %mul3A_0, %arg0 : i32
    %broadcast_in_dim3A = arith.constant 0.000000e+00 : f32
    %broadcast_in_dim3A_1 = vector.broadcast %broadcast_in_dim3A : f32 to vector<16xf32>
    %scan3A = arith.constant 0 : i32
    %scan3A_2 = arith.constant 0 : i32
    %scan3A_3 = arith.constant 128 : i32
    %scan3A_4 = arith.addi %scan3A_2, %scan3A_3 : i32
    %scan3A_5 = arith.constant 1 : i32
    %scan3A_6 = scf.for %scan3A_41 = %scan3A_2 to %scan3A_4 step %scan3A_5 iter_args(%scan3A_42 = %scan3A) -> (i32)  : i32 {
      %swap3A = arith.index_cast %scan3A_41 : i32 to index
      %swap3A_43 = arith.constant 0 : index
      %swap3A_44 = tpu.vector_load %arg5[%swap3A, %swap3A_43] {strides = array<i32>} : memref<128x128xf32, #tpu.memory_space<vmem>>, vector<1x16xf32>,
      %swap3A_45 = vector.shape_cast %swap3A_44 : vector<1x16xf32> to vector<16xf32>
      %swap3A_46 = vector.shape_cast %broadcast_in_dim3A_1 : vector<16xf32> to vector<1x16xf32>
      tpu.vector_store %arg5[%swap3A, %swap3A_43], %swap3A_46 {strides = array<i32>} : memref<128x128xf32, #tpu.memory_space<vmem>>, vector<1x16xf32>,
      %swap3A_47 = arith.index_cast %scan3A_41 : i32 to index
      %swap3A_48 = arith.constant 16 : index
      %swap3A_49 = tpu.vector_load %arg5[%swap3A_47, %swap3A_48] {strides = array<i32>} : memref<128x128xf32, #tpu.memory_space<vmem>>, vector<1x16xf32>,
      %swap3A_50 = vector.shape_cast %swap3A_49 : vector<1x16xf32> to vector<16xf32>
      %swap3A_51 = vector.shape_cast %broadcast_in_dim3A_1 : vector<16xf32> to vector<1x16xf32>
      tpu.vector_store %arg5[%swap3A_47, %swap3A_48], %swap3A_51 {strides = array<i32>} : memref<128x128xf32, #tpu.memory_space<vmem>>, vector<1x16xf32>,
      %swap3A_52 = arith.index_cast %scan3A_41 : i32 to index
      %swap3A_53 = arith.constant 32 : index
      %swap3A_54 = tpu.vector_load %arg5[%swap3A_52, %swap3A_53] {strides = array<i32>} : memref<128x128xf32, #tpu.memory_space<vmem>>, vector<1x16xf32>,
      %swap3A_55 = vector.shape_cast %swap3A_54 : vector<1x16xf32> to vector<16xf32>
      %swap3A_56 = vector.shape_cast %broadcast_in_dim3A_1 : vector<16xf32> to vector<1x16xf32>
      tpu.vector_store %arg5[%swap3A_52, %swap3A_53], %swap3A_56 {strides = array<i32>} : memref<128x128xf32, #tpu.memory_space<vmem>>, vector<1x16xf32>,
      %swap3A_57 = arith.index_cast %scan3A_41 : i32 to index
      %swap3A_58 = arith.constant 48 : index
      %swap3A_59 = tpu.vector_load %arg5[%swap3A_57, %swap3A_58] {strides = array<i32>} : memref<128x128xf32, #tpu.memory_space<vmem>>, vector<1x16xf32>,
      %swap3A_60 = vector.shape_cast %swap3A_59 : vector<1x16xf32> to vector<16xf32>
      %swap3A_61 = vector.shape_cast %broadcast_in_dim3A_1 : vector<16xf32> to vector<1x16xf32>
      tpu.vector_store %arg5[%swap3A_57, %swap3A_58], %swap3A_61 {strides = array<i32>} : memref<128x128xf32, #tpu.memory_space<vmem>>, vector<1x16xf32>,
      %swap3A_62 = arith.index_cast %scan3A_41 : i32 to index
      %swap3A_63 = arith.constant 64 : index
      %swap3A_64 = tpu.vector_load %arg5[%swap3A_62, %swap3A_63] {strides = array<i32>} : memref<128x128xf32, #tpu.memory_space<vmem>>, vector<1x16xf32>,
      %swap3A_65 = vector.shape_cast %swap3A_64 : vector<1x16xf32> to vector<16xf32>
      %swap3A_66 = vector.shape_cast %broadcast_in_dim3A_1 : vector<16xf32> to vector<1x16xf32>
      tpu.vector_store %arg5[%swap3A_62, %swap3A_63], %swap3A_66 {strides = array<i32>} : memref<128x128xf32, #tpu.memory_space<vmem>>, vector<1x16xf32>,
      %swap3A_67 = arith.index_cast %scan3A_41 : i32 to index
      %swap3A_68 = arith.constant 80 : index
      %swap3A_69 = tpu.vector_load %arg5[%swap3A_67, %swap3A_68] {strides = array<i32>} : memref<128x128xf32, #tpu.memory_space<vmem>>, vector<1x16xf32>,
      %swap3A_70 = vector.shape_cast %swap3A_69 : vector<1x16xf32> to vector<16xf32>
      %swap3A_71 = vector.shape_cast %broadcast_in_dim3A_1 : vector<16xf32> to vector<1x16xf32>
      tpu.vector_store %arg5[%swap3A_67, %swap3A_68], %swap3A_71 {strides = array<i32>} : memref<128x128xf32, #tpu.memory_space<vmem>>, vector<1x16xf32>,
      %swap3A_72 = arith.index_cast %scan3A_41 : i32 to index
      %swap3A_73 = arith.constant 96 : index
      %swap3A_74 = tpu.vector_load %arg5[%swap3A_72, %swap3A_73] {strides = array<i32>} : memref<128x128xf32, #tpu.memory_space<vmem>>, vector<1x16xf32>,
      %swap3A_75 = vector.shape_cast %swap3A_74 : vector<1x16xf32> to vector<16xf32>
      %swap3A_76 = vector.shape_cast %broadcast_in_dim3A_1 : vector<16xf32> to vector<1x16xf32>
      tpu.vector_store %arg5[%swap3A_72, %swap3A_73], %swap3A_76 {strides = array<i32>} : memref<128x128xf32, #tpu.memory_space<vmem>>, vector<1x16xf32>,
      %swap3A_77 = arith.index_cast %scan3A_41 : i32 to index
      %swap3A_78 = arith.constant 112 : index
      %swap3A_79 = tpu.vector_load %arg5[%swap3A_77, %swap3A_78] {strides = array<i32>} : memref<128x128xf32, #tpu.memory_space<vmem>>, vector<1x16xf32>,
      %swap3A_80 = vector.shape_cast %swap3A_79 : vector<1x16xf32> to vector<16xf32>
      %swap3A_81 = vector.shape_cast %broadcast_in_dim3A_1 : vector<16xf32> to vector<1x16xf32>
      tpu.vector_store %arg5[%swap3A_77, %swap3A_78], %swap3A_81 {strides = array<i32>} : memref<128x128xf32, #tpu.memory_space<vmem>>, vector<1x16xf32>,
      %scan3A_82 = arith.constant 0 : i32
      scf.yield %scan3A_82 : i32
    }
    %scan3A_7 = arith.constant 128 : i32
    %mul3A_8 = arith.constant 640 : i32
    %mul3A_9 = arith.muli %arg1, %mul3A_8 : i32
    %add3A_10 = arith.constant 0 : i32
    %add3A_11 = arith.addi %mul3A_9, %add3A_10 : i32
    "tpu.region"() ({
      %run_scoped3A = tpu.sem_alloc : memref<!tpu.dma_semaphore, #tpu.memory_space<semaphore_mem>>
      %dma_start3A = arith.constant 0 : i32
      %dma_start3A_41 = tpu.memref_slice %arg7[%add3A_11, %dma_start3A] : memref<10240x128xf32, #tpu.memory_space<vmem_shared>> -> memref<128x128xf32, #tpu.memory_space<vmem_shared>>
      %dma_start3A_42 = arith.constant 0 : i32
      %dma_start3A_43 = tpu.memref_slice %arg7[%add3A_11, %dma_start3A_42] : memref<10240x128xf32, #tpu.memory_space<vmem_shared>> -> memref<128x128xf32, #tpu.memory_space<vmem_shared>>
      tpu.enqueue_dma source(%arg5 : memref<128x128xf32, #tpu.memory_space<vmem>>) target(%dma_start3A_43 : memref<128x128xf32, #tpu.memory_space<vmem_shared>>) target_semaphore(%run_scoped3A : memref<!tpu.dma_semaphore, #tpu.memory_space<semaphore_mem>>)
      %dma_wait3A = arith.constant 0 : i32
      %dma_wait3A_44 = tpu.memref_slice %arg7[%add3A_11, %dma_wait3A] : memref<10240x128xf32, #tpu.memory_space<vmem_shared>> -> memref<128x128xf32, #tpu.memory_space<vmem_shared>>
      %dma_wait3A_45 = arith.constant 0 : i32
      %dma_wait3A_46 = tpu.memref_slice %arg7[%add3A_11, %dma_wait3A_45] : memref<10240x128xf32, #tpu.memory_space<vmem_shared>> -> memref<128x128xf32, #tpu.memory_space<vmem_shared>>
      tpu.wait_dma2 semaphore(%run_scoped3A : memref<!tpu.dma_semaphore, #tpu.memory_space<semaphore_mem>>) src(%arg5 : memref<128x128xf32, #tpu.memory_space<vmem>>) dst(%dma_wait3A_46 : memref<128x128xf32, #tpu.memory_space<vmem_shared>>)
      tpu.yield
    }) : () -> ()
    %add3A_12 = arith.constant 128 : i32
    %add3A_13 = arith.addi %mul3A_9, %add3A_12 : i32
    "tpu.region"() ({
      %run_scoped3A = tpu.sem_alloc : memref<!tpu.dma_semaphore, #tpu.memory_space<semaphore_mem>>
      %dma_start3A = arith.constant 0 : i32
      %dma_start3A_41 = tpu.memref_slice %arg7[%add3A_13, %dma_start3A] : memref<10240x128xf32, #tpu.memory_space<vmem_shared>> -> memref<128x128xf32, #tpu.memory_space<vmem_shared>>
      %dma_start3A_42 = arith.constant 0 : i32
      %dma_start3A_43 = tpu.memref_slice %arg7[%add3A_13, %dma_start3A_42] : memref<10240x128xf32, #tpu.memory_space<vmem_shared>> -> memref<128x128xf32, #tpu.memory_space<vmem_shared>>
      tpu.enqueue_dma source(%arg5 : memref<128x128xf32, #tpu.memory_space<vmem>>) target(%dma_start3A_43 : memref<128x128xf32, #tpu.memory_space<vmem_shared>>) target_semaphore(%run_scoped3A : memref<!tpu.dma_semaphore, #tpu.memory_space<semaphore_mem>>)
      %dma_wait3A = arith.constant 0 : i32
      %dma_wait3A_44 = tpu.memref_slice %arg7[%add3A_13, %dma_wait3A] : memref<10240x128xf32, #tpu.memory_space<vmem_shared>> -> memref<128x128xf32, #tpu.memory_space<vmem_shared>>
      %dma_wait3A_45 = arith.constant 0 : i32
      %dma_wait3A_46 = tpu.memref_slice %arg7[%add3A_13, %dma_wait3A_45] : memref<10240x128xf32, #tpu.memory_space<vmem_shared>> -> memref<128x128xf32, #tpu.memory_space<vmem_shared>>
      tpu.wait_dma2 semaphore(%run_scoped3A : memref<!tpu.dma_semaphore, #tpu.memory_space<semaphore_mem>>) src(%arg5 : memref<128x128xf32, #tpu.memory_space<vmem>>) dst(%dma_wait3A_46 : memref<128x128xf32, #tpu.memory_space<vmem_shared>>)
      tpu.yield
    }) : () -> ()
    %add3A_14 = arith.constant 256 : i32
    %add3A_15 = arith.addi %mul3A_9, %add3A_14 : i32
    "tpu.region"() ({
      %run_scoped3A = tpu.sem_alloc : memref<!tpu.dma_semaphore, #tpu.memory_space<semaphore_mem>>
      %dma_start3A = arith.constant 0 : i32
      %dma_start3A_41 = tpu.memref_slice %arg7[%add3A_15, %dma_start3A] : memref<10240x128xf32, #tpu.memory_space<vmem_shared>> -> memref<128x128xf32, #tpu.memory_space<vmem_shared>>
      %dma_start3A_42 = arith.constant 0 : i32
      %dma_start3A_43 = tpu.memref_slice %arg7[%add3A_15, %dma_start3A_42] : memref<10240x128xf32, #tpu.memory_space<vmem_shared>> -> memref<128x128xf32, #tpu.memory_space<vmem_shared>>
      tpu.enqueue_dma source(%arg5 : memref<128x128xf32, #tpu.memory_space<vmem>>) target(%dma_start3A_43 : memref<128x128xf32, #tpu.memory_space<vmem_shared>>) target_semaphore(%run_scoped3A : memref<!tpu.dma_semaphore, #tpu.memory_space<semaphore_mem>>)
      %dma_wait3A = arith.constant 0 : i32
      %dma_wait3A_44 = tpu.memref_slice %arg7[%add3A_15, %dma_wait3A] : memref<10240x128xf32, #tpu.memory_space<vmem_shared>> -> memref<128x128xf32, #tpu.memory_space<vmem_shared>>
      %dma_wait3A_45 = arith.constant 0 : i32
      %dma_wait3A_46 = tpu.memref_slice %arg7[%add3A_15, %dma_wait3A_45] : memref<10240x128xf32, #tpu.memory_space<vmem_shared>> -> memref<128x128xf32, #tpu.memory_space<vmem_shared>>
      tpu.wait_dma2 semaphore(%run_scoped3A : memref<!tpu.dma_semaphore, #tpu.memory_space<semaphore_mem>>) src(%arg5 : memref<128x128xf32, #tpu.memory_space<vmem>>) dst(%dma_wait3A_46 : memref<128x128xf32, #tpu.memory_space<vmem_shared>>)
      tpu.yield
    }) : () -> ()
    %add3A_16 = arith.constant 384 : i32
    %add3A_17 = arith.addi %mul3A_9, %add3A_16 : i32
    "tpu.region"() ({
      %run_scoped3A = tpu.sem_alloc : memref<!tpu.dma_semaphore, #tpu.memory_space<semaphore_mem>>
      %dma_start3A = arith.constant 0 : i32
      %dma_start3A_41 = tpu.memref_slice %arg7[%add3A_17, %dma_start3A] : memref<10240x128xf32, #tpu.memory_space<vmem_shared>> -> memref<128x128xf32, #tpu.memory_space<vmem_shared>>
      %dma_start3A_42 = arith.constant 0 : i32
      %dma_start3A_43 = tpu.memref_slice %arg7[%add3A_17, %dma_start3A_42] : memref<10240x128xf32, #tpu.memory_space<vmem_shared>> -> memref<128x128xf32, #tpu.memory_space<vmem_shared>>
      tpu.enqueue_dma source(%arg5 : memref<128x128xf32, #tpu.memory_space<vmem>>) target(%dma_start3A_43 : memref<128x128xf32, #tpu.memory_space<vmem_shared>>) target_semaphore(%run_scoped3A : memref<!tpu.dma_semaphore, #tpu.memory_space<semaphore_mem>>)
      %dma_wait3A = arith.constant 0 : i32
      %dma_wait3A_44 = tpu.memref_slice %arg7[%add3A_17, %dma_wait3A] : memref<10240x128xf32, #tpu.memory_space<vmem_shared>> -> memref<128x128xf32, #tpu.memory_space<vmem_shared>>
      %dma_wait3A_45 = arith.constant 0 : i32
      %dma_wait3A_46 = tpu.memref_slice %arg7[%add3A_17, %dma_wait3A_45] : memref<10240x128xf32, #tpu.memory_space<vmem_shared>> -> memref<128x128xf32, #tpu.memory_space<vmem_shared>>
      tpu.wait_dma2 semaphore(%run_scoped3A : memref<!tpu.dma_semaphore, #tpu.memory_space<semaphore_mem>>) src(%arg5 : memref<128x128xf32, #tpu.memory_space<vmem>>) dst(%dma_wait3A_46 : memref<128x128xf32, #tpu.memory_space<vmem_shared>>)
      tpu.yield
    }) : () -> ()
    %add3A_18 = arith.constant 512 : i32
    %add3A_19 = arith.addi %mul3A_9, %add3A_18 : i32
    "tpu.region"() ({
      %run_scoped3A = tpu.sem_alloc : memref<!tpu.dma_semaphore, #tpu.memory_space<semaphore_mem>>
      %dma_start3A = arith.constant 0 : i32
      %dma_start3A_41 = tpu.memref_slice %arg7[%add3A_19, %dma_start3A] : memref<10240x128xf32, #tpu.memory_space<vmem_shared>> -> memref<128x128xf32, #tpu.memory_space<vmem_shared>>
      %dma_start3A_42 = arith.constant 0 : i32
      %dma_start3A_43 = tpu.memref_slice %arg7[%add3A_19, %dma_start3A_42] : memref<10240x128xf32, #tpu.memory_space<vmem_shared>> -> memref<128x128xf32, #tpu.memory_space<vmem_shared>>
      tpu.enqueue_dma source(%arg5 : memref<128x128xf32, #tpu.memory_space<vmem>>) target(%dma_start3A_43 : memref<128x128xf32, #tpu.memory_space<vmem_shared>>) target_semaphore(%run_scoped3A : memref<!tpu.dma_semaphore, #tpu.memory_space<semaphore_mem>>)
      %dma_wait3A = arith.constant 0 : i32
      %dma_wait3A_44 = tpu.memref_slice %arg7[%add3A_19, %dma_wait3A] : memref<10240x128xf32, #tpu.memory_space<vmem_shared>> -> memref<128x128xf32, #tpu.memory_space<vmem_shared>>
      %dma_wait3A_45 = arith.constant 0 : i32
      %dma_wait3A_46 = tpu.memref_slice %arg7[%add3A_19, %dma_wait3A_45] : memref<10240x128xf32, #tpu.memory_space<vmem_shared>> -> memref<128x128xf32, #tpu.memory_space<vmem_shared>>
      tpu.wait_dma2 semaphore(%run_scoped3A : memref<!tpu.dma_semaphore, #tpu.memory_space<semaphore_mem>>) src(%arg5 : memref<128x128xf32, #tpu.memory_space<vmem>>) dst(%dma_wait3A_46 : memref<128x128xf32, #tpu.memory_space<vmem_shared>>)
      tpu.yield
    }) : () -> ()
    %broadcast_in_dim3A_20 = arith.constant 1.000000e+00 : f32
    %broadcast_in_dim3A_21 = vector.broadcast %broadcast_in_dim3A_20 : f32 to vector<16xf32>
    %scan3A_22 = arith.constant 0 : i32
    %scan3A_23 = arith.constant 0 : i32
    %scan3A_24 = arith.constant 128 : i32
    %scan3A_25 = arith.addi %scan3A_23, %scan3A_24 : i32
    %scan3A_26 = arith.constant 1 : i32
    %scan3A_27 = scf.for %scan3A_41 = %scan3A_23 to %scan3A_25 step %scan3A_26 iter_args(%scan3A_42 = %scan3A_22) -> (i32)  : i32 {
      %swap3A = arith.index_cast %scan3A_41 : i32 to index
      %swap3A_43 = arith.constant 0 : index
      %swap3A_44 = tpu.vector_load %arg5[%swap3A, %swap3A_43] {strides = array<i32>} : memref<128x128xf32, #tpu.memory_space<vmem>>, vector<1x16xf32>,
      %swap3A_45 = vector.shape_cast %swap3A_44 : vector<1x16xf32> to vector<16xf32>
      %swap3A_46 = vector.shape_cast %broadcast_in_dim3A_21 : vector<16xf32> to vector<1x16xf32>
      tpu.vector_store %arg5[%swap3A, %swap3A_43], %swap3A_46 {strides = array<i32>} : memref<128x128xf32, #tpu.memory_space<vmem>>, vector<1x16xf32>,
      %swap3A_47 = arith.index_cast %scan3A_41 : i32 to index
      %swap3A_48 = arith.constant 16 : index
      %swap3A_49 = tpu.vector_load %arg5[%swap3A_47, %swap3A_48] {strides = array<i32>} : memref<128x128xf32, #tpu.memory_space<vmem>>, vector<1x16xf32>,
      %swap3A_50 = vector.shape_cast %swap3A_49 : vector<1x16xf32> to vector<16xf32>
      %swap3A_51 = vector.shape_cast %broadcast_in_dim3A_21 : vector<16xf32> to vector<1x16xf32>
      tpu.vector_store %arg5[%swap3A_47, %swap3A_48], %swap3A_51 {strides = array<i32>} : memref<128x128xf32, #tpu.memory_space<vmem>>, vector<1x16xf32>,
      %swap3A_52 = arith.index_cast %scan3A_41 : i32 to index
      %swap3A_53 = arith.constant 32 : index
      %swap3A_54 = tpu.vector_load %arg5[%swap3A_52, %swap3A_53] {strides = array<i32>} : memref<128x128xf32, #tpu.memory_space<vmem>>, vector<1x16xf32>,
      %swap3A_55 = vector.shape_cast %swap3A_54 : vector<1x16xf32> to vector<16xf32>
      %swap3A_56 = vector.shape_cast %broadcast_in_dim3A_21 : vector<16xf32> to vector<1x16xf32>
      tpu.vector_store %arg5[%swap3A_52, %swap3A_53], %swap3A_56 {strides = array<i32>} : memref<128x128xf32, #tpu.memory_space<vmem>>, vector<1x16xf32>,
      %swap3A_57 = arith.index_cast %scan3A_41 : i32 to index
      %swap3A_58 = arith.constant 48 : index
      %swap3A_59 = tpu.vector_load %arg5[%swap3A_57, %swap3A_58] {strides = array<i32>} : memref<128x128xf32, #tpu.memory_space<vmem>>, vector<1x16xf32>,
      %swap3A_60 = vector.shape_cast %swap3A_59 : vector<1x16xf32> to vector<16xf32>
      %swap3A_61 = vector.shape_cast %broadcast_in_dim3A_21 : vector<16xf32> to vector<1x16xf32>
      tpu.vector_store %arg5[%swap3A_57, %swap3A_58], %swap3A_61 {strides = array<i32>} : memref<128x128xf32, #tpu.memory_space<vmem>>, vector<1x16xf32>,
      %swap3A_62 = arith.index_cast %scan3A_41 : i32 to index
      %swap3A_63 = arith.constant 64 : index
      %swap3A_64 = tpu.vector_load %arg5[%swap3A_62, %swap3A_63] {strides = array<i32>} : memref<128x128xf32, #tpu.memory_space<vmem>>, vector<1x16xf32>,
      %swap3A_65 = vector.shape_cast %swap3A_64 : vector<1x16xf32> to vector<16xf32>
      %swap3A_66 = vector.shape_cast %broadcast_in_dim3A_21 : vector<16xf32> to vector<1x16xf32>
      tpu.vector_store %arg5[%swap3A_62, %swap3A_63], %swap3A_66 {strides = array<i32>} : memref<128x128xf32, #tpu.memory_space<vmem>>, vector<1x16xf32>,
      %swap3A_67 = arith.index_cast %scan3A_41 : i32 to index
      %swap3A_68 = arith.constant 80 : index
      %swap3A_69 = tpu.vector_load %arg5[%swap3A_67, %swap3A_68] {strides = array<i32>} : memref<128x128xf32, #tpu.memory_space<vmem>>, vector<1x16xf32>,
      %swap3A_70 = vector.shape_cast %swap3A_69 : vector<1x16xf32> to vector<16xf32>
      %swap3A_71 = vector.shape_cast %broadcast_in_dim3A_21 : vector<16xf32> to vector<1x16xf32>
      tpu.vector_store %arg5[%swap3A_67, %swap3A_68], %swap3A_71 {strides = array<i32>} : memref<128x128xf32, #tpu.memory_space<vmem>>, vector<1x16xf32>,
      %swap3A_72 = arith.index_cast %scan3A_41 : i32 to index
      %swap3A_73 = arith.constant 96 : index
      %swap3A_74 = tpu.vector_load %arg5[%swap3A_72, %swap3A_73] {strides = array<i32>} : memref<128x128xf32, #tpu.memory_space<vmem>>, vector<1x16xf32>,
      %swap3A_75 = vector.shape_cast %swap3A_74 : vector<1x16xf32> to vector<16xf32>
      %swap3A_76 = vector.shape_cast %broadcast_in_dim3A_21 : vector<16xf32> to vector<1x16xf32>
      tpu.vector_store %arg5[%swap3A_72, %swap3A_73], %swap3A_76 {strides = array<i32>} : memref<128x128xf32, #tpu.memory_space<vmem>>, vector<1x16xf32>,
      %swap3A_77 = arith.index_cast %scan3A_41 : i32 to index
      %swap3A_78 = arith.constant 112 : index
      %swap3A_79 = tpu.vector_load %arg5[%swap3A_77, %swap3A_78] {strides = array<i32>} : memref<128x128xf32, #tpu.memory_space<vmem>>, vector<1x16xf32>,
      %swap3A_80 = vector.shape_cast %swap3A_79 : vector<1x16xf32> to vector<16xf32>
      %swap3A_81 = vector.shape_cast %broadcast_in_dim3A_21 : vector<16xf32> to vector<1x16xf32>
      tpu.vector_store %arg5[%swap3A_77, %swap3A_78], %swap3A_81 {strides = array<i32>} : memref<128x128xf32, #tpu.memory_space<vmem>>, vector<1x16xf32>,
      %scan3A_82 = arith.constant 0 : i32
      scf.yield %scan3A_82 : i32
    }
    %scan3A_28 = arith.constant 128 : i32
    %barrier3A = arith.constant 0 : index
    tpu.barrier barrier_id(%barrier3A)
    "tpu.region"() ({
      %run_scoped3A = tpu.sem_alloc : memref<!tpu.dma_semaphore, #tpu.memory_space<semaphore_mem>>
      %dma_start3A = arith.constant 0 : i32
      %dma_start3A_41 = arith.constant 0 : i32
      %dma_start3A_42 = tpu.memref_slice %arg2[%add3A, %dma_start3A, %dma_start3A_41] : memref<32x82x128xi32, #tpu.memory_space<hbm>> -> memref<1x82x128xi32, #tpu.memory_space<hbm>>
      %dma_start3A_43 = tpu.memref_squeeze %dma_start3A_42 : memref<1x82x128xi32, #tpu.memory_space<hbm>> -> memref<82x128xi32, #tpu.memory_space<hbm>>
      %dma_start3A_44 = arith.constant 0 : i32
      %dma_start3A_45 = arith.constant 0 : i32
      %dma_start3A_46 = tpu.memref_slice %arg2[%add3A, %dma_start3A_44, %dma_start3A_45] : memref<32x82x128xi32, #tpu.memory_space<hbm>> -> memref<1x82x128xi32, #tpu.memory_space<hbm>>
      %dma_start3A_47 = tpu.memref_squeeze %dma_start3A_46 : memref<1x82x128xi32, #tpu.memory_space<hbm>> -> memref<82x128xi32, #tpu.memory_space<hbm>>
      tpu.enqueue_dma source(%dma_start3A_47 : memref<82x128xi32, #tpu.memory_space<hbm>>) target(%arg4 : memref<82x128xi32, #tpu.memory_space<vmem>>) target_semaphore(%run_scoped3A : memref<!tpu.dma_semaphore, #tpu.memory_space<semaphore_mem>>)
      %dma_wait3A = arith.constant 0 : i32
      %dma_wait3A_48 = arith.constant 0 : i32
      %dma_wait3A_49 = tpu.memref_slice %arg2[%add3A, %dma_wait3A, %dma_wait3A_48] : memref<32x82x128xi32, #tpu.memory_space<hbm>> -> memref<1x82x128xi32, #tpu.memory_space<hbm>>
      %dma_wait3A_50 = tpu.memref_squeeze %dma_wait3A_49 : memref<1x82x128xi32, #tpu.memory_space<hbm>> -> memref<82x128xi32, #tpu.memory_space<hbm>>
      %dma_wait3A_51 = arith.constant 0 : i32
      %dma_wait3A_52 = arith.constant 0 : i32
      %dma_wait3A_53 = tpu.memref_slice %arg2[%add3A, %dma_wait3A_51, %dma_wait3A_52] : memref<32x82x128xi32, #tpu.memory_space<hbm>> -> memref<1x82x128xi32, #tpu.memory_space<hbm>>
      %dma_wait3A_54 = tpu.memref_squeeze %dma_wait3A_53 : memref<1x82x128xi32, #tpu.memory_space<hbm>> -> memref<82x128xi32, #tpu.memory_space<hbm>>
      tpu.wait_dma2 semaphore(%run_scoped3A : memref<!tpu.dma_semaphore, #tpu.memory_space<semaphore_mem>>) src(%dma_wait3A_54 : memref<82x128xi32, #tpu.memory_space<hbm>>) dst(%arg4 : memref<82x128xi32, #tpu.memory_space<vmem>>)
      tpu.yield
    }) : () -> ()
    %scan3A_29 = arith.constant 0 : i32
    %scan3A_30 = arith.constant 0 : i32
    %scan3A_31 = arith.constant 82 : i32
    %scan3A_32 = arith.addi %scan3A_30, %scan3A_31 : i32
    %scan3A_33 = arith.constant 1 : i32
    %scan3A_34 = scf.for %scan3A_41 = %scan3A_30 to %scan3A_32 step %scan3A_33 iter_args(%scan3A_42 = %scan3A_29) -> (i32)  : i32 {
      %get3A = arith.index_cast %scan3A_41 : i32 to index
      %get3A_43 = arith.constant 0 : index
      %get3A_44 = tpu.vector_load %arg4[%get3A, %get3A_43] {strides = array<i32>} : memref<82x128xi32, #tpu.memory_space<vmem>>, vector<1x16xi32>,
      %get3A_45 = vector.shape_cast %get3A_44 : vector<1x16xi32> to vector<16xi32>
      %shift_right_arithmetic3A = arith.constant 16 : i32
      %shift_right_arithmetic3A_46 = vector.broadcast %shift_right_arithmetic3A : i32 to vector<16xi32>
      %shift_right_arithmetic3A_47 = arith.shrsi %get3A_45, %shift_right_arithmetic3A_46 : vector<16xi32>
      %swap3A = arith.constant 0 : index
      %swap3A_48 = tpu.vector_load %arg6[%swap3A] {strides = array<i32>} : memref<128xi32, #tpu.memory_space<vmem>>, vector<16xi32>,
      %swap3A_49 = vector.shape_cast %swap3A_48 : vector<16xi32> to vector<16xi32>
      %swap3A_50 = vector.shape_cast %shift_right_arithmetic3A_47 : vector<16xi32> to vector<16xi32>
      tpu.vector_store %arg6[%swap3A], %swap3A_50 {strides = array<i32>} : memref<128xi32, #tpu.memory_space<vmem>>, vector<16xi32>,
      %get3A_51 = arith.index_cast %scan3A_41 : i32 to index
      %get3A_52 = arith.constant 16 : index
      %get3A_53 = tpu.vector_load %arg4[%get3A_51, %get3A_52] {strides = array<i32>} : memref<82x128xi32, #tpu.memory_space<vmem>>, vector<1x16xi32>,
      %get3A_54 = vector.shape_cast %get3A_53 : vector<1x16xi32> to vector<16xi32>
      %shift_right_arithmetic3A_55 = arith.constant 16 : i32
      %shift_right_arithmetic3A_56 = vector.broadcast %shift_right_arithmetic3A_55 : i32 to vector<16xi32>
      %shift_right_arithmetic3A_57 = arith.shrsi %get3A_54, %shift_right_arithmetic3A_56 : vector<16xi32>
      %swap3A_58 = arith.constant 16 : index
      %swap3A_59 = tpu.vector_load %arg6[%swap3A_58] {strides = array<i32>} : memref<128xi32, #tpu.memory_space<vmem>>, vector<16xi32>,
      %swap3A_60 = vector.shape_cast %swap3A_59 : vector<16xi32> to vector<16xi32>
      %swap3A_61 = vector.shape_cast %shift_right_arithmetic3A_57 : vector<16xi32> to vector<16xi32>
      tpu.vector_store %arg6[%swap3A_58], %swap3A_61 {strides = array<i32>} : memref<128xi32, #tpu.memory_space<vmem>>, vector<16xi32>,
      %get3A_62 = arith.index_cast %scan3A_41 : i32 to index
      %get3A_63 = arith.constant 32 : index
      %get3A_64 = tpu.vector_load %arg4[%get3A_62, %get3A_63] {strides = array<i32>} : memref<82x128xi32, #tpu.memory_space<vmem>>, vector<1x16xi32>,
      %get3A_65 = vector.shape_cast %get3A_64 : vector<1x16xi32> to vector<16xi32>
      %shift_right_arithmetic3A_66 = arith.constant 16 : i32
      %shift_right_arithmetic3A_67 = vector.broadcast %shift_right_arithmetic3A_66 : i32 to vector<16xi32>
      %shift_right_arithmetic3A_68 = arith.shrsi %get3A_65, %shift_right_arithmetic3A_67 : vector<16xi32>
      %swap3A_69 = arith.constant 32 : index
      %swap3A_70 = tpu.vector_load %arg6[%swap3A_69] {strides = array<i32>} : memref<128xi32, #tpu.memory_space<vmem>>, vector<16xi32>,
      %swap3A_71 = vector.shape_cast %swap3A_70 : vector<16xi32> to vector<16xi32>
      %swap3A_72 = vector.shape_cast %shift_right_arithmetic3A_68 : vector<16xi32> to vector<16xi32>
      tpu.vector_store %arg6[%swap3A_69], %swap3A_72 {strides = array<i32>} : memref<128xi32, #tpu.memory_space<vmem>>, vector<16xi32>,
      %get3A_73 = arith.index_cast %scan3A_41 : i32 to index
      %get3A_74 = arith.constant 48 : index
      %get3A_75 = tpu.vector_load %arg4[%get3A_73, %get3A_74] {strides = array<i32>} : memref<82x128xi32, #tpu.memory_space<vmem>>, vector<1x16xi32>,
      %get3A_76 = vector.shape_cast %get3A_75 : vector<1x16xi32> to vector<16xi32>
      %shift_right_arithmetic3A_77 = arith.constant 16 : i32
      %shift_right_arithmetic3A_78 = vector.broadcast %shift_right_arithmetic3A_77 : i32 to vector<16xi32>
      %shift_right_arithmetic3A_79 = arith.shrsi %get3A_76, %shift_right_arithmetic3A_78 : vector<16xi32>
      %swap3A_80 = arith.constant 48 : index
      %swap3A_81 = tpu.vector_load %arg6[%swap3A_80] {strides = array<i32>} : memref<128xi32, #tpu.memory_space<vmem>>, vector<16xi32>,
      %swap3A_82 = vector.shape_cast %swap3A_81 : vector<16xi32> to vector<16xi32>
      %swap3A_83 = vector.shape_cast %shift_right_arithmetic3A_79 : vector<16xi32> to vector<16xi32>
      tpu.vector_store %arg6[%swap3A_80], %swap3A_83 {strides = array<i32>} : memref<128xi32, #tpu.memory_space<vmem>>, vector<16xi32>,
      %get3A_84 = arith.index_cast %scan3A_41 : i32 to index
      %get3A_85 = arith.constant 64 : index
      %get3A_86 = tpu.vector_load %arg4[%get3A_84, %get3A_85] {strides = array<i32>} : memref<82x128xi32, #tpu.memory_space<vmem>>, vector<1x16xi32>,
      %get3A_87 = vector.shape_cast %get3A_86 : vector<1x16xi32> to vector<16xi32>
      %shift_right_arithmetic3A_88 = arith.constant 16 : i32
      %shift_right_arithmetic3A_89 = vector.broadcast %shift_right_arithmetic3A_88 : i32 to vector<16xi32>
      %shift_right_arithmetic3A_90 = arith.shrsi %get3A_87, %shift_right_arithmetic3A_89 : vector<16xi32>
      %swap3A_91 = arith.constant 64 : index
      %swap3A_92 = tpu.vector_load %arg6[%swap3A_91] {strides = array<i32>} : memref<128xi32, #tpu.memory_space<vmem>>, vector<16xi32>,
      %swap3A_93 = vector.shape_cast %swap3A_92 : vector<16xi32> to vector<16xi32>
      %swap3A_94 = vector.shape_cast %shift_right_arithmetic3A_90 : vector<16xi32> to vector<16xi32>
      tpu.vector_store %arg6[%swap3A_91], %swap3A_94 {strides = array<i32>} : memref<128xi32, #tpu.memory_space<vmem>>, vector<16xi32>,
      %get3A_95 = arith.index_cast %scan3A_41 : i32 to index
      %get3A_96 = arith.constant 80 : index
      %get3A_97 = tpu.vector_load %arg4[%get3A_95, %get3A_96] {strides = array<i32>} : memref<82x128xi32, #tpu.memory_space<vmem>>, vector<1x16xi32>,
      %get3A_98 = vector.shape_cast %get3A_97 : vector<1x16xi32> to vector<16xi32>
      %shift_right_arithmetic3A_99 = arith.constant 16 : i32
      %shift_right_arithmetic3A_100 = vector.broadcast %shift_right_arithmetic3A_99 : i32 to vector<16xi32>
      %shift_right_arithmetic3A_101 = arith.shrsi %get3A_98, %shift_right_arithmetic3A_100 : vector<16xi32>
      %swap3A_102 = arith.constant 80 : index
      %swap3A_103 = tpu.vector_load %arg6[%swap3A_102] {strides = array<i32>} : memref<128xi32, #tpu.memory_space<vmem>>, vector<16xi32>,
      %swap3A_104 = vector.shape_cast %swap3A_103 : vector<16xi32> to vector<16xi32>
      %swap3A_105 = vector.shape_cast %shift_right_arithmetic3A_101 : vector<16xi32> to vector<16xi32>
      tpu.vector_store %arg6[%swap3A_102], %swap3A_105 {strides = array<i32>} : memref<128xi32, #tpu.memory_space<vmem>>, vector<16xi32>,
      %get3A_106 = arith.index_cast %scan3A_41 : i32 to index
      %get3A_107 = arith.constant 96 : index
      %get3A_108 = tpu.vector_load %arg4[%get3A_106, %get3A_107] {strides = array<i32>} : memref<82x128xi32, #tpu.memory_space<vmem>>, vector<1x16xi32>,
      %get3A_109 = vector.shape_cast %get3A_108 : vector<1x16xi32> to vector<16xi32>
      %shift_right_arithmetic3A_110 = arith.constant 16 : i32
      %shift_right_arithmetic3A_111 = vector.broadcast %shift_right_arithmetic3A_110 : i32 to vector<16xi32>
      %shift_right_arithmetic3A_112 = arith.shrsi %get3A_109, %shift_right_arithmetic3A_111 : vector<16xi32>
      %swap3A_113 = arith.constant 96 : index
      %swap3A_114 = tpu.vector_load %arg6[%swap3A_113] {strides = array<i32>} : memref<128xi32, #tpu.memory_space<vmem>>, vector<16xi32>,
      %swap3A_115 = vector.shape_cast %swap3A_114 : vector<16xi32> to vector<16xi32>
      %swap3A_116 = vector.shape_cast %shift_right_arithmetic3A_112 : vector<16xi32> to vector<16xi32>
      tpu.vector_store %arg6[%swap3A_113], %swap3A_116 {strides = array<i32>} : memref<128xi32, #tpu.memory_space<vmem>>, vector<16xi32>,
      %get3A_117 = arith.index_cast %scan3A_41 : i32 to index
      %get3A_118 = arith.constant 112 : index
      %get3A_119 = tpu.vector_load %arg4[%get3A_117, %get3A_118] {strides = array<i32>} : memref<82x128xi32, #tpu.memory_space<vmem>>, vector<1x16xi32>,
      %get3A_120 = vector.shape_cast %get3A_119 : vector<1x16xi32> to vector<16xi32>
      %shift_right_arithmetic3A_121 = arith.constant 16 : i32
      %shift_right_arithmetic3A_122 = vector.broadcast %shift_right_arithmetic3A_121 : i32 to vector<16xi32>
      %shift_right_arithmetic3A_123 = arith.shrsi %get3A_120, %shift_right_arithmetic3A_122 : vector<16xi32>
      %swap3A_124 = arith.constant 112 : index
      %swap3A_125 = tpu.vector_load %arg6[%swap3A_124] {strides = array<i32>} : memref<128xi32, #tpu.memory_space<vmem>>, vector<16xi32>,
      %swap3A_126 = vector.shape_cast %swap3A_125 : vector<16xi32> to vector<16xi32>
      %swap3A_127 = vector.shape_cast %shift_right_arithmetic3A_123 : vector<16xi32> to vector<16xi32>
      tpu.vector_store %arg6[%swap3A_124], %swap3A_127 {strides = array<i32>} : memref<128xi32, #tpu.memory_space<vmem>>, vector<16xi32>,
      "tpu.region"() ({
        %run_scoped3A = tpu.sem_alloc : memref<!tpu.dma_semaphore, #tpu.memory_space<semaphore_mem>>
        %dma_start3A = arith.constant 0 : i32
        %dma_start3A_129 = arith.constant 0 : i32
        %dma_start3A_130 = tpu.memref_slice %arg7[%dma_start3A, %dma_start3A_129] : memref<10240x128xf32, #tpu.memory_space<vmem_shared>> -> memref<10240x128xf32, #tpu.memory_space<vmem_shared>>
        tpu.enqueue_indirect_dma source(%arg5 : memref<128x128xf32, #tpu.memory_space<vmem>>) target(%dma_start3A_130 : memref<10240x128xf32, #tpu.memory_space<vmem_shared>>) offsets(%arg6 : memref<128xi32, #tpu.memory_space<vmem>>) semaphore(%run_scoped3A : memref<!tpu.dma_semaphore, #tpu.memory_space<semaphore_mem>>) {add = true}
        %dma_wait3A = arith.constant 0 : i32
        %dma_wait3A_131 = arith.constant 0 : i32
        %dma_wait3A_132 = tpu.memref_slice %arg7[%dma_wait3A, %dma_wait3A_131] : memref<10240x128xf32, #tpu.memory_space<vmem_shared>> -> memref<10240x128xf32, #tpu.memory_space<vmem_shared>>
        tpu.wait_indirect_dma semaphore(%run_scoped3A : memref<!tpu.dma_semaphore, #tpu.memory_space<semaphore_mem>>) src(%arg5 : memref<128x128xf32, #tpu.memory_space<vmem>>) dst(%dma_wait3A_132 : memref<10240x128xf32, #tpu.memory_space<vmem_shared>>)
        tpu.yield
      }) : () -> ()
      %scan3A_128 = arith.constant 0 : i32
      scf.yield %scan3A_128 : i32
    }
    %scan3A_35 = arith.constant 82 : i32
    %barrier3A_36 = arith.constant 0 : index
    tpu.barrier barrier_id(%barrier3A_36)
    %mul3A_37 = arith.constant 640 : i32
    %mul3A_38 = arith.muli %arg1, %mul3A_37 : i32
    %mul3A_39 = arith.constant 640 : i32
    %mul3A_40 = arith.muli %arg1, %mul3A_39 : i32
    "tpu.region"() ({
      %run_scoped3A = tpu.sem_alloc : memref<!tpu.dma_semaphore, #tpu.memory_space<semaphore_mem>>
      %dma_start3A = arith.constant 0 : i32
      %dma_start3A_41 = tpu.memref_slice %arg3[%arg0, %mul3A_40, %dma_start3A] : memref<2x10240x128xf32, #tpu.memory_space<hbm>> -> memref<1x640x128xf32, #tpu.memory_space<hbm>>
      %dma_start3A_42 = tpu.memref_squeeze %dma_start3A_41 : memref<1x640x128xf32, #tpu.memory_space<hbm>> -> memref<640x128xf32, #tpu.memory_space<hbm>>
      %dma_start3A_43 = arith.constant 0 : i32
      %dma_start3A_44 = tpu.memref_slice %arg7[%mul3A_38, %dma_start3A_43] : memref<10240x128xf32, #tpu.memory_space<vmem_shared>> -> memref<640x128xf32, #tpu.memory_space<vmem_shared>>
      tpu.enqueue_dma source(%dma_start3A_44 : memref<640x128xf32, #tpu.memory_space<vmem_shared>>) target(%dma_start3A_42 : memref<640x128xf32, #tpu.memory_space<hbm>>) target_semaphore(%run_scoped3A : memref<!tpu.dma_semaphore, #tpu.memory_space<semaphore_mem>>)
      %dma_wait3A = arith.constant 0 : i32
      %dma_wait3A_45 = tpu.memref_slice %arg3[%arg0, %mul3A_40, %dma_wait3A] : memref<2x10240x128xf32, #tpu.memory_space<hbm>> -> memref<1x640x128xf32, #tpu.memory_space<hbm>>
      %dma_wait3A_46 = tpu.memref_squeeze %dma_wait3A_45 : memref<1x640x128xf32, #tpu.memory_space<hbm>> -> memref<640x128xf32, #tpu.memory_space<hbm>>
      %dma_wait3A_47 = arith.constant 0 : i32
      %dma_wait3A_48 = tpu.memref_slice %arg7[%mul3A_38, %dma_wait3A_47] : memref<10240x128xf32, #tpu.memory_space<vmem_shared>> -> memref<640x128xf32, #tpu.memory_space<vmem_shared>>
      tpu.wait_dma2 semaphore(%run_scoped3A : memref<!tpu.dma_semaphore, #tpu.memory_space<semaphore_mem>>) src(%dma_wait3A_48 : memref<640x128xf32, #tpu.memory_space<vmem_shared>>) dst(%dma_wait3A_46 : memref<640x128xf32, #tpu.memory_space<hbm>>)
      tpu.yield
    }) : () -> ()
    return
  }
}

#map = affine_map<(d0, d1) -> (0, 0)>
#map1 = affine_map<(d0, d1) -> (0, 0, 0)>
module attributes {stable_mosaic.version = 14 : i64} {
  func.func @_prop_body(%arg0: i32, %arg1: i32, %arg2: memref<10240x128xf32, #tpu.memory_space<hbm>>, %arg3: memref<32x82x128xi32, #tpu.memory_space<hbm>>, %arg4: memref<2x10240x128xf32, #tpu.memory_space<hbm>>, %arg5: memref<82x128xi32, #tpu.memory_space<vmem>>, %arg6: memref<128xi32, #tpu.memory_space<vmem>>, %arg7: memref<128xi32, #tpu.memory_space<vmem>>, %arg8: memref<128xi32, #tpu.memory_space<vmem>>, %arg9: memref<128xi32, #tpu.memory_space<vmem>>, %arg10: memref<128x128xf32, #tpu.memory_space<vmem>>, %arg11: memref<128x128xf32, #tpu.memory_space<vmem>>, %arg12: memref<10240x128xf32, #tpu.memory_space<vmem_shared>>, %arg13: memref<!tpu.dma_semaphore, #tpu.memory_space<semaphore_mem>>, %arg14: memref<!tpu.dma_semaphore, #tpu.memory_space<semaphore_mem>>) attributes {dimension_semantics = [#tpu.dimension_semantics<core_parallel>, #tpu.dimension_semantics<subcore_parallel>], iteration_bounds = array<i64: 2, 16>, scalar_prefetch = 0 : i64, scratch_operands = 10 : i64, tpu.core_type = #tpu.core_type<sc_vector_subcore>, window_params = [{transform_indices = #map}, {transform_indices = #map1}, {transform_indices = #map1}]} {
    %mul3A = arith.constant 2 : i32
    %mul3A_0 = arith.muli %arg1, %mul3A : i32
    %add3A = arith.addi %mul3A_0, %arg0 : i32
    %broadcast_in_dim3A = arith.constant 0.000000e+00 : f32
    %broadcast_in_dim3A_1 = vector.broadcast %broadcast_in_dim3A : f32 to vector<16xf32>
    %scan3A = arith.constant 0 : i32
    %scan3A_2 = arith.constant 0 : i32
    %scan3A_3 = arith.constant 128 : i32
    %scan3A_4 = arith.addi %scan3A_2, %scan3A_3 : i32
    %scan3A_5 = arith.constant 1 : i32
    %scan3A_6 = scf.for %scan3A_187 = %scan3A_2 to %scan3A_4 step %scan3A_5 iter_args(%scan3A_188 = %scan3A) -> (i32)  : i32 {
      %swap3A_189 = arith.index_cast %scan3A_187 : i32 to index
      %swap3A_190 = arith.constant 0 : index
      %swap3A_191 = tpu.vector_load %arg10[%swap3A_189, %swap3A_190] {strides = array<i32>} : memref<128x128xf32, #tpu.memory_space<vmem>>, vector<1x16xf32>,
      %swap3A_192 = vector.shape_cast %swap3A_191 : vector<1x16xf32> to vector<16xf32>
      %swap3A_193 = vector.shape_cast %broadcast_in_dim3A_1 : vector<16xf32> to vector<1x16xf32>
      tpu.vector_store %arg10[%swap3A_189, %swap3A_190], %swap3A_193 {strides = array<i32>} : memref<128x128xf32, #tpu.memory_space<vmem>>, vector<1x16xf32>,
      %swap3A_194 = arith.index_cast %scan3A_187 : i32 to index
      %swap3A_195 = arith.constant 16 : index
      %swap3A_196 = tpu.vector_load %arg10[%swap3A_194, %swap3A_195] {strides = array<i32>} : memref<128x128xf32, #tpu.memory_space<vmem>>, vector<1x16xf32>,
      %swap3A_197 = vector.shape_cast %swap3A_196 : vector<1x16xf32> to vector<16xf32>
      %swap3A_198 = vector.shape_cast %broadcast_in_dim3A_1 : vector<16xf32> to vector<1x16xf32>
      tpu.vector_store %arg10[%swap3A_194, %swap3A_195], %swap3A_198 {strides = array<i32>} : memref<128x128xf32, #tpu.memory_space<vmem>>, vector<1x16xf32>,
      %swap3A_199 = arith.index_cast %scan3A_187 : i32 to index
      %swap3A_200 = arith.constant 32 : index
      %swap3A_201 = tpu.vector_load %arg10[%swap3A_199, %swap3A_200] {strides = array<i32>} : memref<128x128xf32, #tpu.memory_space<vmem>>, vector<1x16xf32>,
      %swap3A_202 = vector.shape_cast %swap3A_201 : vector<1x16xf32> to vector<16xf32>
      %swap3A_203 = vector.shape_cast %broadcast_in_dim3A_1 : vector<16xf32> to vector<1x16xf32>
      tpu.vector_store %arg10[%swap3A_199, %swap3A_200], %swap3A_203 {strides = array<i32>} : memref<128x128xf32, #tpu.memory_space<vmem>>, vector<1x16xf32>,
      %swap3A_204 = arith.index_cast %scan3A_187 : i32 to index
      %swap3A_205 = arith.constant 48 : index
      %swap3A_206 = tpu.vector_load %arg10[%swap3A_204, %swap3A_205] {strides = array<i32>} : memref<128x128xf32, #tpu.memory_space<vmem>>, vector<1x16xf32>,
      %swap3A_207 = vector.shape_cast %swap3A_206 : vector<1x16xf32> to vector<16xf32>
      %swap3A_208 = vector.shape_cast %broadcast_in_dim3A_1 : vector<16xf32> to vector<1x16xf32>
      tpu.vector_store %arg10[%swap3A_204, %swap3A_205], %swap3A_208 {strides = array<i32>} : memref<128x128xf32, #tpu.memory_space<vmem>>, vector<1x16xf32>,
      %swap3A_209 = arith.index_cast %scan3A_187 : i32 to index
      %swap3A_210 = arith.constant 64 : index
      %swap3A_211 = tpu.vector_load %arg10[%swap3A_209, %swap3A_210] {strides = array<i32>} : memref<128x128xf32, #tpu.memory_space<vmem>>, vector<1x16xf32>,
      %swap3A_212 = vector.shape_cast %swap3A_211 : vector<1x16xf32> to vector<16xf32>
      %swap3A_213 = vector.shape_cast %broadcast_in_dim3A_1 : vector<16xf32> to vector<1x16xf32>
      tpu.vector_store %arg10[%swap3A_209, %swap3A_210], %swap3A_213 {strides = array<i32>} : memref<128x128xf32, #tpu.memory_space<vmem>>, vector<1x16xf32>,
      %swap3A_214 = arith.index_cast %scan3A_187 : i32 to index
      %swap3A_215 = arith.constant 80 : index
      %swap3A_216 = tpu.vector_load %arg10[%swap3A_214, %swap3A_215] {strides = array<i32>} : memref<128x128xf32, #tpu.memory_space<vmem>>, vector<1x16xf32>,
      %swap3A_217 = vector.shape_cast %swap3A_216 : vector<1x16xf32> to vector<16xf32>
      %swap3A_218 = vector.shape_cast %broadcast_in_dim3A_1 : vector<16xf32> to vector<1x16xf32>
      tpu.vector_store %arg10[%swap3A_214, %swap3A_215], %swap3A_218 {strides = array<i32>} : memref<128x128xf32, #tpu.memory_space<vmem>>, vector<1x16xf32>,
      %swap3A_219 = arith.index_cast %scan3A_187 : i32 to index
      %swap3A_220 = arith.constant 96 : index
      %swap3A_221 = tpu.vector_load %arg10[%swap3A_219, %swap3A_220] {strides = array<i32>} : memref<128x128xf32, #tpu.memory_space<vmem>>, vector<1x16xf32>,
      %swap3A_222 = vector.shape_cast %swap3A_221 : vector<1x16xf32> to vector<16xf32>
      %swap3A_223 = vector.shape_cast %broadcast_in_dim3A_1 : vector<16xf32> to vector<1x16xf32>
      tpu.vector_store %arg10[%swap3A_219, %swap3A_220], %swap3A_223 {strides = array<i32>} : memref<128x128xf32, #tpu.memory_space<vmem>>, vector<1x16xf32>,
      %swap3A_224 = arith.index_cast %scan3A_187 : i32 to index
      %swap3A_225 = arith.constant 112 : index
      %swap3A_226 = tpu.vector_load %arg10[%swap3A_224, %swap3A_225] {strides = array<i32>} : memref<128x128xf32, #tpu.memory_space<vmem>>, vector<1x16xf32>,
      %swap3A_227 = vector.shape_cast %swap3A_226 : vector<1x16xf32> to vector<16xf32>
      %swap3A_228 = vector.shape_cast %broadcast_in_dim3A_1 : vector<16xf32> to vector<1x16xf32>
      tpu.vector_store %arg10[%swap3A_224, %swap3A_225], %swap3A_228 {strides = array<i32>} : memref<128x128xf32, #tpu.memory_space<vmem>>, vector<1x16xf32>,
      %scan3A_229 = arith.constant 0 : i32
      scf.yield %scan3A_229 : i32
    }
    %scan3A_7 = arith.constant 128 : i32
    %mul3A_8 = arith.constant 640 : i32
    %mul3A_9 = arith.muli %arg1, %mul3A_8 : i32
    %add3A_10 = arith.constant 0 : i32
    %add3A_11 = arith.addi %mul3A_9, %add3A_10 : i32
    "tpu.region"() ({
      %run_scoped3A = tpu.sem_alloc : memref<!tpu.dma_semaphore, #tpu.memory_space<semaphore_mem>>
      %dma_start3A_187 = arith.constant 0 : i32
      %dma_start3A_188 = tpu.memref_slice %arg12[%add3A_11, %dma_start3A_187] : memref<10240x128xf32, #tpu.memory_space<vmem_shared>> -> memref<128x128xf32, #tpu.memory_space<vmem_shared>>
      %dma_start3A_189 = arith.constant 0 : i32
      %dma_start3A_190 = tpu.memref_slice %arg12[%add3A_11, %dma_start3A_189] : memref<10240x128xf32, #tpu.memory_space<vmem_shared>> -> memref<128x128xf32, #tpu.memory_space<vmem_shared>>
      tpu.enqueue_dma source(%arg10 : memref<128x128xf32, #tpu.memory_space<vmem>>) target(%dma_start3A_190 : memref<128x128xf32, #tpu.memory_space<vmem_shared>>) target_semaphore(%run_scoped3A : memref<!tpu.dma_semaphore, #tpu.memory_space<semaphore_mem>>)
      %dma_wait3A_191 = arith.constant 0 : i32
      %dma_wait3A_192 = tpu.memref_slice %arg12[%add3A_11, %dma_wait3A_191] : memref<10240x128xf32, #tpu.memory_space<vmem_shared>> -> memref<128x128xf32, #tpu.memory_space<vmem_shared>>
      %dma_wait3A_193 = arith.constant 0 : i32
      %dma_wait3A_194 = tpu.memref_slice %arg12[%add3A_11, %dma_wait3A_193] : memref<10240x128xf32, #tpu.memory_space<vmem_shared>> -> memref<128x128xf32, #tpu.memory_space<vmem_shared>>
      tpu.wait_dma2 semaphore(%run_scoped3A : memref<!tpu.dma_semaphore, #tpu.memory_space<semaphore_mem>>) src(%arg10 : memref<128x128xf32, #tpu.memory_space<vmem>>) dst(%dma_wait3A_194 : memref<128x128xf32, #tpu.memory_space<vmem_shared>>)
      tpu.yield
    }) : () -> ()
    %add3A_12 = arith.constant 128 : i32
    %add3A_13 = arith.addi %mul3A_9, %add3A_12 : i32
    "tpu.region"() ({
      %run_scoped3A = tpu.sem_alloc : memref<!tpu.dma_semaphore, #tpu.memory_space<semaphore_mem>>
      %dma_start3A_187 = arith.constant 0 : i32
      %dma_start3A_188 = tpu.memref_slice %arg12[%add3A_13, %dma_start3A_187] : memref<10240x128xf32, #tpu.memory_space<vmem_shared>> -> memref<128x128xf32, #tpu.memory_space<vmem_shared>>
      %dma_start3A_189 = arith.constant 0 : i32
      %dma_start3A_190 = tpu.memref_slice %arg12[%add3A_13, %dma_start3A_189] : memref<10240x128xf32, #tpu.memory_space<vmem_shared>> -> memref<128x128xf32, #tpu.memory_space<vmem_shared>>
      tpu.enqueue_dma source(%arg10 : memref<128x128xf32, #tpu.memory_space<vmem>>) target(%dma_start3A_190 : memref<128x128xf32, #tpu.memory_space<vmem_shared>>) target_semaphore(%run_scoped3A : memref<!tpu.dma_semaphore, #tpu.memory_space<semaphore_mem>>)
      %dma_wait3A_191 = arith.constant 0 : i32
      %dma_wait3A_192 = tpu.memref_slice %arg12[%add3A_13, %dma_wait3A_191] : memref<10240x128xf32, #tpu.memory_space<vmem_shared>> -> memref<128x128xf32, #tpu.memory_space<vmem_shared>>
      %dma_wait3A_193 = arith.constant 0 : i32
      %dma_wait3A_194 = tpu.memref_slice %arg12[%add3A_13, %dma_wait3A_193] : memref<10240x128xf32, #tpu.memory_space<vmem_shared>> -> memref<128x128xf32, #tpu.memory_space<vmem_shared>>
      tpu.wait_dma2 semaphore(%run_scoped3A : memref<!tpu.dma_semaphore, #tpu.memory_space<semaphore_mem>>) src(%arg10 : memref<128x128xf32, #tpu.memory_space<vmem>>) dst(%dma_wait3A_194 : memref<128x128xf32, #tpu.memory_space<vmem_shared>>)
      tpu.yield
    }) : () -> ()
    %add3A_14 = arith.constant 256 : i32
    %add3A_15 = arith.addi %mul3A_9, %add3A_14 : i32
    "tpu.region"() ({
      %run_scoped3A = tpu.sem_alloc : memref<!tpu.dma_semaphore, #tpu.memory_space<semaphore_mem>>
      %dma_start3A_187 = arith.constant 0 : i32
      %dma_start3A_188 = tpu.memref_slice %arg12[%add3A_15, %dma_start3A_187] : memref<10240x128xf32, #tpu.memory_space<vmem_shared>> -> memref<128x128xf32, #tpu.memory_space<vmem_shared>>
      %dma_start3A_189 = arith.constant 0 : i32
      %dma_start3A_190 = tpu.memref_slice %arg12[%add3A_15, %dma_start3A_189] : memref<10240x128xf32, #tpu.memory_space<vmem_shared>> -> memref<128x128xf32, #tpu.memory_space<vmem_shared>>
      tpu.enqueue_dma source(%arg10 : memref<128x128xf32, #tpu.memory_space<vmem>>) target(%dma_start3A_190 : memref<128x128xf32, #tpu.memory_space<vmem_shared>>) target_semaphore(%run_scoped3A : memref<!tpu.dma_semaphore, #tpu.memory_space<semaphore_mem>>)
      %dma_wait3A_191 = arith.constant 0 : i32
      %dma_wait3A_192 = tpu.memref_slice %arg12[%add3A_15, %dma_wait3A_191] : memref<10240x128xf32, #tpu.memory_space<vmem_shared>> -> memref<128x128xf32, #tpu.memory_space<vmem_shared>>
      %dma_wait3A_193 = arith.constant 0 : i32
      %dma_wait3A_194 = tpu.memref_slice %arg12[%add3A_15, %dma_wait3A_193] : memref<10240x128xf32, #tpu.memory_space<vmem_shared>> -> memref<128x128xf32, #tpu.memory_space<vmem_shared>>
      tpu.wait_dma2 semaphore(%run_scoped3A : memref<!tpu.dma_semaphore, #tpu.memory_space<semaphore_mem>>) src(%arg10 : memref<128x128xf32, #tpu.memory_space<vmem>>) dst(%dma_wait3A_194 : memref<128x128xf32, #tpu.memory_space<vmem_shared>>)
      tpu.yield
    }) : () -> ()
    %add3A_16 = arith.constant 384 : i32
    %add3A_17 = arith.addi %mul3A_9, %add3A_16 : i32
    "tpu.region"() ({
      %run_scoped3A = tpu.sem_alloc : memref<!tpu.dma_semaphore, #tpu.memory_space<semaphore_mem>>
      %dma_start3A_187 = arith.constant 0 : i32
      %dma_start3A_188 = tpu.memref_slice %arg12[%add3A_17, %dma_start3A_187] : memref<10240x128xf32, #tpu.memory_space<vmem_shared>> -> memref<128x128xf32, #tpu.memory_space<vmem_shared>>
      %dma_start3A_189 = arith.constant 0 : i32
      %dma_start3A_190 = tpu.memref_slice %arg12[%add3A_17, %dma_start3A_189] : memref<10240x128xf32, #tpu.memory_space<vmem_shared>> -> memref<128x128xf32, #tpu.memory_space<vmem_shared>>
      tpu.enqueue_dma source(%arg10 : memref<128x128xf32, #tpu.memory_space<vmem>>) target(%dma_start3A_190 : memref<128x128xf32, #tpu.memory_space<vmem_shared>>) target_semaphore(%run_scoped3A : memref<!tpu.dma_semaphore, #tpu.memory_space<semaphore_mem>>)
      %dma_wait3A_191 = arith.constant 0 : i32
      %dma_wait3A_192 = tpu.memref_slice %arg12[%add3A_17, %dma_wait3A_191] : memref<10240x128xf32, #tpu.memory_space<vmem_shared>> -> memref<128x128xf32, #tpu.memory_space<vmem_shared>>
      %dma_wait3A_193 = arith.constant 0 : i32
      %dma_wait3A_194 = tpu.memref_slice %arg12[%add3A_17, %dma_wait3A_193] : memref<10240x128xf32, #tpu.memory_space<vmem_shared>> -> memref<128x128xf32, #tpu.memory_space<vmem_shared>>
      tpu.wait_dma2 semaphore(%run_scoped3A : memref<!tpu.dma_semaphore, #tpu.memory_space<semaphore_mem>>) src(%arg10 : memref<128x128xf32, #tpu.memory_space<vmem>>) dst(%dma_wait3A_194 : memref<128x128xf32, #tpu.memory_space<vmem_shared>>)
      tpu.yield
    }) : () -> ()
    %add3A_18 = arith.constant 512 : i32
    %add3A_19 = arith.addi %mul3A_9, %add3A_18 : i32
    "tpu.region"() ({
      %run_scoped3A = tpu.sem_alloc : memref<!tpu.dma_semaphore, #tpu.memory_space<semaphore_mem>>
      %dma_start3A_187 = arith.constant 0 : i32
      %dma_start3A_188 = tpu.memref_slice %arg12[%add3A_19, %dma_start3A_187] : memref<10240x128xf32, #tpu.memory_space<vmem_shared>> -> memref<128x128xf32, #tpu.memory_space<vmem_shared>>
      %dma_start3A_189 = arith.constant 0 : i32
      %dma_start3A_190 = tpu.memref_slice %arg12[%add3A_19, %dma_start3A_189] : memref<10240x128xf32, #tpu.memory_space<vmem_shared>> -> memref<128x128xf32, #tpu.memory_space<vmem_shared>>
      tpu.enqueue_dma source(%arg10 : memref<128x128xf32, #tpu.memory_space<vmem>>) target(%dma_start3A_190 : memref<128x128xf32, #tpu.memory_space<vmem_shared>>) target_semaphore(%run_scoped3A : memref<!tpu.dma_semaphore, #tpu.memory_space<semaphore_mem>>)
      %dma_wait3A_191 = arith.constant 0 : i32
      %dma_wait3A_192 = tpu.memref_slice %arg12[%add3A_19, %dma_wait3A_191] : memref<10240x128xf32, #tpu.memory_space<vmem_shared>> -> memref<128x128xf32, #tpu.memory_space<vmem_shared>>
      %dma_wait3A_193 = arith.constant 0 : i32
      %dma_wait3A_194 = tpu.memref_slice %arg12[%add3A_19, %dma_wait3A_193] : memref<10240x128xf32, #tpu.memory_space<vmem_shared>> -> memref<128x128xf32, #tpu.memory_space<vmem_shared>>
      tpu.wait_dma2 semaphore(%run_scoped3A : memref<!tpu.dma_semaphore, #tpu.memory_space<semaphore_mem>>) src(%arg10 : memref<128x128xf32, #tpu.memory_space<vmem>>) dst(%dma_wait3A_194 : memref<128x128xf32, #tpu.memory_space<vmem_shared>>)
      tpu.yield
    }) : () -> ()
    %barrier3A = arith.constant 0 : index
    tpu.barrier barrier_id(%barrier3A)
    "tpu.region"() ({
      %run_scoped3A = tpu.sem_alloc : memref<!tpu.dma_semaphore, #tpu.memory_space<semaphore_mem>>
      %dma_start3A_187 = arith.constant 0 : i32
      %dma_start3A_188 = arith.constant 0 : i32
      %dma_start3A_189 = tpu.memref_slice %arg3[%add3A, %dma_start3A_187, %dma_start3A_188] : memref<32x82x128xi32, #tpu.memory_space<hbm>> -> memref<1x82x128xi32, #tpu.memory_space<hbm>>
      %dma_start3A_190 = tpu.memref_squeeze %dma_start3A_189 : memref<1x82x128xi32, #tpu.memory_space<hbm>> -> memref<82x128xi32, #tpu.memory_space<hbm>>
      %dma_start3A_191 = arith.constant 0 : i32
      %dma_start3A_192 = arith.constant 0 : i32
      %dma_start3A_193 = tpu.memref_slice %arg3[%add3A, %dma_start3A_191, %dma_start3A_192] : memref<32x82x128xi32, #tpu.memory_space<hbm>> -> memref<1x82x128xi32, #tpu.memory_space<hbm>>
      %dma_start3A_194 = tpu.memref_squeeze %dma_start3A_193 : memref<1x82x128xi32, #tpu.memory_space<hbm>> -> memref<82x128xi32, #tpu.memory_space<hbm>>
      tpu.enqueue_dma source(%dma_start3A_194 : memref<82x128xi32, #tpu.memory_space<hbm>>) target(%arg5 : memref<82x128xi32, #tpu.memory_space<vmem>>) target_semaphore(%run_scoped3A : memref<!tpu.dma_semaphore, #tpu.memory_space<semaphore_mem>>)
      %dma_wait3A_195 = arith.constant 0 : i32
      %dma_wait3A_196 = arith.constant 0 : i32
      %dma_wait3A_197 = tpu.memref_slice %arg3[%add3A, %dma_wait3A_195, %dma_wait3A_196] : memref<32x82x128xi32, #tpu.memory_space<hbm>> -> memref<1x82x128xi32, #tpu.memory_space<hbm>>
      %dma_wait3A_198 = tpu.memref_squeeze %dma_wait3A_197 : memref<1x82x128xi32, #tpu.memory_space<hbm>> -> memref<82x128xi32, #tpu.memory_space<hbm>>
      %dma_wait3A_199 = arith.constant 0 : i32
      %dma_wait3A_200 = arith.constant 0 : i32
      %dma_wait3A_201 = tpu.memref_slice %arg3[%add3A, %dma_wait3A_199, %dma_wait3A_200] : memref<32x82x128xi32, #tpu.memory_space<hbm>> -> memref<1x82x128xi32, #tpu.memory_space<hbm>>
      %dma_wait3A_202 = tpu.memref_squeeze %dma_wait3A_201 : memref<1x82x128xi32, #tpu.memory_space<hbm>> -> memref<82x128xi32, #tpu.memory_space<hbm>>
      tpu.wait_dma2 semaphore(%run_scoped3A : memref<!tpu.dma_semaphore, #tpu.memory_space<semaphore_mem>>) src(%dma_wait3A_202 : memref<82x128xi32, #tpu.memory_space<hbm>>) dst(%arg5 : memref<82x128xi32, #tpu.memory_space<vmem>>)
      tpu.yield
    }) : () -> ()
    %get3A = arith.constant 0 : i32
    %get3A_20 = arith.index_cast %get3A : i32 to index
    %get3A_21 = arith.constant 0 : index
    %get3A_22 = tpu.vector_load %arg5[%get3A_20, %get3A_21] {strides = array<i32>} : memref<82x128xi32, #tpu.memory_space<vmem>>, vector<1x16xi32>,
    %get3A_23 = vector.shape_cast %get3A_22 : vector<1x16xi32> to vector<16xi32>
    %and3A = arith.constant 65535 : i32
    %and3A_24 = vector.broadcast %and3A : i32 to vector<16xi32>
    %and3A_25 = arith.andi %get3A_23, %and3A_24 : vector<16xi32>
    %swap3A = arith.constant 0 : index
    %swap3A_26 = tpu.vector_load %arg6[%swap3A] {strides = array<i32>} : memref<128xi32, #tpu.memory_space<vmem>>, vector<16xi32>,
    %swap3A_27 = vector.shape_cast %swap3A_26 : vector<16xi32> to vector<16xi32>
    %swap3A_28 = vector.shape_cast %and3A_25 : vector<16xi32> to vector<16xi32>
    tpu.vector_store %arg6[%swap3A], %swap3A_28 {strides = array<i32>} : memref<128xi32, #tpu.memory_space<vmem>>, vector<16xi32>,
    %shift_right_arithmetic3A = arith.constant 16 : i32
    %shift_right_arithmetic3A_29 = vector.broadcast %shift_right_arithmetic3A : i32 to vector<16xi32>
    %shift_right_arithmetic3A_30 = arith.shrsi %get3A_23, %shift_right_arithmetic3A_29 : vector<16xi32>
    %swap3A_31 = arith.constant 0 : index
    %swap3A_32 = tpu.vector_load %arg7[%swap3A_31] {strides = array<i32>} : memref<128xi32, #tpu.memory_space<vmem>>, vector<16xi32>,
    %swap3A_33 = vector.shape_cast %swap3A_32 : vector<16xi32> to vector<16xi32>
    %swap3A_34 = vector.shape_cast %shift_right_arithmetic3A_30 : vector<16xi32> to vector<16xi32>
    tpu.vector_store %arg7[%swap3A_31], %swap3A_34 {strides = array<i32>} : memref<128xi32, #tpu.memory_space<vmem>>, vector<16xi32>,
    %get3A_35 = arith.constant 0 : i32
    %get3A_36 = arith.index_cast %get3A_35 : i32 to index
    %get3A_37 = arith.constant 16 : index
    %get3A_38 = tpu.vector_load %arg5[%get3A_36, %get3A_37] {strides = array<i32>} : memref<82x128xi32, #tpu.memory_space<vmem>>, vector<1x16xi32>,
    %get3A_39 = vector.shape_cast %get3A_38 : vector<1x16xi32> to vector<16xi32>
    %and3A_40 = arith.constant 65535 : i32
    %and3A_41 = vector.broadcast %and3A_40 : i32 to vector<16xi32>
    %and3A_42 = arith.andi %get3A_39, %and3A_41 : vector<16xi32>
    %swap3A_43 = arith.constant 16 : index
    %swap3A_44 = tpu.vector_load %arg6[%swap3A_43] {strides = array<i32>} : memref<128xi32, #tpu.memory_space<vmem>>, vector<16xi32>,
    %swap3A_45 = vector.shape_cast %swap3A_44 : vector<16xi32> to vector<16xi32>
    %swap3A_46 = vector.shape_cast %and3A_42 : vector<16xi32> to vector<16xi32>
    tpu.vector_store %arg6[%swap3A_43], %swap3A_46 {strides = array<i32>} : memref<128xi32, #tpu.memory_space<vmem>>, vector<16xi32>,
    %shift_right_arithmetic3A_47 = arith.constant 16 : i32
    %shift_right_arithmetic3A_48 = vector.broadcast %shift_right_arithmetic3A_47 : i32 to vector<16xi32>
    %shift_right_arithmetic3A_49 = arith.shrsi %get3A_39, %shift_right_arithmetic3A_48 : vector<16xi32>
    %swap3A_50 = arith.constant 16 : index
    %swap3A_51 = tpu.vector_load %arg7[%swap3A_50] {strides = array<i32>} : memref<128xi32, #tpu.memory_space<vmem>>, vector<16xi32>,
    %swap3A_52 = vector.shape_cast %swap3A_51 : vector<16xi32> to vector<16xi32>
    %swap3A_53 = vector.shape_cast %shift_right_arithmetic3A_49 : vector<16xi32> to vector<16xi32>
    tpu.vector_store %arg7[%swap3A_50], %swap3A_53 {strides = array<i32>} : memref<128xi32, #tpu.memory_space<vmem>>, vector<16xi32>,
    %get3A_54 = arith.constant 0 : i32
    %get3A_55 = arith.index_cast %get3A_54 : i32 to index
    %get3A_56 = arith.constant 32 : index
    %get3A_57 = tpu.vector_load %arg5[%get3A_55, %get3A_56] {strides = array<i32>} : memref<82x128xi32, #tpu.memory_space<vmem>>, vector<1x16xi32>,
    %get3A_58 = vector.shape_cast %get3A_57 : vector<1x16xi32> to vector<16xi32>
    %and3A_59 = arith.constant 65535 : i32
    %and3A_60 = vector.broadcast %and3A_59 : i32 to vector<16xi32>
    %and3A_61 = arith.andi %get3A_58, %and3A_60 : vector<16xi32>
    %swap3A_62 = arith.constant 32 : index
    %swap3A_63 = tpu.vector_load %arg6[%swap3A_62] {strides = array<i32>} : memref<128xi32, #tpu.memory_space<vmem>>, vector<16xi32>,
    %swap3A_64 = vector.shape_cast %swap3A_63 : vector<16xi32> to vector<16xi32>
    %swap3A_65 = vector.shape_cast %and3A_61 : vector<16xi32> to vector<16xi32>
    tpu.vector_store %arg6[%swap3A_62], %swap3A_65 {strides = array<i32>} : memref<128xi32, #tpu.memory_space<vmem>>, vector<16xi32>,
    %shift_right_arithmetic3A_66 = arith.constant 16 : i32
    %shift_right_arithmetic3A_67 = vector.broadcast %shift_right_arithmetic3A_66 : i32 to vector<16xi32>
    %shift_right_arithmetic3A_68 = arith.shrsi %get3A_58, %shift_right_arithmetic3A_67 : vector<16xi32>
    %swap3A_69 = arith.constant 32 : index
    %swap3A_70 = tpu.vector_load %arg7[%swap3A_69] {strides = array<i32>} : memref<128xi32, #tpu.memory_space<vmem>>, vector<16xi32>,
    %swap3A_71 = vector.shape_cast %swap3A_70 : vector<16xi32> to vector<16xi32>
    %swap3A_72 = vector.shape_cast %shift_right_arithmetic3A_68 : vector<16xi32> to vector<16xi32>
    tpu.vector_store %arg7[%swap3A_69], %swap3A_72 {strides = array<i32>} : memref<128xi32, #tpu.memory_space<vmem>>, vector<16xi32>,
    %get3A_73 = arith.constant 0 : i32
    %get3A_74 = arith.index_cast %get3A_73 : i32 to index
    %get3A_75 = arith.constant 48 : index
    %get3A_76 = tpu.vector_load %arg5[%get3A_74, %get3A_75] {strides = array<i32>} : memref<82x128xi32, #tpu.memory_space<vmem>>, vector<1x16xi32>,
    %get3A_77 = vector.shape_cast %get3A_76 : vector<1x16xi32> to vector<16xi32>
    %and3A_78 = arith.constant 65535 : i32
    %and3A_79 = vector.broadcast %and3A_78 : i32 to vector<16xi32>
    %and3A_80 = arith.andi %get3A_77, %and3A_79 : vector<16xi32>
    %swap3A_81 = arith.constant 48 : index
    %swap3A_82 = tpu.vector_load %arg6[%swap3A_81] {strides = array<i32>} : memref<128xi32, #tpu.memory_space<vmem>>, vector<16xi32>,
    %swap3A_83 = vector.shape_cast %swap3A_82 : vector<16xi32> to vector<16xi32>
    %swap3A_84 = vector.shape_cast %and3A_80 : vector<16xi32> to vector<16xi32>
    tpu.vector_store %arg6[%swap3A_81], %swap3A_84 {strides = array<i32>} : memref<128xi32, #tpu.memory_space<vmem>>, vector<16xi32>,
    %shift_right_arithmetic3A_85 = arith.constant 16 : i32
    %shift_right_arithmetic3A_86 = vector.broadcast %shift_right_arithmetic3A_85 : i32 to vector<16xi32>
    %shift_right_arithmetic3A_87 = arith.shrsi %get3A_77, %shift_right_arithmetic3A_86 : vector<16xi32>
    %swap3A_88 = arith.constant 48 : index
    %swap3A_89 = tpu.vector_load %arg7[%swap3A_88] {strides = array<i32>} : memref<128xi32, #tpu.memory_space<vmem>>, vector<16xi32>,
    %swap3A_90 = vector.shape_cast %swap3A_89 : vector<16xi32> to vector<16xi32>
    %swap3A_91 = vector.shape_cast %shift_right_arithmetic3A_87 : vector<16xi32> to vector<16xi32>
    tpu.vector_store %arg7[%swap3A_88], %swap3A_91 {strides = array<i32>} : memref<128xi32, #tpu.memory_space<vmem>>, vector<16xi32>,
    %get3A_92 = arith.constant 0 : i32
    %get3A_93 = arith.index_cast %get3A_92 : i32 to index
    %get3A_94 = arith.constant 64 : index
    %get3A_95 = tpu.vector_load %arg5[%get3A_93, %get3A_94] {strides = array<i32>} : memref<82x128xi32, #tpu.memory_space<vmem>>, vector<1x16xi32>,
    %get3A_96 = vector.shape_cast %get3A_95 : vector<1x16xi32> to vector<16xi32>
    %and3A_97 = arith.constant 65535 : i32
    %and3A_98 = vector.broadcast %and3A_97 : i32 to vector<16xi32>
    %and3A_99 = arith.andi %get3A_96, %and3A_98 : vector<16xi32>
    %swap3A_100 = arith.constant 64 : index
    %swap3A_101 = tpu.vector_load %arg6[%swap3A_100] {strides = array<i32>} : memref<128xi32, #tpu.memory_space<vmem>>, vector<16xi32>,
    %swap3A_102 = vector.shape_cast %swap3A_101 : vector<16xi32> to vector<16xi32>
    %swap3A_103 = vector.shape_cast %and3A_99 : vector<16xi32> to vector<16xi32>
    tpu.vector_store %arg6[%swap3A_100], %swap3A_103 {strides = array<i32>} : memref<128xi32, #tpu.memory_space<vmem>>, vector<16xi32>,
    %shift_right_arithmetic3A_104 = arith.constant 16 : i32
    %shift_right_arithmetic3A_105 = vector.broadcast %shift_right_arithmetic3A_104 : i32 to vector<16xi32>
    %shift_right_arithmetic3A_106 = arith.shrsi %get3A_96, %shift_right_arithmetic3A_105 : vector<16xi32>
    %swap3A_107 = arith.constant 64 : index
    %swap3A_108 = tpu.vector_load %arg7[%swap3A_107] {strides = array<i32>} : memref<128xi32, #tpu.memory_space<vmem>>, vector<16xi32>,
    %swap3A_109 = vector.shape_cast %swap3A_108 : vector<16xi32> to vector<16xi32>
    %swap3A_110 = vector.shape_cast %shift_right_arithmetic3A_106 : vector<16xi32> to vector<16xi32>
    tpu.vector_store %arg7[%swap3A_107], %swap3A_110 {strides = array<i32>} : memref<128xi32, #tpu.memory_space<vmem>>, vector<16xi32>,
    %get3A_111 = arith.constant 0 : i32
    %get3A_112 = arith.index_cast %get3A_111 : i32 to index
    %get3A_113 = arith.constant 80 : index
    %get3A_114 = tpu.vector_load %arg5[%get3A_112, %get3A_113] {strides = array<i32>} : memref<82x128xi32, #tpu.memory_space<vmem>>, vector<1x16xi32>,
    %get3A_115 = vector.shape_cast %get3A_114 : vector<1x16xi32> to vector<16xi32>
    %and3A_116 = arith.constant 65535 : i32
    %and3A_117 = vector.broadcast %and3A_116 : i32 to vector<16xi32>
    %and3A_118 = arith.andi %get3A_115, %and3A_117 : vector<16xi32>
    %swap3A_119 = arith.constant 80 : index
    %swap3A_120 = tpu.vector_load %arg6[%swap3A_119] {strides = array<i32>} : memref<128xi32, #tpu.memory_space<vmem>>, vector<16xi32>,
    %swap3A_121 = vector.shape_cast %swap3A_120 : vector<16xi32> to vector<16xi32>
    %swap3A_122 = vector.shape_cast %and3A_118 : vector<16xi32> to vector<16xi32>
    tpu.vector_store %arg6[%swap3A_119], %swap3A_122 {strides = array<i32>} : memref<128xi32, #tpu.memory_space<vmem>>, vector<16xi32>,
    %shift_right_arithmetic3A_123 = arith.constant 16 : i32
    %shift_right_arithmetic3A_124 = vector.broadcast %shift_right_arithmetic3A_123 : i32 to vector<16xi32>
    %shift_right_arithmetic3A_125 = arith.shrsi %get3A_115, %shift_right_arithmetic3A_124 : vector<16xi32>
    %swap3A_126 = arith.constant 80 : index
    %swap3A_127 = tpu.vector_load %arg7[%swap3A_126] {strides = array<i32>} : memref<128xi32, #tpu.memory_space<vmem>>, vector<16xi32>,
    %swap3A_128 = vector.shape_cast %swap3A_127 : vector<16xi32> to vector<16xi32>
    %swap3A_129 = vector.shape_cast %shift_right_arithmetic3A_125 : vector<16xi32> to vector<16xi32>
    tpu.vector_store %arg7[%swap3A_126], %swap3A_129 {strides = array<i32>} : memref<128xi32, #tpu.memory_space<vmem>>, vector<16xi32>,
    %get3A_130 = arith.constant 0 : i32
    %get3A_131 = arith.index_cast %get3A_130 : i32 to index
    %get3A_132 = arith.constant 96 : index
    %get3A_133 = tpu.vector_load %arg5[%get3A_131, %get3A_132] {strides = array<i32>} : memref<82x128xi32, #tpu.memory_space<vmem>>, vector<1x16xi32>,
    %get3A_134 = vector.shape_cast %get3A_133 : vector<1x16xi32> to vector<16xi32>
    %and3A_135 = arith.constant 65535 : i32
    %and3A_136 = vector.broadcast %and3A_135 : i32 to vector<16xi32>
    %and3A_137 = arith.andi %get3A_134, %and3A_136 : vector<16xi32>
    %swap3A_138 = arith.constant 96 : index
    %swap3A_139 = tpu.vector_load %arg6[%swap3A_138] {strides = array<i32>} : memref<128xi32, #tpu.memory_space<vmem>>, vector<16xi32>,
    %swap3A_140 = vector.shape_cast %swap3A_139 : vector<16xi32> to vector<16xi32>
    %swap3A_141 = vector.shape_cast %and3A_137 : vector<16xi32> to vector<16xi32>
    tpu.vector_store %arg6[%swap3A_138], %swap3A_141 {strides = array<i32>} : memref<128xi32, #tpu.memory_space<vmem>>, vector<16xi32>,
    %shift_right_arithmetic3A_142 = arith.constant 16 : i32
    %shift_right_arithmetic3A_143 = vector.broadcast %shift_right_arithmetic3A_142 : i32 to vector<16xi32>
    %shift_right_arithmetic3A_144 = arith.shrsi %get3A_134, %shift_right_arithmetic3A_143 : vector<16xi32>
    %swap3A_145 = arith.constant 96 : index
    %swap3A_146 = tpu.vector_load %arg7[%swap3A_145] {strides = array<i32>} : memref<128xi32, #tpu.memory_space<vmem>>, vector<16xi32>,
    %swap3A_147 = vector.shape_cast %swap3A_146 : vector<16xi32> to vector<16xi32>
    %swap3A_148 = vector.shape_cast %shift_right_arithmetic3A_144 : vector<16xi32> to vector<16xi32>
    tpu.vector_store %arg7[%swap3A_145], %swap3A_148 {strides = array<i32>} : memref<128xi32, #tpu.memory_space<vmem>>, vector<16xi32>,
    %get3A_149 = arith.constant 0 : i32
    %get3A_150 = arith.index_cast %get3A_149 : i32 to index
    %get3A_151 = arith.constant 112 : index
    %get3A_152 = tpu.vector_load %arg5[%get3A_150, %get3A_151] {strides = array<i32>} : memref<82x128xi32, #tpu.memory_space<vmem>>, vector<1x16xi32>,
    %get3A_153 = vector.shape_cast %get3A_152 : vector<1x16xi32> to vector<16xi32>
    %and3A_154 = arith.constant 65535 : i32
    %and3A_155 = vector.broadcast %and3A_154 : i32 to vector<16xi32>
    %and3A_156 = arith.andi %get3A_153, %and3A_155 : vector<16xi32>
    %swap3A_157 = arith.constant 112 : index
    %swap3A_158 = tpu.vector_load %arg6[%swap3A_157] {strides = array<i32>} : memref<128xi32, #tpu.memory_space<vmem>>, vector<16xi32>,
    %swap3A_159 = vector.shape_cast %swap3A_158 : vector<16xi32> to vector<16xi32>
    %swap3A_160 = vector.shape_cast %and3A_156 : vector<16xi32> to vector<16xi32>
    tpu.vector_store %arg6[%swap3A_157], %swap3A_160 {strides = array<i32>} : memref<128xi32, #tpu.memory_space<vmem>>, vector<16xi32>,
    %shift_right_arithmetic3A_161 = arith.constant 16 : i32
    %shift_right_arithmetic3A_162 = vector.broadcast %shift_right_arithmetic3A_161 : i32 to vector<16xi32>
    %shift_right_arithmetic3A_163 = arith.shrsi %get3A_153, %shift_right_arithmetic3A_162 : vector<16xi32>
    %swap3A_164 = arith.constant 112 : index
    %swap3A_165 = tpu.vector_load %arg7[%swap3A_164] {strides = array<i32>} : memref<128xi32, #tpu.memory_space<vmem>>, vector<16xi32>,
    %swap3A_166 = vector.shape_cast %swap3A_165 : vector<16xi32> to vector<16xi32>
    %swap3A_167 = vector.shape_cast %shift_right_arithmetic3A_163 : vector<16xi32> to vector<16xi32>
    tpu.vector_store %arg7[%swap3A_164], %swap3A_167 {strides = array<i32>} : memref<128xi32, #tpu.memory_space<vmem>>, vector<16xi32>,
    %dma_start3A = arith.constant 0 : i32
    %dma_start3A_168 = arith.constant 0 : i32
    %dma_start3A_169 = tpu.memref_slice %arg2[%dma_start3A, %dma_start3A_168] : memref<10240x128xf32, #tpu.memory_space<hbm>> -> memref<10240x128xf32, #tpu.memory_space<hbm>>
    tpu.enqueue_indirect_dma source(%dma_start3A_169 : memref<10240x128xf32, #tpu.memory_space<hbm>>) target(%arg10 : memref<128x128xf32, #tpu.memory_space<vmem>>) offsets(%arg6 : memref<128xi32, #tpu.memory_space<vmem>>) semaphore(%arg13 : memref<!tpu.dma_semaphore, #tpu.memory_space<semaphore_mem>>)
    %scan3A_170 = arith.constant 0 : i32
    %scan3A_171 = arith.constant 0 : i32
    %scan3A_172 = arith.constant 41 : i32
    %scan3A_173 = arith.addi %scan3A_171, %scan3A_172 : i32
    %scan3A_174 = arith.constant 1 : i32
    %scan3A_175 = scf.for %scan3A_187 = %scan3A_171 to %scan3A_173 step %scan3A_174 iter_args(%scan3A_188 = %scan3A_170) -> (i32)  : i32 {
      %mul3A_189 = arith.constant 2 : i32
      %mul3A_190 = arith.muli %mul3A_189, %scan3A_187 : i32
      %add3A_191 = arith.constant 1 : i32
      %add3A_192 = arith.addi %mul3A_190, %add3A_191 : i32
      %get3A_193 = arith.index_cast %add3A_192 : i32 to index
      %get3A_194 = arith.constant 0 : index
      %get3A_195 = tpu.vector_load %arg5[%get3A_193, %get3A_194] {strides = array<i32>} : memref<82x128xi32, #tpu.memory_space<vmem>>, vector<1x16xi32>,
      %get3A_196 = vector.shape_cast %get3A_195 : vector<1x16xi32> to vector<16xi32>
      %and3A_197 = arith.constant 65535 : i32
      %and3A_198 = vector.broadcast %and3A_197 : i32 to vector<16xi32>
      %and3A_199 = arith.andi %get3A_196, %and3A_198 : vector<16xi32>
      %swap3A_200 = arith.constant 0 : index
      %swap3A_201 = tpu.vector_load %arg8[%swap3A_200] {strides = array<i32>} : memref<128xi32, #tpu.memory_space<vmem>>, vector<16xi32>,
      %swap3A_202 = vector.shape_cast %swap3A_201 : vector<16xi32> to vector<16xi32>
      %swap3A_203 = vector.shape_cast %and3A_199 : vector<16xi32> to vector<16xi32>
      tpu.vector_store %arg8[%swap3A_200], %swap3A_203 {strides = array<i32>} : memref<128xi32, #tpu.memory_space<vmem>>, vector<16xi32>,
      %shift_right_arithmetic3A_204 = arith.constant 16 : i32
      %shift_right_arithmetic3A_205 = vector.broadcast %shift_right_arithmetic3A_204 : i32 to vector<16xi32>
      %shift_right_arithmetic3A_206 = arith.shrsi %get3A_196, %shift_right_arithmetic3A_205 : vector<16xi32>
      %swap3A_207 = arith.constant 0 : index
      %swap3A_208 = tpu.vector_load %arg9[%swap3A_207] {strides = array<i32>} : memref<128xi32, #tpu.memory_space<vmem>>, vector<16xi32>,
      %swap3A_209 = vector.shape_cast %swap3A_208 : vector<16xi32> to vector<16xi32>
      %swap3A_210 = vector.shape_cast %shift_right_arithmetic3A_206 : vector<16xi32> to vector<16xi32>
      tpu.vector_store %arg9[%swap3A_207], %swap3A_210 {strides = array<i32>} : memref<128xi32, #tpu.memory_space<vmem>>, vector<16xi32>,
      %get3A_211 = arith.index_cast %add3A_192 : i32 to index
      %get3A_212 = arith.constant 16 : index
      %get3A_213 = tpu.vector_load %arg5[%get3A_211, %get3A_212] {strides = array<i32>} : memref<82x128xi32, #tpu.memory_space<vmem>>, vector<1x16xi32>,
      %get3A_214 = vector.shape_cast %get3A_213 : vector<1x16xi32> to vector<16xi32>
      %and3A_215 = arith.constant 65535 : i32
      %and3A_216 = vector.broadcast %and3A_215 : i32 to vector<16xi32>
      %and3A_217 = arith.andi %get3A_214, %and3A_216 : vector<16xi32>
      %swap3A_218 = arith.constant 16 : index
      %swap3A_219 = tpu.vector_load %arg8[%swap3A_218] {strides = array<i32>} : memref<128xi32, #tpu.memory_space<vmem>>, vector<16xi32>,
      %swap3A_220 = vector.shape_cast %swap3A_219 : vector<16xi32> to vector<16xi32>
      %swap3A_221 = vector.shape_cast %and3A_217 : vector<16xi32> to vector<16xi32>
      tpu.vector_store %arg8[%swap3A_218], %swap3A_221 {strides = array<i32>} : memref<128xi32, #tpu.memory_space<vmem>>, vector<16xi32>,
      %shift_right_arithmetic3A_222 = arith.constant 16 : i32
      %shift_right_arithmetic3A_223 = vector.broadcast %shift_right_arithmetic3A_222 : i32 to vector<16xi32>
      %shift_right_arithmetic3A_224 = arith.shrsi %get3A_214, %shift_right_arithmetic3A_223 : vector<16xi32>
      %swap3A_225 = arith.constant 16 : index
      %swap3A_226 = tpu.vector_load %arg9[%swap3A_225] {strides = array<i32>} : memref<128xi32, #tpu.memory_space<vmem>>, vector<16xi32>,
      %swap3A_227 = vector.shape_cast %swap3A_226 : vector<16xi32> to vector<16xi32>
      %swap3A_228 = vector.shape_cast %shift_right_arithmetic3A_224 : vector<16xi32> to vector<16xi32>
      tpu.vector_store %arg9[%swap3A_225], %swap3A_228 {strides = array<i32>} : memref<128xi32, #tpu.memory_space<vmem>>, vector<16xi32>,
      %get3A_229 = arith.index_cast %add3A_192 : i32 to index
      %get3A_230 = arith.constant 32 : index
      %get3A_231 = tpu.vector_load %arg5[%get3A_229, %get3A_230] {strides = array<i32>} : memref<82x128xi32, #tpu.memory_space<vmem>>, vector<1x16xi32>,
      %get3A_232 = vector.shape_cast %get3A_231 : vector<1x16xi32> to vector<16xi32>
      %and3A_233 = arith.constant 65535 : i32
      %and3A_234 = vector.broadcast %and3A_233 : i32 to vector<16xi32>
      %and3A_235 = arith.andi %get3A_232, %and3A_234 : vector<16xi32>
      %swap3A_236 = arith.constant 32 : index
      %swap3A_237 = tpu.vector_load %arg8[%swap3A_236] {strides = array<i32>} : memref<128xi32, #tpu.memory_space<vmem>>, vector<16xi32>,
      %swap3A_238 = vector.shape_cast %swap3A_237 : vector<16xi32> to vector<16xi32>
      %swap3A_239 = vector.shape_cast %and3A_235 : vector<16xi32> to vector<16xi32>
      tpu.vector_store %arg8[%swap3A_236], %swap3A_239 {strides = array<i32>} : memref<128xi32, #tpu.memory_space<vmem>>, vector<16xi32>,
      %shift_right_arithmetic3A_240 = arith.constant 16 : i32
      %shift_right_arithmetic3A_241 = vector.broadcast %shift_right_arithmetic3A_240 : i32 to vector<16xi32>
      %shift_right_arithmetic3A_242 = arith.shrsi %get3A_232, %shift_right_arithmetic3A_241 : vector<16xi32>
      %swap3A_243 = arith.constant 32 : index
      %swap3A_244 = tpu.vector_load %arg9[%swap3A_243] {strides = array<i32>} : memref<128xi32, #tpu.memory_space<vmem>>, vector<16xi32>,
      %swap3A_245 = vector.shape_cast %swap3A_244 : vector<16xi32> to vector<16xi32>
      %swap3A_246 = vector.shape_cast %shift_right_arithmetic3A_242 : vector<16xi32> to vector<16xi32>
      tpu.vector_store %arg9[%swap3A_243], %swap3A_246 {strides = array<i32>} : memref<128xi32, #tpu.memory_space<vmem>>, vector<16xi32>,
      %get3A_247 = arith.index_cast %add3A_192 : i32 to index
      %get3A_248 = arith.constant 48 : index
      %get3A_249 = tpu.vector_load %arg5[%get3A_247, %get3A_248] {strides = array<i32>} : memref<82x128xi32, #tpu.memory_space<vmem>>, vector<1x16xi32>,
      %get3A_250 = vector.shape_cast %get3A_249 : vector<1x16xi32> to vector<16xi32>
      %and3A_251 = arith.constant 65535 : i32
      %and3A_252 = vector.broadcast %and3A_251 : i32 to vector<16xi32>
      %and3A_253 = arith.andi %get3A_250, %and3A_252 : vector<16xi32>
      %swap3A_254 = arith.constant 48 : index
      %swap3A_255 = tpu.vector_load %arg8[%swap3A_254] {strides = array<i32>} : memref<128xi32, #tpu.memory_space<vmem>>, vector<16xi32>,
      %swap3A_256 = vector.shape_cast %swap3A_255 : vector<16xi32> to vector<16xi32>
      %swap3A_257 = vector.shape_cast %and3A_253 : vector<16xi32> to vector<16xi32>
      tpu.vector_store %arg8[%swap3A_254], %swap3A_257 {strides = array<i32>} : memref<128xi32, #tpu.memory_space<vmem>>, vector<16xi32>,
      %shift_right_arithmetic3A_258 = arith.constant 16 : i32
      %shift_right_arithmetic3A_259 = vector.broadcast %shift_right_arithmetic3A_258 : i32 to vector<16xi32>
      %shift_right_arithmetic3A_260 = arith.shrsi %get3A_250, %shift_right_arithmetic3A_259 : vector<16xi32>
      %swap3A_261 = arith.constant 48 : index
      %swap3A_262 = tpu.vector_load %arg9[%swap3A_261] {strides = array<i32>} : memref<128xi32, #tpu.memory_space<vmem>>, vector<16xi32>,
      %swap3A_263 = vector.shape_cast %swap3A_262 : vector<16xi32> to vector<16xi32>
      %swap3A_264 = vector.shape_cast %shift_right_arithmetic3A_260 : vector<16xi32> to vector<16xi32>
      tpu.vector_store %arg9[%swap3A_261], %swap3A_264 {strides = array<i32>} : memref<128xi32, #tpu.memory_space<vmem>>, vector<16xi32>,
      %get3A_265 = arith.index_cast %add3A_192 : i32 to index
      %get3A_266 = arith.constant 64 : index
      %get3A_267 = tpu.vector_load %arg5[%get3A_265, %get3A_266] {strides = array<i32>} : memref<82x128xi32, #tpu.memory_space<vmem>>, vector<1x16xi32>,
      %get3A_268 = vector.shape_cast %get3A_267 : vector<1x16xi32> to vector<16xi32>
      %and3A_269 = arith.constant 65535 : i32
      %and3A_270 = vector.broadcast %and3A_269 : i32 to vector<16xi32>
      %and3A_271 = arith.andi %get3A_268, %and3A_270 : vector<16xi32>
      %swap3A_272 = arith.constant 64 : index
      %swap3A_273 = tpu.vector_load %arg8[%swap3A_272] {strides = array<i32>} : memref<128xi32, #tpu.memory_space<vmem>>, vector<16xi32>,
      %swap3A_274 = vector.shape_cast %swap3A_273 : vector<16xi32> to vector<16xi32>
      %swap3A_275 = vector.shape_cast %and3A_271 : vector<16xi32> to vector<16xi32>
      tpu.vector_store %arg8[%swap3A_272], %swap3A_275 {strides = array<i32>} : memref<128xi32, #tpu.memory_space<vmem>>, vector<16xi32>,
      %shift_right_arithmetic3A_276 = arith.constant 16 : i32
      %shift_right_arithmetic3A_277 = vector.broadcast %shift_right_arithmetic3A_276 : i32 to vector<16xi32>
      %shift_right_arithmetic3A_278 = arith.shrsi %get3A_268, %shift_right_arithmetic3A_277 : vector<16xi32>
      %swap3A_279 = arith.constant 64 : index
      %swap3A_280 = tpu.vector_load %arg9[%swap3A_279] {strides = array<i32>} : memref<128xi32, #tpu.memory_space<vmem>>, vector<16xi32>,
      %swap3A_281 = vector.shape_cast %swap3A_280 : vector<16xi32> to vector<16xi32>
      %swap3A_282 = vector.shape_cast %shift_right_arithmetic3A_278 : vector<16xi32> to vector<16xi32>
      tpu.vector_store %arg9[%swap3A_279], %swap3A_282 {strides = array<i32>} : memref<128xi32, #tpu.memory_space<vmem>>, vector<16xi32>,
      %get3A_283 = arith.index_cast %add3A_192 : i32 to index
      %get3A_284 = arith.constant 80 : index
      %get3A_285 = tpu.vector_load %arg5[%get3A_283, %get3A_284] {strides = array<i32>} : memref<82x128xi32, #tpu.memory_space<vmem>>, vector<1x16xi32>,
      %get3A_286 = vector.shape_cast %get3A_285 : vector<1x16xi32> to vector<16xi32>
      %and3A_287 = arith.constant 65535 : i32
      %and3A_288 = vector.broadcast %and3A_287 : i32 to vector<16xi32>
      %and3A_289 = arith.andi %get3A_286, %and3A_288 : vector<16xi32>
      %swap3A_290 = arith.constant 80 : index
      %swap3A_291 = tpu.vector_load %arg8[%swap3A_290] {strides = array<i32>} : memref<128xi32, #tpu.memory_space<vmem>>, vector<16xi32>,
      %swap3A_292 = vector.shape_cast %swap3A_291 : vector<16xi32> to vector<16xi32>
      %swap3A_293 = vector.shape_cast %and3A_289 : vector<16xi32> to vector<16xi32>
      tpu.vector_store %arg8[%swap3A_290], %swap3A_293 {strides = array<i32>} : memref<128xi32, #tpu.memory_space<vmem>>, vector<16xi32>,
      %shift_right_arithmetic3A_294 = arith.constant 16 : i32
      %shift_right_arithmetic3A_295 = vector.broadcast %shift_right_arithmetic3A_294 : i32 to vector<16xi32>
      %shift_right_arithmetic3A_296 = arith.shrsi %get3A_286, %shift_right_arithmetic3A_295 : vector<16xi32>
      %swap3A_297 = arith.constant 80 : index
      %swap3A_298 = tpu.vector_load %arg9[%swap3A_297] {strides = array<i32>} : memref<128xi32, #tpu.memory_space<vmem>>, vector<16xi32>,
      %swap3A_299 = vector.shape_cast %swap3A_298 : vector<16xi32> to vector<16xi32>
      %swap3A_300 = vector.shape_cast %shift_right_arithmetic3A_296 : vector<16xi32> to vector<16xi32>
      tpu.vector_store %arg9[%swap3A_297], %swap3A_300 {strides = array<i32>} : memref<128xi32, #tpu.memory_space<vmem>>, vector<16xi32>,
      %get3A_301 = arith.index_cast %add3A_192 : i32 to index
      %get3A_302 = arith.constant 96 : index
      %get3A_303 = tpu.vector_load %arg5[%get3A_301, %get3A_302] {strides = array<i32>} : memref<82x128xi32, #tpu.memory_space<vmem>>, vector<1x16xi32>,
      %get3A_304 = vector.shape_cast %get3A_303 : vector<1x16xi32> to vector<16xi32>
      %and3A_305 = arith.constant 65535 : i32
      %and3A_306 = vector.broadcast %and3A_305 : i32 to vector<16xi32>
      %and3A_307 = arith.andi %get3A_304, %and3A_306 : vector<16xi32>
      %swap3A_308 = arith.constant 96 : index
      %swap3A_309 = tpu.vector_load %arg8[%swap3A_308] {strides = array<i32>} : memref<128xi32, #tpu.memory_space<vmem>>, vector<16xi32>,
      %swap3A_310 = vector.shape_cast %swap3A_309 : vector<16xi32> to vector<16xi32>
      %swap3A_311 = vector.shape_cast %and3A_307 : vector<16xi32> to vector<16xi32>
      tpu.vector_store %arg8[%swap3A_308], %swap3A_311 {strides = array<i32>} : memref<128xi32, #tpu.memory_space<vmem>>, vector<16xi32>,
      %shift_right_arithmetic3A_312 = arith.constant 16 : i32
      %shift_right_arithmetic3A_313 = vector.broadcast %shift_right_arithmetic3A_312 : i32 to vector<16xi32>
      %shift_right_arithmetic3A_314 = arith.shrsi %get3A_304, %shift_right_arithmetic3A_313 : vector<16xi32>
      %swap3A_315 = arith.constant 96 : index
      %swap3A_316 = tpu.vector_load %arg9[%swap3A_315] {strides = array<i32>} : memref<128xi32, #tpu.memory_space<vmem>>, vector<16xi32>,
      %swap3A_317 = vector.shape_cast %swap3A_316 : vector<16xi32> to vector<16xi32>
      %swap3A_318 = vector.shape_cast %shift_right_arithmetic3A_314 : vector<16xi32> to vector<16xi32>
      tpu.vector_store %arg9[%swap3A_315], %swap3A_318 {strides = array<i32>} : memref<128xi32, #tpu.memory_space<vmem>>, vector<16xi32>,
      %get3A_319 = arith.index_cast %add3A_192 : i32 to index
      %get3A_320 = arith.constant 112 : index
      %get3A_321 = tpu.vector_load %arg5[%get3A_319, %get3A_320] {strides = array<i32>} : memref<82x128xi32, #tpu.memory_space<vmem>>, vector<1x16xi32>,
      %get3A_322 = vector.shape_cast %get3A_321 : vector<1x16xi32> to vector<16xi32>
      %and3A_323 = arith.constant 65535 : i32
      %and3A_324 = vector.broadcast %and3A_323 : i32 to vector<16xi32>
      %and3A_325 = arith.andi %get3A_322, %and3A_324 : vector<16xi32>
      %swap3A_326 = arith.constant 112 : index
      %swap3A_327 = tpu.vector_load %arg8[%swap3A_326] {strides = array<i32>} : memref<128xi32, #tpu.memory_space<vmem>>, vector<16xi32>,
      %swap3A_328 = vector.shape_cast %swap3A_327 : vector<16xi32> to vector<16xi32>
      %swap3A_329 = vector.shape_cast %and3A_325 : vector<16xi32> to vector<16xi32>
      tpu.vector_store %arg8[%swap3A_326], %swap3A_329 {strides = array<i32>} : memref<128xi32, #tpu.memory_space<vmem>>, vector<16xi32>,
      %shift_right_arithmetic3A_330 = arith.constant 16 : i32
      %shift_right_arithmetic3A_331 = vector.broadcast %shift_right_arithmetic3A_330 : i32 to vector<16xi32>
      %shift_right_arithmetic3A_332 = arith.shrsi %get3A_322, %shift_right_arithmetic3A_331 : vector<16xi32>
      %swap3A_333 = arith.constant 112 : index
      %swap3A_334 = tpu.vector_load %arg9[%swap3A_333] {strides = array<i32>} : memref<128xi32, #tpu.memory_space<vmem>>, vector<16xi32>,
      %swap3A_335 = vector.shape_cast %swap3A_334 : vector<16xi32> to vector<16xi32>
      %swap3A_336 = vector.shape_cast %shift_right_arithmetic3A_332 : vector<16xi32> to vector<16xi32>
      tpu.vector_store %arg9[%swap3A_333], %swap3A_336 {strides = array<i32>} : memref<128xi32, #tpu.memory_space<vmem>>, vector<16xi32>,
      %dma_start3A_337 = arith.constant 0 : i32
      %dma_start3A_338 = arith.constant 0 : i32
      %dma_start3A_339 = tpu.memref_slice %arg2[%dma_start3A_337, %dma_start3A_338] : memref<10240x128xf32, #tpu.memory_space<hbm>> -> memref<10240x128xf32, #tpu.memory_space<hbm>>
      tpu.enqueue_indirect_dma source(%dma_start3A_339 : memref<10240x128xf32, #tpu.memory_space<hbm>>) target(%arg11 : memref<128x128xf32, #tpu.memory_space<vmem>>) offsets(%arg8 : memref<128xi32, #tpu.memory_space<vmem>>) semaphore(%arg14 : memref<!tpu.dma_semaphore, #tpu.memory_space<semaphore_mem>>)
      %dma_wait3A_340 = arith.constant 0 : i32
      %dma_wait3A_341 = arith.constant 0 : i32
      %dma_wait3A_342 = tpu.memref_slice %arg2[%dma_wait3A_340, %dma_wait3A_341] : memref<10240x128xf32, #tpu.memory_space<hbm>> -> memref<128x128xf32, #tpu.memory_space<hbm>>
      %dma_wait3A_343 = arith.constant 0 : i32
      %dma_wait3A_344 = arith.constant 0 : i32
      %dma_wait3A_345 = tpu.memref_slice %arg2[%dma_wait3A_343, %dma_wait3A_344] : memref<10240x128xf32, #tpu.memory_space<hbm>> -> memref<128x128xf32, #tpu.memory_space<hbm>>
      tpu.wait_dma2 semaphore(%arg13 : memref<!tpu.dma_semaphore, #tpu.memory_space<semaphore_mem>>) src(%dma_wait3A_345 : memref<128x128xf32, #tpu.memory_space<hbm>>) dst(%arg10 : memref<128x128xf32, #tpu.memory_space<vmem>>)
      "tpu.region"() ({
        %run_scoped3A = tpu.sem_alloc : memref<!tpu.dma_semaphore, #tpu.memory_space<semaphore_mem>>
        %dma_start3A_503 = arith.constant 0 : i32
        %dma_start3A_504 = arith.constant 0 : i32
        %dma_start3A_505 = tpu.memref_slice %arg12[%dma_start3A_503, %dma_start3A_504] : memref<10240x128xf32, #tpu.memory_space<vmem_shared>> -> memref<10240x128xf32, #tpu.memory_space<vmem_shared>>
        tpu.enqueue_indirect_dma source(%arg10 : memref<128x128xf32, #tpu.memory_space<vmem>>) target(%dma_start3A_505 : memref<10240x128xf32, #tpu.memory_space<vmem_shared>>) offsets(%arg7 : memref<128xi32, #tpu.memory_space<vmem>>) semaphore(%run_scoped3A : memref<!tpu.dma_semaphore, #tpu.memory_space<semaphore_mem>>) {add = true}
        %dma_wait3A_506 = arith.constant 0 : i32
        %dma_wait3A_507 = arith.constant 0 : i32
        %dma_wait3A_508 = tpu.memref_slice %arg12[%dma_wait3A_506, %dma_wait3A_507] : memref<10240x128xf32, #tpu.memory_space<vmem_shared>> -> memref<10240x128xf32, #tpu.memory_space<vmem_shared>>
        tpu.wait_indirect_dma semaphore(%run_scoped3A : memref<!tpu.dma_semaphore, #tpu.memory_space<semaphore_mem>>) src(%arg10 : memref<128x128xf32, #tpu.memory_space<vmem>>) dst(%dma_wait3A_508 : memref<10240x128xf32, #tpu.memory_space<vmem_shared>>)
        tpu.yield
      }) : () -> ()
      %add3A_346 = arith.constant 2 : i32
      %add3A_347 = arith.addi %mul3A_190, %add3A_346 : i32
      %min3A = arith.constant 81 : i32
      %min3A_348 = arith.minsi %add3A_347, %min3A : i32
      %get3A_349 = arith.index_cast %min3A_348 : i32 to index
      %get3A_350 = arith.constant 0 : index
      %get3A_351 = tpu.vector_load %arg5[%get3A_349, %get3A_350] {strides = array<i32>} : memref<82x128xi32, #tpu.memory_space<vmem>>, vector<1x16xi32>,
      %get3A_352 = vector.shape_cast %get3A_351 : vector<1x16xi32> to vector<16xi32>
      %and3A_353 = arith.constant 65535 : i32
      %and3A_354 = vector.broadcast %and3A_353 : i32 to vector<16xi32>
      %and3A_355 = arith.andi %get3A_352, %and3A_354 : vector<16xi32>
      %swap3A_356 = arith.constant 0 : index
      %swap3A_357 = tpu.vector_load %arg6[%swap3A_356] {strides = array<i32>} : memref<128xi32, #tpu.memory_space<vmem>>, vector<16xi32>,
      %swap3A_358 = vector.shape_cast %swap3A_357 : vector<16xi32> to vector<16xi32>
      %swap3A_359 = vector.shape_cast %and3A_355 : vector<16xi32> to vector<16xi32>
      tpu.vector_store %arg6[%swap3A_356], %swap3A_359 {strides = array<i32>} : memref<128xi32, #tpu.memory_space<vmem>>, vector<16xi32>,
      %shift_right_arithmetic3A_360 = arith.constant 16 : i32
      %shift_right_arithmetic3A_361 = vector.broadcast %shift_right_arithmetic3A_360 : i32 to vector<16xi32>
      %shift_right_arithmetic3A_362 = arith.shrsi %get3A_352, %shift_right_arithmetic3A_361 : vector<16xi32>
      %swap3A_363 = arith.constant 0 : index
      %swap3A_364 = tpu.vector_load %arg7[%swap3A_363] {strides = array<i32>} : memref<128xi32, #tpu.memory_space<vmem>>, vector<16xi32>,
      %swap3A_365 = vector.shape_cast %swap3A_364 : vector<16xi32> to vector<16xi32>
      %swap3A_366 = vector.shape_cast %shift_right_arithmetic3A_362 : vector<16xi32> to vector<16xi32>
      tpu.vector_store %arg7[%swap3A_363], %swap3A_366 {strides = array<i32>} : memref<128xi32, #tpu.memory_space<vmem>>, vector<16xi32>,
      %get3A_367 = arith.index_cast %min3A_348 : i32 to index
      %get3A_368 = arith.constant 16 : index
      %get3A_369 = tpu.vector_load %arg5[%get3A_367, %get3A_368] {strides = array<i32>} : memref<82x128xi32, #tpu.memory_space<vmem>>, vector<1x16xi32>,
      %get3A_370 = vector.shape_cast %get3A_369 : vector<1x16xi32> to vector<16xi32>
      %and3A_371 = arith.constant 65535 : i32
      %and3A_372 = vector.broadcast %and3A_371 : i32 to vector<16xi32>
      %and3A_373 = arith.andi %get3A_370, %and3A_372 : vector<16xi32>
      %swap3A_374 = arith.constant 16 : index
      %swap3A_375 = tpu.vector_load %arg6[%swap3A_374] {strides = array<i32>} : memref<128xi32, #tpu.memory_space<vmem>>, vector<16xi32>,
      %swap3A_376 = vector.shape_cast %swap3A_375 : vector<16xi32> to vector<16xi32>
      %swap3A_377 = vector.shape_cast %and3A_373 : vector<16xi32> to vector<16xi32>
      tpu.vector_store %arg6[%swap3A_374], %swap3A_377 {strides = array<i32>} : memref<128xi32, #tpu.memory_space<vmem>>, vector<16xi32>,
      %shift_right_arithmetic3A_378 = arith.constant 16 : i32
      %shift_right_arithmetic3A_379 = vector.broadcast %shift_right_arithmetic3A_378 : i32 to vector<16xi32>
      %shift_right_arithmetic3A_380 = arith.shrsi %get3A_370, %shift_right_arithmetic3A_379 : vector<16xi32>
      %swap3A_381 = arith.constant 16 : index
      %swap3A_382 = tpu.vector_load %arg7[%swap3A_381] {strides = array<i32>} : memref<128xi32, #tpu.memory_space<vmem>>, vector<16xi32>,
      %swap3A_383 = vector.shape_cast %swap3A_382 : vector<16xi32> to vector<16xi32>
      %swap3A_384 = vector.shape_cast %shift_right_arithmetic3A_380 : vector<16xi32> to vector<16xi32>
      tpu.vector_store %arg7[%swap3A_381], %swap3A_384 {strides = array<i32>} : memref<128xi32, #tpu.memory_space<vmem>>, vector<16xi32>,
      %get3A_385 = arith.index_cast %min3A_348 : i32 to index
      %get3A_386 = arith.constant 32 : index
      %get3A_387 = tpu.vector_load %arg5[%get3A_385, %get3A_386] {strides = array<i32>} : memref<82x128xi32, #tpu.memory_space<vmem>>, vector<1x16xi32>,
      %get3A_388 = vector.shape_cast %get3A_387 : vector<1x16xi32> to vector<16xi32>
      %and3A_389 = arith.constant 65535 : i32
      %and3A_390 = vector.broadcast %and3A_389 : i32 to vector<16xi32>
      %and3A_391 = arith.andi %get3A_388, %and3A_390 : vector<16xi32>
      %swap3A_392 = arith.constant 32 : index
      %swap3A_393 = tpu.vector_load %arg6[%swap3A_392] {strides = array<i32>} : memref<128xi32, #tpu.memory_space<vmem>>, vector<16xi32>,
      %swap3A_394 = vector.shape_cast %swap3A_393 : vector<16xi32> to vector<16xi32>
      %swap3A_395 = vector.shape_cast %and3A_391 : vector<16xi32> to vector<16xi32>
      tpu.vector_store %arg6[%swap3A_392], %swap3A_395 {strides = array<i32>} : memref<128xi32, #tpu.memory_space<vmem>>, vector<16xi32>,
      %shift_right_arithmetic3A_396 = arith.constant 16 : i32
      %shift_right_arithmetic3A_397 = vector.broadcast %shift_right_arithmetic3A_396 : i32 to vector<16xi32>
      %shift_right_arithmetic3A_398 = arith.shrsi %get3A_388, %shift_right_arithmetic3A_397 : vector<16xi32>
      %swap3A_399 = arith.constant 32 : index
      %swap3A_400 = tpu.vector_load %arg7[%swap3A_399] {strides = array<i32>} : memref<128xi32, #tpu.memory_space<vmem>>, vector<16xi32>,
      %swap3A_401 = vector.shape_cast %swap3A_400 : vector<16xi32> to vector<16xi32>
      %swap3A_402 = vector.shape_cast %shift_right_arithmetic3A_398 : vector<16xi32> to vector<16xi32>
      tpu.vector_store %arg7[%swap3A_399], %swap3A_402 {strides = array<i32>} : memref<128xi32, #tpu.memory_space<vmem>>, vector<16xi32>,
      %get3A_403 = arith.index_cast %min3A_348 : i32 to index
      %get3A_404 = arith.constant 48 : index
      %get3A_405 = tpu.vector_load %arg5[%get3A_403, %get3A_404] {strides = array<i32>} : memref<82x128xi32, #tpu.memory_space<vmem>>, vector<1x16xi32>,
      %get3A_406 = vector.shape_cast %get3A_405 : vector<1x16xi32> to vector<16xi32>
      %and3A_407 = arith.constant 65535 : i32
      %and3A_408 = vector.broadcast %and3A_407 : i32 to vector<16xi32>
      %and3A_409 = arith.andi %get3A_406, %and3A_408 : vector<16xi32>
      %swap3A_410 = arith.constant 48 : index
      %swap3A_411 = tpu.vector_load %arg6[%swap3A_410] {strides = array<i32>} : memref<128xi32, #tpu.memory_space<vmem>>, vector<16xi32>,
      %swap3A_412 = vector.shape_cast %swap3A_411 : vector<16xi32> to vector<16xi32>
      %swap3A_413 = vector.shape_cast %and3A_409 : vector<16xi32> to vector<16xi32>
      tpu.vector_store %arg6[%swap3A_410], %swap3A_413 {strides = array<i32>} : memref<128xi32, #tpu.memory_space<vmem>>, vector<16xi32>,
      %shift_right_arithmetic3A_414 = arith.constant 16 : i32
      %shift_right_arithmetic3A_415 = vector.broadcast %shift_right_arithmetic3A_414 : i32 to vector<16xi32>
      %shift_right_arithmetic3A_416 = arith.shrsi %get3A_406, %shift_right_arithmetic3A_415 : vector<16xi32>
      %swap3A_417 = arith.constant 48 : index
      %swap3A_418 = tpu.vector_load %arg7[%swap3A_417] {strides = array<i32>} : memref<128xi32, #tpu.memory_space<vmem>>, vector<16xi32>,
      %swap3A_419 = vector.shape_cast %swap3A_418 : vector<16xi32> to vector<16xi32>
      %swap3A_420 = vector.shape_cast %shift_right_arithmetic3A_416 : vector<16xi32> to vector<16xi32>
      tpu.vector_store %arg7[%swap3A_417], %swap3A_420 {strides = array<i32>} : memref<128xi32, #tpu.memory_space<vmem>>, vector<16xi32>,
      %get3A_421 = arith.index_cast %min3A_348 : i32 to index
      %get3A_422 = arith.constant 64 : index
      %get3A_423 = tpu.vector_load %arg5[%get3A_421, %get3A_422] {strides = array<i32>} : memref<82x128xi32, #tpu.memory_space<vmem>>, vector<1x16xi32>,
      %get3A_424 = vector.shape_cast %get3A_423 : vector<1x16xi32> to vector<16xi32>
      %and3A_425 = arith.constant 65535 : i32
      %and3A_426 = vector.broadcast %and3A_425 : i32 to vector<16xi32>
      %and3A_427 = arith.andi %get3A_424, %and3A_426 : vector<16xi32>
      %swap3A_428 = arith.constant 64 : index
      %swap3A_429 = tpu.vector_load %arg6[%swap3A_428] {strides = array<i32>} : memref<128xi32, #tpu.memory_space<vmem>>, vector<16xi32>,
      %swap3A_430 = vector.shape_cast %swap3A_429 : vector<16xi32> to vector<16xi32>
      %swap3A_431 = vector.shape_cast %and3A_427 : vector<16xi32> to vector<16xi32>
      tpu.vector_store %arg6[%swap3A_428], %swap3A_431 {strides = array<i32>} : memref<128xi32, #tpu.memory_space<vmem>>, vector<16xi32>,
      %shift_right_arithmetic3A_432 = arith.constant 16 : i32
      %shift_right_arithmetic3A_433 = vector.broadcast %shift_right_arithmetic3A_432 : i32 to vector<16xi32>
      %shift_right_arithmetic3A_434 = arith.shrsi %get3A_424, %shift_right_arithmetic3A_433 : vector<16xi32>
      %swap3A_435 = arith.constant 64 : index
      %swap3A_436 = tpu.vector_load %arg7[%swap3A_435] {strides = array<i32>} : memref<128xi32, #tpu.memory_space<vmem>>, vector<16xi32>,
      %swap3A_437 = vector.shape_cast %swap3A_436 : vector<16xi32> to vector<16xi32>
      %swap3A_438 = vector.shape_cast %shift_right_arithmetic3A_434 : vector<16xi32> to vector<16xi32>
      tpu.vector_store %arg7[%swap3A_435], %swap3A_438 {strides = array<i32>} : memref<128xi32, #tpu.memory_space<vmem>>, vector<16xi32>,
      %get3A_439 = arith.index_cast %min3A_348 : i32 to index
      %get3A_440 = arith.constant 80 : index
      %get3A_441 = tpu.vector_load %arg5[%get3A_439, %get3A_440] {strides = array<i32>} : memref<82x128xi32, #tpu.memory_space<vmem>>, vector<1x16xi32>,
      %get3A_442 = vector.shape_cast %get3A_441 : vector<1x16xi32> to vector<16xi32>
      %and3A_443 = arith.constant 65535 : i32
      %and3A_444 = vector.broadcast %and3A_443 : i32 to vector<16xi32>
      %and3A_445 = arith.andi %get3A_442, %and3A_444 : vector<16xi32>
      %swap3A_446 = arith.constant 80 : index
      %swap3A_447 = tpu.vector_load %arg6[%swap3A_446] {strides = array<i32>} : memref<128xi32, #tpu.memory_space<vmem>>, vector<16xi32>,
      %swap3A_448 = vector.shape_cast %swap3A_447 : vector<16xi32> to vector<16xi32>
      %swap3A_449 = vector.shape_cast %and3A_445 : vector<16xi32> to vector<16xi32>
      tpu.vector_store %arg6[%swap3A_446], %swap3A_449 {strides = array<i32>} : memref<128xi32, #tpu.memory_space<vmem>>, vector<16xi32>,
      %shift_right_arithmetic3A_450 = arith.constant 16 : i32
      %shift_right_arithmetic3A_451 = vector.broadcast %shift_right_arithmetic3A_450 : i32 to vector<16xi32>
      %shift_right_arithmetic3A_452 = arith.shrsi %get3A_442, %shift_right_arithmetic3A_451 : vector<16xi32>
      %swap3A_453 = arith.constant 80 : index
      %swap3A_454 = tpu.vector_load %arg7[%swap3A_453] {strides = array<i32>} : memref<128xi32, #tpu.memory_space<vmem>>, vector<16xi32>,
      %swap3A_455 = vector.shape_cast %swap3A_454 : vector<16xi32> to vector<16xi32>
      %swap3A_456 = vector.shape_cast %shift_right_arithmetic3A_452 : vector<16xi32> to vector<16xi32>
      tpu.vector_store %arg7[%swap3A_453], %swap3A_456 {strides = array<i32>} : memref<128xi32, #tpu.memory_space<vmem>>, vector<16xi32>,
      %get3A_457 = arith.index_cast %min3A_348 : i32 to index
      %get3A_458 = arith.constant 96 : index
      %get3A_459 = tpu.vector_load %arg5[%get3A_457, %get3A_458] {strides = array<i32>} : memref<82x128xi32, #tpu.memory_space<vmem>>, vector<1x16xi32>,
      %get3A_460 = vector.shape_cast %get3A_459 : vector<1x16xi32> to vector<16xi32>
      %and3A_461 = arith.constant 65535 : i32
      %and3A_462 = vector.broadcast %and3A_461 : i32 to vector<16xi32>
      %and3A_463 = arith.andi %get3A_460, %and3A_462 : vector<16xi32>
      %swap3A_464 = arith.constant 96 : index
      %swap3A_465 = tpu.vector_load %arg6[%swap3A_464] {strides = array<i32>} : memref<128xi32, #tpu.memory_space<vmem>>, vector<16xi32>,
      %swap3A_466 = vector.shape_cast %swap3A_465 : vector<16xi32> to vector<16xi32>
      %swap3A_467 = vector.shape_cast %and3A_463 : vector<16xi32> to vector<16xi32>
      tpu.vector_store %arg6[%swap3A_464], %swap3A_467 {strides = array<i32>} : memref<128xi32, #tpu.memory_space<vmem>>, vector<16xi32>,
      %shift_right_arithmetic3A_468 = arith.constant 16 : i32
      %shift_right_arithmetic3A_469 = vector.broadcast %shift_right_arithmetic3A_468 : i32 to vector<16xi32>
      %shift_right_arithmetic3A_470 = arith.shrsi %get3A_460, %shift_right_arithmetic3A_469 : vector<16xi32>
      %swap3A_471 = arith.constant 96 : index
      %swap3A_472 = tpu.vector_load %arg7[%swap3A_471] {strides = array<i32>} : memref<128xi32, #tpu.memory_space<vmem>>, vector<16xi32>,
      %swap3A_473 = vector.shape_cast %swap3A_472 : vector<16xi32> to vector<16xi32>
      %swap3A_474 = vector.shape_cast %shift_right_arithmetic3A_470 : vector<16xi32> to vector<16xi32>
      tpu.vector_store %arg7[%swap3A_471], %swap3A_474 {strides = array<i32>} : memref<128xi32, #tpu.memory_space<vmem>>, vector<16xi32>,
      %get3A_475 = arith.index_cast %min3A_348 : i32 to index
      %get3A_476 = arith.constant 112 : index
      %get3A_477 = tpu.vector_load %arg5[%get3A_475, %get3A_476] {strides = array<i32>} : memref<82x128xi32, #tpu.memory_space<vmem>>, vector<1x16xi32>,
      %get3A_478 = vector.shape_cast %get3A_477 : vector<1x16xi32> to vector<16xi32>
      %and3A_479 = arith.constant 65535 : i32
      %and3A_480 = vector.broadcast %and3A_479 : i32 to vector<16xi32>
      %and3A_481 = arith.andi %get3A_478, %and3A_480 : vector<16xi32>
      %swap3A_482 = arith.constant 112 : index
      %swap3A_483 = tpu.vector_load %arg6[%swap3A_482] {strides = array<i32>} : memref<128xi32, #tpu.memory_space<vmem>>, vector<16xi32>,
      %swap3A_484 = vector.shape_cast %swap3A_483 : vector<16xi32> to vector<16xi32>
      %swap3A_485 = vector.shape_cast %and3A_481 : vector<16xi32> to vector<16xi32>
      tpu.vector_store %arg6[%swap3A_482], %swap3A_485 {strides = array<i32>} : memref<128xi32, #tpu.memory_space<vmem>>, vector<16xi32>,
      %shift_right_arithmetic3A_486 = arith.constant 16 : i32
      %shift_right_arithmetic3A_487 = vector.broadcast %shift_right_arithmetic3A_486 : i32 to vector<16xi32>
      %shift_right_arithmetic3A_488 = arith.shrsi %get3A_478, %shift_right_arithmetic3A_487 : vector<16xi32>
      %swap3A_489 = arith.constant 112 : index
      %swap3A_490 = tpu.vector_load %arg7[%swap3A_489] {strides = array<i32>} : memref<128xi32, #tpu.memory_space<vmem>>, vector<16xi32>,
      %swap3A_491 = vector.shape_cast %swap3A_490 : vector<16xi32> to vector<16xi32>
      %swap3A_492 = vector.shape_cast %shift_right_arithmetic3A_488 : vector<16xi32> to vector<16xi32>
      tpu.vector_store %arg7[%swap3A_489], %swap3A_492 {strides = array<i32>} : memref<128xi32, #tpu.memory_space<vmem>>, vector<16xi32>,
      %dma_start3A_493 = arith.constant 0 : i32
      %dma_start3A_494 = arith.constant 0 : i32
      %dma_start3A_495 = tpu.memref_slice %arg2[%dma_start3A_493, %dma_start3A_494] : memref<10240x128xf32, #tpu.memory_space<hbm>> -> memref<10240x128xf32, #tpu.memory_space<hbm>>
      tpu.enqueue_indirect_dma source(%dma_start3A_495 : memref<10240x128xf32, #tpu.memory_space<hbm>>) target(%arg10 : memref<128x128xf32, #tpu.memory_space<vmem>>) offsets(%arg6 : memref<128xi32, #tpu.memory_space<vmem>>) semaphore(%arg13 : memref<!tpu.dma_semaphore, #tpu.memory_space<semaphore_mem>>)
      %dma_wait3A_496 = arith.constant 0 : i32
      %dma_wait3A_497 = arith.constant 0 : i32
      %dma_wait3A_498 = tpu.memref_slice %arg2[%dma_wait3A_496, %dma_wait3A_497] : memref<10240x128xf32, #tpu.memory_space<hbm>> -> memref<128x128xf32, #tpu.memory_space<hbm>>
      %dma_wait3A_499 = arith.constant 0 : i32
      %dma_wait3A_500 = arith.constant 0 : i32
      %dma_wait3A_501 = tpu.memref_slice %arg2[%dma_wait3A_499, %dma_wait3A_500] : memref<10240x128xf32, #tpu.memory_space<hbm>> -> memref<128x128xf32, #tpu.memory_space<hbm>>
      tpu.wait_dma2 semaphore(%arg14 : memref<!tpu.dma_semaphore, #tpu.memory_space<semaphore_mem>>) src(%dma_wait3A_501 : memref<128x128xf32, #tpu.memory_space<hbm>>) dst(%arg11 : memref<128x128xf32, #tpu.memory_space<vmem>>)
      "tpu.region"() ({
        %run_scoped3A = tpu.sem_alloc : memref<!tpu.dma_semaphore, #tpu.memory_space<semaphore_mem>>
        %dma_start3A_503 = arith.constant 0 : i32
        %dma_start3A_504 = arith.constant 0 : i32
        %dma_start3A_505 = tpu.memref_slice %arg12[%dma_start3A_503, %dma_start3A_504] : memref<10240x128xf32, #tpu.memory_space<vmem_shared>> -> memref<10240x128xf32, #tpu.memory_space<vmem_shared>>
        tpu.enqueue_indirect_dma source(%arg11 : memref<128x128xf32, #tpu.memory_space<vmem>>) target(%dma_start3A_505 : memref<10240x128xf32, #tpu.memory_space<vmem_shared>>) offsets(%arg9 : memref<128xi32, #tpu.memory_space<vmem>>) semaphore(%run_scoped3A : memref<!tpu.dma_semaphore, #tpu.memory_space<semaphore_mem>>) {add = true}
        %dma_wait3A_506 = arith.constant 0 : i32
        %dma_wait3A_507 = arith.constant 0 : i32
        %dma_wait3A_508 = tpu.memref_slice %arg12[%dma_wait3A_506, %dma_wait3A_507] : memref<10240x128xf32, #tpu.memory_space<vmem_shared>> -> memref<10240x128xf32, #tpu.memory_space<vmem_shared>>
        tpu.wait_indirect_dma semaphore(%run_scoped3A : memref<!tpu.dma_semaphore, #tpu.memory_space<semaphore_mem>>) src(%arg11 : memref<128x128xf32, #tpu.memory_space<vmem>>) dst(%dma_wait3A_508 : memref<10240x128xf32, #tpu.memory_space<vmem_shared>>)
        tpu.yield
      }) : () -> ()
      %scan3A_502 = arith.constant 0 : i32
      scf.yield %scan3A_502 : i32
    }
    %scan3A_176 = arith.constant 41 : i32
    %dma_wait3A = arith.constant 0 : i32
    %dma_wait3A_177 = arith.constant 0 : i32
    %dma_wait3A_178 = tpu.memref_slice %arg2[%dma_wait3A, %dma_wait3A_177] : memref<10240x128xf32, #tpu.memory_space<hbm>> -> memref<128x128xf32, #tpu.memory_space<hbm>>
    %dma_wait3A_179 = arith.constant 0 : i32
    %dma_wait3A_180 = arith.constant 0 : i32
    %dma_wait3A_181 = tpu.memref_slice %arg2[%dma_wait3A_179, %dma_wait3A_180] : memref<10240x128xf32, #tpu.memory_space<hbm>> -> memref<128x128xf32, #tpu.memory_space<hbm>>
    tpu.wait_dma2 semaphore(%arg13 : memref<!tpu.dma_semaphore, #tpu.memory_space<semaphore_mem>>) src(%dma_wait3A_181 : memref<128x128xf32, #tpu.memory_space<hbm>>) dst(%arg10 : memref<128x128xf32, #tpu.memory_space<vmem>>)
    %barrier3A_182 = arith.constant 0 : index
    tpu.barrier barrier_id(%barrier3A_182)
    %mul3A_183 = arith.constant 640 : i32
    %mul3A_184 = arith.muli %arg1, %mul3A_183 : i32
    %mul3A_185 = arith.constant 640 : i32
    %mul3A_186 = arith.muli %arg1, %mul3A_185 : i32
    "tpu.region"() ({
      %run_scoped3A = tpu.sem_alloc : memref<!tpu.dma_semaphore, #tpu.memory_space<semaphore_mem>>
      %dma_start3A_187 = arith.constant 0 : i32
      %dma_start3A_188 = tpu.memref_slice %arg4[%arg0, %mul3A_186, %dma_start3A_187] : memref<2x10240x128xf32, #tpu.memory_space<hbm>> -> memref<1x640x128xf32, #tpu.memory_space<hbm>>
      %dma_start3A_189 = tpu.memref_squeeze %dma_start3A_188 : memref<1x640x128xf32, #tpu.memory_space<hbm>> -> memref<640x128xf32, #tpu.memory_space<hbm>>
      %dma_start3A_190 = arith.constant 0 : i32
      %dma_start3A_191 = tpu.memref_slice %arg12[%mul3A_184, %dma_start3A_190] : memref<10240x128xf32, #tpu.memory_space<vmem_shared>> -> memref<640x128xf32, #tpu.memory_space<vmem_shared>>
      tpu.enqueue_dma source(%dma_start3A_191 : memref<640x128xf32, #tpu.memory_space<vmem_shared>>) target(%dma_start3A_189 : memref<640x128xf32, #tpu.memory_space<hbm>>) target_semaphore(%run_scoped3A : memref<!tpu.dma_semaphore, #tpu.memory_space<semaphore_mem>>)
      %dma_wait3A_192 = arith.constant 0 : i32
      %dma_wait3A_193 = tpu.memref_slice %arg4[%arg0, %mul3A_186, %dma_wait3A_192] : memref<2x10240x128xf32, #tpu.memory_space<hbm>> -> memref<1x640x128xf32, #tpu.memory_space<hbm>>
      %dma_wait3A_194 = tpu.memref_squeeze %dma_wait3A_193 : memref<1x640x128xf32, #tpu.memory_space<hbm>> -> memref<640x128xf32, #tpu.memory_space<hbm>>
      %dma_wait3A_195 = arith.constant 0 : i32
      %dma_wait3A_196 = tpu.memref_slice %arg12[%mul3A_184, %dma_wait3A_195] : memref<10240x128xf32, #tpu.memory_space<vmem_shared>> -> memref<640x128xf32, #tpu.memory_space<vmem_shared>>
      tpu.wait_dma2 semaphore(%run_scoped3A : memref<!tpu.dma_semaphore, #tpu.memory_space<semaphore_mem>>) src(%dma_wait3A_196 : memref<640x128xf32, #tpu.memory_space<vmem_shared>>) dst(%dma_wait3A_194 : memref<640x128xf32, #tpu.memory_space<hbm>>)
      tpu.yield
    }) : () -> ()
    return
  }
}

#map = affine_map<(d0, d1) -> (0, 0)>
#map1 = affine_map<(d0, d1) -> (0, 0, 0)>
module attributes {stable_mosaic.version = 14 : i64} {
  func.func @_prop_body(%arg0: i32, %arg1: i32, %arg2: memref<10240x128xf32, #tpu.memory_space<hbm>>, %arg3: memref<32x82x128xi32, #tpu.memory_space<hbm>>, %arg4: memref<2x10240x128xf32, #tpu.memory_space<hbm>>, %arg5: memref<82x128xi32, #tpu.memory_space<vmem>>, %arg6: memref<128xi32, #tpu.memory_space<vmem>>, %arg7: memref<128xi32, #tpu.memory_space<vmem>>, %arg8: memref<128xi32, #tpu.memory_space<vmem>>, %arg9: memref<128xi32, #tpu.memory_space<vmem>>, %arg10: memref<128x128xf32, #tpu.memory_space<vmem>>, %arg11: memref<128x128xf32, #tpu.memory_space<vmem>>, %arg12: memref<10240x128xf32, #tpu.memory_space<vmem_shared>>, %arg13: memref<!tpu.dma_semaphore, #tpu.memory_space<semaphore_mem>>, %arg14: memref<!tpu.dma_semaphore, #tpu.memory_space<semaphore_mem>>) attributes {dimension_semantics = [#tpu.dimension_semantics<core_parallel>, #tpu.dimension_semantics<subcore_parallel>], iteration_bounds = array<i64: 2, 16>, scalar_prefetch = 0 : i64, scratch_operands = 10 : i64, tpu.core_type = #tpu.core_type<sc_vector_subcore>, window_params = [{transform_indices = #map}, {transform_indices = #map1}, {transform_indices = #map1}]} {
    %mul3A = arith.constant 2 : i32
    %mul3A_0 = arith.muli %arg1, %mul3A : i32
    %add3A = arith.addi %mul3A_0, %arg0 : i32
    %broadcast_in_dim3A = arith.constant 0.000000e+00 : f32
    %broadcast_in_dim3A_1 = vector.broadcast %broadcast_in_dim3A : f32 to vector<16xf32>
    %scan3A = arith.constant 0 : i32
    %scan3A_2 = arith.constant 0 : i32
    %scan3A_3 = arith.constant 128 : i32
    %scan3A_4 = arith.addi %scan3A_2, %scan3A_3 : i32
    %scan3A_5 = arith.constant 1 : i32
    %scan3A_6 = scf.for %scan3A_187 = %scan3A_2 to %scan3A_4 step %scan3A_5 iter_args(%scan3A_188 = %scan3A) -> (i32)  : i32 {
      %swap3A_189 = arith.index_cast %scan3A_187 : i32 to index
      %swap3A_190 = arith.constant 0 : index
      %swap3A_191 = tpu.vector_load %arg10[%swap3A_189, %swap3A_190] {strides = array<i32>} : memref<128x128xf32, #tpu.memory_space<vmem>>, vector<1x16xf32>,
      %swap3A_192 = vector.shape_cast %swap3A_191 : vector<1x16xf32> to vector<16xf32>
      %swap3A_193 = vector.shape_cast %broadcast_in_dim3A_1 : vector<16xf32> to vector<1x16xf32>
      tpu.vector_store %arg10[%swap3A_189, %swap3A_190], %swap3A_193 {strides = array<i32>} : memref<128x128xf32, #tpu.memory_space<vmem>>, vector<1x16xf32>,
      %swap3A_194 = arith.index_cast %scan3A_187 : i32 to index
      %swap3A_195 = arith.constant 16 : index
      %swap3A_196 = tpu.vector_load %arg10[%swap3A_194, %swap3A_195] {strides = array<i32>} : memref<128x128xf32, #tpu.memory_space<vmem>>, vector<1x16xf32>,
      %swap3A_197 = vector.shape_cast %swap3A_196 : vector<1x16xf32> to vector<16xf32>
      %swap3A_198 = vector.shape_cast %broadcast_in_dim3A_1 : vector<16xf32> to vector<1x16xf32>
      tpu.vector_store %arg10[%swap3A_194, %swap3A_195], %swap3A_198 {strides = array<i32>} : memref<128x128xf32, #tpu.memory_space<vmem>>, vector<1x16xf32>,
      %swap3A_199 = arith.index_cast %scan3A_187 : i32 to index
      %swap3A_200 = arith.constant 32 : index
      %swap3A_201 = tpu.vector_load %arg10[%swap3A_199, %swap3A_200] {strides = array<i32>} : memref<128x128xf32, #tpu.memory_space<vmem>>, vector<1x16xf32>,
      %swap3A_202 = vector.shape_cast %swap3A_201 : vector<1x16xf32> to vector<16xf32>
      %swap3A_203 = vector.shape_cast %broadcast_in_dim3A_1 : vector<16xf32> to vector<1x16xf32>
      tpu.vector_store %arg10[%swap3A_199, %swap3A_200], %swap3A_203 {strides = array<i32>} : memref<128x128xf32, #tpu.memory_space<vmem>>, vector<1x16xf32>,
      %swap3A_204 = arith.index_cast %scan3A_187 : i32 to index
      %swap3A_205 = arith.constant 48 : index
      %swap3A_206 = tpu.vector_load %arg10[%swap3A_204, %swap3A_205] {strides = array<i32>} : memref<128x128xf32, #tpu.memory_space<vmem>>, vector<1x16xf32>,
      %swap3A_207 = vector.shape_cast %swap3A_206 : vector<1x16xf32> to vector<16xf32>
      %swap3A_208 = vector.shape_cast %broadcast_in_dim3A_1 : vector<16xf32> to vector<1x16xf32>
      tpu.vector_store %arg10[%swap3A_204, %swap3A_205], %swap3A_208 {strides = array<i32>} : memref<128x128xf32, #tpu.memory_space<vmem>>, vector<1x16xf32>,
      %swap3A_209 = arith.index_cast %scan3A_187 : i32 to index
      %swap3A_210 = arith.constant 64 : index
      %swap3A_211 = tpu.vector_load %arg10[%swap3A_209, %swap3A_210] {strides = array<i32>} : memref<128x128xf32, #tpu.memory_space<vmem>>, vector<1x16xf32>,
      %swap3A_212 = vector.shape_cast %swap3A_211 : vector<1x16xf32> to vector<16xf32>
      %swap3A_213 = vector.shape_cast %broadcast_in_dim3A_1 : vector<16xf32> to vector<1x16xf32>
      tpu.vector_store %arg10[%swap3A_209, %swap3A_210], %swap3A_213 {strides = array<i32>} : memref<128x128xf32, #tpu.memory_space<vmem>>, vector<1x16xf32>,
      %swap3A_214 = arith.index_cast %scan3A_187 : i32 to index
      %swap3A_215 = arith.constant 80 : index
      %swap3A_216 = tpu.vector_load %arg10[%swap3A_214, %swap3A_215] {strides = array<i32>} : memref<128x128xf32, #tpu.memory_space<vmem>>, vector<1x16xf32>,
      %swap3A_217 = vector.shape_cast %swap3A_216 : vector<1x16xf32> to vector<16xf32>
      %swap3A_218 = vector.shape_cast %broadcast_in_dim3A_1 : vector<16xf32> to vector<1x16xf32>
      tpu.vector_store %arg10[%swap3A_214, %swap3A_215], %swap3A_218 {strides = array<i32>} : memref<128x128xf32, #tpu.memory_space<vmem>>, vector<1x16xf32>,
      %swap3A_219 = arith.index_cast %scan3A_187 : i32 to index
      %swap3A_220 = arith.constant 96 : index
      %swap3A_221 = tpu.vector_load %arg10[%swap3A_219, %swap3A_220] {strides = array<i32>} : memref<128x128xf32, #tpu.memory_space<vmem>>, vector<1x16xf32>,
      %swap3A_222 = vector.shape_cast %swap3A_221 : vector<1x16xf32> to vector<16xf32>
      %swap3A_223 = vector.shape_cast %broadcast_in_dim3A_1 : vector<16xf32> to vector<1x16xf32>
      tpu.vector_store %arg10[%swap3A_219, %swap3A_220], %swap3A_223 {strides = array<i32>} : memref<128x128xf32, #tpu.memory_space<vmem>>, vector<1x16xf32>,
      %swap3A_224 = arith.index_cast %scan3A_187 : i32 to index
      %swap3A_225 = arith.constant 112 : index
      %swap3A_226 = tpu.vector_load %arg10[%swap3A_224, %swap3A_225] {strides = array<i32>} : memref<128x128xf32, #tpu.memory_space<vmem>>, vector<1x16xf32>,
      %swap3A_227 = vector.shape_cast %swap3A_226 : vector<1x16xf32> to vector<16xf32>
      %swap3A_228 = vector.shape_cast %broadcast_in_dim3A_1 : vector<16xf32> to vector<1x16xf32>
      tpu.vector_store %arg10[%swap3A_224, %swap3A_225], %swap3A_228 {strides = array<i32>} : memref<128x128xf32, #tpu.memory_space<vmem>>, vector<1x16xf32>,
      %scan3A_229 = arith.constant 0 : i32
      scf.yield %scan3A_229 : i32
    }
    %scan3A_7 = arith.constant 128 : i32
    %mul3A_8 = arith.constant 640 : i32
    %mul3A_9 = arith.muli %arg1, %mul3A_8 : i32
    %add3A_10 = arith.constant 0 : i32
    %add3A_11 = arith.addi %mul3A_9, %add3A_10 : i32
    "tpu.region"() ({
      %run_scoped3A = tpu.sem_alloc : memref<!tpu.dma_semaphore, #tpu.memory_space<semaphore_mem>>
      %dma_start3A_187 = arith.constant 0 : i32
      %dma_start3A_188 = tpu.memref_slice %arg12[%add3A_11, %dma_start3A_187] : memref<10240x128xf32, #tpu.memory_space<vmem_shared>> -> memref<128x128xf32, #tpu.memory_space<vmem_shared>>
      %dma_start3A_189 = arith.constant 0 : i32
      %dma_start3A_190 = tpu.memref_slice %arg12[%add3A_11, %dma_start3A_189] : memref<10240x128xf32, #tpu.memory_space<vmem_shared>> -> memref<128x128xf32, #tpu.memory_space<vmem_shared>>
      tpu.enqueue_dma source(%arg10 : memref<128x128xf32, #tpu.memory_space<vmem>>) target(%dma_start3A_190 : memref<128x128xf32, #tpu.memory_space<vmem_shared>>) target_semaphore(%run_scoped3A : memref<!tpu.dma_semaphore, #tpu.memory_space<semaphore_mem>>)
      %dma_wait3A_191 = arith.constant 0 : i32
      %dma_wait3A_192 = tpu.memref_slice %arg12[%add3A_11, %dma_wait3A_191] : memref<10240x128xf32, #tpu.memory_space<vmem_shared>> -> memref<128x128xf32, #tpu.memory_space<vmem_shared>>
      %dma_wait3A_193 = arith.constant 0 : i32
      %dma_wait3A_194 = tpu.memref_slice %arg12[%add3A_11, %dma_wait3A_193] : memref<10240x128xf32, #tpu.memory_space<vmem_shared>> -> memref<128x128xf32, #tpu.memory_space<vmem_shared>>
      tpu.wait_dma2 semaphore(%run_scoped3A : memref<!tpu.dma_semaphore, #tpu.memory_space<semaphore_mem>>) src(%arg10 : memref<128x128xf32, #tpu.memory_space<vmem>>) dst(%dma_wait3A_194 : memref<128x128xf32, #tpu.memory_space<vmem_shared>>)
      tpu.yield
    }) : () -> ()
    %add3A_12 = arith.constant 128 : i32
    %add3A_13 = arith.addi %mul3A_9, %add3A_12 : i32
    "tpu.region"() ({
      %run_scoped3A = tpu.sem_alloc : memref<!tpu.dma_semaphore, #tpu.memory_space<semaphore_mem>>
      %dma_start3A_187 = arith.constant 0 : i32
      %dma_start3A_188 = tpu.memref_slice %arg12[%add3A_13, %dma_start3A_187] : memref<10240x128xf32, #tpu.memory_space<vmem_shared>> -> memref<128x128xf32, #tpu.memory_space<vmem_shared>>
      %dma_start3A_189 = arith.constant 0 : i32
      %dma_start3A_190 = tpu.memref_slice %arg12[%add3A_13, %dma_start3A_189] : memref<10240x128xf32, #tpu.memory_space<vmem_shared>> -> memref<128x128xf32, #tpu.memory_space<vmem_shared>>
      tpu.enqueue_dma source(%arg10 : memref<128x128xf32, #tpu.memory_space<vmem>>) target(%dma_start3A_190 : memref<128x128xf32, #tpu.memory_space<vmem_shared>>) target_semaphore(%run_scoped3A : memref<!tpu.dma_semaphore, #tpu.memory_space<semaphore_mem>>)
      %dma_wait3A_191 = arith.constant 0 : i32
      %dma_wait3A_192 = tpu.memref_slice %arg12[%add3A_13, %dma_wait3A_191] : memref<10240x128xf32, #tpu.memory_space<vmem_shared>> -> memref<128x128xf32, #tpu.memory_space<vmem_shared>>
      %dma_wait3A_193 = arith.constant 0 : i32
      %dma_wait3A_194 = tpu.memref_slice %arg12[%add3A_13, %dma_wait3A_193] : memref<10240x128xf32, #tpu.memory_space<vmem_shared>> -> memref<128x128xf32, #tpu.memory_space<vmem_shared>>
      tpu.wait_dma2 semaphore(%run_scoped3A : memref<!tpu.dma_semaphore, #tpu.memory_space<semaphore_mem>>) src(%arg10 : memref<128x128xf32, #tpu.memory_space<vmem>>) dst(%dma_wait3A_194 : memref<128x128xf32, #tpu.memory_space<vmem_shared>>)
      tpu.yield
    }) : () -> ()
    %add3A_14 = arith.constant 256 : i32
    %add3A_15 = arith.addi %mul3A_9, %add3A_14 : i32
    "tpu.region"() ({
      %run_scoped3A = tpu.sem_alloc : memref<!tpu.dma_semaphore, #tpu.memory_space<semaphore_mem>>
      %dma_start3A_187 = arith.constant 0 : i32
      %dma_start3A_188 = tpu.memref_slice %arg12[%add3A_15, %dma_start3A_187] : memref<10240x128xf32, #tpu.memory_space<vmem_shared>> -> memref<128x128xf32, #tpu.memory_space<vmem_shared>>
      %dma_start3A_189 = arith.constant 0 : i32
      %dma_start3A_190 = tpu.memref_slice %arg12[%add3A_15, %dma_start3A_189] : memref<10240x128xf32, #tpu.memory_space<vmem_shared>> -> memref<128x128xf32, #tpu.memory_space<vmem_shared>>
      tpu.enqueue_dma source(%arg10 : memref<128x128xf32, #tpu.memory_space<vmem>>) target(%dma_start3A_190 : memref<128x128xf32, #tpu.memory_space<vmem_shared>>) target_semaphore(%run_scoped3A : memref<!tpu.dma_semaphore, #tpu.memory_space<semaphore_mem>>)
      %dma_wait3A_191 = arith.constant 0 : i32
      %dma_wait3A_192 = tpu.memref_slice %arg12[%add3A_15, %dma_wait3A_191] : memref<10240x128xf32, #tpu.memory_space<vmem_shared>> -> memref<128x128xf32, #tpu.memory_space<vmem_shared>>
      %dma_wait3A_193 = arith.constant 0 : i32
      %dma_wait3A_194 = tpu.memref_slice %arg12[%add3A_15, %dma_wait3A_193] : memref<10240x128xf32, #tpu.memory_space<vmem_shared>> -> memref<128x128xf32, #tpu.memory_space<vmem_shared>>
      tpu.wait_dma2 semaphore(%run_scoped3A : memref<!tpu.dma_semaphore, #tpu.memory_space<semaphore_mem>>) src(%arg10 : memref<128x128xf32, #tpu.memory_space<vmem>>) dst(%dma_wait3A_194 : memref<128x128xf32, #tpu.memory_space<vmem_shared>>)
      tpu.yield
    }) : () -> ()
    %add3A_16 = arith.constant 384 : i32
    %add3A_17 = arith.addi %mul3A_9, %add3A_16 : i32
    "tpu.region"() ({
      %run_scoped3A = tpu.sem_alloc : memref<!tpu.dma_semaphore, #tpu.memory_space<semaphore_mem>>
      %dma_start3A_187 = arith.constant 0 : i32
      %dma_start3A_188 = tpu.memref_slice %arg12[%add3A_17, %dma_start3A_187] : memref<10240x128xf32, #tpu.memory_space<vmem_shared>> -> memref<128x128xf32, #tpu.memory_space<vmem_shared>>
      %dma_start3A_189 = arith.constant 0 : i32
      %dma_start3A_190 = tpu.memref_slice %arg12[%add3A_17, %dma_start3A_189] : memref<10240x128xf32, #tpu.memory_space<vmem_shared>> -> memref<128x128xf32, #tpu.memory_space<vmem_shared>>
      tpu.enqueue_dma source(%arg10 : memref<128x128xf32, #tpu.memory_space<vmem>>) target(%dma_start3A_190 : memref<128x128xf32, #tpu.memory_space<vmem_shared>>) target_semaphore(%run_scoped3A : memref<!tpu.dma_semaphore, #tpu.memory_space<semaphore_mem>>)
      %dma_wait3A_191 = arith.constant 0 : i32
      %dma_wait3A_192 = tpu.memref_slice %arg12[%add3A_17, %dma_wait3A_191] : memref<10240x128xf32, #tpu.memory_space<vmem_shared>> -> memref<128x128xf32, #tpu.memory_space<vmem_shared>>
      %dma_wait3A_193 = arith.constant 0 : i32
      %dma_wait3A_194 = tpu.memref_slice %arg12[%add3A_17, %dma_wait3A_193] : memref<10240x128xf32, #tpu.memory_space<vmem_shared>> -> memref<128x128xf32, #tpu.memory_space<vmem_shared>>
      tpu.wait_dma2 semaphore(%run_scoped3A : memref<!tpu.dma_semaphore, #tpu.memory_space<semaphore_mem>>) src(%arg10 : memref<128x128xf32, #tpu.memory_space<vmem>>) dst(%dma_wait3A_194 : memref<128x128xf32, #tpu.memory_space<vmem_shared>>)
      tpu.yield
    }) : () -> ()
    %add3A_18 = arith.constant 512 : i32
    %add3A_19 = arith.addi %mul3A_9, %add3A_18 : i32
    "tpu.region"() ({
      %run_scoped3A = tpu.sem_alloc : memref<!tpu.dma_semaphore, #tpu.memory_space<semaphore_mem>>
      %dma_start3A_187 = arith.constant 0 : i32
      %dma_start3A_188 = tpu.memref_slice %arg12[%add3A_19, %dma_start3A_187] : memref<10240x128xf32, #tpu.memory_space<vmem_shared>> -> memref<128x128xf32, #tpu.memory_space<vmem_shared>>
      %dma_start3A_189 = arith.constant 0 : i32
      %dma_start3A_190 = tpu.memref_slice %arg12[%add3A_19, %dma_start3A_189] : memref<10240x128xf32, #tpu.memory_space<vmem_shared>> -> memref<128x128xf32, #tpu.memory_space<vmem_shared>>
      tpu.enqueue_dma source(%arg10 : memref<128x128xf32, #tpu.memory_space<vmem>>) target(%dma_start3A_190 : memref<128x128xf32, #tpu.memory_space<vmem_shared>>) target_semaphore(%run_scoped3A : memref<!tpu.dma_semaphore, #tpu.memory_space<semaphore_mem>>)
      %dma_wait3A_191 = arith.constant 0 : i32
      %dma_wait3A_192 = tpu.memref_slice %arg12[%add3A_19, %dma_wait3A_191] : memref<10240x128xf32, #tpu.memory_space<vmem_shared>> -> memref<128x128xf32, #tpu.memory_space<vmem_shared>>
      %dma_wait3A_193 = arith.constant 0 : i32
      %dma_wait3A_194 = tpu.memref_slice %arg12[%add3A_19, %dma_wait3A_193] : memref<10240x128xf32, #tpu.memory_space<vmem_shared>> -> memref<128x128xf32, #tpu.memory_space<vmem_shared>>
      tpu.wait_dma2 semaphore(%run_scoped3A : memref<!tpu.dma_semaphore, #tpu.memory_space<semaphore_mem>>) src(%arg10 : memref<128x128xf32, #tpu.memory_space<vmem>>) dst(%dma_wait3A_194 : memref<128x128xf32, #tpu.memory_space<vmem_shared>>)
      tpu.yield
    }) : () -> ()
    %barrier3A = arith.constant 0 : index
    tpu.barrier barrier_id(%barrier3A)
    "tpu.region"() ({
      %run_scoped3A = tpu.sem_alloc : memref<!tpu.dma_semaphore, #tpu.memory_space<semaphore_mem>>
      %dma_start3A_187 = arith.constant 0 : i32
      %dma_start3A_188 = arith.constant 0 : i32
      %dma_start3A_189 = tpu.memref_slice %arg3[%add3A, %dma_start3A_187, %dma_start3A_188] : memref<32x82x128xi32, #tpu.memory_space<hbm>> -> memref<1x82x128xi32, #tpu.memory_space<hbm>>
      %dma_start3A_190 = tpu.memref_squeeze %dma_start3A_189 : memref<1x82x128xi32, #tpu.memory_space<hbm>> -> memref<82x128xi32, #tpu.memory_space<hbm>>
      %dma_start3A_191 = arith.constant 0 : i32
      %dma_start3A_192 = arith.constant 0 : i32
      %dma_start3A_193 = tpu.memref_slice %arg3[%add3A, %dma_start3A_191, %dma_start3A_192] : memref<32x82x128xi32, #tpu.memory_space<hbm>> -> memref<1x82x128xi32, #tpu.memory_space<hbm>>
      %dma_start3A_194 = tpu.memref_squeeze %dma_start3A_193 : memref<1x82x128xi32, #tpu.memory_space<hbm>> -> memref<82x128xi32, #tpu.memory_space<hbm>>
      tpu.enqueue_dma source(%dma_start3A_194 : memref<82x128xi32, #tpu.memory_space<hbm>>) target(%arg5 : memref<82x128xi32, #tpu.memory_space<vmem>>) target_semaphore(%run_scoped3A : memref<!tpu.dma_semaphore, #tpu.memory_space<semaphore_mem>>)
      %dma_wait3A_195 = arith.constant 0 : i32
      %dma_wait3A_196 = arith.constant 0 : i32
      %dma_wait3A_197 = tpu.memref_slice %arg3[%add3A, %dma_wait3A_195, %dma_wait3A_196] : memref<32x82x128xi32, #tpu.memory_space<hbm>> -> memref<1x82x128xi32, #tpu.memory_space<hbm>>
      %dma_wait3A_198 = tpu.memref_squeeze %dma_wait3A_197 : memref<1x82x128xi32, #tpu.memory_space<hbm>> -> memref<82x128xi32, #tpu.memory_space<hbm>>
      %dma_wait3A_199 = arith.constant 0 : i32
      %dma_wait3A_200 = arith.constant 0 : i32
      %dma_wait3A_201 = tpu.memref_slice %arg3[%add3A, %dma_wait3A_199, %dma_wait3A_200] : memref<32x82x128xi32, #tpu.memory_space<hbm>> -> memref<1x82x128xi32, #tpu.memory_space<hbm>>
      %dma_wait3A_202 = tpu.memref_squeeze %dma_wait3A_201 : memref<1x82x128xi32, #tpu.memory_space<hbm>> -> memref<82x128xi32, #tpu.memory_space<hbm>>
      tpu.wait_dma2 semaphore(%run_scoped3A : memref<!tpu.dma_semaphore, #tpu.memory_space<semaphore_mem>>) src(%dma_wait3A_202 : memref<82x128xi32, #tpu.memory_space<hbm>>) dst(%arg5 : memref<82x128xi32, #tpu.memory_space<vmem>>)
      tpu.yield
    }) : () -> ()
    %get3A = arith.constant 0 : i32
    %get3A_20 = arith.index_cast %get3A : i32 to index
    %get3A_21 = arith.constant 0 : index
    %get3A_22 = tpu.vector_load %arg5[%get3A_20, %get3A_21] {strides = array<i32>} : memref<82x128xi32, #tpu.memory_space<vmem>>, vector<1x16xi32>,
    %get3A_23 = vector.shape_cast %get3A_22 : vector<1x16xi32> to vector<16xi32>
    %and3A = arith.constant 65535 : i32
    %and3A_24 = vector.broadcast %and3A : i32 to vector<16xi32>
    %and3A_25 = arith.andi %get3A_23, %and3A_24 : vector<16xi32>
    %swap3A = arith.constant 0 : index
    %swap3A_26 = tpu.vector_load %arg6[%swap3A] {strides = array<i32>} : memref<128xi32, #tpu.memory_space<vmem>>, vector<16xi32>,
    %swap3A_27 = vector.shape_cast %swap3A_26 : vector<16xi32> to vector<16xi32>
    %swap3A_28 = vector.shape_cast %and3A_25 : vector<16xi32> to vector<16xi32>
    tpu.vector_store %arg6[%swap3A], %swap3A_28 {strides = array<i32>} : memref<128xi32, #tpu.memory_space<vmem>>, vector<16xi32>,
    %shift_right_arithmetic3A = arith.constant 16 : i32
    %shift_right_arithmetic3A_29 = vector.broadcast %shift_right_arithmetic3A : i32 to vector<16xi32>
    %shift_right_arithmetic3A_30 = arith.shrsi %get3A_23, %shift_right_arithmetic3A_29 : vector<16xi32>
    %swap3A_31 = arith.constant 0 : index
    %swap3A_32 = tpu.vector_load %arg7[%swap3A_31] {strides = array<i32>} : memref<128xi32, #tpu.memory_space<vmem>>, vector<16xi32>,
    %swap3A_33 = vector.shape_cast %swap3A_32 : vector<16xi32> to vector<16xi32>
    %swap3A_34 = vector.shape_cast %shift_right_arithmetic3A_30 : vector<16xi32> to vector<16xi32>
    tpu.vector_store %arg7[%swap3A_31], %swap3A_34 {strides = array<i32>} : memref<128xi32, #tpu.memory_space<vmem>>, vector<16xi32>,
    %get3A_35 = arith.constant 0 : i32
    %get3A_36 = arith.index_cast %get3A_35 : i32 to index
    %get3A_37 = arith.constant 16 : index
    %get3A_38 = tpu.vector_load %arg5[%get3A_36, %get3A_37] {strides = array<i32>} : memref<82x128xi32, #tpu.memory_space<vmem>>, vector<1x16xi32>,
    %get3A_39 = vector.shape_cast %get3A_38 : vector<1x16xi32> to vector<16xi32>
    %and3A_40 = arith.constant 65535 : i32
    %and3A_41 = vector.broadcast %and3A_40 : i32 to vector<16xi32>
    %and3A_42 = arith.andi %get3A_39, %and3A_41 : vector<16xi32>
    %swap3A_43 = arith.constant 16 : index
    %swap3A_44 = tpu.vector_load %arg6[%swap3A_43] {strides = array<i32>} : memref<128xi32, #tpu.memory_space<vmem>>, vector<16xi32>,
    %swap3A_45 = vector.shape_cast %swap3A_44 : vector<16xi32> to vector<16xi32>
    %swap3A_46 = vector.shape_cast %and3A_42 : vector<16xi32> to vector<16xi32>
    tpu.vector_store %arg6[%swap3A_43], %swap3A_46 {strides = array<i32>} : memref<128xi32, #tpu.memory_space<vmem>>, vector<16xi32>,
    %shift_right_arithmetic3A_47 = arith.constant 16 : i32
    %shift_right_arithmetic3A_48 = vector.broadcast %shift_right_arithmetic3A_47 : i32 to vector<16xi32>
    %shift_right_arithmetic3A_49 = arith.shrsi %get3A_39, %shift_right_arithmetic3A_48 : vector<16xi32>
    %swap3A_50 = arith.constant 16 : index
    %swap3A_51 = tpu.vector_load %arg7[%swap3A_50] {strides = array<i32>} : memref<128xi32, #tpu.memory_space<vmem>>, vector<16xi32>,
    %swap3A_52 = vector.shape_cast %swap3A_51 : vector<16xi32> to vector<16xi32>
    %swap3A_53 = vector.shape_cast %shift_right_arithmetic3A_49 : vector<16xi32> to vector<16xi32>
    tpu.vector_store %arg7[%swap3A_50], %swap3A_53 {strides = array<i32>} : memref<128xi32, #tpu.memory_space<vmem>>, vector<16xi32>,
    %get3A_54 = arith.constant 0 : i32
    %get3A_55 = arith.index_cast %get3A_54 : i32 to index
    %get3A_56 = arith.constant 32 : index
    %get3A_57 = tpu.vector_load %arg5[%get3A_55, %get3A_56] {strides = array<i32>} : memref<82x128xi32, #tpu.memory_space<vmem>>, vector<1x16xi32>,
    %get3A_58 = vector.shape_cast %get3A_57 : vector<1x16xi32> to vector<16xi32>
    %and3A_59 = arith.constant 65535 : i32
    %and3A_60 = vector.broadcast %and3A_59 : i32 to vector<16xi32>
    %and3A_61 = arith.andi %get3A_58, %and3A_60 : vector<16xi32>
    %swap3A_62 = arith.constant 32 : index
    %swap3A_63 = tpu.vector_load %arg6[%swap3A_62] {strides = array<i32>} : memref<128xi32, #tpu.memory_space<vmem>>, vector<16xi32>,
    %swap3A_64 = vector.shape_cast %swap3A_63 : vector<16xi32> to vector<16xi32>
    %swap3A_65 = vector.shape_cast %and3A_61 : vector<16xi32> to vector<16xi32>
    tpu.vector_store %arg6[%swap3A_62], %swap3A_65 {strides = array<i32>} : memref<128xi32, #tpu.memory_space<vmem>>, vector<16xi32>,
    %shift_right_arithmetic3A_66 = arith.constant 16 : i32
    %shift_right_arithmetic3A_67 = vector.broadcast %shift_right_arithmetic3A_66 : i32 to vector<16xi32>
    %shift_right_arithmetic3A_68 = arith.shrsi %get3A_58, %shift_right_arithmetic3A_67 : vector<16xi32>
    %swap3A_69 = arith.constant 32 : index
    %swap3A_70 = tpu.vector_load %arg7[%swap3A_69] {strides = array<i32>} : memref<128xi32, #tpu.memory_space<vmem>>, vector<16xi32>,
    %swap3A_71 = vector.shape_cast %swap3A_70 : vector<16xi32> to vector<16xi32>
    %swap3A_72 = vector.shape_cast %shift_right_arithmetic3A_68 : vector<16xi32> to vector<16xi32>
    tpu.vector_store %arg7[%swap3A_69], %swap3A_72 {strides = array<i32>} : memref<128xi32, #tpu.memory_space<vmem>>, vector<16xi32>,
    %get3A_73 = arith.constant 0 : i32
    %get3A_74 = arith.index_cast %get3A_73 : i32 to index
    %get3A_75 = arith.constant 48 : index
    %get3A_76 = tpu.vector_load %arg5[%get3A_74, %get3A_75] {strides = array<i32>} : memref<82x128xi32, #tpu.memory_space<vmem>>, vector<1x16xi32>,
    %get3A_77 = vector.shape_cast %get3A_76 : vector<1x16xi32> to vector<16xi32>
    %and3A_78 = arith.constant 65535 : i32
    %and3A_79 = vector.broadcast %and3A_78 : i32 to vector<16xi32>
    %and3A_80 = arith.andi %get3A_77, %and3A_79 : vector<16xi32>
    %swap3A_81 = arith.constant 48 : index
    %swap3A_82 = tpu.vector_load %arg6[%swap3A_81] {strides = array<i32>} : memref<128xi32, #tpu.memory_space<vmem>>, vector<16xi32>,
    %swap3A_83 = vector.shape_cast %swap3A_82 : vector<16xi32> to vector<16xi32>
    %swap3A_84 = vector.shape_cast %and3A_80 : vector<16xi32> to vector<16xi32>
    tpu.vector_store %arg6[%swap3A_81], %swap3A_84 {strides = array<i32>} : memref<128xi32, #tpu.memory_space<vmem>>, vector<16xi32>,
    %shift_right_arithmetic3A_85 = arith.constant 16 : i32
    %shift_right_arithmetic3A_86 = vector.broadcast %shift_right_arithmetic3A_85 : i32 to vector<16xi32>
    %shift_right_arithmetic3A_87 = arith.shrsi %get3A_77, %shift_right_arithmetic3A_86 : vector<16xi32>
    %swap3A_88 = arith.constant 48 : index
    %swap3A_89 = tpu.vector_load %arg7[%swap3A_88] {strides = array<i32>} : memref<128xi32, #tpu.memory_space<vmem>>, vector<16xi32>,
    %swap3A_90 = vector.shape_cast %swap3A_89 : vector<16xi32> to vector<16xi32>
    %swap3A_91 = vector.shape_cast %shift_right_arithmetic3A_87 : vector<16xi32> to vector<16xi32>
    tpu.vector_store %arg7[%swap3A_88], %swap3A_91 {strides = array<i32>} : memref<128xi32, #tpu.memory_space<vmem>>, vector<16xi32>,
    %get3A_92 = arith.constant 0 : i32
    %get3A_93 = arith.index_cast %get3A_92 : i32 to index
    %get3A_94 = arith.constant 64 : index
    %get3A_95 = tpu.vector_load %arg5[%get3A_93, %get3A_94] {strides = array<i32>} : memref<82x128xi32, #tpu.memory_space<vmem>>, vector<1x16xi32>,
    %get3A_96 = vector.shape_cast %get3A_95 : vector<1x16xi32> to vector<16xi32>
    %and3A_97 = arith.constant 65535 : i32
    %and3A_98 = vector.broadcast %and3A_97 : i32 to vector<16xi32>
    %and3A_99 = arith.andi %get3A_96, %and3A_98 : vector<16xi32>
    %swap3A_100 = arith.constant 64 : index
    %swap3A_101 = tpu.vector_load %arg6[%swap3A_100] {strides = array<i32>} : memref<128xi32, #tpu.memory_space<vmem>>, vector<16xi32>,
    %swap3A_102 = vector.shape_cast %swap3A_101 : vector<16xi32> to vector<16xi32>
    %swap3A_103 = vector.shape_cast %and3A_99 : vector<16xi32> to vector<16xi32>
    tpu.vector_store %arg6[%swap3A_100], %swap3A_103 {strides = array<i32>} : memref<128xi32, #tpu.memory_space<vmem>>, vector<16xi32>,
    %shift_right_arithmetic3A_104 = arith.constant 16 : i32
    %shift_right_arithmetic3A_105 = vector.broadcast %shift_right_arithmetic3A_104 : i32 to vector<16xi32>
    %shift_right_arithmetic3A_106 = arith.shrsi %get3A_96, %shift_right_arithmetic3A_105 : vector<16xi32>
    %swap3A_107 = arith.constant 64 : index
    %swap3A_108 = tpu.vector_load %arg7[%swap3A_107] {strides = array<i32>} : memref<128xi32, #tpu.memory_space<vmem>>, vector<16xi32>,
    %swap3A_109 = vector.shape_cast %swap3A_108 : vector<16xi32> to vector<16xi32>
    %swap3A_110 = vector.shape_cast %shift_right_arithmetic3A_106 : vector<16xi32> to vector<16xi32>
    tpu.vector_store %arg7[%swap3A_107], %swap3A_110 {strides = array<i32>} : memref<128xi32, #tpu.memory_space<vmem>>, vector<16xi32>,
    %get3A_111 = arith.constant 0 : i32
    %get3A_112 = arith.index_cast %get3A_111 : i32 to index
    %get3A_113 = arith.constant 80 : index
    %get3A_114 = tpu.vector_load %arg5[%get3A_112, %get3A_113] {strides = array<i32>} : memref<82x128xi32, #tpu.memory_space<vmem>>, vector<1x16xi32>,
    %get3A_115 = vector.shape_cast %get3A_114 : vector<1x16xi32> to vector<16xi32>
    %and3A_116 = arith.constant 65535 : i32
    %and3A_117 = vector.broadcast %and3A_116 : i32 to vector<16xi32>
    %and3A_118 = arith.andi %get3A_115, %and3A_117 : vector<16xi32>
    %swap3A_119 = arith.constant 80 : index
    %swap3A_120 = tpu.vector_load %arg6[%swap3A_119] {strides = array<i32>} : memref<128xi32, #tpu.memory_space<vmem>>, vector<16xi32>,
    %swap3A_121 = vector.shape_cast %swap3A_120 : vector<16xi32> to vector<16xi32>
    %swap3A_122 = vector.shape_cast %and3A_118 : vector<16xi32> to vector<16xi32>
    tpu.vector_store %arg6[%swap3A_119], %swap3A_122 {strides = array<i32>} : memref<128xi32, #tpu.memory_space<vmem>>, vector<16xi32>,
    %shift_right_arithmetic3A_123 = arith.constant 16 : i32
    %shift_right_arithmetic3A_124 = vector.broadcast %shift_right_arithmetic3A_123 : i32 to vector<16xi32>
    %shift_right_arithmetic3A_125 = arith.shrsi %get3A_115, %shift_right_arithmetic3A_124 : vector<16xi32>
    %swap3A_126 = arith.constant 80 : index
    %swap3A_127 = tpu.vector_load %arg7[%swap3A_126] {strides = array<i32>} : memref<128xi32, #tpu.memory_space<vmem>>, vector<16xi32>,
    %swap3A_128 = vector.shape_cast %swap3A_127 : vector<16xi32> to vector<16xi32>
    %swap3A_129 = vector.shape_cast %shift_right_arithmetic3A_125 : vector<16xi32> to vector<16xi32>
    tpu.vector_store %arg7[%swap3A_126], %swap3A_129 {strides = array<i32>} : memref<128xi32, #tpu.memory_space<vmem>>, vector<16xi32>,
    %get3A_130 = arith.constant 0 : i32
    %get3A_131 = arith.index_cast %get3A_130 : i32 to index
    %get3A_132 = arith.constant 96 : index
    %get3A_133 = tpu.vector_load %arg5[%get3A_131, %get3A_132] {strides = array<i32>} : memref<82x128xi32, #tpu.memory_space<vmem>>, vector<1x16xi32>,
    %get3A_134 = vector.shape_cast %get3A_133 : vector<1x16xi32> to vector<16xi32>
    %and3A_135 = arith.constant 65535 : i32
    %and3A_136 = vector.broadcast %and3A_135 : i32 to vector<16xi32>
    %and3A_137 = arith.andi %get3A_134, %and3A_136 : vector<16xi32>
    %swap3A_138 = arith.constant 96 : index
    %swap3A_139 = tpu.vector_load %arg6[%swap3A_138] {strides = array<i32>} : memref<128xi32, #tpu.memory_space<vmem>>, vector<16xi32>,
    %swap3A_140 = vector.shape_cast %swap3A_139 : vector<16xi32> to vector<16xi32>
    %swap3A_141 = vector.shape_cast %and3A_137 : vector<16xi32> to vector<16xi32>
    tpu.vector_store %arg6[%swap3A_138], %swap3A_141 {strides = array<i32>} : memref<128xi32, #tpu.memory_space<vmem>>, vector<16xi32>,
    %shift_right_arithmetic3A_142 = arith.constant 16 : i32
    %shift_right_arithmetic3A_143 = vector.broadcast %shift_right_arithmetic3A_142 : i32 to vector<16xi32>
    %shift_right_arithmetic3A_144 = arith.shrsi %get3A_134, %shift_right_arithmetic3A_143 : vector<16xi32>
    %swap3A_145 = arith.constant 96 : index
    %swap3A_146 = tpu.vector_load %arg7[%swap3A_145] {strides = array<i32>} : memref<128xi32, #tpu.memory_space<vmem>>, vector<16xi32>,
    %swap3A_147 = vector.shape_cast %swap3A_146 : vector<16xi32> to vector<16xi32>
    %swap3A_148 = vector.shape_cast %shift_right_arithmetic3A_144 : vector<16xi32> to vector<16xi32>
    tpu.vector_store %arg7[%swap3A_145], %swap3A_148 {strides = array<i32>} : memref<128xi32, #tpu.memory_space<vmem>>, vector<16xi32>,
    %get3A_149 = arith.constant 0 : i32
    %get3A_150 = arith.index_cast %get3A_149 : i32 to index
    %get3A_151 = arith.constant 112 : index
    %get3A_152 = tpu.vector_load %arg5[%get3A_150, %get3A_151] {strides = array<i32>} : memref<82x128xi32, #tpu.memory_space<vmem>>, vector<1x16xi32>,
    %get3A_153 = vector.shape_cast %get3A_152 : vector<1x16xi32> to vector<16xi32>
    %and3A_154 = arith.constant 65535 : i32
    %and3A_155 = vector.broadcast %and3A_154 : i32 to vector<16xi32>
    %and3A_156 = arith.andi %get3A_153, %and3A_155 : vector<16xi32>
    %swap3A_157 = arith.constant 112 : index
    %swap3A_158 = tpu.vector_load %arg6[%swap3A_157] {strides = array<i32>} : memref<128xi32, #tpu.memory_space<vmem>>, vector<16xi32>,
    %swap3A_159 = vector.shape_cast %swap3A_158 : vector<16xi32> to vector<16xi32>
    %swap3A_160 = vector.shape_cast %and3A_156 : vector<16xi32> to vector<16xi32>
    tpu.vector_store %arg6[%swap3A_157], %swap3A_160 {strides = array<i32>} : memref<128xi32, #tpu.memory_space<vmem>>, vector<16xi32>,
    %shift_right_arithmetic3A_161 = arith.constant 16 : i32
    %shift_right_arithmetic3A_162 = vector.broadcast %shift_right_arithmetic3A_161 : i32 to vector<16xi32>
    %shift_right_arithmetic3A_163 = arith.shrsi %get3A_153, %shift_right_arithmetic3A_162 : vector<16xi32>
    %swap3A_164 = arith.constant 112 : index
    %swap3A_165 = tpu.vector_load %arg7[%swap3A_164] {strides = array<i32>} : memref<128xi32, #tpu.memory_space<vmem>>, vector<16xi32>,
    %swap3A_166 = vector.shape_cast %swap3A_165 : vector<16xi32> to vector<16xi32>
    %swap3A_167 = vector.shape_cast %shift_right_arithmetic3A_163 : vector<16xi32> to vector<16xi32>
    tpu.vector_store %arg7[%swap3A_164], %swap3A_167 {strides = array<i32>} : memref<128xi32, #tpu.memory_space<vmem>>, vector<16xi32>,
    %dma_start3A = arith.constant 0 : i32
    %dma_start3A_168 = arith.constant 0 : i32
    %dma_start3A_169 = tpu.memref_slice %arg2[%dma_start3A, %dma_start3A_168] : memref<10240x128xf32, #tpu.memory_space<hbm>> -> memref<10240x128xf32, #tpu.memory_space<hbm>>
    tpu.enqueue_indirect_dma source(%dma_start3A_169 : memref<10240x128xf32, #tpu.memory_space<hbm>>) target(%arg10 : memref<128x128xf32, #tpu.memory_space<vmem>>) offsets(%arg6 : memref<128xi32, #tpu.memory_space<vmem>>) semaphore(%arg13 : memref<!tpu.dma_semaphore, #tpu.memory_space<semaphore_mem>>)
    %scan3A_170 = arith.constant 0 : i32
    %scan3A_171 = arith.constant 0 : i32
    %scan3A_172 = arith.constant 41 : i32
    %scan3A_173 = arith.addi %scan3A_171, %scan3A_172 : i32
    %scan3A_174 = arith.constant 1 : i32
    %scan3A_175 = scf.for %scan3A_187 = %scan3A_171 to %scan3A_173 step %scan3A_174 iter_args(%scan3A_188 = %scan3A_170) -> (i32)  : i32 {
      %mul3A_189 = arith.constant 2 : i32
      %mul3A_190 = arith.muli %mul3A_189, %scan3A_187 : i32
      %add3A_191 = arith.constant 1 : i32
      %add3A_192 = arith.addi %mul3A_190, %add3A_191 : i32
      %get3A_193 = arith.index_cast %add3A_192 : i32 to index
      %get3A_194 = arith.constant 0 : index
      %get3A_195 = tpu.vector_load %arg5[%get3A_193, %get3A_194] {strides = array<i32>} : memref<82x128xi32, #tpu.memory_space<vmem>>, vector<1x16xi32>,
      %get3A_196 = vector.shape_cast %get3A_195 : vector<1x16xi32> to vector<16xi32>
      %and3A_197 = arith.constant 65535 : i32
      %and3A_198 = vector.broadcast %and3A_197 : i32 to vector<16xi32>
      %and3A_199 = arith.andi %get3A_196, %and3A_198 : vector<16xi32>
      %swap3A_200 = arith.constant 0 : index
      %swap3A_201 = tpu.vector_load %arg8[%swap3A_200] {strides = array<i32>} : memref<128xi32, #tpu.memory_space<vmem>>, vector<16xi32>,
      %swap3A_202 = vector.shape_cast %swap3A_201 : vector<16xi32> to vector<16xi32>
      %swap3A_203 = vector.shape_cast %and3A_199 : vector<16xi32> to vector<16xi32>
      tpu.vector_store %arg8[%swap3A_200], %swap3A_203 {strides = array<i32>} : memref<128xi32, #tpu.memory_space<vmem>>, vector<16xi32>,
      %shift_right_arithmetic3A_204 = arith.constant 16 : i32
      %shift_right_arithmetic3A_205 = vector.broadcast %shift_right_arithmetic3A_204 : i32 to vector<16xi32>
      %shift_right_arithmetic3A_206 = arith.shrsi %get3A_196, %shift_right_arithmetic3A_205 : vector<16xi32>
      %swap3A_207 = arith.constant 0 : index
      %swap3A_208 = tpu.vector_load %arg9[%swap3A_207] {strides = array<i32>} : memref<128xi32, #tpu.memory_space<vmem>>, vector<16xi32>,
      %swap3A_209 = vector.shape_cast %swap3A_208 : vector<16xi32> to vector<16xi32>
      %swap3A_210 = vector.shape_cast %shift_right_arithmetic3A_206 : vector<16xi32> to vector<16xi32>
      tpu.vector_store %arg9[%swap3A_207], %swap3A_210 {strides = array<i32>} : memref<128xi32, #tpu.memory_space<vmem>>, vector<16xi32>,
      %get3A_211 = arith.index_cast %add3A_192 : i32 to index
      %get3A_212 = arith.constant 16 : index
      %get3A_213 = tpu.vector_load %arg5[%get3A_211, %get3A_212] {strides = array<i32>} : memref<82x128xi32, #tpu.memory_space<vmem>>, vector<1x16xi32>,
      %get3A_214 = vector.shape_cast %get3A_213 : vector<1x16xi32> to vector<16xi32>
      %and3A_215 = arith.constant 65535 : i32
      %and3A_216 = vector.broadcast %and3A_215 : i32 to vector<16xi32>
      %and3A_217 = arith.andi %get3A_214, %and3A_216 : vector<16xi32>
      %swap3A_218 = arith.constant 16 : index
      %swap3A_219 = tpu.vector_load %arg8[%swap3A_218] {strides = array<i32>} : memref<128xi32, #tpu.memory_space<vmem>>, vector<16xi32>,
      %swap3A_220 = vector.shape_cast %swap3A_219 : vector<16xi32> to vector<16xi32>
      %swap3A_221 = vector.shape_cast %and3A_217 : vector<16xi32> to vector<16xi32>
      tpu.vector_store %arg8[%swap3A_218], %swap3A_221 {strides = array<i32>} : memref<128xi32, #tpu.memory_space<vmem>>, vector<16xi32>,
      %shift_right_arithmetic3A_222 = arith.constant 16 : i32
      %shift_right_arithmetic3A_223 = vector.broadcast %shift_right_arithmetic3A_222 : i32 to vector<16xi32>
      %shift_right_arithmetic3A_224 = arith.shrsi %get3A_214, %shift_right_arithmetic3A_223 : vector<16xi32>
      %swap3A_225 = arith.constant 16 : index
      %swap3A_226 = tpu.vector_load %arg9[%swap3A_225] {strides = array<i32>} : memref<128xi32, #tpu.memory_space<vmem>>, vector<16xi32>,
      %swap3A_227 = vector.shape_cast %swap3A_226 : vector<16xi32> to vector<16xi32>
      %swap3A_228 = vector.shape_cast %shift_right_arithmetic3A_224 : vector<16xi32> to vector<16xi32>
      tpu.vector_store %arg9[%swap3A_225], %swap3A_228 {strides = array<i32>} : memref<128xi32, #tpu.memory_space<vmem>>, vector<16xi32>,
      %get3A_229 = arith.index_cast %add3A_192 : i32 to index
      %get3A_230 = arith.constant 32 : index
      %get3A_231 = tpu.vector_load %arg5[%get3A_229, %get3A_230] {strides = array<i32>} : memref<82x128xi32, #tpu.memory_space<vmem>>, vector<1x16xi32>,
      %get3A_232 = vector.shape_cast %get3A_231 : vector<1x16xi32> to vector<16xi32>
      %and3A_233 = arith.constant 65535 : i32
      %and3A_234 = vector.broadcast %and3A_233 : i32 to vector<16xi32>
      %and3A_235 = arith.andi %get3A_232, %and3A_234 : vector<16xi32>
      %swap3A_236 = arith.constant 32 : index
      %swap3A_237 = tpu.vector_load %arg8[%swap3A_236] {strides = array<i32>} : memref<128xi32, #tpu.memory_space<vmem>>, vector<16xi32>,
      %swap3A_238 = vector.shape_cast %swap3A_237 : vector<16xi32> to vector<16xi32>
      %swap3A_239 = vector.shape_cast %and3A_235 : vector<16xi32> to vector<16xi32>
      tpu.vector_store %arg8[%swap3A_236], %swap3A_239 {strides = array<i32>} : memref<128xi32, #tpu.memory_space<vmem>>, vector<16xi32>,
      %shift_right_arithmetic3A_240 = arith.constant 16 : i32
      %shift_right_arithmetic3A_241 = vector.broadcast %shift_right_arithmetic3A_240 : i32 to vector<16xi32>
      %shift_right_arithmetic3A_242 = arith.shrsi %get3A_232, %shift_right_arithmetic3A_241 : vector<16xi32>
      %swap3A_243 = arith.constant 32 : index
      %swap3A_244 = tpu.vector_load %arg9[%swap3A_243] {strides = array<i32>} : memref<128xi32, #tpu.memory_space<vmem>>, vector<16xi32>,
      %swap3A_245 = vector.shape_cast %swap3A_244 : vector<16xi32> to vector<16xi32>
      %swap3A_246 = vector.shape_cast %shift_right_arithmetic3A_242 : vector<16xi32> to vector<16xi32>
      tpu.vector_store %arg9[%swap3A_243], %swap3A_246 {strides = array<i32>} : memref<128xi32, #tpu.memory_space<vmem>>, vector<16xi32>,
      %get3A_247 = arith.index_cast %add3A_192 : i32 to index
      %get3A_248 = arith.constant 48 : index
      %get3A_249 = tpu.vector_load %arg5[%get3A_247, %get3A_248] {strides = array<i32>} : memref<82x128xi32, #tpu.memory_space<vmem>>, vector<1x16xi32>,
      %get3A_250 = vector.shape_cast %get3A_249 : vector<1x16xi32> to vector<16xi32>
      %and3A_251 = arith.constant 65535 : i32
      %and3A_252 = vector.broadcast %and3A_251 : i32 to vector<16xi32>
      %and3A_253 = arith.andi %get3A_250, %and3A_252 : vector<16xi32>
      %swap3A_254 = arith.constant 48 : index
      %swap3A_255 = tpu.vector_load %arg8[%swap3A_254] {strides = array<i32>} : memref<128xi32, #tpu.memory_space<vmem>>, vector<16xi32>,
      %swap3A_256 = vector.shape_cast %swap3A_255 : vector<16xi32> to vector<16xi32>
      %swap3A_257 = vector.shape_cast %and3A_253 : vector<16xi32> to vector<16xi32>
      tpu.vector_store %arg8[%swap3A_254], %swap3A_257 {strides = array<i32>} : memref<128xi32, #tpu.memory_space<vmem>>, vector<16xi32>,
      %shift_right_arithmetic3A_258 = arith.constant 16 : i32
      %shift_right_arithmetic3A_259 = vector.broadcast %shift_right_arithmetic3A_258 : i32 to vector<16xi32>
      %shift_right_arithmetic3A_260 = arith.shrsi %get3A_250, %shift_right_arithmetic3A_259 : vector<16xi32>
      %swap3A_261 = arith.constant 48 : index
      %swap3A_262 = tpu.vector_load %arg9[%swap3A_261] {strides = array<i32>} : memref<128xi32, #tpu.memory_space<vmem>>, vector<16xi32>,
      %swap3A_263 = vector.shape_cast %swap3A_262 : vector<16xi32> to vector<16xi32>
      %swap3A_264 = vector.shape_cast %shift_right_arithmetic3A_260 : vector<16xi32> to vector<16xi32>
      tpu.vector_store %arg9[%swap3A_261], %swap3A_264 {strides = array<i32>} : memref<128xi32, #tpu.memory_space<vmem>>, vector<16xi32>,
      %get3A_265 = arith.index_cast %add3A_192 : i32 to index
      %get3A_266 = arith.constant 64 : index
      %get3A_267 = tpu.vector_load %arg5[%get3A_265, %get3A_266] {strides = array<i32>} : memref<82x128xi32, #tpu.memory_space<vmem>>, vector<1x16xi32>,
      %get3A_268 = vector.shape_cast %get3A_267 : vector<1x16xi32> to vector<16xi32>
      %and3A_269 = arith.constant 65535 : i32
      %and3A_270 = vector.broadcast %and3A_269 : i32 to vector<16xi32>
      %and3A_271 = arith.andi %get3A_268, %and3A_270 : vector<16xi32>
      %swap3A_272 = arith.constant 64 : index
      %swap3A_273 = tpu.vector_load %arg8[%swap3A_272] {strides = array<i32>} : memref<128xi32, #tpu.memory_space<vmem>>, vector<16xi32>,
      %swap3A_274 = vector.shape_cast %swap3A_273 : vector<16xi32> to vector<16xi32>
      %swap3A_275 = vector.shape_cast %and3A_271 : vector<16xi32> to vector<16xi32>
      tpu.vector_store %arg8[%swap3A_272], %swap3A_275 {strides = array<i32>} : memref<128xi32, #tpu.memory_space<vmem>>, vector<16xi32>,
      %shift_right_arithmetic3A_276 = arith.constant 16 : i32
      %shift_right_arithmetic3A_277 = vector.broadcast %shift_right_arithmetic3A_276 : i32 to vector<16xi32>
      %shift_right_arithmetic3A_278 = arith.shrsi %get3A_268, %shift_right_arithmetic3A_277 : vector<16xi32>
      %swap3A_279 = arith.constant 64 : index
      %swap3A_280 = tpu.vector_load %arg9[%swap3A_279] {strides = array<i32>} : memref<128xi32, #tpu.memory_space<vmem>>, vector<16xi32>,
      %swap3A_281 = vector.shape_cast %swap3A_280 : vector<16xi32> to vector<16xi32>
      %swap3A_282 = vector.shape_cast %shift_right_arithmetic3A_278 : vector<16xi32> to vector<16xi32>
      tpu.vector_store %arg9[%swap3A_279], %swap3A_282 {strides = array<i32>} : memref<128xi32, #tpu.memory_space<vmem>>, vector<16xi32>,
      %get3A_283 = arith.index_cast %add3A_192 : i32 to index
      %get3A_284 = arith.constant 80 : index
      %get3A_285 = tpu.vector_load %arg5[%get3A_283, %get3A_284] {strides = array<i32>} : memref<82x128xi32, #tpu.memory_space<vmem>>, vector<1x16xi32>,
      %get3A_286 = vector.shape_cast %get3A_285 : vector<1x16xi32> to vector<16xi32>
      %and3A_287 = arith.constant 65535 : i32
      %and3A_288 = vector.broadcast %and3A_287 : i32 to vector<16xi32>
      %and3A_289 = arith.andi %get3A_286, %and3A_288 : vector<16xi32>
      %swap3A_290 = arith.constant 80 : index
      %swap3A_291 = tpu.vector_load %arg8[%swap3A_290] {strides = array<i32>} : memref<128xi32, #tpu.memory_space<vmem>>, vector<16xi32>,
      %swap3A_292 = vector.shape_cast %swap3A_291 : vector<16xi32> to vector<16xi32>
      %swap3A_293 = vector.shape_cast %and3A_289 : vector<16xi32> to vector<16xi32>
      tpu.vector_store %arg8[%swap3A_290], %swap3A_293 {strides = array<i32>} : memref<128xi32, #tpu.memory_space<vmem>>, vector<16xi32>,
      %shift_right_arithmetic3A_294 = arith.constant 16 : i32
      %shift_right_arithmetic3A_295 = vector.broadcast %shift_right_arithmetic3A_294 : i32 to vector<16xi32>
      %shift_right_arithmetic3A_296 = arith.shrsi %get3A_286, %shift_right_arithmetic3A_295 : vector<16xi32>
      %swap3A_297 = arith.constant 80 : index
      %swap3A_298 = tpu.vector_load %arg9[%swap3A_297] {strides = array<i32>} : memref<128xi32, #tpu.memory_space<vmem>>, vector<16xi32>,
      %swap3A_299 = vector.shape_cast %swap3A_298 : vector<16xi32> to vector<16xi32>
      %swap3A_300 = vector.shape_cast %shift_right_arithmetic3A_296 : vector<16xi32> to vector<16xi32>
      tpu.vector_store %arg9[%swap3A_297], %swap3A_300 {strides = array<i32>} : memref<128xi32, #tpu.memory_space<vmem>>, vector<16xi32>,
      %get3A_301 = arith.index_cast %add3A_192 : i32 to index
      %get3A_302 = arith.constant 96 : index
      %get3A_303 = tpu.vector_load %arg5[%get3A_301, %get3A_302] {strides = array<i32>} : memref<82x128xi32, #tpu.memory_space<vmem>>, vector<1x16xi32>,
      %get3A_304 = vector.shape_cast %get3A_303 : vector<1x16xi32> to vector<16xi32>
      %and3A_305 = arith.constant 65535 : i32
      %and3A_306 = vector.broadcast %and3A_305 : i32 to vector<16xi32>
      %and3A_307 = arith.andi %get3A_304, %and3A_306 : vector<16xi32>
      %swap3A_308 = arith.constant 96 : index
      %swap3A_309 = tpu.vector_load %arg8[%swap3A_308] {strides = array<i32>} : memref<128xi32, #tpu.memory_space<vmem>>, vector<16xi32>,
      %swap3A_310 = vector.shape_cast %swap3A_309 : vector<16xi32> to vector<16xi32>
      %swap3A_311 = vector.shape_cast %and3A_307 : vector<16xi32> to vector<16xi32>
      tpu.vector_store %arg8[%swap3A_308], %swap3A_311 {strides = array<i32>} : memref<128xi32, #tpu.memory_space<vmem>>, vector<16xi32>,
      %shift_right_arithmetic3A_312 = arith.constant 16 : i32
      %shift_right_arithmetic3A_313 = vector.broadcast %shift_right_arithmetic3A_312 : i32 to vector<16xi32>
      %shift_right_arithmetic3A_314 = arith.shrsi %get3A_304, %shift_right_arithmetic3A_313 : vector<16xi32>
      %swap3A_315 = arith.constant 96 : index
      %swap3A_316 = tpu.vector_load %arg9[%swap3A_315] {strides = array<i32>} : memref<128xi32, #tpu.memory_space<vmem>>, vector<16xi32>,
      %swap3A_317 = vector.shape_cast %swap3A_316 : vector<16xi32> to vector<16xi32>
      %swap3A_318 = vector.shape_cast %shift_right_arithmetic3A_314 : vector<16xi32> to vector<16xi32>
      tpu.vector_store %arg9[%swap3A_315], %swap3A_318 {strides = array<i32>} : memref<128xi32, #tpu.memory_space<vmem>>, vector<16xi32>,
      %get3A_319 = arith.index_cast %add3A_192 : i32 to index
      %get3A_320 = arith.constant 112 : index
      %get3A_321 = tpu.vector_load %arg5[%get3A_319, %get3A_320] {strides = array<i32>} : memref<82x128xi32, #tpu.memory_space<vmem>>, vector<1x16xi32>,
      %get3A_322 = vector.shape_cast %get3A_321 : vector<1x16xi32> to vector<16xi32>
      %and3A_323 = arith.constant 65535 : i32
      %and3A_324 = vector.broadcast %and3A_323 : i32 to vector<16xi32>
      %and3A_325 = arith.andi %get3A_322, %and3A_324 : vector<16xi32>
      %swap3A_326 = arith.constant 112 : index
      %swap3A_327 = tpu.vector_load %arg8[%swap3A_326] {strides = array<i32>} : memref<128xi32, #tpu.memory_space<vmem>>, vector<16xi32>,
      %swap3A_328 = vector.shape_cast %swap3A_327 : vector<16xi32> to vector<16xi32>
      %swap3A_329 = vector.shape_cast %and3A_325 : vector<16xi32> to vector<16xi32>
      tpu.vector_store %arg8[%swap3A_326], %swap3A_329 {strides = array<i32>} : memref<128xi32, #tpu.memory_space<vmem>>, vector<16xi32>,
      %shift_right_arithmetic3A_330 = arith.constant 16 : i32
      %shift_right_arithmetic3A_331 = vector.broadcast %shift_right_arithmetic3A_330 : i32 to vector<16xi32>
      %shift_right_arithmetic3A_332 = arith.shrsi %get3A_322, %shift_right_arithmetic3A_331 : vector<16xi32>
      %swap3A_333 = arith.constant 112 : index
      %swap3A_334 = tpu.vector_load %arg9[%swap3A_333] {strides = array<i32>} : memref<128xi32, #tpu.memory_space<vmem>>, vector<16xi32>,
      %swap3A_335 = vector.shape_cast %swap3A_334 : vector<16xi32> to vector<16xi32>
      %swap3A_336 = vector.shape_cast %shift_right_arithmetic3A_332 : vector<16xi32> to vector<16xi32>
      tpu.vector_store %arg9[%swap3A_333], %swap3A_336 {strides = array<i32>} : memref<128xi32, #tpu.memory_space<vmem>>, vector<16xi32>,
      %dma_start3A_337 = arith.constant 0 : i32
      %dma_start3A_338 = arith.constant 0 : i32
      %dma_start3A_339 = tpu.memref_slice %arg2[%dma_start3A_337, %dma_start3A_338] : memref<10240x128xf32, #tpu.memory_space<hbm>> -> memref<10240x128xf32, #tpu.memory_space<hbm>>
      tpu.enqueue_indirect_dma source(%dma_start3A_339 : memref<10240x128xf32, #tpu.memory_space<hbm>>) target(%arg11 : memref<128x128xf32, #tpu.memory_space<vmem>>) offsets(%arg8 : memref<128xi32, #tpu.memory_space<vmem>>) semaphore(%arg14 : memref<!tpu.dma_semaphore, #tpu.memory_space<semaphore_mem>>)
      %dma_wait3A_340 = arith.constant 0 : i32
      %dma_wait3A_341 = arith.constant 0 : i32
      %dma_wait3A_342 = tpu.memref_slice %arg2[%dma_wait3A_340, %dma_wait3A_341] : memref<10240x128xf32, #tpu.memory_space<hbm>> -> memref<128x128xf32, #tpu.memory_space<hbm>>
      %dma_wait3A_343 = arith.constant 0 : i32
      %dma_wait3A_344 = arith.constant 0 : i32
      %dma_wait3A_345 = tpu.memref_slice %arg2[%dma_wait3A_343, %dma_wait3A_344] : memref<10240x128xf32, #tpu.memory_space<hbm>> -> memref<128x128xf32, #tpu.memory_space<hbm>>
      tpu.wait_dma2 semaphore(%arg13 : memref<!tpu.dma_semaphore, #tpu.memory_space<semaphore_mem>>) src(%dma_wait3A_345 : memref<128x128xf32, #tpu.memory_space<hbm>>) dst(%arg10 : memref<128x128xf32, #tpu.memory_space<vmem>>)
      "tpu.region"() ({
        %run_scoped3A = tpu.sem_alloc : memref<!tpu.dma_semaphore, #tpu.memory_space<semaphore_mem>>
        %dma_start3A_503 = arith.constant 0 : i32
        %dma_start3A_504 = arith.constant 0 : i32
        %dma_start3A_505 = tpu.memref_slice %arg12[%dma_start3A_503, %dma_start3A_504] : memref<10240x128xf32, #tpu.memory_space<vmem_shared>> -> memref<10240x128xf32, #tpu.memory_space<vmem_shared>>
        tpu.enqueue_indirect_dma source(%arg10 : memref<128x128xf32, #tpu.memory_space<vmem>>) target(%dma_start3A_505 : memref<10240x128xf32, #tpu.memory_space<vmem_shared>>) offsets(%arg7 : memref<128xi32, #tpu.memory_space<vmem>>) semaphore(%run_scoped3A : memref<!tpu.dma_semaphore, #tpu.memory_space<semaphore_mem>>) {add = true}
        %dma_wait3A_506 = arith.constant 0 : i32
        %dma_wait3A_507 = arith.constant 0 : i32
        %dma_wait3A_508 = tpu.memref_slice %arg12[%dma_wait3A_506, %dma_wait3A_507] : memref<10240x128xf32, #tpu.memory_space<vmem_shared>> -> memref<10240x128xf32, #tpu.memory_space<vmem_shared>>
        tpu.wait_indirect_dma semaphore(%run_scoped3A : memref<!tpu.dma_semaphore, #tpu.memory_space<semaphore_mem>>) src(%arg10 : memref<128x128xf32, #tpu.memory_space<vmem>>) dst(%dma_wait3A_508 : memref<10240x128xf32, #tpu.memory_space<vmem_shared>>)
        tpu.yield
      }) : () -> ()
      %add3A_346 = arith.constant 2 : i32
      %add3A_347 = arith.addi %mul3A_190, %add3A_346 : i32
      %min3A = arith.constant 81 : i32
      %min3A_348 = arith.minsi %add3A_347, %min3A : i32
      %get3A_349 = arith.index_cast %min3A_348 : i32 to index
      %get3A_350 = arith.constant 0 : index
      %get3A_351 = tpu.vector_load %arg5[%get3A_349, %get3A_350] {strides = array<i32>} : memref<82x128xi32, #tpu.memory_space<vmem>>, vector<1x16xi32>,
      %get3A_352 = vector.shape_cast %get3A_351 : vector<1x16xi32> to vector<16xi32>
      %and3A_353 = arith.constant 65535 : i32
      %and3A_354 = vector.broadcast %and3A_353 : i32 to vector<16xi32>
      %and3A_355 = arith.andi %get3A_352, %and3A_354 : vector<16xi32>
      %swap3A_356 = arith.constant 0 : index
      %swap3A_357 = tpu.vector_load %arg6[%swap3A_356] {strides = array<i32>} : memref<128xi32, #tpu.memory_space<vmem>>, vector<16xi32>,
      %swap3A_358 = vector.shape_cast %swap3A_357 : vector<16xi32> to vector<16xi32>
      %swap3A_359 = vector.shape_cast %and3A_355 : vector<16xi32> to vector<16xi32>
      tpu.vector_store %arg6[%swap3A_356], %swap3A_359 {strides = array<i32>} : memref<128xi32, #tpu.memory_space<vmem>>, vector<16xi32>,
      %shift_right_arithmetic3A_360 = arith.constant 16 : i32
      %shift_right_arithmetic3A_361 = vector.broadcast %shift_right_arithmetic3A_360 : i32 to vector<16xi32>
      %shift_right_arithmetic3A_362 = arith.shrsi %get3A_352, %shift_right_arithmetic3A_361 : vector<16xi32>
      %swap3A_363 = arith.constant 0 : index
      %swap3A_364 = tpu.vector_load %arg7[%swap3A_363] {strides = array<i32>} : memref<128xi32, #tpu.memory_space<vmem>>, vector<16xi32>,
      %swap3A_365 = vector.shape_cast %swap3A_364 : vector<16xi32> to vector<16xi32>
      %swap3A_366 = vector.shape_cast %shift_right_arithmetic3A_362 : vector<16xi32> to vector<16xi32>
      tpu.vector_store %arg7[%swap3A_363], %swap3A_366 {strides = array<i32>} : memref<128xi32, #tpu.memory_space<vmem>>, vector<16xi32>,
      %get3A_367 = arith.index_cast %min3A_348 : i32 to index
      %get3A_368 = arith.constant 16 : index
      %get3A_369 = tpu.vector_load %arg5[%get3A_367, %get3A_368] {strides = array<i32>} : memref<82x128xi32, #tpu.memory_space<vmem>>, vector<1x16xi32>,
      %get3A_370 = vector.shape_cast %get3A_369 : vector<1x16xi32> to vector<16xi32>
      %and3A_371 = arith.constant 65535 : i32
      %and3A_372 = vector.broadcast %and3A_371 : i32 to vector<16xi32>
      %and3A_373 = arith.andi %get3A_370, %and3A_372 : vector<16xi32>
      %swap3A_374 = arith.constant 16 : index
      %swap3A_375 = tpu.vector_load %arg6[%swap3A_374] {strides = array<i32>} : memref<128xi32, #tpu.memory_space<vmem>>, vector<16xi32>,
      %swap3A_376 = vector.shape_cast %swap3A_375 : vector<16xi32> to vector<16xi32>
      %swap3A_377 = vector.shape_cast %and3A_373 : vector<16xi32> to vector<16xi32>
      tpu.vector_store %arg6[%swap3A_374], %swap3A_377 {strides = array<i32>} : memref<128xi32, #tpu.memory_space<vmem>>, vector<16xi32>,
      %shift_right_arithmetic3A_378 = arith.constant 16 : i32
      %shift_right_arithmetic3A_379 = vector.broadcast %shift_right_arithmetic3A_378 : i32 to vector<16xi32>
      %shift_right_arithmetic3A_380 = arith.shrsi %get3A_370, %shift_right_arithmetic3A_379 : vector<16xi32>
      %swap3A_381 = arith.constant 16 : index
      %swap3A_382 = tpu.vector_load %arg7[%swap3A_381] {strides = array<i32>} : memref<128xi32, #tpu.memory_space<vmem>>, vector<16xi32>,
      %swap3A_383 = vector.shape_cast %swap3A_382 : vector<16xi32> to vector<16xi32>
      %swap3A_384 = vector.shape_cast %shift_right_arithmetic3A_380 : vector<16xi32> to vector<16xi32>
      tpu.vector_store %arg7[%swap3A_381], %swap3A_384 {strides = array<i32>} : memref<128xi32, #tpu.memory_space<vmem>>, vector<16xi32>,
      %get3A_385 = arith.index_cast %min3A_348 : i32 to index
      %get3A_386 = arith.constant 32 : index
      %get3A_387 = tpu.vector_load %arg5[%get3A_385, %get3A_386] {strides = array<i32>} : memref<82x128xi32, #tpu.memory_space<vmem>>, vector<1x16xi32>,
      %get3A_388 = vector.shape_cast %get3A_387 : vector<1x16xi32> to vector<16xi32>
      %and3A_389 = arith.constant 65535 : i32
      %and3A_390 = vector.broadcast %and3A_389 : i32 to vector<16xi32>
      %and3A_391 = arith.andi %get3A_388, %and3A_390 : vector<16xi32>
      %swap3A_392 = arith.constant 32 : index
      %swap3A_393 = tpu.vector_load %arg6[%swap3A_392] {strides = array<i32>} : memref<128xi32, #tpu.memory_space<vmem>>, vector<16xi32>,
      %swap3A_394 = vector.shape_cast %swap3A_393 : vector<16xi32> to vector<16xi32>
      %swap3A_395 = vector.shape_cast %and3A_391 : vector<16xi32> to vector<16xi32>
      tpu.vector_store %arg6[%swap3A_392], %swap3A_395 {strides = array<i32>} : memref<128xi32, #tpu.memory_space<vmem>>, vector<16xi32>,
      %shift_right_arithmetic3A_396 = arith.constant 16 : i32
      %shift_right_arithmetic3A_397 = vector.broadcast %shift_right_arithmetic3A_396 : i32 to vector<16xi32>
      %shift_right_arithmetic3A_398 = arith.shrsi %get3A_388, %shift_right_arithmetic3A_397 : vector<16xi32>
      %swap3A_399 = arith.constant 32 : index
      %swap3A_400 = tpu.vector_load %arg7[%swap3A_399] {strides = array<i32>} : memref<128xi32, #tpu.memory_space<vmem>>, vector<16xi32>,
      %swap3A_401 = vector.shape_cast %swap3A_400 : vector<16xi32> to vector<16xi32>
      %swap3A_402 = vector.shape_cast %shift_right_arithmetic3A_398 : vector<16xi32> to vector<16xi32>
      tpu.vector_store %arg7[%swap3A_399], %swap3A_402 {strides = array<i32>} : memref<128xi32, #tpu.memory_space<vmem>>, vector<16xi32>,
      %get3A_403 = arith.index_cast %min3A_348 : i32 to index
      %get3A_404 = arith.constant 48 : index
      %get3A_405 = tpu.vector_load %arg5[%get3A_403, %get3A_404] {strides = array<i32>} : memref<82x128xi32, #tpu.memory_space<vmem>>, vector<1x16xi32>,
      %get3A_406 = vector.shape_cast %get3A_405 : vector<1x16xi32> to vector<16xi32>
      %and3A_407 = arith.constant 65535 : i32
      %and3A_408 = vector.broadcast %and3A_407 : i32 to vector<16xi32>
      %and3A_409 = arith.andi %get3A_406, %and3A_408 : vector<16xi32>
      %swap3A_410 = arith.constant 48 : index
      %swap3A_411 = tpu.vector_load %arg6[%swap3A_410] {strides = array<i32>} : memref<128xi32, #tpu.memory_space<vmem>>, vector<16xi32>,
      %swap3A_412 = vector.shape_cast %swap3A_411 : vector<16xi32> to vector<16xi32>
      %swap3A_413 = vector.shape_cast %and3A_409 : vector<16xi32> to vector<16xi32>
      tpu.vector_store %arg6[%swap3A_410], %swap3A_413 {strides = array<i32>} : memref<128xi32, #tpu.memory_space<vmem>>, vector<16xi32>,
      %shift_right_arithmetic3A_414 = arith.constant 16 : i32
      %shift_right_arithmetic3A_415 = vector.broadcast %shift_right_arithmetic3A_414 : i32 to vector<16xi32>
      %shift_right_arithmetic3A_416 = arith.shrsi %get3A_406, %shift_right_arithmetic3A_415 : vector<16xi32>
      %swap3A_417 = arith.constant 48 : index
      %swap3A_418 = tpu.vector_load %arg7[%swap3A_417] {strides = array<i32>} : memref<128xi32, #tpu.memory_space<vmem>>, vector<16xi32>,
      %swap3A_419 = vector.shape_cast %swap3A_418 : vector<16xi32> to vector<16xi32>
      %swap3A_420 = vector.shape_cast %shift_right_arithmetic3A_416 : vector<16xi32> to vector<16xi32>
      tpu.vector_store %arg7[%swap3A_417], %swap3A_420 {strides = array<i32>} : memref<128xi32, #tpu.memory_space<vmem>>, vector<16xi32>,
      %get3A_421 = arith.index_cast %min3A_348 : i32 to index
      %get3A_422 = arith.constant 64 : index
      %get3A_423 = tpu.vector_load %arg5[%get3A_421, %get3A_422] {strides = array<i32>} : memref<82x128xi32, #tpu.memory_space<vmem>>, vector<1x16xi32>,
      %get3A_424 = vector.shape_cast %get3A_423 : vector<1x16xi32> to vector<16xi32>
      %and3A_425 = arith.constant 65535 : i32
      %and3A_426 = vector.broadcast %and3A_425 : i32 to vector<16xi32>
      %and3A_427 = arith.andi %get3A_424, %and3A_426 : vector<16xi32>
      %swap3A_428 = arith.constant 64 : index
      %swap3A_429 = tpu.vector_load %arg6[%swap3A_428] {strides = array<i32>} : memref<128xi32, #tpu.memory_space<vmem>>, vector<16xi32>,
      %swap3A_430 = vector.shape_cast %swap3A_429 : vector<16xi32> to vector<16xi32>
      %swap3A_431 = vector.shape_cast %and3A_427 : vector<16xi32> to vector<16xi32>
      tpu.vector_store %arg6[%swap3A_428], %swap3A_431 {strides = array<i32>} : memref<128xi32, #tpu.memory_space<vmem>>, vector<16xi32>,
      %shift_right_arithmetic3A_432 = arith.constant 16 : i32
      %shift_right_arithmetic3A_433 = vector.broadcast %shift_right_arithmetic3A_432 : i32 to vector<16xi32>
      %shift_right_arithmetic3A_434 = arith.shrsi %get3A_424, %shift_right_arithmetic3A_433 : vector<16xi32>
      %swap3A_435 = arith.constant 64 : index
      %swap3A_436 = tpu.vector_load %arg7[%swap3A_435] {strides = array<i32>} : memref<128xi32, #tpu.memory_space<vmem>>, vector<16xi32>,
      %swap3A_437 = vector.shape_cast %swap3A_436 : vector<16xi32> to vector<16xi32>
      %swap3A_438 = vector.shape_cast %shift_right_arithmetic3A_434 : vector<16xi32> to vector<16xi32>
      tpu.vector_store %arg7[%swap3A_435], %swap3A_438 {strides = array<i32>} : memref<128xi32, #tpu.memory_space<vmem>>, vector<16xi32>,
      %get3A_439 = arith.index_cast %min3A_348 : i32 to index
      %get3A_440 = arith.constant 80 : index
      %get3A_441 = tpu.vector_load %arg5[%get3A_439, %get3A_440] {strides = array<i32>} : memref<82x128xi32, #tpu.memory_space<vmem>>, vector<1x16xi32>,
      %get3A_442 = vector.shape_cast %get3A_441 : vector<1x16xi32> to vector<16xi32>
      %and3A_443 = arith.constant 65535 : i32
      %and3A_444 = vector.broadcast %and3A_443 : i32 to vector<16xi32>
      %and3A_445 = arith.andi %get3A_442, %and3A_444 : vector<16xi32>
      %swap3A_446 = arith.constant 80 : index
      %swap3A_447 = tpu.vector_load %arg6[%swap3A_446] {strides = array<i32>} : memref<128xi32, #tpu.memory_space<vmem>>, vector<16xi32>,
      %swap3A_448 = vector.shape_cast %swap3A_447 : vector<16xi32> to vector<16xi32>
      %swap3A_449 = vector.shape_cast %and3A_445 : vector<16xi32> to vector<16xi32>
      tpu.vector_store %arg6[%swap3A_446], %swap3A_449 {strides = array<i32>} : memref<128xi32, #tpu.memory_space<vmem>>, vector<16xi32>,
      %shift_right_arithmetic3A_450 = arith.constant 16 : i32
      %shift_right_arithmetic3A_451 = vector.broadcast %shift_right_arithmetic3A_450 : i32 to vector<16xi32>
      %shift_right_arithmetic3A_452 = arith.shrsi %get3A_442, %shift_right_arithmetic3A_451 : vector<16xi32>
      %swap3A_453 = arith.constant 80 : index
      %swap3A_454 = tpu.vector_load %arg7[%swap3A_453] {strides = array<i32>} : memref<128xi32, #tpu.memory_space<vmem>>, vector<16xi32>,
      %swap3A_455 = vector.shape_cast %swap3A_454 : vector<16xi32> to vector<16xi32>
      %swap3A_456 = vector.shape_cast %shift_right_arithmetic3A_452 : vector<16xi32> to vector<16xi32>
      tpu.vector_store %arg7[%swap3A_453], %swap3A_456 {strides = array<i32>} : memref<128xi32, #tpu.memory_space<vmem>>, vector<16xi32>,
      %get3A_457 = arith.index_cast %min3A_348 : i32 to index
      %get3A_458 = arith.constant 96 : index
      %get3A_459 = tpu.vector_load %arg5[%get3A_457, %get3A_458] {strides = array<i32>} : memref<82x128xi32, #tpu.memory_space<vmem>>, vector<1x16xi32>,
      %get3A_460 = vector.shape_cast %get3A_459 : vector<1x16xi32> to vector<16xi32>
      %and3A_461 = arith.constant 65535 : i32
      %and3A_462 = vector.broadcast %and3A_461 : i32 to vector<16xi32>
      %and3A_463 = arith.andi %get3A_460, %and3A_462 : vector<16xi32>
      %swap3A_464 = arith.constant 96 : index
      %swap3A_465 = tpu.vector_load %arg6[%swap3A_464] {strides = array<i32>} : memref<128xi32, #tpu.memory_space<vmem>>, vector<16xi32>,
      %swap3A_466 = vector.shape_cast %swap3A_465 : vector<16xi32> to vector<16xi32>
      %swap3A_467 = vector.shape_cast %and3A_463 : vector<16xi32> to vector<16xi32>
      tpu.vector_store %arg6[%swap3A_464], %swap3A_467 {strides = array<i32>} : memref<128xi32, #tpu.memory_space<vmem>>, vector<16xi32>,
      %shift_right_arithmetic3A_468 = arith.constant 16 : i32
      %shift_right_arithmetic3A_469 = vector.broadcast %shift_right_arithmetic3A_468 : i32 to vector<16xi32>
      %shift_right_arithmetic3A_470 = arith.shrsi %get3A_460, %shift_right_arithmetic3A_469 : vector<16xi32>
      %swap3A_471 = arith.constant 96 : index
      %swap3A_472 = tpu.vector_load %arg7[%swap3A_471] {strides = array<i32>} : memref<128xi32, #tpu.memory_space<vmem>>, vector<16xi32>,
      %swap3A_473 = vector.shape_cast %swap3A_472 : vector<16xi32> to vector<16xi32>
      %swap3A_474 = vector.shape_cast %shift_right_arithmetic3A_470 : vector<16xi32> to vector<16xi32>
      tpu.vector_store %arg7[%swap3A_471], %swap3A_474 {strides = array<i32>} : memref<128xi32, #tpu.memory_space<vmem>>, vector<16xi32>,
      %get3A_475 = arith.index_cast %min3A_348 : i32 to index
      %get3A_476 = arith.constant 112 : index
      %get3A_477 = tpu.vector_load %arg5[%get3A_475, %get3A_476] {strides = array<i32>} : memref<82x128xi32, #tpu.memory_space<vmem>>, vector<1x16xi32>,
      %get3A_478 = vector.shape_cast %get3A_477 : vector<1x16xi32> to vector<16xi32>
      %and3A_479 = arith.constant 65535 : i32
      %and3A_480 = vector.broadcast %and3A_479 : i32 to vector<16xi32>
      %and3A_481 = arith.andi %get3A_478, %and3A_480 : vector<16xi32>
      %swap3A_482 = arith.constant 112 : index
      %swap3A_483 = tpu.vector_load %arg6[%swap3A_482] {strides = array<i32>} : memref<128xi32, #tpu.memory_space<vmem>>, vector<16xi32>,
      %swap3A_484 = vector.shape_cast %swap3A_483 : vector<16xi32> to vector<16xi32>
      %swap3A_485 = vector.shape_cast %and3A_481 : vector<16xi32> to vector<16xi32>
      tpu.vector_store %arg6[%swap3A_482], %swap3A_485 {strides = array<i32>} : memref<128xi32, #tpu.memory_space<vmem>>, vector<16xi32>,
      %shift_right_arithmetic3A_486 = arith.constant 16 : i32
      %shift_right_arithmetic3A_487 = vector.broadcast %shift_right_arithmetic3A_486 : i32 to vector<16xi32>
      %shift_right_arithmetic3A_488 = arith.shrsi %get3A_478, %shift_right_arithmetic3A_487 : vector<16xi32>
      %swap3A_489 = arith.constant 112 : index
      %swap3A_490 = tpu.vector_load %arg7[%swap3A_489] {strides = array<i32>} : memref<128xi32, #tpu.memory_space<vmem>>, vector<16xi32>,
      %swap3A_491 = vector.shape_cast %swap3A_490 : vector<16xi32> to vector<16xi32>
      %swap3A_492 = vector.shape_cast %shift_right_arithmetic3A_488 : vector<16xi32> to vector<16xi32>
      tpu.vector_store %arg7[%swap3A_489], %swap3A_492 {strides = array<i32>} : memref<128xi32, #tpu.memory_space<vmem>>, vector<16xi32>,
      %dma_start3A_493 = arith.constant 0 : i32
      %dma_start3A_494 = arith.constant 0 : i32
      %dma_start3A_495 = tpu.memref_slice %arg2[%dma_start3A_493, %dma_start3A_494] : memref<10240x128xf32, #tpu.memory_space<hbm>> -> memref<10240x128xf32, #tpu.memory_space<hbm>>
      tpu.enqueue_indirect_dma source(%dma_start3A_495 : memref<10240x128xf32, #tpu.memory_space<hbm>>) target(%arg10 : memref<128x128xf32, #tpu.memory_space<vmem>>) offsets(%arg6 : memref<128xi32, #tpu.memory_space<vmem>>) semaphore(%arg13 : memref<!tpu.dma_semaphore, #tpu.memory_space<semaphore_mem>>)
      %dma_wait3A_496 = arith.constant 0 : i32
      %dma_wait3A_497 = arith.constant 0 : i32
      %dma_wait3A_498 = tpu.memref_slice %arg2[%dma_wait3A_496, %dma_wait3A_497] : memref<10240x128xf32, #tpu.memory_space<hbm>> -> memref<128x128xf32, #tpu.memory_space<hbm>>
      %dma_wait3A_499 = arith.constant 0 : i32
      %dma_wait3A_500 = arith.constant 0 : i32
      %dma_wait3A_501 = tpu.memref_slice %arg2[%dma_wait3A_499, %dma_wait3A_500] : memref<10240x128xf32, #tpu.memory_space<hbm>> -> memref<128x128xf32, #tpu.memory_space<hbm>>
      tpu.wait_dma2 semaphore(%arg14 : memref<!tpu.dma_semaphore, #tpu.memory_space<semaphore_mem>>) src(%dma_wait3A_501 : memref<128x128xf32, #tpu.memory_space<hbm>>) dst(%arg11 : memref<128x128xf32, #tpu.memory_space<vmem>>)
      "tpu.region"() ({
        %run_scoped3A = tpu.sem_alloc : memref<!tpu.dma_semaphore, #tpu.memory_space<semaphore_mem>>
        %dma_start3A_503 = arith.constant 0 : i32
        %dma_start3A_504 = arith.constant 0 : i32
        %dma_start3A_505 = tpu.memref_slice %arg12[%dma_start3A_503, %dma_start3A_504] : memref<10240x128xf32, #tpu.memory_space<vmem_shared>> -> memref<10240x128xf32, #tpu.memory_space<vmem_shared>>
        tpu.enqueue_indirect_dma source(%arg11 : memref<128x128xf32, #tpu.memory_space<vmem>>) target(%dma_start3A_505 : memref<10240x128xf32, #tpu.memory_space<vmem_shared>>) offsets(%arg9 : memref<128xi32, #tpu.memory_space<vmem>>) semaphore(%run_scoped3A : memref<!tpu.dma_semaphore, #tpu.memory_space<semaphore_mem>>) {add = true}
        %dma_wait3A_506 = arith.constant 0 : i32
        %dma_wait3A_507 = arith.constant 0 : i32
        %dma_wait3A_508 = tpu.memref_slice %arg12[%dma_wait3A_506, %dma_wait3A_507] : memref<10240x128xf32, #tpu.memory_space<vmem_shared>> -> memref<10240x128xf32, #tpu.memory_space<vmem_shared>>
        tpu.wait_indirect_dma semaphore(%run_scoped3A : memref<!tpu.dma_semaphore, #tpu.memory_space<semaphore_mem>>) src(%arg11 : memref<128x128xf32, #tpu.memory_space<vmem>>) dst(%dma_wait3A_508 : memref<10240x128xf32, #tpu.memory_space<vmem_shared>>)
        tpu.yield
      }) : () -> ()
      %scan3A_502 = arith.constant 0 : i32
      scf.yield %scan3A_502 : i32
    }
    %scan3A_176 = arith.constant 41 : i32
    %dma_wait3A = arith.constant 0 : i32
    %dma_wait3A_177 = arith.constant 0 : i32
    %dma_wait3A_178 = tpu.memref_slice %arg2[%dma_wait3A, %dma_wait3A_177] : memref<10240x128xf32, #tpu.memory_space<hbm>> -> memref<128x128xf32, #tpu.memory_space<hbm>>
    %dma_wait3A_179 = arith.constant 0 : i32
    %dma_wait3A_180 = arith.constant 0 : i32
    %dma_wait3A_181 = tpu.memref_slice %arg2[%dma_wait3A_179, %dma_wait3A_180] : memref<10240x128xf32, #tpu.memory_space<hbm>> -> memref<128x128xf32, #tpu.memory_space<hbm>>
    tpu.wait_dma2 semaphore(%arg13 : memref<!tpu.dma_semaphore, #tpu.memory_space<semaphore_mem>>) src(%dma_wait3A_181 : memref<128x128xf32, #tpu.memory_space<hbm>>) dst(%arg10 : memref<128x128xf32, #tpu.memory_space<vmem>>)
    %barrier3A_182 = arith.constant 0 : index
    tpu.barrier barrier_id(%barrier3A_182)
    %mul3A_183 = arith.constant 640 : i32
    %mul3A_184 = arith.muli %arg1, %mul3A_183 : i32
    %mul3A_185 = arith.constant 640 : i32
    %mul3A_186 = arith.muli %arg1, %mul3A_185 : i32
    "tpu.region"() ({
      %run_scoped3A = tpu.sem_alloc : memref<!tpu.dma_semaphore, #tpu.memory_space<semaphore_mem>>
      %dma_start3A_187 = arith.constant 0 : i32
      %dma_start3A_188 = tpu.memref_slice %arg4[%arg0, %mul3A_186, %dma_start3A_187] : memref<2x10240x128xf32, #tpu.memory_space<hbm>> -> memref<1x640x128xf32, #tpu.memory_space<hbm>>
      %dma_start3A_189 = tpu.memref_squeeze %dma_start3A_188 : memref<1x640x128xf32, #tpu.memory_space<hbm>> -> memref<640x128xf32, #tpu.memory_space<hbm>>
      %dma_start3A_190 = arith.constant 0 : i32
      %dma_start3A_191 = tpu.memref_slice %arg12[%mul3A_184, %dma_start3A_190] : memref<10240x128xf32, #tpu.memory_space<vmem_shared>> -> memref<640x128xf32, #tpu.memory_space<vmem_shared>>
      tpu.enqueue_dma source(%dma_start3A_191 : memref<640x128xf32, #tpu.memory_space<vmem_shared>>) target(%dma_start3A_189 : memref<640x128xf32, #tpu.memory_space<hbm>>) target_semaphore(%run_scoped3A : memref<!tpu.dma_semaphore, #tpu.memory_space<semaphore_mem>>)
      %dma_wait3A_192 = arith.constant 0 : i32
      %dma_wait3A_193 = tpu.memref_slice %arg4[%arg0, %mul3A_186, %dma_wait3A_192] : memref<2x10240x128xf32, #tpu.memory_space<hbm>> -> memref<1x640x128xf32, #tpu.memory_space<hbm>>
      %dma_wait3A_194 = tpu.memref_squeeze %dma_wait3A_193 : memref<1x640x128xf32, #tpu.memory_space<hbm>> -> memref<640x128xf32, #tpu.memory_space<hbm>>
      %dma_wait3A_195 = arith.constant 0 : i32
      %dma_wait3A_196 = tpu.memref_slice %arg12[%mul3A_184, %dma_wait3A_195] : memref<10240x128xf32, #tpu.memory_space<vmem_shared>> -> memref<640x128xf32, #tpu.memory_space<vmem_shared>>
      tpu.wait_dma2 semaphore(%run_scoped3A : memref<!tpu.dma_semaphore, #tpu.memory_space<semaphore_mem>>) src(%dma_wait3A_196 : memref<640x128xf32, #tpu.memory_space<vmem_shared>>) dst(%dma_wait3A_194 : memref<640x128xf32, #tpu.memory_space<hbm>>)
      tpu.yield
    }) : () -> ()
    return
  }
}

#map = affine_map<(d0, d1) -> (0, 0)>
#map1 = affine_map<(d0, d1) -> (0, 0, 0)>
module attributes {stable_mosaic.version = 14 : i64} {
  func.func @_prop_body(%arg0: i32, %arg1: i32, %arg2: memref<10240x128xf32, #tpu.memory_space<hbm>>, %arg3: memref<32x82x128xi32, #tpu.memory_space<hbm>>, %arg4: memref<2x10240x128xf32, #tpu.memory_space<hbm>>, %arg5: memref<82x128xi32, #tpu.memory_space<vmem>>, %arg6: memref<128xi32, #tpu.memory_space<vmem>>, %arg7: memref<128xi32, #tpu.memory_space<vmem>>, %arg8: memref<128xi32, #tpu.memory_space<vmem>>, %arg9: memref<128xi32, #tpu.memory_space<vmem>>, %arg10: memref<128x128xf32, #tpu.memory_space<vmem>>, %arg11: memref<128x128xf32, #tpu.memory_space<vmem>>, %arg12: memref<10240x128xf32, #tpu.memory_space<vmem_shared>>, %arg13: memref<!tpu.dma_semaphore, #tpu.memory_space<semaphore_mem>>, %arg14: memref<!tpu.dma_semaphore, #tpu.memory_space<semaphore_mem>>) attributes {dimension_semantics = [#tpu.dimension_semantics<core_parallel>, #tpu.dimension_semantics<subcore_parallel>], iteration_bounds = array<i64: 2, 16>, scalar_prefetch = 0 : i64, scratch_operands = 10 : i64, tpu.core_type = #tpu.core_type<sc_vector_subcore>, window_params = [{transform_indices = #map}, {transform_indices = #map1}, {transform_indices = #map1}]} {
    %mul3A = arith.constant 2 : i32
    %mul3A_0 = arith.muli %arg1, %mul3A : i32
    %add3A = arith.addi %mul3A_0, %arg0 : i32
    %broadcast_in_dim3A = arith.constant 0.000000e+00 : f32
    %broadcast_in_dim3A_1 = vector.broadcast %broadcast_in_dim3A : f32 to vector<16xf32>
    %scan3A = arith.constant 0 : i32
    %scan3A_2 = arith.constant 0 : i32
    %scan3A_3 = arith.constant 128 : i32
    %scan3A_4 = arith.addi %scan3A_2, %scan3A_3 : i32
    %scan3A_5 = arith.constant 1 : i32
    %scan3A_6 = scf.for %scan3A_187 = %scan3A_2 to %scan3A_4 step %scan3A_5 iter_args(%scan3A_188 = %scan3A) -> (i32)  : i32 {
      %swap3A_189 = arith.index_cast %scan3A_187 : i32 to index
      %swap3A_190 = arith.constant 0 : index
      %swap3A_191 = tpu.vector_load %arg10[%swap3A_189, %swap3A_190] {strides = array<i32>} : memref<128x128xf32, #tpu.memory_space<vmem>>, vector<1x16xf32>,
      %swap3A_192 = vector.shape_cast %swap3A_191 : vector<1x16xf32> to vector<16xf32>
      %swap3A_193 = vector.shape_cast %broadcast_in_dim3A_1 : vector<16xf32> to vector<1x16xf32>
      tpu.vector_store %arg10[%swap3A_189, %swap3A_190], %swap3A_193 {strides = array<i32>} : memref<128x128xf32, #tpu.memory_space<vmem>>, vector<1x16xf32>,
      %swap3A_194 = arith.index_cast %scan3A_187 : i32 to index
      %swap3A_195 = arith.constant 16 : index
      %swap3A_196 = tpu.vector_load %arg10[%swap3A_194, %swap3A_195] {strides = array<i32>} : memref<128x128xf32, #tpu.memory_space<vmem>>, vector<1x16xf32>,
      %swap3A_197 = vector.shape_cast %swap3A_196 : vector<1x16xf32> to vector<16xf32>
      %swap3A_198 = vector.shape_cast %broadcast_in_dim3A_1 : vector<16xf32> to vector<1x16xf32>
      tpu.vector_store %arg10[%swap3A_194, %swap3A_195], %swap3A_198 {strides = array<i32>} : memref<128x128xf32, #tpu.memory_space<vmem>>, vector<1x16xf32>,
      %swap3A_199 = arith.index_cast %scan3A_187 : i32 to index
      %swap3A_200 = arith.constant 32 : index
      %swap3A_201 = tpu.vector_load %arg10[%swap3A_199, %swap3A_200] {strides = array<i32>} : memref<128x128xf32, #tpu.memory_space<vmem>>, vector<1x16xf32>,
      %swap3A_202 = vector.shape_cast %swap3A_201 : vector<1x16xf32> to vector<16xf32>
      %swap3A_203 = vector.shape_cast %broadcast_in_dim3A_1 : vector<16xf32> to vector<1x16xf32>
      tpu.vector_store %arg10[%swap3A_199, %swap3A_200], %swap3A_203 {strides = array<i32>} : memref<128x128xf32, #tpu.memory_space<vmem>>, vector<1x16xf32>,
      %swap3A_204 = arith.index_cast %scan3A_187 : i32 to index
      %swap3A_205 = arith.constant 48 : index
      %swap3A_206 = tpu.vector_load %arg10[%swap3A_204, %swap3A_205] {strides = array<i32>} : memref<128x128xf32, #tpu.memory_space<vmem>>, vector<1x16xf32>,
      %swap3A_207 = vector.shape_cast %swap3A_206 : vector<1x16xf32> to vector<16xf32>
      %swap3A_208 = vector.shape_cast %broadcast_in_dim3A_1 : vector<16xf32> to vector<1x16xf32>
      tpu.vector_store %arg10[%swap3A_204, %swap3A_205], %swap3A_208 {strides = array<i32>} : memref<128x128xf32, #tpu.memory_space<vmem>>, vector<1x16xf32>,
      %swap3A_209 = arith.index_cast %scan3A_187 : i32 to index
      %swap3A_210 = arith.constant 64 : index
      %swap3A_211 = tpu.vector_load %arg10[%swap3A_209, %swap3A_210] {strides = array<i32>} : memref<128x128xf32, #tpu.memory_space<vmem>>, vector<1x16xf32>,
      %swap3A_212 = vector.shape_cast %swap3A_211 : vector<1x16xf32> to vector<16xf32>
      %swap3A_213 = vector.shape_cast %broadcast_in_dim3A_1 : vector<16xf32> to vector<1x16xf32>
      tpu.vector_store %arg10[%swap3A_209, %swap3A_210], %swap3A_213 {strides = array<i32>} : memref<128x128xf32, #tpu.memory_space<vmem>>, vector<1x16xf32>,
      %swap3A_214 = arith.index_cast %scan3A_187 : i32 to index
      %swap3A_215 = arith.constant 80 : index
      %swap3A_216 = tpu.vector_load %arg10[%swap3A_214, %swap3A_215] {strides = array<i32>} : memref<128x128xf32, #tpu.memory_space<vmem>>, vector<1x16xf32>,
      %swap3A_217 = vector.shape_cast %swap3A_216 : vector<1x16xf32> to vector<16xf32>
      %swap3A_218 = vector.shape_cast %broadcast_in_dim3A_1 : vector<16xf32> to vector<1x16xf32>
      tpu.vector_store %arg10[%swap3A_214, %swap3A_215], %swap3A_218 {strides = array<i32>} : memref<128x128xf32, #tpu.memory_space<vmem>>, vector<1x16xf32>,
      %swap3A_219 = arith.index_cast %scan3A_187 : i32 to index
      %swap3A_220 = arith.constant 96 : index
      %swap3A_221 = tpu.vector_load %arg10[%swap3A_219, %swap3A_220] {strides = array<i32>} : memref<128x128xf32, #tpu.memory_space<vmem>>, vector<1x16xf32>,
      %swap3A_222 = vector.shape_cast %swap3A_221 : vector<1x16xf32> to vector<16xf32>
      %swap3A_223 = vector.shape_cast %broadcast_in_dim3A_1 : vector<16xf32> to vector<1x16xf32>
      tpu.vector_store %arg10[%swap3A_219, %swap3A_220], %swap3A_223 {strides = array<i32>} : memref<128x128xf32, #tpu.memory_space<vmem>>, vector<1x16xf32>,
      %swap3A_224 = arith.index_cast %scan3A_187 : i32 to index
      %swap3A_225 = arith.constant 112 : index
      %swap3A_226 = tpu.vector_load %arg10[%swap3A_224, %swap3A_225] {strides = array<i32>} : memref<128x128xf32, #tpu.memory_space<vmem>>, vector<1x16xf32>,
      %swap3A_227 = vector.shape_cast %swap3A_226 : vector<1x16xf32> to vector<16xf32>
      %swap3A_228 = vector.shape_cast %broadcast_in_dim3A_1 : vector<16xf32> to vector<1x16xf32>
      tpu.vector_store %arg10[%swap3A_224, %swap3A_225], %swap3A_228 {strides = array<i32>} : memref<128x128xf32, #tpu.memory_space<vmem>>, vector<1x16xf32>,
      %scan3A_229 = arith.constant 0 : i32
      scf.yield %scan3A_229 : i32
    }
    %scan3A_7 = arith.constant 128 : i32
    %mul3A_8 = arith.constant 640 : i32
    %mul3A_9 = arith.muli %arg1, %mul3A_8 : i32
    %add3A_10 = arith.constant 0 : i32
    %add3A_11 = arith.addi %mul3A_9, %add3A_10 : i32
    "tpu.region"() ({
      %run_scoped3A = tpu.sem_alloc : memref<!tpu.dma_semaphore, #tpu.memory_space<semaphore_mem>>
      %dma_start3A_187 = arith.constant 0 : i32
      %dma_start3A_188 = tpu.memref_slice %arg12[%add3A_11, %dma_start3A_187] : memref<10240x128xf32, #tpu.memory_space<vmem_shared>> -> memref<128x128xf32, #tpu.memory_space<vmem_shared>>
      %dma_start3A_189 = arith.constant 0 : i32
      %dma_start3A_190 = tpu.memref_slice %arg12[%add3A_11, %dma_start3A_189] : memref<10240x128xf32, #tpu.memory_space<vmem_shared>> -> memref<128x128xf32, #tpu.memory_space<vmem_shared>>
      tpu.enqueue_dma source(%arg10 : memref<128x128xf32, #tpu.memory_space<vmem>>) target(%dma_start3A_190 : memref<128x128xf32, #tpu.memory_space<vmem_shared>>) target_semaphore(%run_scoped3A : memref<!tpu.dma_semaphore, #tpu.memory_space<semaphore_mem>>)
      %dma_wait3A_191 = arith.constant 0 : i32
      %dma_wait3A_192 = tpu.memref_slice %arg12[%add3A_11, %dma_wait3A_191] : memref<10240x128xf32, #tpu.memory_space<vmem_shared>> -> memref<128x128xf32, #tpu.memory_space<vmem_shared>>
      %dma_wait3A_193 = arith.constant 0 : i32
      %dma_wait3A_194 = tpu.memref_slice %arg12[%add3A_11, %dma_wait3A_193] : memref<10240x128xf32, #tpu.memory_space<vmem_shared>> -> memref<128x128xf32, #tpu.memory_space<vmem_shared>>
      tpu.wait_dma2 semaphore(%run_scoped3A : memref<!tpu.dma_semaphore, #tpu.memory_space<semaphore_mem>>) src(%arg10 : memref<128x128xf32, #tpu.memory_space<vmem>>) dst(%dma_wait3A_194 : memref<128x128xf32, #tpu.memory_space<vmem_shared>>)
      tpu.yield
    }) : () -> ()
    %add3A_12 = arith.constant 128 : i32
    %add3A_13 = arith.addi %mul3A_9, %add3A_12 : i32
    "tpu.region"() ({
      %run_scoped3A = tpu.sem_alloc : memref<!tpu.dma_semaphore, #tpu.memory_space<semaphore_mem>>
      %dma_start3A_187 = arith.constant 0 : i32
      %dma_start3A_188 = tpu.memref_slice %arg12[%add3A_13, %dma_start3A_187] : memref<10240x128xf32, #tpu.memory_space<vmem_shared>> -> memref<128x128xf32, #tpu.memory_space<vmem_shared>>
      %dma_start3A_189 = arith.constant 0 : i32
      %dma_start3A_190 = tpu.memref_slice %arg12[%add3A_13, %dma_start3A_189] : memref<10240x128xf32, #tpu.memory_space<vmem_shared>> -> memref<128x128xf32, #tpu.memory_space<vmem_shared>>
      tpu.enqueue_dma source(%arg10 : memref<128x128xf32, #tpu.memory_space<vmem>>) target(%dma_start3A_190 : memref<128x128xf32, #tpu.memory_space<vmem_shared>>) target_semaphore(%run_scoped3A : memref<!tpu.dma_semaphore, #tpu.memory_space<semaphore_mem>>)
      %dma_wait3A_191 = arith.constant 0 : i32
      %dma_wait3A_192 = tpu.memref_slice %arg12[%add3A_13, %dma_wait3A_191] : memref<10240x128xf32, #tpu.memory_space<vmem_shared>> -> memref<128x128xf32, #tpu.memory_space<vmem_shared>>
      %dma_wait3A_193 = arith.constant 0 : i32
      %dma_wait3A_194 = tpu.memref_slice %arg12[%add3A_13, %dma_wait3A_193] : memref<10240x128xf32, #tpu.memory_space<vmem_shared>> -> memref<128x128xf32, #tpu.memory_space<vmem_shared>>
      tpu.wait_dma2 semaphore(%run_scoped3A : memref<!tpu.dma_semaphore, #tpu.memory_space<semaphore_mem>>) src(%arg10 : memref<128x128xf32, #tpu.memory_space<vmem>>) dst(%dma_wait3A_194 : memref<128x128xf32, #tpu.memory_space<vmem_shared>>)
      tpu.yield
    }) : () -> ()
    %add3A_14 = arith.constant 256 : i32
    %add3A_15 = arith.addi %mul3A_9, %add3A_14 : i32
    "tpu.region"() ({
      %run_scoped3A = tpu.sem_alloc : memref<!tpu.dma_semaphore, #tpu.memory_space<semaphore_mem>>
      %dma_start3A_187 = arith.constant 0 : i32
      %dma_start3A_188 = tpu.memref_slice %arg12[%add3A_15, %dma_start3A_187] : memref<10240x128xf32, #tpu.memory_space<vmem_shared>> -> memref<128x128xf32, #tpu.memory_space<vmem_shared>>
      %dma_start3A_189 = arith.constant 0 : i32
      %dma_start3A_190 = tpu.memref_slice %arg12[%add3A_15, %dma_start3A_189] : memref<10240x128xf32, #tpu.memory_space<vmem_shared>> -> memref<128x128xf32, #tpu.memory_space<vmem_shared>>
      tpu.enqueue_dma source(%arg10 : memref<128x128xf32, #tpu.memory_space<vmem>>) target(%dma_start3A_190 : memref<128x128xf32, #tpu.memory_space<vmem_shared>>) target_semaphore(%run_scoped3A : memref<!tpu.dma_semaphore, #tpu.memory_space<semaphore_mem>>)
      %dma_wait3A_191 = arith.constant 0 : i32
      %dma_wait3A_192 = tpu.memref_slice %arg12[%add3A_15, %dma_wait3A_191] : memref<10240x128xf32, #tpu.memory_space<vmem_shared>> -> memref<128x128xf32, #tpu.memory_space<vmem_shared>>
      %dma_wait3A_193 = arith.constant 0 : i32
      %dma_wait3A_194 = tpu.memref_slice %arg12[%add3A_15, %dma_wait3A_193] : memref<10240x128xf32, #tpu.memory_space<vmem_shared>> -> memref<128x128xf32, #tpu.memory_space<vmem_shared>>
      tpu.wait_dma2 semaphore(%run_scoped3A : memref<!tpu.dma_semaphore, #tpu.memory_space<semaphore_mem>>) src(%arg10 : memref<128x128xf32, #tpu.memory_space<vmem>>) dst(%dma_wait3A_194 : memref<128x128xf32, #tpu.memory_space<vmem_shared>>)
      tpu.yield
    }) : () -> ()
    %add3A_16 = arith.constant 384 : i32
    %add3A_17 = arith.addi %mul3A_9, %add3A_16 : i32
    "tpu.region"() ({
      %run_scoped3A = tpu.sem_alloc : memref<!tpu.dma_semaphore, #tpu.memory_space<semaphore_mem>>
      %dma_start3A_187 = arith.constant 0 : i32
      %dma_start3A_188 = tpu.memref_slice %arg12[%add3A_17, %dma_start3A_187] : memref<10240x128xf32, #tpu.memory_space<vmem_shared>> -> memref<128x128xf32, #tpu.memory_space<vmem_shared>>
      %dma_start3A_189 = arith.constant 0 : i32
      %dma_start3A_190 = tpu.memref_slice %arg12[%add3A_17, %dma_start3A_189] : memref<10240x128xf32, #tpu.memory_space<vmem_shared>> -> memref<128x128xf32, #tpu.memory_space<vmem_shared>>
      tpu.enqueue_dma source(%arg10 : memref<128x128xf32, #tpu.memory_space<vmem>>) target(%dma_start3A_190 : memref<128x128xf32, #tpu.memory_space<vmem_shared>>) target_semaphore(%run_scoped3A : memref<!tpu.dma_semaphore, #tpu.memory_space<semaphore_mem>>)
      %dma_wait3A_191 = arith.constant 0 : i32
      %dma_wait3A_192 = tpu.memref_slice %arg12[%add3A_17, %dma_wait3A_191] : memref<10240x128xf32, #tpu.memory_space<vmem_shared>> -> memref<128x128xf32, #tpu.memory_space<vmem_shared>>
      %dma_wait3A_193 = arith.constant 0 : i32
      %dma_wait3A_194 = tpu.memref_slice %arg12[%add3A_17, %dma_wait3A_193] : memref<10240x128xf32, #tpu.memory_space<vmem_shared>> -> memref<128x128xf32, #tpu.memory_space<vmem_shared>>
      tpu.wait_dma2 semaphore(%run_scoped3A : memref<!tpu.dma_semaphore, #tpu.memory_space<semaphore_mem>>) src(%arg10 : memref<128x128xf32, #tpu.memory_space<vmem>>) dst(%dma_wait3A_194 : memref<128x128xf32, #tpu.memory_space<vmem_shared>>)
      tpu.yield
    }) : () -> ()
    %add3A_18 = arith.constant 512 : i32
    %add3A_19 = arith.addi %mul3A_9, %add3A_18 : i32
    "tpu.region"() ({
      %run_scoped3A = tpu.sem_alloc : memref<!tpu.dma_semaphore, #tpu.memory_space<semaphore_mem>>
      %dma_start3A_187 = arith.constant 0 : i32
      %dma_start3A_188 = tpu.memref_slice %arg12[%add3A_19, %dma_start3A_187] : memref<10240x128xf32, #tpu.memory_space<vmem_shared>> -> memref<128x128xf32, #tpu.memory_space<vmem_shared>>
      %dma_start3A_189 = arith.constant 0 : i32
      %dma_start3A_190 = tpu.memref_slice %arg12[%add3A_19, %dma_start3A_189] : memref<10240x128xf32, #tpu.memory_space<vmem_shared>> -> memref<128x128xf32, #tpu.memory_space<vmem_shared>>
      tpu.enqueue_dma source(%arg10 : memref<128x128xf32, #tpu.memory_space<vmem>>) target(%dma_start3A_190 : memref<128x128xf32, #tpu.memory_space<vmem_shared>>) target_semaphore(%run_scoped3A : memref<!tpu.dma_semaphore, #tpu.memory_space<semaphore_mem>>)
      %dma_wait3A_191 = arith.constant 0 : i32
      %dma_wait3A_192 = tpu.memref_slice %arg12[%add3A_19, %dma_wait3A_191] : memref<10240x128xf32, #tpu.memory_space<vmem_shared>> -> memref<128x128xf32, #tpu.memory_space<vmem_shared>>
      %dma_wait3A_193 = arith.constant 0 : i32
      %dma_wait3A_194 = tpu.memref_slice %arg12[%add3A_19, %dma_wait3A_193] : memref<10240x128xf32, #tpu.memory_space<vmem_shared>> -> memref<128x128xf32, #tpu.memory_space<vmem_shared>>
      tpu.wait_dma2 semaphore(%run_scoped3A : memref<!tpu.dma_semaphore, #tpu.memory_space<semaphore_mem>>) src(%arg10 : memref<128x128xf32, #tpu.memory_space<vmem>>) dst(%dma_wait3A_194 : memref<128x128xf32, #tpu.memory_space<vmem_shared>>)
      tpu.yield
    }) : () -> ()
    %barrier3A = arith.constant 0 : index
    tpu.barrier barrier_id(%barrier3A)
    "tpu.region"() ({
      %run_scoped3A = tpu.sem_alloc : memref<!tpu.dma_semaphore, #tpu.memory_space<semaphore_mem>>
      %dma_start3A_187 = arith.constant 0 : i32
      %dma_start3A_188 = arith.constant 0 : i32
      %dma_start3A_189 = tpu.memref_slice %arg3[%add3A, %dma_start3A_187, %dma_start3A_188] : memref<32x82x128xi32, #tpu.memory_space<hbm>> -> memref<1x82x128xi32, #tpu.memory_space<hbm>>
      %dma_start3A_190 = tpu.memref_squeeze %dma_start3A_189 : memref<1x82x128xi32, #tpu.memory_space<hbm>> -> memref<82x128xi32, #tpu.memory_space<hbm>>
      %dma_start3A_191 = arith.constant 0 : i32
      %dma_start3A_192 = arith.constant 0 : i32
      %dma_start3A_193 = tpu.memref_slice %arg3[%add3A, %dma_start3A_191, %dma_start3A_192] : memref<32x82x128xi32, #tpu.memory_space<hbm>> -> memref<1x82x128xi32, #tpu.memory_space<hbm>>
      %dma_start3A_194 = tpu.memref_squeeze %dma_start3A_193 : memref<1x82x128xi32, #tpu.memory_space<hbm>> -> memref<82x128xi32, #tpu.memory_space<hbm>>
      tpu.enqueue_dma source(%dma_start3A_194 : memref<82x128xi32, #tpu.memory_space<hbm>>) target(%arg5 : memref<82x128xi32, #tpu.memory_space<vmem>>) target_semaphore(%run_scoped3A : memref<!tpu.dma_semaphore, #tpu.memory_space<semaphore_mem>>)
      %dma_wait3A_195 = arith.constant 0 : i32
      %dma_wait3A_196 = arith.constant 0 : i32
      %dma_wait3A_197 = tpu.memref_slice %arg3[%add3A, %dma_wait3A_195, %dma_wait3A_196] : memref<32x82x128xi32, #tpu.memory_space<hbm>> -> memref<1x82x128xi32, #tpu.memory_space<hbm>>
      %dma_wait3A_198 = tpu.memref_squeeze %dma_wait3A_197 : memref<1x82x128xi32, #tpu.memory_space<hbm>> -> memref<82x128xi32, #tpu.memory_space<hbm>>
      %dma_wait3A_199 = arith.constant 0 : i32
      %dma_wait3A_200 = arith.constant 0 : i32
      %dma_wait3A_201 = tpu.memref_slice %arg3[%add3A, %dma_wait3A_199, %dma_wait3A_200] : memref<32x82x128xi32, #tpu.memory_space<hbm>> -> memref<1x82x128xi32, #tpu.memory_space<hbm>>
      %dma_wait3A_202 = tpu.memref_squeeze %dma_wait3A_201 : memref<1x82x128xi32, #tpu.memory_space<hbm>> -> memref<82x128xi32, #tpu.memory_space<hbm>>
      tpu.wait_dma2 semaphore(%run_scoped3A : memref<!tpu.dma_semaphore, #tpu.memory_space<semaphore_mem>>) src(%dma_wait3A_202 : memref<82x128xi32, #tpu.memory_space<hbm>>) dst(%arg5 : memref<82x128xi32, #tpu.memory_space<vmem>>)
      tpu.yield
    }) : () -> ()
    %get3A = arith.constant 0 : i32
    %get3A_20 = arith.index_cast %get3A : i32 to index
    %get3A_21 = arith.constant 0 : index
    %get3A_22 = tpu.vector_load %arg5[%get3A_20, %get3A_21] {strides = array<i32>} : memref<82x128xi32, #tpu.memory_space<vmem>>, vector<1x16xi32>,
    %get3A_23 = vector.shape_cast %get3A_22 : vector<1x16xi32> to vector<16xi32>
    %and3A = arith.constant 65535 : i32
    %and3A_24 = vector.broadcast %and3A : i32 to vector<16xi32>
    %and3A_25 = arith.andi %get3A_23, %and3A_24 : vector<16xi32>
    %swap3A = arith.constant 0 : index
    %swap3A_26 = tpu.vector_load %arg6[%swap3A] {strides = array<i32>} : memref<128xi32, #tpu.memory_space<vmem>>, vector<16xi32>,
    %swap3A_27 = vector.shape_cast %swap3A_26 : vector<16xi32> to vector<16xi32>
    %swap3A_28 = vector.shape_cast %and3A_25 : vector<16xi32> to vector<16xi32>
    tpu.vector_store %arg6[%swap3A], %swap3A_28 {strides = array<i32>} : memref<128xi32, #tpu.memory_space<vmem>>, vector<16xi32>,
    %shift_right_arithmetic3A = arith.constant 16 : i32
    %shift_right_arithmetic3A_29 = vector.broadcast %shift_right_arithmetic3A : i32 to vector<16xi32>
    %shift_right_arithmetic3A_30 = arith.shrsi %get3A_23, %shift_right_arithmetic3A_29 : vector<16xi32>
    %swap3A_31 = arith.constant 0 : index
    %swap3A_32 = tpu.vector_load %arg7[%swap3A_31] {strides = array<i32>} : memref<128xi32, #tpu.memory_space<vmem>>, vector<16xi32>,
    %swap3A_33 = vector.shape_cast %swap3A_32 : vector<16xi32> to vector<16xi32>
    %swap3A_34 = vector.shape_cast %shift_right_arithmetic3A_30 : vector<16xi32> to vector<16xi32>
    tpu.vector_store %arg7[%swap3A_31], %swap3A_34 {strides = array<i32>} : memref<128xi32, #tpu.memory_space<vmem>>, vector<16xi32>,
    %get3A_35 = arith.constant 0 : i32
    %get3A_36 = arith.index_cast %get3A_35 : i32 to index
    %get3A_37 = arith.constant 16 : index
    %get3A_38 = tpu.vector_load %arg5[%get3A_36, %get3A_37] {strides = array<i32>} : memref<82x128xi32, #tpu.memory_space<vmem>>, vector<1x16xi32>,
    %get3A_39 = vector.shape_cast %get3A_38 : vector<1x16xi32> to vector<16xi32>
    %and3A_40 = arith.constant 65535 : i32
    %and3A_41 = vector.broadcast %and3A_40 : i32 to vector<16xi32>
    %and3A_42 = arith.andi %get3A_39, %and3A_41 : vector<16xi32>
    %swap3A_43 = arith.constant 16 : index
    %swap3A_44 = tpu.vector_load %arg6[%swap3A_43] {strides = array<i32>} : memref<128xi32, #tpu.memory_space<vmem>>, vector<16xi32>,
    %swap3A_45 = vector.shape_cast %swap3A_44 : vector<16xi32> to vector<16xi32>
    %swap3A_46 = vector.shape_cast %and3A_42 : vector<16xi32> to vector<16xi32>
    tpu.vector_store %arg6[%swap3A_43], %swap3A_46 {strides = array<i32>} : memref<128xi32, #tpu.memory_space<vmem>>, vector<16xi32>,
    %shift_right_arithmetic3A_47 = arith.constant 16 : i32
    %shift_right_arithmetic3A_48 = vector.broadcast %shift_right_arithmetic3A_47 : i32 to vector<16xi32>
    %shift_right_arithmetic3A_49 = arith.shrsi %get3A_39, %shift_right_arithmetic3A_48 : vector<16xi32>
    %swap3A_50 = arith.constant 16 : index
    %swap3A_51 = tpu.vector_load %arg7[%swap3A_50] {strides = array<i32>} : memref<128xi32, #tpu.memory_space<vmem>>, vector<16xi32>,
    %swap3A_52 = vector.shape_cast %swap3A_51 : vector<16xi32> to vector<16xi32>
    %swap3A_53 = vector.shape_cast %shift_right_arithmetic3A_49 : vector<16xi32> to vector<16xi32>
    tpu.vector_store %arg7[%swap3A_50], %swap3A_53 {strides = array<i32>} : memref<128xi32, #tpu.memory_space<vmem>>, vector<16xi32>,
    %get3A_54 = arith.constant 0 : i32
    %get3A_55 = arith.index_cast %get3A_54 : i32 to index
    %get3A_56 = arith.constant 32 : index
    %get3A_57 = tpu.vector_load %arg5[%get3A_55, %get3A_56] {strides = array<i32>} : memref<82x128xi32, #tpu.memory_space<vmem>>, vector<1x16xi32>,
    %get3A_58 = vector.shape_cast %get3A_57 : vector<1x16xi32> to vector<16xi32>
    %and3A_59 = arith.constant 65535 : i32
    %and3A_60 = vector.broadcast %and3A_59 : i32 to vector<16xi32>
    %and3A_61 = arith.andi %get3A_58, %and3A_60 : vector<16xi32>
    %swap3A_62 = arith.constant 32 : index
    %swap3A_63 = tpu.vector_load %arg6[%swap3A_62] {strides = array<i32>} : memref<128xi32, #tpu.memory_space<vmem>>, vector<16xi32>,
    %swap3A_64 = vector.shape_cast %swap3A_63 : vector<16xi32> to vector<16xi32>
    %swap3A_65 = vector.shape_cast %and3A_61 : vector<16xi32> to vector<16xi32>
    tpu.vector_store %arg6[%swap3A_62], %swap3A_65 {strides = array<i32>} : memref<128xi32, #tpu.memory_space<vmem>>, vector<16xi32>,
    %shift_right_arithmetic3A_66 = arith.constant 16 : i32
    %shift_right_arithmetic3A_67 = vector.broadcast %shift_right_arithmetic3A_66 : i32 to vector<16xi32>
    %shift_right_arithmetic3A_68 = arith.shrsi %get3A_58, %shift_right_arithmetic3A_67 : vector<16xi32>
    %swap3A_69 = arith.constant 32 : index
    %swap3A_70 = tpu.vector_load %arg7[%swap3A_69] {strides = array<i32>} : memref<128xi32, #tpu.memory_space<vmem>>, vector<16xi32>,
    %swap3A_71 = vector.shape_cast %swap3A_70 : vector<16xi32> to vector<16xi32>
    %swap3A_72 = vector.shape_cast %shift_right_arithmetic3A_68 : vector<16xi32> to vector<16xi32>
    tpu.vector_store %arg7[%swap3A_69], %swap3A_72 {strides = array<i32>} : memref<128xi32, #tpu.memory_space<vmem>>, vector<16xi32>,
    %get3A_73 = arith.constant 0 : i32
    %get3A_74 = arith.index_cast %get3A_73 : i32 to index
    %get3A_75 = arith.constant 48 : index
    %get3A_76 = tpu.vector_load %arg5[%get3A_74, %get3A_75] {strides = array<i32>} : memref<82x128xi32, #tpu.memory_space<vmem>>, vector<1x16xi32>,
    %get3A_77 = vector.shape_cast %get3A_76 : vector<1x16xi32> to vector<16xi32>
    %and3A_78 = arith.constant 65535 : i32
    %and3A_79 = vector.broadcast %and3A_78 : i32 to vector<16xi32>
    %and3A_80 = arith.andi %get3A_77, %and3A_79 : vector<16xi32>
    %swap3A_81 = arith.constant 48 : index
    %swap3A_82 = tpu.vector_load %arg6[%swap3A_81] {strides = array<i32>} : memref<128xi32, #tpu.memory_space<vmem>>, vector<16xi32>,
    %swap3A_83 = vector.shape_cast %swap3A_82 : vector<16xi32> to vector<16xi32>
    %swap3A_84 = vector.shape_cast %and3A_80 : vector<16xi32> to vector<16xi32>
    tpu.vector_store %arg6[%swap3A_81], %swap3A_84 {strides = array<i32>} : memref<128xi32, #tpu.memory_space<vmem>>, vector<16xi32>,
    %shift_right_arithmetic3A_85 = arith.constant 16 : i32
    %shift_right_arithmetic3A_86 = vector.broadcast %shift_right_arithmetic3A_85 : i32 to vector<16xi32>
    %shift_right_arithmetic3A_87 = arith.shrsi %get3A_77, %shift_right_arithmetic3A_86 : vector<16xi32>
    %swap3A_88 = arith.constant 48 : index
    %swap3A_89 = tpu.vector_load %arg7[%swap3A_88] {strides = array<i32>} : memref<128xi32, #tpu.memory_space<vmem>>, vector<16xi32>,
    %swap3A_90 = vector.shape_cast %swap3A_89 : vector<16xi32> to vector<16xi32>
    %swap3A_91 = vector.shape_cast %shift_right_arithmetic3A_87 : vector<16xi32> to vector<16xi32>
    tpu.vector_store %arg7[%swap3A_88], %swap3A_91 {strides = array<i32>} : memref<128xi32, #tpu.memory_space<vmem>>, vector<16xi32>,
    %get3A_92 = arith.constant 0 : i32
    %get3A_93 = arith.index_cast %get3A_92 : i32 to index
    %get3A_94 = arith.constant 64 : index
    %get3A_95 = tpu.vector_load %arg5[%get3A_93, %get3A_94] {strides = array<i32>} : memref<82x128xi32, #tpu.memory_space<vmem>>, vector<1x16xi32>,
    %get3A_96 = vector.shape_cast %get3A_95 : vector<1x16xi32> to vector<16xi32>
    %and3A_97 = arith.constant 65535 : i32
    %and3A_98 = vector.broadcast %and3A_97 : i32 to vector<16xi32>
    %and3A_99 = arith.andi %get3A_96, %and3A_98 : vector<16xi32>
    %swap3A_100 = arith.constant 64 : index
    %swap3A_101 = tpu.vector_load %arg6[%swap3A_100] {strides = array<i32>} : memref<128xi32, #tpu.memory_space<vmem>>, vector<16xi32>,
    %swap3A_102 = vector.shape_cast %swap3A_101 : vector<16xi32> to vector<16xi32>
    %swap3A_103 = vector.shape_cast %and3A_99 : vector<16xi32> to vector<16xi32>
    tpu.vector_store %arg6[%swap3A_100], %swap3A_103 {strides = array<i32>} : memref<128xi32, #tpu.memory_space<vmem>>, vector<16xi32>,
    %shift_right_arithmetic3A_104 = arith.constant 16 : i32
    %shift_right_arithmetic3A_105 = vector.broadcast %shift_right_arithmetic3A_104 : i32 to vector<16xi32>
    %shift_right_arithmetic3A_106 = arith.shrsi %get3A_96, %shift_right_arithmetic3A_105 : vector<16xi32>
    %swap3A_107 = arith.constant 64 : index
    %swap3A_108 = tpu.vector_load %arg7[%swap3A_107] {strides = array<i32>} : memref<128xi32, #tpu.memory_space<vmem>>, vector<16xi32>,
    %swap3A_109 = vector.shape_cast %swap3A_108 : vector<16xi32> to vector<16xi32>
    %swap3A_110 = vector.shape_cast %shift_right_arithmetic3A_106 : vector<16xi32> to vector<16xi32>
    tpu.vector_store %arg7[%swap3A_107], %swap3A_110 {strides = array<i32>} : memref<128xi32, #tpu.memory_space<vmem>>, vector<16xi32>,
    %get3A_111 = arith.constant 0 : i32
    %get3A_112 = arith.index_cast %get3A_111 : i32 to index
    %get3A_113 = arith.constant 80 : index
    %get3A_114 = tpu.vector_load %arg5[%get3A_112, %get3A_113] {strides = array<i32>} : memref<82x128xi32, #tpu.memory_space<vmem>>, vector<1x16xi32>,
    %get3A_115 = vector.shape_cast %get3A_114 : vector<1x16xi32> to vector<16xi32>
    %and3A_116 = arith.constant 65535 : i32
    %and3A_117 = vector.broadcast %and3A_116 : i32 to vector<16xi32>
    %and3A_118 = arith.andi %get3A_115, %and3A_117 : vector<16xi32>
    %swap3A_119 = arith.constant 80 : index
    %swap3A_120 = tpu.vector_load %arg6[%swap3A_119] {strides = array<i32>} : memref<128xi32, #tpu.memory_space<vmem>>, vector<16xi32>,
    %swap3A_121 = vector.shape_cast %swap3A_120 : vector<16xi32> to vector<16xi32>
    %swap3A_122 = vector.shape_cast %and3A_118 : vector<16xi32> to vector<16xi32>
    tpu.vector_store %arg6[%swap3A_119], %swap3A_122 {strides = array<i32>} : memref<128xi32, #tpu.memory_space<vmem>>, vector<16xi32>,
    %shift_right_arithmetic3A_123 = arith.constant 16 : i32
    %shift_right_arithmetic3A_124 = vector.broadcast %shift_right_arithmetic3A_123 : i32 to vector<16xi32>
    %shift_right_arithmetic3A_125 = arith.shrsi %get3A_115, %shift_right_arithmetic3A_124 : vector<16xi32>
    %swap3A_126 = arith.constant 80 : index
    %swap3A_127 = tpu.vector_load %arg7[%swap3A_126] {strides = array<i32>} : memref<128xi32, #tpu.memory_space<vmem>>, vector<16xi32>,
    %swap3A_128 = vector.shape_cast %swap3A_127 : vector<16xi32> to vector<16xi32>
    %swap3A_129 = vector.shape_cast %shift_right_arithmetic3A_125 : vector<16xi32> to vector<16xi32>
    tpu.vector_store %arg7[%swap3A_126], %swap3A_129 {strides = array<i32>} : memref<128xi32, #tpu.memory_space<vmem>>, vector<16xi32>,
    %get3A_130 = arith.constant 0 : i32
    %get3A_131 = arith.index_cast %get3A_130 : i32 to index
    %get3A_132 = arith.constant 96 : index
    %get3A_133 = tpu.vector_load %arg5[%get3A_131, %get3A_132] {strides = array<i32>} : memref<82x128xi32, #tpu.memory_space<vmem>>, vector<1x16xi32>,
    %get3A_134 = vector.shape_cast %get3A_133 : vector<1x16xi32> to vector<16xi32>
    %and3A_135 = arith.constant 65535 : i32
    %and3A_136 = vector.broadcast %and3A_135 : i32 to vector<16xi32>
    %and3A_137 = arith.andi %get3A_134, %and3A_136 : vector<16xi32>
    %swap3A_138 = arith.constant 96 : index
    %swap3A_139 = tpu.vector_load %arg6[%swap3A_138] {strides = array<i32>} : memref<128xi32, #tpu.memory_space<vmem>>, vector<16xi32>,
    %swap3A_140 = vector.shape_cast %swap3A_139 : vector<16xi32> to vector<16xi32>
    %swap3A_141 = vector.shape_cast %and3A_137 : vector<16xi32> to vector<16xi32>
    tpu.vector_store %arg6[%swap3A_138], %swap3A_141 {strides = array<i32>} : memref<128xi32, #tpu.memory_space<vmem>>, vector<16xi32>,
    %shift_right_arithmetic3A_142 = arith.constant 16 : i32
    %shift_right_arithmetic3A_143 = vector.broadcast %shift_right_arithmetic3A_142 : i32 to vector<16xi32>
    %shift_right_arithmetic3A_144 = arith.shrsi %get3A_134, %shift_right_arithmetic3A_143 : vector<16xi32>
    %swap3A_145 = arith.constant 96 : index
    %swap3A_146 = tpu.vector_load %arg7[%swap3A_145] {strides = array<i32>} : memref<128xi32, #tpu.memory_space<vmem>>, vector<16xi32>,
    %swap3A_147 = vector.shape_cast %swap3A_146 : vector<16xi32> to vector<16xi32>
    %swap3A_148 = vector.shape_cast %shift_right_arithmetic3A_144 : vector<16xi32> to vector<16xi32>
    tpu.vector_store %arg7[%swap3A_145], %swap3A_148 {strides = array<i32>} : memref<128xi32, #tpu.memory_space<vmem>>, vector<16xi32>,
    %get3A_149 = arith.constant 0 : i32
    %get3A_150 = arith.index_cast %get3A_149 : i32 to index
    %get3A_151 = arith.constant 112 : index
    %get3A_152 = tpu.vector_load %arg5[%get3A_150, %get3A_151] {strides = array<i32>} : memref<82x128xi32, #tpu.memory_space<vmem>>, vector<1x16xi32>,
    %get3A_153 = vector.shape_cast %get3A_152 : vector<1x16xi32> to vector<16xi32>
    %and3A_154 = arith.constant 65535 : i32
    %and3A_155 = vector.broadcast %and3A_154 : i32 to vector<16xi32>
    %and3A_156 = arith.andi %get3A_153, %and3A_155 : vector<16xi32>
    %swap3A_157 = arith.constant 112 : index
    %swap3A_158 = tpu.vector_load %arg6[%swap3A_157] {strides = array<i32>} : memref<128xi32, #tpu.memory_space<vmem>>, vector<16xi32>,
    %swap3A_159 = vector.shape_cast %swap3A_158 : vector<16xi32> to vector<16xi32>
    %swap3A_160 = vector.shape_cast %and3A_156 : vector<16xi32> to vector<16xi32>
    tpu.vector_store %arg6[%swap3A_157], %swap3A_160 {strides = array<i32>} : memref<128xi32, #tpu.memory_space<vmem>>, vector<16xi32>,
    %shift_right_arithmetic3A_161 = arith.constant 16 : i32
    %shift_right_arithmetic3A_162 = vector.broadcast %shift_right_arithmetic3A_161 : i32 to vector<16xi32>
    %shift_right_arithmetic3A_163 = arith.shrsi %get3A_153, %shift_right_arithmetic3A_162 : vector<16xi32>
    %swap3A_164 = arith.constant 112 : index
    %swap3A_165 = tpu.vector_load %arg7[%swap3A_164] {strides = array<i32>} : memref<128xi32, #tpu.memory_space<vmem>>, vector<16xi32>,
    %swap3A_166 = vector.shape_cast %swap3A_165 : vector<16xi32> to vector<16xi32>
    %swap3A_167 = vector.shape_cast %shift_right_arithmetic3A_163 : vector<16xi32> to vector<16xi32>
    tpu.vector_store %arg7[%swap3A_164], %swap3A_167 {strides = array<i32>} : memref<128xi32, #tpu.memory_space<vmem>>, vector<16xi32>,
    %dma_start3A = arith.constant 0 : i32
    %dma_start3A_168 = arith.constant 0 : i32
    %dma_start3A_169 = tpu.memref_slice %arg2[%dma_start3A, %dma_start3A_168] : memref<10240x128xf32, #tpu.memory_space<hbm>> -> memref<10240x128xf32, #tpu.memory_space<hbm>>
    tpu.enqueue_indirect_dma source(%dma_start3A_169 : memref<10240x128xf32, #tpu.memory_space<hbm>>) target(%arg10 : memref<128x128xf32, #tpu.memory_space<vmem>>) offsets(%arg6 : memref<128xi32, #tpu.memory_space<vmem>>) semaphore(%arg13 : memref<!tpu.dma_semaphore, #tpu.memory_space<semaphore_mem>>)
    %scan3A_170 = arith.constant 0 : i32
    %scan3A_171 = arith.constant 0 : i32
    %scan3A_172 = arith.constant 41 : i32
    %scan3A_173 = arith.addi %scan3A_171, %scan3A_172 : i32
    %scan3A_174 = arith.constant 1 : i32
    %scan3A_175 = scf.for %scan3A_187 = %scan3A_171 to %scan3A_173 step %scan3A_174 iter_args(%scan3A_188 = %scan3A_170) -> (i32)  : i32 {
      %mul3A_189 = arith.constant 2 : i32
      %mul3A_190 = arith.muli %mul3A_189, %scan3A_187 : i32
      %add3A_191 = arith.constant 1 : i32
      %add3A_192 = arith.addi %mul3A_190, %add3A_191 : i32
      %get3A_193 = arith.index_cast %add3A_192 : i32 to index
      %get3A_194 = arith.constant 0 : index
      %get3A_195 = tpu.vector_load %arg5[%get3A_193, %get3A_194] {strides = array<i32>} : memref<82x128xi32, #tpu.memory_space<vmem>>, vector<1x16xi32>,
      %get3A_196 = vector.shape_cast %get3A_195 : vector<1x16xi32> to vector<16xi32>
      %and3A_197 = arith.constant 65535 : i32
      %and3A_198 = vector.broadcast %and3A_197 : i32 to vector<16xi32>
      %and3A_199 = arith.andi %get3A_196, %and3A_198 : vector<16xi32>
      %swap3A_200 = arith.constant 0 : index
      %swap3A_201 = tpu.vector_load %arg8[%swap3A_200] {strides = array<i32>} : memref<128xi32, #tpu.memory_space<vmem>>, vector<16xi32>,
      %swap3A_202 = vector.shape_cast %swap3A_201 : vector<16xi32> to vector<16xi32>
      %swap3A_203 = vector.shape_cast %and3A_199 : vector<16xi32> to vector<16xi32>
      tpu.vector_store %arg8[%swap3A_200], %swap3A_203 {strides = array<i32>} : memref<128xi32, #tpu.memory_space<vmem>>, vector<16xi32>,
      %shift_right_arithmetic3A_204 = arith.constant 16 : i32
      %shift_right_arithmetic3A_205 = vector.broadcast %shift_right_arithmetic3A_204 : i32 to vector<16xi32>
      %shift_right_arithmetic3A_206 = arith.shrsi %get3A_196, %shift_right_arithmetic3A_205 : vector<16xi32>
      %swap3A_207 = arith.constant 0 : index
      %swap3A_208 = tpu.vector_load %arg9[%swap3A_207] {strides = array<i32>} : memref<128xi32, #tpu.memory_space<vmem>>, vector<16xi32>,
      %swap3A_209 = vector.shape_cast %swap3A_208 : vector<16xi32> to vector<16xi32>
      %swap3A_210 = vector.shape_cast %shift_right_arithmetic3A_206 : vector<16xi32> to vector<16xi32>
      tpu.vector_store %arg9[%swap3A_207], %swap3A_210 {strides = array<i32>} : memref<128xi32, #tpu.memory_space<vmem>>, vector<16xi32>,
      %get3A_211 = arith.index_cast %add3A_192 : i32 to index
      %get3A_212 = arith.constant 16 : index
      %get3A_213 = tpu.vector_load %arg5[%get3A_211, %get3A_212] {strides = array<i32>} : memref<82x128xi32, #tpu.memory_space<vmem>>, vector<1x16xi32>,
      %get3A_214 = vector.shape_cast %get3A_213 : vector<1x16xi32> to vector<16xi32>
      %and3A_215 = arith.constant 65535 : i32
      %and3A_216 = vector.broadcast %and3A_215 : i32 to vector<16xi32>
      %and3A_217 = arith.andi %get3A_214, %and3A_216 : vector<16xi32>
      %swap3A_218 = arith.constant 16 : index
      %swap3A_219 = tpu.vector_load %arg8[%swap3A_218] {strides = array<i32>} : memref<128xi32, #tpu.memory_space<vmem>>, vector<16xi32>,
      %swap3A_220 = vector.shape_cast %swap3A_219 : vector<16xi32> to vector<16xi32>
      %swap3A_221 = vector.shape_cast %and3A_217 : vector<16xi32> to vector<16xi32>
      tpu.vector_store %arg8[%swap3A_218], %swap3A_221 {strides = array<i32>} : memref<128xi32, #tpu.memory_space<vmem>>, vector<16xi32>,
      %shift_right_arithmetic3A_222 = arith.constant 16 : i32
      %shift_right_arithmetic3A_223 = vector.broadcast %shift_right_arithmetic3A_222 : i32 to vector<16xi32>
      %shift_right_arithmetic3A_224 = arith.shrsi %get3A_214, %shift_right_arithmetic3A_223 : vector<16xi32>
      %swap3A_225 = arith.constant 16 : index
      %swap3A_226 = tpu.vector_load %arg9[%swap3A_225] {strides = array<i32>} : memref<128xi32, #tpu.memory_space<vmem>>, vector<16xi32>,
      %swap3A_227 = vector.shape_cast %swap3A_226 : vector<16xi32> to vector<16xi32>
      %swap3A_228 = vector.shape_cast %shift_right_arithmetic3A_224 : vector<16xi32> to vector<16xi32>
      tpu.vector_store %arg9[%swap3A_225], %swap3A_228 {strides = array<i32>} : memref<128xi32, #tpu.memory_space<vmem>>, vector<16xi32>,
      %get3A_229 = arith.index_cast %add3A_192 : i32 to index
      %get3A_230 = arith.constant 32 : index
      %get3A_231 = tpu.vector_load %arg5[%get3A_229, %get3A_230] {strides = array<i32>} : memref<82x128xi32, #tpu.memory_space<vmem>>, vector<1x16xi32>,
      %get3A_232 = vector.shape_cast %get3A_231 : vector<1x16xi32> to vector<16xi32>
      %and3A_233 = arith.constant 65535 : i32
      %and3A_234 = vector.broadcast %and3A_233 : i32 to vector<16xi32>
      %and3A_235 = arith.andi %get3A_232, %and3A_234 : vector<16xi32>
      %swap3A_236 = arith.constant 32 : index
      %swap3A_237 = tpu.vector_load %arg8[%swap3A_236] {strides = array<i32>} : memref<128xi32, #tpu.memory_space<vmem>>, vector<16xi32>,
      %swap3A_238 = vector.shape_cast %swap3A_237 : vector<16xi32> to vector<16xi32>
      %swap3A_239 = vector.shape_cast %and3A_235 : vector<16xi32> to vector<16xi32>
      tpu.vector_store %arg8[%swap3A_236], %swap3A_239 {strides = array<i32>} : memref<128xi32, #tpu.memory_space<vmem>>, vector<16xi32>,
      %shift_right_arithmetic3A_240 = arith.constant 16 : i32
      %shift_right_arithmetic3A_241 = vector.broadcast %shift_right_arithmetic3A_240 : i32 to vector<16xi32>
      %shift_right_arithmetic3A_242 = arith.shrsi %get3A_232, %shift_right_arithmetic3A_241 : vector<16xi32>
      %swap3A_243 = arith.constant 32 : index
      %swap3A_244 = tpu.vector_load %arg9[%swap3A_243] {strides = array<i32>} : memref<128xi32, #tpu.memory_space<vmem>>, vector<16xi32>,
      %swap3A_245 = vector.shape_cast %swap3A_244 : vector<16xi32> to vector<16xi32>
      %swap3A_246 = vector.shape_cast %shift_right_arithmetic3A_242 : vector<16xi32> to vector<16xi32>
      tpu.vector_store %arg9[%swap3A_243], %swap3A_246 {strides = array<i32>} : memref<128xi32, #tpu.memory_space<vmem>>, vector<16xi32>,
      %get3A_247 = arith.index_cast %add3A_192 : i32 to index
      %get3A_248 = arith.constant 48 : index
      %get3A_249 = tpu.vector_load %arg5[%get3A_247, %get3A_248] {strides = array<i32>} : memref<82x128xi32, #tpu.memory_space<vmem>>, vector<1x16xi32>,
      %get3A_250 = vector.shape_cast %get3A_249 : vector<1x16xi32> to vector<16xi32>
      %and3A_251 = arith.constant 65535 : i32
      %and3A_252 = vector.broadcast %and3A_251 : i32 to vector<16xi32>
      %and3A_253 = arith.andi %get3A_250, %and3A_252 : vector<16xi32>
      %swap3A_254 = arith.constant 48 : index
      %swap3A_255 = tpu.vector_load %arg8[%swap3A_254] {strides = array<i32>} : memref<128xi32, #tpu.memory_space<vmem>>, vector<16xi32>,
      %swap3A_256 = vector.shape_cast %swap3A_255 : vector<16xi32> to vector<16xi32>
      %swap3A_257 = vector.shape_cast %and3A_253 : vector<16xi32> to vector<16xi32>
      tpu.vector_store %arg8[%swap3A_254], %swap3A_257 {strides = array<i32>} : memref<128xi32, #tpu.memory_space<vmem>>, vector<16xi32>,
      %shift_right_arithmetic3A_258 = arith.constant 16 : i32
      %shift_right_arithmetic3A_259 = vector.broadcast %shift_right_arithmetic3A_258 : i32 to vector<16xi32>
      %shift_right_arithmetic3A_260 = arith.shrsi %get3A_250, %shift_right_arithmetic3A_259 : vector<16xi32>
      %swap3A_261 = arith.constant 48 : index
      %swap3A_262 = tpu.vector_load %arg9[%swap3A_261] {strides = array<i32>} : memref<128xi32, #tpu.memory_space<vmem>>, vector<16xi32>,
      %swap3A_263 = vector.shape_cast %swap3A_262 : vector<16xi32> to vector<16xi32>
      %swap3A_264 = vector.shape_cast %shift_right_arithmetic3A_260 : vector<16xi32> to vector<16xi32>
      tpu.vector_store %arg9[%swap3A_261], %swap3A_264 {strides = array<i32>} : memref<128xi32, #tpu.memory_space<vmem>>, vector<16xi32>,
      %get3A_265 = arith.index_cast %add3A_192 : i32 to index
      %get3A_266 = arith.constant 64 : index
      %get3A_267 = tpu.vector_load %arg5[%get3A_265, %get3A_266] {strides = array<i32>} : memref<82x128xi32, #tpu.memory_space<vmem>>, vector<1x16xi32>,
      %get3A_268 = vector.shape_cast %get3A_267 : vector<1x16xi32> to vector<16xi32>
      %and3A_269 = arith.constant 65535 : i32
      %and3A_270 = vector.broadcast %and3A_269 : i32 to vector<16xi32>
      %and3A_271 = arith.andi %get3A_268, %and3A_270 : vector<16xi32>
      %swap3A_272 = arith.constant 64 : index
      %swap3A_273 = tpu.vector_load %arg8[%swap3A_272] {strides = array<i32>} : memref<128xi32, #tpu.memory_space<vmem>>, vector<16xi32>,
      %swap3A_274 = vector.shape_cast %swap3A_273 : vector<16xi32> to vector<16xi32>
      %swap3A_275 = vector.shape_cast %and3A_271 : vector<16xi32> to vector<16xi32>
      tpu.vector_store %arg8[%swap3A_272], %swap3A_275 {strides = array<i32>} : memref<128xi32, #tpu.memory_space<vmem>>, vector<16xi32>,
      %shift_right_arithmetic3A_276 = arith.constant 16 : i32
      %shift_right_arithmetic3A_277 = vector.broadcast %shift_right_arithmetic3A_276 : i32 to vector<16xi32>
      %shift_right_arithmetic3A_278 = arith.shrsi %get3A_268, %shift_right_arithmetic3A_277 : vector<16xi32>
      %swap3A_279 = arith.constant 64 : index
      %swap3A_280 = tpu.vector_load %arg9[%swap3A_279] {strides = array<i32>} : memref<128xi32, #tpu.memory_space<vmem>>, vector<16xi32>,
      %swap3A_281 = vector.shape_cast %swap3A_280 : vector<16xi32> to vector<16xi32>
      %swap3A_282 = vector.shape_cast %shift_right_arithmetic3A_278 : vector<16xi32> to vector<16xi32>
      tpu.vector_store %arg9[%swap3A_279], %swap3A_282 {strides = array<i32>} : memref<128xi32, #tpu.memory_space<vmem>>, vector<16xi32>,
      %get3A_283 = arith.index_cast %add3A_192 : i32 to index
      %get3A_284 = arith.constant 80 : index
      %get3A_285 = tpu.vector_load %arg5[%get3A_283, %get3A_284] {strides = array<i32>} : memref<82x128xi32, #tpu.memory_space<vmem>>, vector<1x16xi32>,
      %get3A_286 = vector.shape_cast %get3A_285 : vector<1x16xi32> to vector<16xi32>
      %and3A_287 = arith.constant 65535 : i32
      %and3A_288 = vector.broadcast %and3A_287 : i32 to vector<16xi32>
      %and3A_289 = arith.andi %get3A_286, %and3A_288 : vector<16xi32>
      %swap3A_290 = arith.constant 80 : index
      %swap3A_291 = tpu.vector_load %arg8[%swap3A_290] {strides = array<i32>} : memref<128xi32, #tpu.memory_space<vmem>>, vector<16xi32>,
      %swap3A_292 = vector.shape_cast %swap3A_291 : vector<16xi32> to vector<16xi32>
      %swap3A_293 = vector.shape_cast %and3A_289 : vector<16xi32> to vector<16xi32>
      tpu.vector_store %arg8[%swap3A_290], %swap3A_293 {strides = array<i32>} : memref<128xi32, #tpu.memory_space<vmem>>, vector<16xi32>,
      %shift_right_arithmetic3A_294 = arith.constant 16 : i32
      %shift_right_arithmetic3A_295 = vector.broadcast %shift_right_arithmetic3A_294 : i32 to vector<16xi32>
      %shift_right_arithmetic3A_296 = arith.shrsi %get3A_286, %shift_right_arithmetic3A_295 : vector<16xi32>
      %swap3A_297 = arith.constant 80 : index
      %swap3A_298 = tpu.vector_load %arg9[%swap3A_297] {strides = array<i32>} : memref<128xi32, #tpu.memory_space<vmem>>, vector<16xi32>,
      %swap3A_299 = vector.shape_cast %swap3A_298 : vector<16xi32> to vector<16xi32>
      %swap3A_300 = vector.shape_cast %shift_right_arithmetic3A_296 : vector<16xi32> to vector<16xi32>
      tpu.vector_store %arg9[%swap3A_297], %swap3A_300 {strides = array<i32>} : memref<128xi32, #tpu.memory_space<vmem>>, vector<16xi32>,
      %get3A_301 = arith.index_cast %add3A_192 : i32 to index
      %get3A_302 = arith.constant 96 : index
      %get3A_303 = tpu.vector_load %arg5[%get3A_301, %get3A_302] {strides = array<i32>} : memref<82x128xi32, #tpu.memory_space<vmem>>, vector<1x16xi32>,
      %get3A_304 = vector.shape_cast %get3A_303 : vector<1x16xi32> to vector<16xi32>
      %and3A_305 = arith.constant 65535 : i32
      %and3A_306 = vector.broadcast %and3A_305 : i32 to vector<16xi32>
      %and3A_307 = arith.andi %get3A_304, %and3A_306 : vector<16xi32>
      %swap3A_308 = arith.constant 96 : index
      %swap3A_309 = tpu.vector_load %arg8[%swap3A_308] {strides = array<i32>} : memref<128xi32, #tpu.memory_space<vmem>>, vector<16xi32>,
      %swap3A_310 = vector.shape_cast %swap3A_309 : vector<16xi32> to vector<16xi32>
      %swap3A_311 = vector.shape_cast %and3A_307 : vector<16xi32> to vector<16xi32>
      tpu.vector_store %arg8[%swap3A_308], %swap3A_311 {strides = array<i32>} : memref<128xi32, #tpu.memory_space<vmem>>, vector<16xi32>,
      %shift_right_arithmetic3A_312 = arith.constant 16 : i32
      %shift_right_arithmetic3A_313 = vector.broadcast %shift_right_arithmetic3A_312 : i32 to vector<16xi32>
      %shift_right_arithmetic3A_314 = arith.shrsi %get3A_304, %shift_right_arithmetic3A_313 : vector<16xi32>
      %swap3A_315 = arith.constant 96 : index
      %swap3A_316 = tpu.vector_load %arg9[%swap3A_315] {strides = array<i32>} : memref<128xi32, #tpu.memory_space<vmem>>, vector<16xi32>,
      %swap3A_317 = vector.shape_cast %swap3A_316 : vector<16xi32> to vector<16xi32>
      %swap3A_318 = vector.shape_cast %shift_right_arithmetic3A_314 : vector<16xi32> to vector<16xi32>
      tpu.vector_store %arg9[%swap3A_315], %swap3A_318 {strides = array<i32>} : memref<128xi32, #tpu.memory_space<vmem>>, vector<16xi32>,
      %get3A_319 = arith.index_cast %add3A_192 : i32 to index
      %get3A_320 = arith.constant 112 : index
      %get3A_321 = tpu.vector_load %arg5[%get3A_319, %get3A_320] {strides = array<i32>} : memref<82x128xi32, #tpu.memory_space<vmem>>, vector<1x16xi32>,
      %get3A_322 = vector.shape_cast %get3A_321 : vector<1x16xi32> to vector<16xi32>
      %and3A_323 = arith.constant 65535 : i32
      %and3A_324 = vector.broadcast %and3A_323 : i32 to vector<16xi32>
      %and3A_325 = arith.andi %get3A_322, %and3A_324 : vector<16xi32>
      %swap3A_326 = arith.constant 112 : index
      %swap3A_327 = tpu.vector_load %arg8[%swap3A_326] {strides = array<i32>} : memref<128xi32, #tpu.memory_space<vmem>>, vector<16xi32>,
      %swap3A_328 = vector.shape_cast %swap3A_327 : vector<16xi32> to vector<16xi32>
      %swap3A_329 = vector.shape_cast %and3A_325 : vector<16xi32> to vector<16xi32>
      tpu.vector_store %arg8[%swap3A_326], %swap3A_329 {strides = array<i32>} : memref<128xi32, #tpu.memory_space<vmem>>, vector<16xi32>,
      %shift_right_arithmetic3A_330 = arith.constant 16 : i32
      %shift_right_arithmetic3A_331 = vector.broadcast %shift_right_arithmetic3A_330 : i32 to vector<16xi32>
      %shift_right_arithmetic3A_332 = arith.shrsi %get3A_322, %shift_right_arithmetic3A_331 : vector<16xi32>
      %swap3A_333 = arith.constant 112 : index
      %swap3A_334 = tpu.vector_load %arg9[%swap3A_333] {strides = array<i32>} : memref<128xi32, #tpu.memory_space<vmem>>, vector<16xi32>,
      %swap3A_335 = vector.shape_cast %swap3A_334 : vector<16xi32> to vector<16xi32>
      %swap3A_336 = vector.shape_cast %shift_right_arithmetic3A_332 : vector<16xi32> to vector<16xi32>
      tpu.vector_store %arg9[%swap3A_333], %swap3A_336 {strides = array<i32>} : memref<128xi32, #tpu.memory_space<vmem>>, vector<16xi32>,
      %dma_start3A_337 = arith.constant 0 : i32
      %dma_start3A_338 = arith.constant 0 : i32
      %dma_start3A_339 = tpu.memref_slice %arg2[%dma_start3A_337, %dma_start3A_338] : memref<10240x128xf32, #tpu.memory_space<hbm>> -> memref<10240x128xf32, #tpu.memory_space<hbm>>
      tpu.enqueue_indirect_dma source(%dma_start3A_339 : memref<10240x128xf32, #tpu.memory_space<hbm>>) target(%arg11 : memref<128x128xf32, #tpu.memory_space<vmem>>) offsets(%arg8 : memref<128xi32, #tpu.memory_space<vmem>>) semaphore(%arg14 : memref<!tpu.dma_semaphore, #tpu.memory_space<semaphore_mem>>)
      %dma_wait3A_340 = arith.constant 0 : i32
      %dma_wait3A_341 = arith.constant 0 : i32
      %dma_wait3A_342 = tpu.memref_slice %arg2[%dma_wait3A_340, %dma_wait3A_341] : memref<10240x128xf32, #tpu.memory_space<hbm>> -> memref<128x128xf32, #tpu.memory_space<hbm>>
      %dma_wait3A_343 = arith.constant 0 : i32
      %dma_wait3A_344 = arith.constant 0 : i32
      %dma_wait3A_345 = tpu.memref_slice %arg2[%dma_wait3A_343, %dma_wait3A_344] : memref<10240x128xf32, #tpu.memory_space<hbm>> -> memref<128x128xf32, #tpu.memory_space<hbm>>
      tpu.wait_dma2 semaphore(%arg13 : memref<!tpu.dma_semaphore, #tpu.memory_space<semaphore_mem>>) src(%dma_wait3A_345 : memref<128x128xf32, #tpu.memory_space<hbm>>) dst(%arg10 : memref<128x128xf32, #tpu.memory_space<vmem>>)
      "tpu.region"() ({
        %run_scoped3A = tpu.sem_alloc : memref<!tpu.dma_semaphore, #tpu.memory_space<semaphore_mem>>
        %dma_start3A_503 = arith.constant 0 : i32
        %dma_start3A_504 = arith.constant 0 : i32
        %dma_start3A_505 = tpu.memref_slice %arg12[%dma_start3A_503, %dma_start3A_504] : memref<10240x128xf32, #tpu.memory_space<vmem_shared>> -> memref<10240x128xf32, #tpu.memory_space<vmem_shared>>
        tpu.enqueue_indirect_dma source(%arg10 : memref<128x128xf32, #tpu.memory_space<vmem>>) target(%dma_start3A_505 : memref<10240x128xf32, #tpu.memory_space<vmem_shared>>) offsets(%arg7 : memref<128xi32, #tpu.memory_space<vmem>>) semaphore(%run_scoped3A : memref<!tpu.dma_semaphore, #tpu.memory_space<semaphore_mem>>) {add = true}
        %dma_wait3A_506 = arith.constant 0 : i32
        %dma_wait3A_507 = arith.constant 0 : i32
        %dma_wait3A_508 = tpu.memref_slice %arg12[%dma_wait3A_506, %dma_wait3A_507] : memref<10240x128xf32, #tpu.memory_space<vmem_shared>> -> memref<10240x128xf32, #tpu.memory_space<vmem_shared>>
        tpu.wait_indirect_dma semaphore(%run_scoped3A : memref<!tpu.dma_semaphore, #tpu.memory_space<semaphore_mem>>) src(%arg10 : memref<128x128xf32, #tpu.memory_space<vmem>>) dst(%dma_wait3A_508 : memref<10240x128xf32, #tpu.memory_space<vmem_shared>>)
        tpu.yield
      }) : () -> ()
      %add3A_346 = arith.constant 2 : i32
      %add3A_347 = arith.addi %mul3A_190, %add3A_346 : i32
      %min3A = arith.constant 81 : i32
      %min3A_348 = arith.minsi %add3A_347, %min3A : i32
      %get3A_349 = arith.index_cast %min3A_348 : i32 to index
      %get3A_350 = arith.constant 0 : index
      %get3A_351 = tpu.vector_load %arg5[%get3A_349, %get3A_350] {strides = array<i32>} : memref<82x128xi32, #tpu.memory_space<vmem>>, vector<1x16xi32>,
      %get3A_352 = vector.shape_cast %get3A_351 : vector<1x16xi32> to vector<16xi32>
      %and3A_353 = arith.constant 65535 : i32
      %and3A_354 = vector.broadcast %and3A_353 : i32 to vector<16xi32>
      %and3A_355 = arith.andi %get3A_352, %and3A_354 : vector<16xi32>
      %swap3A_356 = arith.constant 0 : index
      %swap3A_357 = tpu.vector_load %arg6[%swap3A_356] {strides = array<i32>} : memref<128xi32, #tpu.memory_space<vmem>>, vector<16xi32>,
      %swap3A_358 = vector.shape_cast %swap3A_357 : vector<16xi32> to vector<16xi32>
      %swap3A_359 = vector.shape_cast %and3A_355 : vector<16xi32> to vector<16xi32>
      tpu.vector_store %arg6[%swap3A_356], %swap3A_359 {strides = array<i32>} : memref<128xi32, #tpu.memory_space<vmem>>, vector<16xi32>,
      %shift_right_arithmetic3A_360 = arith.constant 16 : i32
      %shift_right_arithmetic3A_361 = vector.broadcast %shift_right_arithmetic3A_360 : i32 to vector<16xi32>
      %shift_right_arithmetic3A_362 = arith.shrsi %get3A_352, %shift_right_arithmetic3A_361 : vector<16xi32>
      %swap3A_363 = arith.constant 0 : index
      %swap3A_364 = tpu.vector_load %arg7[%swap3A_363] {strides = array<i32>} : memref<128xi32, #tpu.memory_space<vmem>>, vector<16xi32>,
      %swap3A_365 = vector.shape_cast %swap3A_364 : vector<16xi32> to vector<16xi32>
      %swap3A_366 = vector.shape_cast %shift_right_arithmetic3A_362 : vector<16xi32> to vector<16xi32>
      tpu.vector_store %arg7[%swap3A_363], %swap3A_366 {strides = array<i32>} : memref<128xi32, #tpu.memory_space<vmem>>, vector<16xi32>,
      %get3A_367 = arith.index_cast %min3A_348 : i32 to index
      %get3A_368 = arith.constant 16 : index
      %get3A_369 = tpu.vector_load %arg5[%get3A_367, %get3A_368] {strides = array<i32>} : memref<82x128xi32, #tpu.memory_space<vmem>>, vector<1x16xi32>,
      %get3A_370 = vector.shape_cast %get3A_369 : vector<1x16xi32> to vector<16xi32>
      %and3A_371 = arith.constant 65535 : i32
      %and3A_372 = vector.broadcast %and3A_371 : i32 to vector<16xi32>
      %and3A_373 = arith.andi %get3A_370, %and3A_372 : vector<16xi32>
      %swap3A_374 = arith.constant 16 : index
      %swap3A_375 = tpu.vector_load %arg6[%swap3A_374] {strides = array<i32>} : memref<128xi32, #tpu.memory_space<vmem>>, vector<16xi32>,
      %swap3A_376 = vector.shape_cast %swap3A_375 : vector<16xi32> to vector<16xi32>
      %swap3A_377 = vector.shape_cast %and3A_373 : vector<16xi32> to vector<16xi32>
      tpu.vector_store %arg6[%swap3A_374], %swap3A_377 {strides = array<i32>} : memref<128xi32, #tpu.memory_space<vmem>>, vector<16xi32>,
      %shift_right_arithmetic3A_378 = arith.constant 16 : i32
      %shift_right_arithmetic3A_379 = vector.broadcast %shift_right_arithmetic3A_378 : i32 to vector<16xi32>
      %shift_right_arithmetic3A_380 = arith.shrsi %get3A_370, %shift_right_arithmetic3A_379 : vector<16xi32>
      %swap3A_381 = arith.constant 16 : index
      %swap3A_382 = tpu.vector_load %arg7[%swap3A_381] {strides = array<i32>} : memref<128xi32, #tpu.memory_space<vmem>>, vector<16xi32>,
      %swap3A_383 = vector.shape_cast %swap3A_382 : vector<16xi32> to vector<16xi32>
      %swap3A_384 = vector.shape_cast %shift_right_arithmetic3A_380 : vector<16xi32> to vector<16xi32>
      tpu.vector_store %arg7[%swap3A_381], %swap3A_384 {strides = array<i32>} : memref<128xi32, #tpu.memory_space<vmem>>, vector<16xi32>,
      %get3A_385 = arith.index_cast %min3A_348 : i32 to index
      %get3A_386 = arith.constant 32 : index
      %get3A_387 = tpu.vector_load %arg5[%get3A_385, %get3A_386] {strides = array<i32>} : memref<82x128xi32, #tpu.memory_space<vmem>>, vector<1x16xi32>,
      %get3A_388 = vector.shape_cast %get3A_387 : vector<1x16xi32> to vector<16xi32>
      %and3A_389 = arith.constant 65535 : i32
      %and3A_390 = vector.broadcast %and3A_389 : i32 to vector<16xi32>
      %and3A_391 = arith.andi %get3A_388, %and3A_390 : vector<16xi32>
      %swap3A_392 = arith.constant 32 : index
      %swap3A_393 = tpu.vector_load %arg6[%swap3A_392] {strides = array<i32>} : memref<128xi32, #tpu.memory_space<vmem>>, vector<16xi32>,
      %swap3A_394 = vector.shape_cast %swap3A_393 : vector<16xi32> to vector<16xi32>
      %swap3A_395 = vector.shape_cast %and3A_391 : vector<16xi32> to vector<16xi32>
      tpu.vector_store %arg6[%swap3A_392], %swap3A_395 {strides = array<i32>} : memref<128xi32, #tpu.memory_space<vmem>>, vector<16xi32>,
      %shift_right_arithmetic3A_396 = arith.constant 16 : i32
      %shift_right_arithmetic3A_397 = vector.broadcast %shift_right_arithmetic3A_396 : i32 to vector<16xi32>
      %shift_right_arithmetic3A_398 = arith.shrsi %get3A_388, %shift_right_arithmetic3A_397 : vector<16xi32>
      %swap3A_399 = arith.constant 32 : index
      %swap3A_400 = tpu.vector_load %arg7[%swap3A_399] {strides = array<i32>} : memref<128xi32, #tpu.memory_space<vmem>>, vector<16xi32>,
      %swap3A_401 = vector.shape_cast %swap3A_400 : vector<16xi32> to vector<16xi32>
      %swap3A_402 = vector.shape_cast %shift_right_arithmetic3A_398 : vector<16xi32> to vector<16xi32>
      tpu.vector_store %arg7[%swap3A_399], %swap3A_402 {strides = array<i32>} : memref<128xi32, #tpu.memory_space<vmem>>, vector<16xi32>,
      %get3A_403 = arith.index_cast %min3A_348 : i32 to index
      %get3A_404 = arith.constant 48 : index
      %get3A_405 = tpu.vector_load %arg5[%get3A_403, %get3A_404] {strides = array<i32>} : memref<82x128xi32, #tpu.memory_space<vmem>>, vector<1x16xi32>,
      %get3A_406 = vector.shape_cast %get3A_405 : vector<1x16xi32> to vector<16xi32>
      %and3A_407 = arith.constant 65535 : i32
      %and3A_408 = vector.broadcast %and3A_407 : i32 to vector<16xi32>
      %and3A_409 = arith.andi %get3A_406, %and3A_408 : vector<16xi32>
      %swap3A_410 = arith.constant 48 : index
      %swap3A_411 = tpu.vector_load %arg6[%swap3A_410] {strides = array<i32>} : memref<128xi32, #tpu.memory_space<vmem>>, vector<16xi32>,
      %swap3A_412 = vector.shape_cast %swap3A_411 : vector<16xi32> to vector<16xi32>
      %swap3A_413 = vector.shape_cast %and3A_409 : vector<16xi32> to vector<16xi32>
      tpu.vector_store %arg6[%swap3A_410], %swap3A_413 {strides = array<i32>} : memref<128xi32, #tpu.memory_space<vmem>>, vector<16xi32>,
      %shift_right_arithmetic3A_414 = arith.constant 16 : i32
      %shift_right_arithmetic3A_415 = vector.broadcast %shift_right_arithmetic3A_414 : i32 to vector<16xi32>
      %shift_right_arithmetic3A_416 = arith.shrsi %get3A_406, %shift_right_arithmetic3A_415 : vector<16xi32>
      %swap3A_417 = arith.constant 48 : index
      %swap3A_418 = tpu.vector_load %arg7[%swap3A_417] {strides = array<i32>} : memref<128xi32, #tpu.memory_space<vmem>>, vector<16xi32>,
      %swap3A_419 = vector.shape_cast %swap3A_418 : vector<16xi32> to vector<16xi32>
      %swap3A_420 = vector.shape_cast %shift_right_arithmetic3A_416 : vector<16xi32> to vector<16xi32>
      tpu.vector_store %arg7[%swap3A_417], %swap3A_420 {strides = array<i32>} : memref<128xi32, #tpu.memory_space<vmem>>, vector<16xi32>,
      %get3A_421 = arith.index_cast %min3A_348 : i32 to index
      %get3A_422 = arith.constant 64 : index
      %get3A_423 = tpu.vector_load %arg5[%get3A_421, %get3A_422] {strides = array<i32>} : memref<82x128xi32, #tpu.memory_space<vmem>>, vector<1x16xi32>,
      %get3A_424 = vector.shape_cast %get3A_423 : vector<1x16xi32> to vector<16xi32>
      %and3A_425 = arith.constant 65535 : i32
      %and3A_426 = vector.broadcast %and3A_425 : i32 to vector<16xi32>
      %and3A_427 = arith.andi %get3A_424, %and3A_426 : vector<16xi32>
      %swap3A_428 = arith.constant 64 : index
      %swap3A_429 = tpu.vector_load %arg6[%swap3A_428] {strides = array<i32>} : memref<128xi32, #tpu.memory_space<vmem>>, vector<16xi32>,
      %swap3A_430 = vector.shape_cast %swap3A_429 : vector<16xi32> to vector<16xi32>
      %swap3A_431 = vector.shape_cast %and3A_427 : vector<16xi32> to vector<16xi32>
      tpu.vector_store %arg6[%swap3A_428], %swap3A_431 {strides = array<i32>} : memref<128xi32, #tpu.memory_space<vmem>>, vector<16xi32>,
      %shift_right_arithmetic3A_432 = arith.constant 16 : i32
      %shift_right_arithmetic3A_433 = vector.broadcast %shift_right_arithmetic3A_432 : i32 to vector<16xi32>
      %shift_right_arithmetic3A_434 = arith.shrsi %get3A_424, %shift_right_arithmetic3A_433 : vector<16xi32>
      %swap3A_435 = arith.constant 64 : index
      %swap3A_436 = tpu.vector_load %arg7[%swap3A_435] {strides = array<i32>} : memref<128xi32, #tpu.memory_space<vmem>>, vector<16xi32>,
      %swap3A_437 = vector.shape_cast %swap3A_436 : vector<16xi32> to vector<16xi32>
      %swap3A_438 = vector.shape_cast %shift_right_arithmetic3A_434 : vector<16xi32> to vector<16xi32>
      tpu.vector_store %arg7[%swap3A_435], %swap3A_438 {strides = array<i32>} : memref<128xi32, #tpu.memory_space<vmem>>, vector<16xi32>,
      %get3A_439 = arith.index_cast %min3A_348 : i32 to index
      %get3A_440 = arith.constant 80 : index
      %get3A_441 = tpu.vector_load %arg5[%get3A_439, %get3A_440] {strides = array<i32>} : memref<82x128xi32, #tpu.memory_space<vmem>>, vector<1x16xi32>,
      %get3A_442 = vector.shape_cast %get3A_441 : vector<1x16xi32> to vector<16xi32>
      %and3A_443 = arith.constant 65535 : i32
      %and3A_444 = vector.broadcast %and3A_443 : i32 to vector<16xi32>
      %and3A_445 = arith.andi %get3A_442, %and3A_444 : vector<16xi32>
      %swap3A_446 = arith.constant 80 : index
      %swap3A_447 = tpu.vector_load %arg6[%swap3A_446] {strides = array<i32>} : memref<128xi32, #tpu.memory_space<vmem>>, vector<16xi32>,
      %swap3A_448 = vector.shape_cast %swap3A_447 : vector<16xi32> to vector<16xi32>
      %swap3A_449 = vector.shape_cast %and3A_445 : vector<16xi32> to vector<16xi32>
      tpu.vector_store %arg6[%swap3A_446], %swap3A_449 {strides = array<i32>} : memref<128xi32, #tpu.memory_space<vmem>>, vector<16xi32>,
      %shift_right_arithmetic3A_450 = arith.constant 16 : i32
      %shift_right_arithmetic3A_451 = vector.broadcast %shift_right_arithmetic3A_450 : i32 to vector<16xi32>
      %shift_right_arithmetic3A_452 = arith.shrsi %get3A_442, %shift_right_arithmetic3A_451 : vector<16xi32>
      %swap3A_453 = arith.constant 80 : index
      %swap3A_454 = tpu.vector_load %arg7[%swap3A_453] {strides = array<i32>} : memref<128xi32, #tpu.memory_space<vmem>>, vector<16xi32>,
      %swap3A_455 = vector.shape_cast %swap3A_454 : vector<16xi32> to vector<16xi32>
      %swap3A_456 = vector.shape_cast %shift_right_arithmetic3A_452 : vector<16xi32> to vector<16xi32>
      tpu.vector_store %arg7[%swap3A_453], %swap3A_456 {strides = array<i32>} : memref<128xi32, #tpu.memory_space<vmem>>, vector<16xi32>,
      %get3A_457 = arith.index_cast %min3A_348 : i32 to index
      %get3A_458 = arith.constant 96 : index
      %get3A_459 = tpu.vector_load %arg5[%get3A_457, %get3A_458] {strides = array<i32>} : memref<82x128xi32, #tpu.memory_space<vmem>>, vector<1x16xi32>,
      %get3A_460 = vector.shape_cast %get3A_459 : vector<1x16xi32> to vector<16xi32>
      %and3A_461 = arith.constant 65535 : i32
      %and3A_462 = vector.broadcast %and3A_461 : i32 to vector<16xi32>
      %and3A_463 = arith.andi %get3A_460, %and3A_462 : vector<16xi32>
      %swap3A_464 = arith.constant 96 : index
      %swap3A_465 = tpu.vector_load %arg6[%swap3A_464] {strides = array<i32>} : memref<128xi32, #tpu.memory_space<vmem>>, vector<16xi32>,
      %swap3A_466 = vector.shape_cast %swap3A_465 : vector<16xi32> to vector<16xi32>
      %swap3A_467 = vector.shape_cast %and3A_463 : vector<16xi32> to vector<16xi32>
      tpu.vector_store %arg6[%swap3A_464], %swap3A_467 {strides = array<i32>} : memref<128xi32, #tpu.memory_space<vmem>>, vector<16xi32>,
      %shift_right_arithmetic3A_468 = arith.constant 16 : i32
      %shift_right_arithmetic3A_469 = vector.broadcast %shift_right_arithmetic3A_468 : i32 to vector<16xi32>
      %shift_right_arithmetic3A_470 = arith.shrsi %get3A_460, %shift_right_arithmetic3A_469 : vector<16xi32>
      %swap3A_471 = arith.constant 96 : index
      %swap3A_472 = tpu.vector_load %arg7[%swap3A_471] {strides = array<i32>} : memref<128xi32, #tpu.memory_space<vmem>>, vector<16xi32>,
      %swap3A_473 = vector.shape_cast %swap3A_472 : vector<16xi32> to vector<16xi32>
      %swap3A_474 = vector.shape_cast %shift_right_arithmetic3A_470 : vector<16xi32> to vector<16xi32>
      tpu.vector_store %arg7[%swap3A_471], %swap3A_474 {strides = array<i32>} : memref<128xi32, #tpu.memory_space<vmem>>, vector<16xi32>,
      %get3A_475 = arith.index_cast %min3A_348 : i32 to index
      %get3A_476 = arith.constant 112 : index
      %get3A_477 = tpu.vector_load %arg5[%get3A_475, %get3A_476] {strides = array<i32>} : memref<82x128xi32, #tpu.memory_space<vmem>>, vector<1x16xi32>,
      %get3A_478 = vector.shape_cast %get3A_477 : vector<1x16xi32> to vector<16xi32>
      %and3A_479 = arith.constant 65535 : i32
      %and3A_480 = vector.broadcast %and3A_479 : i32 to vector<16xi32>
      %and3A_481 = arith.andi %get3A_478, %and3A_480 : vector<16xi32>
      %swap3A_482 = arith.constant 112 : index
      %swap3A_483 = tpu.vector_load %arg6[%swap3A_482] {strides = array<i32>} : memref<128xi32, #tpu.memory_space<vmem>>, vector<16xi32>,
      %swap3A_484 = vector.shape_cast %swap3A_483 : vector<16xi32> to vector<16xi32>
      %swap3A_485 = vector.shape_cast %and3A_481 : vector<16xi32> to vector<16xi32>
      tpu.vector_store %arg6[%swap3A_482], %swap3A_485 {strides = array<i32>} : memref<128xi32, #tpu.memory_space<vmem>>, vector<16xi32>,
      %shift_right_arithmetic3A_486 = arith.constant 16 : i32
      %shift_right_arithmetic3A_487 = vector.broadcast %shift_right_arithmetic3A_486 : i32 to vector<16xi32>
      %shift_right_arithmetic3A_488 = arith.shrsi %get3A_478, %shift_right_arithmetic3A_487 : vector<16xi32>
      %swap3A_489 = arith.constant 112 : index
      %swap3A_490 = tpu.vector_load %arg7[%swap3A_489] {strides = array<i32>} : memref<128xi32, #tpu.memory_space<vmem>>, vector<16xi32>,
      %swap3A_491 = vector.shape_cast %swap3A_490 : vector<16xi32> to vector<16xi32>
      %swap3A_492 = vector.shape_cast %shift_right_arithmetic3A_488 : vector<16xi32> to vector<16xi32>
      tpu.vector_store %arg7[%swap3A_489], %swap3A_492 {strides = array<i32>} : memref<128xi32, #tpu.memory_space<vmem>>, vector<16xi32>,
      %dma_start3A_493 = arith.constant 0 : i32
      %dma_start3A_494 = arith.constant 0 : i32
      %dma_start3A_495 = tpu.memref_slice %arg2[%dma_start3A_493, %dma_start3A_494] : memref<10240x128xf32, #tpu.memory_space<hbm>> -> memref<10240x128xf32, #tpu.memory_space<hbm>>
      tpu.enqueue_indirect_dma source(%dma_start3A_495 : memref<10240x128xf32, #tpu.memory_space<hbm>>) target(%arg10 : memref<128x128xf32, #tpu.memory_space<vmem>>) offsets(%arg6 : memref<128xi32, #tpu.memory_space<vmem>>) semaphore(%arg13 : memref<!tpu.dma_semaphore, #tpu.memory_space<semaphore_mem>>)
      %dma_wait3A_496 = arith.constant 0 : i32
      %dma_wait3A_497 = arith.constant 0 : i32
      %dma_wait3A_498 = tpu.memref_slice %arg2[%dma_wait3A_496, %dma_wait3A_497] : memref<10240x128xf32, #tpu.memory_space<hbm>> -> memref<128x128xf32, #tpu.memory_space<hbm>>
      %dma_wait3A_499 = arith.constant 0 : i32
      %dma_wait3A_500 = arith.constant 0 : i32
      %dma_wait3A_501 = tpu.memref_slice %arg2[%dma_wait3A_499, %dma_wait3A_500] : memref<10240x128xf32, #tpu.memory_space<hbm>> -> memref<128x128xf32, #tpu.memory_space<hbm>>
      tpu.wait_dma2 semaphore(%arg14 : memref<!tpu.dma_semaphore, #tpu.memory_space<semaphore_mem>>) src(%dma_wait3A_501 : memref<128x128xf32, #tpu.memory_space<hbm>>) dst(%arg11 : memref<128x128xf32, #tpu.memory_space<vmem>>)
      "tpu.region"() ({
        %run_scoped3A = tpu.sem_alloc : memref<!tpu.dma_semaphore, #tpu.memory_space<semaphore_mem>>
        %dma_start3A_503 = arith.constant 0 : i32
        %dma_start3A_504 = arith.constant 0 : i32
        %dma_start3A_505 = tpu.memref_slice %arg12[%dma_start3A_503, %dma_start3A_504] : memref<10240x128xf32, #tpu.memory_space<vmem_shared>> -> memref<10240x128xf32, #tpu.memory_space<vmem_shared>>
        tpu.enqueue_indirect_dma source(%arg11 : memref<128x128xf32, #tpu.memory_space<vmem>>) target(%dma_start3A_505 : memref<10240x128xf32, #tpu.memory_space<vmem_shared>>) offsets(%arg9 : memref<128xi32, #tpu.memory_space<vmem>>) semaphore(%run_scoped3A : memref<!tpu.dma_semaphore, #tpu.memory_space<semaphore_mem>>) {add = true}
        %dma_wait3A_506 = arith.constant 0 : i32
        %dma_wait3A_507 = arith.constant 0 : i32
        %dma_wait3A_508 = tpu.memref_slice %arg12[%dma_wait3A_506, %dma_wait3A_507] : memref<10240x128xf32, #tpu.memory_space<vmem_shared>> -> memref<10240x128xf32, #tpu.memory_space<vmem_shared>>
        tpu.wait_indirect_dma semaphore(%run_scoped3A : memref<!tpu.dma_semaphore, #tpu.memory_space<semaphore_mem>>) src(%arg11 : memref<128x128xf32, #tpu.memory_space<vmem>>) dst(%dma_wait3A_508 : memref<10240x128xf32, #tpu.memory_space<vmem_shared>>)
        tpu.yield
      }) : () -> ()
      %scan3A_502 = arith.constant 0 : i32
      scf.yield %scan3A_502 : i32
    }
    %scan3A_176 = arith.constant 41 : i32
    %dma_wait3A = arith.constant 0 : i32
    %dma_wait3A_177 = arith.constant 0 : i32
    %dma_wait3A_178 = tpu.memref_slice %arg2[%dma_wait3A, %dma_wait3A_177] : memref<10240x128xf32, #tpu.memory_space<hbm>> -> memref<128x128xf32, #tpu.memory_space<hbm>>
    %dma_wait3A_179 = arith.constant 0 : i32
    %dma_wait3A_180 = arith.constant 0 : i32
    %dma_wait3A_181 = tpu.memref_slice %arg2[%dma_wait3A_179, %dma_wait3A_180] : memref<10240x128xf32, #tpu.memory_space<hbm>> -> memref<128x128xf32, #tpu.memory_space<hbm>>
    tpu.wait_dma2 semaphore(%arg13 : memref<!tpu.dma_semaphore, #tpu.memory_space<semaphore_mem>>) src(%dma_wait3A_181 : memref<128x128xf32, #tpu.memory_space<hbm>>) dst(%arg10 : memref<128x128xf32, #tpu.memory_space<vmem>>)
    %barrier3A_182 = arith.constant 0 : index
    tpu.barrier barrier_id(%barrier3A_182)
    %mul3A_183 = arith.constant 640 : i32
    %mul3A_184 = arith.muli %arg1, %mul3A_183 : i32
    %mul3A_185 = arith.constant 640 : i32
    %mul3A_186 = arith.muli %arg1, %mul3A_185 : i32
    "tpu.region"() ({
      %run_scoped3A = tpu.sem_alloc : memref<!tpu.dma_semaphore, #tpu.memory_space<semaphore_mem>>
      %dma_start3A_187 = arith.constant 0 : i32
      %dma_start3A_188 = tpu.memref_slice %arg4[%arg0, %mul3A_186, %dma_start3A_187] : memref<2x10240x128xf32, #tpu.memory_space<hbm>> -> memref<1x640x128xf32, #tpu.memory_space<hbm>>
      %dma_start3A_189 = tpu.memref_squeeze %dma_start3A_188 : memref<1x640x128xf32, #tpu.memory_space<hbm>> -> memref<640x128xf32, #tpu.memory_space<hbm>>
      %dma_start3A_190 = arith.constant 0 : i32
      %dma_start3A_191 = tpu.memref_slice %arg12[%mul3A_184, %dma_start3A_190] : memref<10240x128xf32, #tpu.memory_space<vmem_shared>> -> memref<640x128xf32, #tpu.memory_space<vmem_shared>>
      tpu.enqueue_dma source(%dma_start3A_191 : memref<640x128xf32, #tpu.memory_space<vmem_shared>>) target(%dma_start3A_189 : memref<640x128xf32, #tpu.memory_space<hbm>>) target_semaphore(%run_scoped3A : memref<!tpu.dma_semaphore, #tpu.memory_space<semaphore_mem>>)
      %dma_wait3A_192 = arith.constant 0 : i32
      %dma_wait3A_193 = tpu.memref_slice %arg4[%arg0, %mul3A_186, %dma_wait3A_192] : memref<2x10240x128xf32, #tpu.memory_space<hbm>> -> memref<1x640x128xf32, #tpu.memory_space<hbm>>
      %dma_wait3A_194 = tpu.memref_squeeze %dma_wait3A_193 : memref<1x640x128xf32, #tpu.memory_space<hbm>> -> memref<640x128xf32, #tpu.memory_space<hbm>>
      %dma_wait3A_195 = arith.constant 0 : i32
      %dma_wait3A_196 = tpu.memref_slice %arg12[%mul3A_184, %dma_wait3A_195] : memref<10240x128xf32, #tpu.memory_space<vmem_shared>> -> memref<640x128xf32, #tpu.memory_space<vmem_shared>>
      tpu.wait_dma2 semaphore(%run_scoped3A : memref<!tpu.dma_semaphore, #tpu.memory_space<semaphore_mem>>) src(%dma_wait3A_196 : memref<640x128xf32, #tpu.memory_space<vmem_shared>>) dst(%dma_wait3A_194 : memref<640x128xf32, #tpu.memory_space<hbm>>)
      tpu.yield
    }) : () -> ()
    return
  }
}

module attributes {stable_mosaic.version = 14 : i64} {
  func.func @_tc_pack_body(%arg0: memref<2x2500x128xi32, #tpu.memory_space<vmem>>, %arg1: memref<2624x128xi32, #tpu.memory_space<vmem>>) attributes {dimension_semantics = [], scalar_prefetch = 0 : i64, scratch_operands = 0 : i64, tpu.core_type = #tpu.core_type<tc>} {
    %get3A = arith.constant 0 : index
    %get3A_0 = arith.constant 0 : index
    %get3A_1 = arith.constant 0 : index
    %get3A_2 = vector.load %arg0[%get3A, %get3A_0, %get3A_1] : memref<2x2500x128xi32, #tpu.memory_space<vmem>>, vector<2x2500x128xi32>
    %slice3A = vector.extract_strided_slice %get3A_2 {offsets = [0, 0, 0], sizes = [1, 2500, 128], strides = [1, 1, 1]} : vector<2x2500x128xi32> to vector<1x2500x128xi32>
    %squeeze3A = vector.shape_cast %slice3A : vector<1x2500x128xi32> to vector<2500x128xi32>
    %slice3A_3 = vector.extract_strided_slice %get3A_2 {offsets = [1, 0, 0], sizes = [1, 2500, 128], strides = [1, 1, 1]} : vector<2x2500x128xi32> to vector<1x2500x128xi32>
    %squeeze3A_4 = vector.shape_cast %slice3A_3 : vector<1x2500x128xi32> to vector<2500x128xi32>
    %shift_left3A = arith.constant 16 : i32
    %shift_left3A_5 = vector.broadcast %shift_left3A : i32 to vector<2500x128xi32>
    %shift_left3A_6 = arith.shli %squeeze3A_4, %shift_left3A_5 : vector<2500x128xi32>
    %or3A = arith.ori %squeeze3A, %shift_left3A_6 : vector<2500x128xi32>
    %iota3A = tpu.iota {dimensions = array<i32: 0>} : vector<124x128xi32>
    %mul3A = arith.constant 128 : i32
    %mul3A_7 = vector.broadcast %mul3A : i32 to vector<124x128xi32>
    %mul3A_8 = arith.muli %iota3A, %mul3A_7 : vector<124x128xi32>
    %add3A = arith.constant 320000 : i32
    %add3A_9 = vector.broadcast %add3A : i32 to vector<124x128xi32>
    %add3A_10 = arith.addi %add3A_9, %mul3A_8 : vector<124x128xi32>
    %iota3A_11 = tpu.iota {dimensions = array<i32: 1>} : vector<124x128xi32>
    %add3A_12 = arith.addi %add3A_10, %iota3A_11 : vector<124x128xi32>
    %lt3A = arith.constant 330000 : i32
    %lt3A_13 = vector.broadcast %lt3A : i32 to vector<124x128xi32>
    %lt3A_14 = arith.cmpi slt, %add3A_12, %lt3A_13 : vector<124x128xi32>
    %sub3A = arith.constant 320000 : i32
    %sub3A_15 = vector.broadcast %sub3A : i32 to vector<124x128xi32>
    %sub3A_16 = arith.subi %add3A_12, %sub3A_15 : vector<124x128xi32>
    %sub3A_17 = arith.constant 330000 : i32
    %sub3A_18 = vector.broadcast %sub3A_17 : i32 to vector<124x128xi32>
    %sub3A_19 = arith.subi %add3A_12, %sub3A_18 : vector<124x128xi32>
    %jit3A = arith.constant 240 : i32
    %eq3A = arith.constant 0 : i32
    %eq3A_20 = arith.cmpi eq, %jit3A, %eq3A : i32
    %jit3A_21 = arith.constant 1 : i32
    %select_n3A = arith.select %eq3A_20, %jit3A_21, %jit3A : i32
    %rem3A = vector.broadcast %select_n3A : i32 to vector<124x128xi32>
    %rem3A_22 = arith.remsi %sub3A_19, %rem3A : vector<124x128xi32>
    %ne3A = arith.constant 0 : i32
    %ne3A_23 = vector.broadcast %ne3A : i32 to vector<124x128xi32>
    %ne3A_24 = arith.cmpi ne, %rem3A_22, %ne3A_23 : vector<124x128xi32>
    %lt3A_25 = arith.constant 0 : i32
    %lt3A_26 = vector.broadcast %lt3A_25 : i32 to vector<124x128xi32>
    %lt3A_27 = arith.cmpi slt, %rem3A_22, %lt3A_26 : vector<124x128xi32>
    %lt3A_28 = arith.constant 0 : i32
    %lt3A_29 = arith.cmpi slt, %select_n3A, %lt3A_28 : i32
    %ne3A_30 = vector.broadcast %lt3A_29 : i1 to vector<124x128xi1>
    %ne3A_31 = vector.broadcast %ne3A_30 : vector<124x128xi1> to vector<124x128xi1>
    %ne3A_32 = arith.xori %lt3A_27, %ne3A_31 : vector<124x128xi1>
    %and3A = arith.andi %ne3A_32, %ne3A_24 : vector<124x128xi1>
    %add3A_33 = vector.broadcast %select_n3A : i32 to vector<124x128xi32>
    %add3A_34 = arith.addi %rem3A_22, %add3A_33 : vector<124x128xi32>
    %select_n3A_35 = arith.select %and3A, %add3A_34, %rem3A_22 : vector<124x128xi1>, vector<124x128xi32>
    %add3A_36 = arith.constant 10000 : i32
    %add3A_37 = vector.broadcast %add3A_36 : i32 to vector<124x128xi32>
    %add3A_38 = arith.addi %add3A_37, %select_n3A_35 : vector<124x128xi32>
    %select_n3A_39 = arith.select %lt3A_14, %sub3A_16, %add3A_38 : vector<124x128xi1>, vector<124x128xi32>
    %shift_left3A_40 = arith.constant 16 : i32
    %shift_left3A_41 = vector.broadcast %shift_left3A_40 : i32 to vector<124x128xi32>
    %shift_left3A_42 = arith.shli %select_n3A_39, %shift_left3A_41 : vector<124x128xi32>
    %or3A_43 = arith.ori %select_n3A_39, %shift_left3A_42 : vector<124x128xi32>
    %concatenate3A = tpu.concatenate %or3A, %or3A_43 in 0 : vector<2500x128xi32>, vector<124x128xi32> -> vector<2624x128xi32>
    %swap3A = arith.constant 0 : index
    %swap3A_44 = arith.constant 0 : index
    %swap3A_45 = vector.load %arg1[%swap3A, %swap3A_44] : memref<2624x128xi32, #tpu.memory_space<vmem>>, vector<2624x128xi32>
    tpu.vector_store %arg1[%swap3A, %swap3A_44], %concatenate3A {strides = array<i32>} : memref<2624x128xi32, #tpu.memory_space<vmem>>, vector<2624x128xi32>,
    return
  }
}

module attributes {stable_mosaic.version = 14 : i64} {
  func.func @_tc_matmul_body(%arg0: i32, %arg1: memref<1024x128xf32, #tpu.memory_space<vmem>>, %arg2: memref<128x128xf32, #tpu.memory_space<vmem>>, %arg3: memref<1024x128xf32, #tpu.memory_space<vmem>>) attributes {dimension_semantics = [#tpu.dimension_semantics<arbitrary>], iteration_bounds = array<i64: 10>, scalar_prefetch = 0 : i64, scratch_operands = 0 : i64, tpu.core_type = #tpu.core_type<tc>, window_params = [{transform_indices = @transform_0, window_bounds = array<i64: 1024, 128>}, {pipeline_mode = #tpu.pipeline_mode<synchronous>, transform_indices = @transform_1, window_bounds = array<i64: 128, 128>}, {transform_indices = @transform_2, window_bounds = array<i64: 1024, 128>}]} {
    %get3A = arith.constant 0 : index
    %get3A_0 = arith.constant 0 : index
    %get3A_1 = vector.load %arg1[%get3A, %get3A_0] : memref<1024x128xf32, #tpu.memory_space<vmem>>, vector<1024x128xf32>
    %get3A_2 = arith.constant 0 : index
    %get3A_3 = arith.constant 0 : index
    %get3A_4 = vector.load %arg2[%get3A_2, %get3A_3] : memref<128x128xf32, #tpu.memory_space<vmem>>, vector<128x128xf32>
    %dot_general3A = arith.constant dense<0.000000e+00> : vector<1024x128xf32>
    %dot_general3A_5 = tpu.matmul %get3A_1, %get3A_4, %dot_general3A {dimension_numbers = #tpu.dot_dimension_numbers<[1], [0], [0], [1], [0, 0, 1, 1], [], []>, transpose_lhs_hint = false} : vector<1024x128xf32>, vector<128x128xf32>, vector<1024x128xf32> -> vector<1024x128xf32>
    %swap3A = arith.constant 0 : index
    %swap3A_6 = arith.constant 0 : index
    %swap3A_7 = vector.load %arg3[%swap3A, %swap3A_6] : memref<1024x128xf32, #tpu.memory_space<vmem>>, vector<1024x128xf32>
    tpu.vector_store %arg3[%swap3A, %swap3A_6], %dot_general3A_5 {strides = array<i32>} : memref<1024x128xf32, #tpu.memory_space<vmem>>, vector<1024x128xf32>,
    return
  }
  func.func @transform_0(%arg0: i32) -> (i32, i32) {
    %c0_i32 = arith.constant 0 : i32
    %c0_i32_0 = arith.constant 0 : i32
    return %arg0, %c0_i32 : i32, i32
  }
  func.func @transform_1(%arg0: i32) -> (i32, i32) {
    %c0_i32 = arith.constant 0 : i32
    %c0_i32_0 = arith.constant 0 : i32
    %c0_i32_1 = arith.constant 0 : i32
    return %c0_i32, %c0_i32_0 : i32, i32
  }
  func.func @transform_2(%arg0: i32) -> (i32, i32) {
    %c0_i32 = arith.constant 0 : i32
    %c0_i32_0 = arith.constant 0 : i32
    return %arg0, %c0_i32 : i32, i32
  }
}

module attributes {stable_mosaic.version = 14 : i64} {
  func.func @_tc_scale_body(%arg0: i32, %arg1: memref<1024x128xf32, #tpu.memory_space<vmem>>, %arg2: memref<2x1024x128xf32, #tpu.memory_space<vmem>>, %arg3: memref<1024x128xf32, #tpu.memory_space<vmem>>, %arg4: memref<1024x128xf32, #tpu.memory_space<vmem>>) attributes {dimension_semantics = [#tpu.dimension_semantics<arbitrary>], iteration_bounds = array<i64: 10>, scalar_prefetch = 0 : i64, scratch_operands = 0 : i64, tpu.core_type = #tpu.core_type<tc>, window_params = [{transform_indices = @transform_0, window_bounds = array<i64: 1024, 128>}, {transform_indices = @transform_1, window_bounds = array<i64: 2, 1024, 128>}, {transform_indices = @transform_2, window_bounds = array<i64: 1024, 128>}, {transform_indices = @transform_3, window_bounds = array<i64: 1024, 128>}]} {
    %get3A = arith.constant 0 : index
    %get3A_0 = arith.constant 0 : index
    %get3A_1 = arith.constant 0 : index
    %get3A_2 = vector.load %arg2[%get3A, %get3A_0, %get3A_1] : memref<2x1024x128xf32, #tpu.memory_space<vmem>>, vector<2x1024x128xf32>
    %slice3A = vector.extract_strided_slice %get3A_2 {offsets = [0, 0, 0], sizes = [1, 1024, 1], strides = [1, 1, 1]} : vector<2x1024x128xf32> to vector<1x1024x1xf32>
    %squeeze3A = vector.shape_cast %slice3A : vector<1x1024x1xf32> to vector<1024x1xf32>
    %slice3A_3 = vector.extract_strided_slice %get3A_2 {offsets = [1, 0, 0], sizes = [1, 1024, 1], strides = [1, 1, 1]} : vector<2x1024x128xf32> to vector<1x1024x1xf32>
    %squeeze3A_4 = vector.shape_cast %slice3A_3 : vector<1x1024x1xf32> to vector<1024x1xf32>
    %add3A = arith.addf %squeeze3A, %squeeze3A_4 : vector<1024x1xf32>
    %max3A = arith.constant 1.000000e+00 : f32
    %max3A_5 = vector.broadcast %max3A : f32 to vector<1024x1xf32>
    %max3A_6 = arith.maximumf %add3A, %max3A_5 : vector<1024x1xf32>
    %rsqrt3A = math.rsqrt %max3A_6 : vector<1024x1xf32>
    %get3A_7 = arith.constant 0 : index
    %get3A_8 = arith.constant 0 : index
    %get3A_9 = vector.load %arg1[%get3A_7, %get3A_8] : memref<1024x128xf32, #tpu.memory_space<vmem>>, vector<1024x128xf32>
    %mul3A = vector.broadcast %rsqrt3A : vector<1024x1xf32> to vector<1024x128xf32>
    %mul3A_10 = arith.mulf %get3A_9, %mul3A : vector<1024x128xf32>
    %swap3A = arith.constant 0 : index
    %swap3A_11 = arith.constant 0 : index
    %swap3A_12 = vector.load %arg3[%swap3A, %swap3A_11] : memref<1024x128xf32, #tpu.memory_space<vmem>>, vector<1024x128xf32>
    tpu.vector_store %arg3[%swap3A, %swap3A_11], %mul3A_10 {strides = array<i32>} : memref<1024x128xf32, #tpu.memory_space<vmem>>, vector<1024x128xf32>,
    %broadcast_in_dim3A = vector.shape_cast %rsqrt3A : vector<1024x1xf32> to vector<1024x1xf32>
    %broadcast_in_dim3A_13 = vector.broadcast %broadcast_in_dim3A : vector<1024x1xf32> to vector<1024x128xf32>
    %swap3A_14 = arith.constant 0 : index
    %swap3A_15 = arith.constant 0 : index
    %swap3A_16 = vector.load %arg4[%swap3A_14, %swap3A_15] : memref<1024x128xf32, #tpu.memory_space<vmem>>, vector<1024x128xf32>
    tpu.vector_store %arg4[%swap3A_14, %swap3A_15], %broadcast_in_dim3A_13 {strides = array<i32>} : memref<1024x128xf32, #tpu.memory_space<vmem>>, vector<1024x128xf32>,
    return
  }
  func.func @transform_0(%arg0: i32) -> (i32, i32) {
    %c0_i32 = arith.constant 0 : i32
    %c0_i32_0 = arith.constant 0 : i32
    return %arg0, %c0_i32 : i32, i32
  }
  func.func @transform_1(%arg0: i32) -> (i32, i32, i32) {
    %c0_i32 = arith.constant 0 : i32
    %c0_i32_0 = arith.constant 0 : i32
    %c0_i32_1 = arith.constant 0 : i32
    return %c0_i32, %arg0, %c0_i32_0 : i32, i32, i32
  }
  func.func @transform_2(%arg0: i32) -> (i32, i32) {
    %c0_i32 = arith.constant 0 : i32
    %c0_i32_0 = arith.constant 0 : i32
    return %arg0, %c0_i32 : i32, i32
  }
  func.func @transform_3(%arg0: i32) -> (i32, i32) {
    %c0_i32 = arith.constant 0 : i32
    %c0_i32_0 = arith.constant 0 : i32
    return %arg0, %c0_i32 : i32, i32
  }
}

module attributes {stable_mosaic.version = 14 : i64} {
  func.func @_tc_mid_body(%arg0: i32, %arg1: memref<2x1024x128xf32, #tpu.memory_space<vmem>>, %arg2: memref<1024x128xf32, #tpu.memory_space<vmem>>, %arg3: memref<1x128xf32, #tpu.memory_space<vmem>>, %arg4: memref<128x128xf32, #tpu.memory_space<vmem>>, %arg5: memref<1024x128xf32, #tpu.memory_space<vmem>>) attributes {dimension_semantics = [#tpu.dimension_semantics<arbitrary>], iteration_bounds = array<i64: 10>, scalar_prefetch = 0 : i64, scratch_operands = 0 : i64, tpu.core_type = #tpu.core_type<tc>, window_params = [{transform_indices = @transform_0, window_bounds = array<i64: 2, 1024, 128>}, {transform_indices = @transform_1, window_bounds = array<i64: 1024, 128>}, {pipeline_mode = #tpu.pipeline_mode<synchronous>, transform_indices = @transform_2, window_bounds = array<i64: 1, 128>}, {pipeline_mode = #tpu.pipeline_mode<synchronous>, transform_indices = @transform_3, window_bounds = array<i64: 128, 128>}, {transform_indices = @transform_4, window_bounds = array<i64: 1024, 128>}]} {
    %get3A = arith.constant 0 : index
    %get3A_0 = arith.constant 0 : index
    %get3A_1 = vector.load %arg2[%get3A, %get3A_0] : memref<1024x128xf32, #tpu.memory_space<vmem>>, vector<1024x1xf32>
    %get3A_2 = arith.constant 0 : index
    %get3A_3 = arith.constant 0 : index
    %get3A_4 = arith.constant 0 : index
    %get3A_5 = vector.load %arg1[%get3A_2, %get3A_3, %get3A_4] : memref<2x1024x128xf32, #tpu.memory_space<vmem>>, vector<1x1024x128xf32>
    %get3A_6 = vector.shape_cast %get3A_5 : vector<1x1024x128xf32> to vector<1024x128xf32>
    %get3A_7 = arith.constant 1 : index
    %get3A_8 = arith.constant 0 : index
    %get3A_9 = arith.constant 0 : index
    %get3A_10 = vector.load %arg1[%get3A_7, %get3A_8, %get3A_9] : memref<2x1024x128xf32, #tpu.memory_space<vmem>>, vector<1x1024x128xf32>
    %get3A_11 = vector.shape_cast %get3A_10 : vector<1x1024x128xf32> to vector<1024x128xf32>
    %add3A = arith.addf %get3A_6, %get3A_11 : vector<1024x128xf32>
    %mul3A = vector.broadcast %get3A_1 : vector<1024x1xf32> to vector<1024x128xf32>
    %mul3A_12 = arith.mulf %add3A, %mul3A : vector<1024x128xf32>
    %get3A_13 = arith.constant 0 : index
    %get3A_14 = arith.constant 0 : index
    %get3A_15 = vector.load %arg3[%get3A_13, %get3A_14] : memref<1x128xf32, #tpu.memory_space<vmem>>, vector<1x128xf32>
    %add3A_16 = vector.broadcast %get3A_15 : vector<1x128xf32> to vector<1024x128xf32>
    %add3A_17 = arith.addf %mul3A_12, %add3A_16 : vector<1024x128xf32>
    %max3A = arith.constant 0.000000e+00 : f32
    %max3A_18 = vector.broadcast %max3A : f32 to vector<1024x128xf32>
    %max3A_19 = arith.maximumf %add3A_17, %max3A_18 : vector<1024x128xf32>
    %get3A_20 = arith.constant 0 : index
    %get3A_21 = arith.constant 0 : index
    %get3A_22 = vector.load %arg4[%get3A_20, %get3A_21] : memref<128x128xf32, #tpu.memory_space<vmem>>, vector<128x128xf32>
    %dot_general3A = arith.constant dense<0.000000e+00> : vector<1024x128xf32>
    %dot_general3A_23 = tpu.matmul %max3A_19, %get3A_22, %dot_general3A {dimension_numbers = #tpu.dot_dimension_numbers<[1], [0], [0], [1], [0, 0, 1, 1], [], []>, transpose_lhs_hint = false} : vector<1024x128xf32>, vector<128x128xf32>, vector<1024x128xf32> -> vector<1024x128xf32>
    %mul3A_24 = vector.broadcast %get3A_1 : vector<1024x1xf32> to vector<1024x128xf32>
    %mul3A_25 = arith.mulf %dot_general3A_23, %mul3A_24 : vector<1024x128xf32>
    %swap3A = arith.constant 0 : index
    %swap3A_26 = arith.constant 0 : index
    %swap3A_27 = vector.load %arg5[%swap3A, %swap3A_26] : memref<1024x128xf32, #tpu.memory_space<vmem>>, vector<1024x128xf32>
    tpu.vector_store %arg5[%swap3A, %swap3A_26], %mul3A_25 {strides = array<i32>} : memref<1024x128xf32, #tpu.memory_space<vmem>>, vector<1024x128xf32>,
    return
  }
  func.func @transform_0(%arg0: i32) -> (i32, i32, i32) {
    %c0_i32 = arith.constant 0 : i32
    %c0_i32_0 = arith.constant 0 : i32
    %c0_i32_1 = arith.constant 0 : i32
    return %c0_i32, %arg0, %c0_i32_0 : i32, i32, i32
  }
  func.func @transform_1(%arg0: i32) -> (i32, i32) {
    %c0_i32 = arith.constant 0 : i32
    %c0_i32_0 = arith.constant 0 : i32
    return %arg0, %c0_i32 : i32, i32
  }
  func.func @transform_2(%arg0: i32) -> (i32, i32) {
    %c0_i32 = arith.constant 0 : i32
    %c0_i32_0 = arith.constant 0 : i32
    %c0_i32_1 = arith.constant 0 : i32
    return %c0_i32, %c0_i32_0 : i32, i32
  }
  func.func @transform_3(%arg0: i32) -> (i32, i32) {
    %c0_i32 = arith.constant 0 : i32
    %c0_i32_0 = arith.constant 0 : i32
    %c0_i32_1 = arith.constant 0 : i32
    return %c0_i32, %c0_i32_0 : i32, i32
  }
  func.func @transform_4(%arg0: i32) -> (i32, i32) {
    %c0_i32 = arith.constant 0 : i32
    %c0_i32_0 = arith.constant 0 : i32
    return %arg0, %c0_i32 : i32, i32
  }
}

module attributes {stable_mosaic.version = 14 : i64} {
  func.func @_tc_final_body(%arg0: i32, %arg1: memref<2x1024x128xf32, #tpu.memory_space<vmem>>, %arg2: memref<1024x128xf32, #tpu.memory_space<vmem>>, %arg3: memref<1x128xf32, #tpu.memory_space<vmem>>, %arg4: memref<128x64xf32, #tpu.memory_space<vmem>>, %arg5: memref<1x64xf32, #tpu.memory_space<vmem>>, %arg6: memref<1024x1xi32, #tpu.memory_space<vmem>>, %arg7: memref<128x64xf32, #tpu.memory_space<vmem>>, %arg8: memref<128x128xf32, #tpu.memory_space<vmem>>, %arg9: memref<128x128xf32, #tpu.memory_space<vmem>>, %arg10: memref<128x1xf32, #tpu.memory_space<vmem>>) attributes {dimension_semantics = [#tpu.dimension_semantics<arbitrary>], iteration_bounds = array<i64: 10>, scalar_prefetch = 0 : i64, scratch_operands = 2 : i64, tpu.core_type = #tpu.core_type<tc>, window_params = [{transform_indices = @transform_0, window_bounds = array<i64: 2, 1024, 128>}, {transform_indices = @transform_1, window_bounds = array<i64: 1024, 128>}, {pipeline_mode = #tpu.pipeline_mode<synchronous>, transform_indices = @transform_2, window_bounds = array<i64: 1, 128>}, {pipeline_mode = #tpu.pipeline_mode<synchronous>, transform_indices = @transform_3, window_bounds = array<i64: 128, 64>}, {pipeline_mode = #tpu.pipeline_mode<synchronous>, transform_indices = @transform_4, window_bounds = array<i64: 1, 64>}, {transform_indices = @transform_5, window_bounds = array<i64: 1024, 1>}, {pipeline_mode = #tpu.pipeline_mode<synchronous>, transform_indices = @transform_6, window_bounds = array<i64: 128, 64>}, {pipeline_mode = #tpu.pipeline_mode<synchronous>, transform_indices = @transform_7, window_bounds = array<i64: 128, 128>}]} {
    %eq3A = arith.constant 0 : i32
    %eq3A_0 = arith.cmpi eq, %arg0, %eq3A : i32
    %convert_element_type3A = arith.extui %eq3A_0 : i1 to i32
    %cond3A = arith.constant 0 : i32
    %cond3A_1 = arith.cmpi ne, %convert_element_type3A, %cond3A : i32
    scf.if %cond3A_1 {
      %broadcast_in_dim3A_51 = arith.constant 0.000000e+00 : f32
      %broadcast_in_dim3A_52 = vector.broadcast %broadcast_in_dim3A_51 : f32 to vector<128x128xf32>
      %swap3A_53 = arith.constant 0 : index
      %swap3A_54 = arith.constant 0 : index
      %swap3A_55 = vector.load %arg9[%swap3A_53, %swap3A_54] : memref<128x128xf32, #tpu.memory_space<vmem>>, vector<128x128xf32>
      tpu.vector_store %arg9[%swap3A_53, %swap3A_54], %broadcast_in_dim3A_52 {strides = array<i32>} : memref<128x128xf32, #tpu.memory_space<vmem>>, vector<128x128xf32>,
      %broadcast_in_dim3A_56 = arith.constant 0.000000e+00 : f32
      %broadcast_in_dim3A_57 = vector.broadcast %broadcast_in_dim3A_56 : f32 to vector<128x1xf32>
      %swap3A_58 = arith.constant 0 : index
      %swap3A_59 = arith.constant 0 : index
      %swap3A_60 = vector.load %arg10[%swap3A_58, %swap3A_59] : memref<128x1xf32, #tpu.memory_space<vmem>>, vector<128x1xf32>
      tpu.vector_store %arg10[%swap3A_58, %swap3A_59], %broadcast_in_dim3A_57 {strides = array<i32>} : memref<128x1xf32, #tpu.memory_space<vmem>>, vector<128x1xf32>,
    } else {
    }
    %get3A = arith.constant 0 : index
    %get3A_2 = arith.constant 0 : index
    %get3A_3 = vector.load %arg2[%get3A, %get3A_2] : memref<1024x128xf32, #tpu.memory_space<vmem>>, vector<1024x1xf32>
    %get3A_4 = arith.constant 0 : index
    %get3A_5 = arith.constant 0 : index
    %get3A_6 = arith.constant 0 : index
    %get3A_7 = vector.load %arg1[%get3A_4, %get3A_5, %get3A_6] : memref<2x1024x128xf32, #tpu.memory_space<vmem>>, vector<1x1024x128xf32>
    %get3A_8 = vector.shape_cast %get3A_7 : vector<1x1024x128xf32> to vector<1024x128xf32>
    %get3A_9 = arith.constant 1 : index
    %get3A_10 = arith.constant 0 : index
    %get3A_11 = arith.constant 0 : index
    %get3A_12 = vector.load %arg1[%get3A_9, %get3A_10, %get3A_11] : memref<2x1024x128xf32, #tpu.memory_space<vmem>>, vector<1x1024x128xf32>
    %get3A_13 = vector.shape_cast %get3A_12 : vector<1x1024x128xf32> to vector<1024x128xf32>
    %add3A = arith.addf %get3A_8, %get3A_13 : vector<1024x128xf32>
    %mul3A = vector.broadcast %get3A_3 : vector<1024x1xf32> to vector<1024x128xf32>
    %mul3A_14 = arith.mulf %add3A, %mul3A : vector<1024x128xf32>
    %get3A_15 = arith.constant 0 : index
    %get3A_16 = arith.constant 0 : index
    %get3A_17 = vector.load %arg3[%get3A_15, %get3A_16] : memref<1x128xf32, #tpu.memory_space<vmem>>, vector<1x128xf32>
    %add3A_18 = vector.broadcast %get3A_17 : vector<1x128xf32> to vector<1024x128xf32>
    %add3A_19 = arith.addf %mul3A_14, %add3A_18 : vector<1024x128xf32>
    %max3A = arith.constant 0.000000e+00 : f32
    %max3A_20 = vector.broadcast %max3A : f32 to vector<1024x128xf32>
    %max3A_21 = arith.maximumf %add3A_19, %max3A_20 : vector<1024x128xf32>
    %get3A_22 = arith.constant 0 : index
    %get3A_23 = arith.constant 0 : index
    %get3A_24 = vector.load %arg6[%get3A_22, %get3A_23] : memref<1024x1xi32, #tpu.memory_space<vmem>>, vector<1024x1xi32>
    %iota3A = tpu.iota {dimensions = array<i32: 1>} : vector<1024x128xi32>
    %eq3A_25 = vector.broadcast %get3A_24 : vector<1024x1xi32> to vector<1024x128xi32>
    %eq3A_26 = arith.cmpi eq, %eq3A_25, %iota3A : vector<1024x128xi32>
    %convert_element_type3A_27 = arith.extui %eq3A_26 : vector<1024x128xi1> to vector<1024x128xi32>
    %convert_element_type3A_28 = arith.sitofp %convert_element_type3A_27 : vector<1024x128xi32> to vector<1024x128xf32>
    %get3A_29 = arith.constant 0 : index
    %get3A_30 = arith.constant 0 : index
    %get3A_31 = vector.load %arg9[%get3A_29, %get3A_30] : memref<128x128xf32, #tpu.memory_space<vmem>>, vector<128x128xf32>
    %dot_general3A = arith.constant dense<0.000000e+00> : vector<128x128xf32>
    %dot_general3A_32 = tpu.matmul %convert_element_type3A_28, %max3A_21, %dot_general3A {dimension_numbers = #tpu.dot_dimension_numbers<[0], [0], [1], [1], [0, 1, 1, 1], [], []>, transpose_lhs_hint = false} : vector<1024x128xf32>, vector<1024x128xf32>, vector<128x128xf32> -> vector<128x128xf32>
    %add3A_33 = arith.addf %get3A_31, %dot_general3A_32 : vector<128x128xf32>
    %swap3A = arith.constant 0 : index
    %swap3A_34 = arith.constant 0 : index
    %swap3A_35 = vector.load %arg9[%swap3A, %swap3A_34] : memref<128x128xf32, #tpu.memory_space<vmem>>, vector<128x128xf32>
    tpu.vector_store %arg9[%swap3A, %swap3A_34], %add3A_33 {strides = array<i32>} : memref<128x128xf32, #tpu.memory_space<vmem>>, vector<128x128xf32>,
    %get3A_36 = arith.constant 0 : index
    %get3A_37 = arith.constant 0 : index
    %get3A_38 = vector.load %arg10[%get3A_36, %get3A_37] : memref<128x1xf32, #tpu.memory_space<vmem>>, vector<128x1xf32>
    %broadcast_in_dim3A = arith.constant 1.000000e+00 : f32
    %broadcast_in_dim3A_39 = vector.broadcast %broadcast_in_dim3A : f32 to vector<1024x1xf32>
    %dot_general3A_40 = arith.constant dense<0.000000e+00> : vector<128x1xf32>
    %dot_general3A_41 = tpu.matmul %convert_element_type3A_28, %broadcast_in_dim3A_39, %dot_general3A_40 {dimension_numbers = #tpu.dot_dimension_numbers<[0], [0], [1], [1], [0, 1, 1, 1], [], []>, transpose_lhs_hint = false} : vector<1024x128xf32>, vector<1024x1xf32>, vector<128x1xf32> -> vector<128x1xf32>
    %add3A_42 = arith.addf %get3A_38, %dot_general3A_41 : vector<128x1xf32>
    %swap3A_43 = arith.constant 0 : index
    %swap3A_44 = arith.constant 0 : index
    %swap3A_45 = vector.load %arg10[%swap3A_43, %swap3A_44] : memref<128x1xf32, #tpu.memory_space<vmem>>, vector<128x1xf32>
    tpu.vector_store %arg10[%swap3A_43, %swap3A_44], %add3A_42 {strides = array<i32>} : memref<128x1xf32, #tpu.memory_space<vmem>>, vector<128x1xf32>,
    %eq3A_46 = arith.constant 9 : i32
    %eq3A_47 = arith.cmpi eq, %arg0, %eq3A_46 : i32
    %convert_element_type3A_48 = arith.extui %eq3A_47 : i1 to i32
    %cond3A_49 = arith.constant 0 : i32
    %cond3A_50 = arith.cmpi ne, %convert_element_type3A_48, %cond3A_49 : i32
    scf.if %cond3A_50 {
      %get3A_51 = arith.constant 0 : index
      %get3A_52 = arith.constant 0 : index
      %get3A_53 = vector.load %arg9[%get3A_51, %get3A_52] : memref<128x128xf32, #tpu.memory_space<vmem>>, vector<128x128xf32>
      %get3A_54 = arith.constant 0 : index
      %get3A_55 = arith.constant 0 : index
      %get3A_56 = vector.load %arg10[%get3A_54, %get3A_55] : memref<128x1xf32, #tpu.memory_space<vmem>>, vector<128x1xf32>
      %max3A_57 = arith.constant 1.000000e+00 : f32
      %max3A_58 = vector.broadcast %max3A_57 : f32 to vector<128x1xf32>
      %max3A_59 = arith.maximumf %get3A_56, %max3A_58 : vector<128x1xf32>
      %div3A = vector.broadcast %max3A_59 : vector<128x1xf32> to vector<128x128xf32>
      %div3A_60 = arith.divf %get3A_53, %div3A : vector<128x128xf32>
      %swap3A_61 = arith.constant 0 : index
      %swap3A_62 = arith.constant 0 : index
      %swap3A_63 = vector.load %arg8[%swap3A_61, %swap3A_62] : memref<128x128xf32, #tpu.memory_space<vmem>>, vector<128x128xf32>
      tpu.vector_store %arg8[%swap3A_61, %swap3A_62], %div3A_60 {strides = array<i32>} : memref<128x128xf32, #tpu.memory_space<vmem>>, vector<128x128xf32>,
      %get3A_64 = arith.constant 0 : index
      %get3A_65 = arith.constant 0 : index
      %get3A_66 = vector.load %arg4[%get3A_64, %get3A_65] : memref<128x64xf32, #tpu.memory_space<vmem>>, vector<128x64xf32>
      %dot_general3A_67 = arith.constant dense<0.000000e+00> : vector<128x64xf32>
      %dot_general3A_68 = tpu.matmul %div3A_60, %get3A_66, %dot_general3A_67 {dimension_numbers = #tpu.dot_dimension_numbers<[1], [0], [0], [1], [0, 0, 1, 1], [], []>, transpose_lhs_hint = false} : vector<128x128xf32>, vector<128x64xf32>, vector<128x64xf32> -> vector<128x64xf32>
      %get3A_69 = arith.constant 0 : index
      %get3A_70 = arith.constant 0 : index
      %get3A_71 = vector.load %arg5[%get3A_69, %get3A_70] : memref<1x64xf32, #tpu.memory_space<vmem>>, vector<1x64xf32>
      %add3A_72 = vector.broadcast %get3A_71 : vector<1x64xf32> to vector<128x64xf32>
      %add3A_73 = arith.addf %dot_general3A_68, %add3A_72 : vector<128x64xf32>
      %swap3A_74 = arith.constant 0 : index
      %swap3A_75 = arith.constant 0 : index
      %swap3A_76 = vector.load %arg7[%swap3A_74, %swap3A_75] : memref<128x64xf32, #tpu.memory_space<vmem>>, vector<128x64xf32>
      tpu.vector_store %arg7[%swap3A_74, %swap3A_75], %add3A_73 {strides = array<i32>} : memref<128x64xf32, #tpu.memory_space<vmem>>, vector<128x64xf32>,
    } else {
    }
    return
  }
  func.func @transform_0(%arg0: i32) -> (i32, i32, i32) {
    %c0_i32 = arith.constant 0 : i32
    %c0_i32_0 = arith.constant 0 : i32
    %c0_i32_1 = arith.constant 0 : i32
    return %c0_i32, %arg0, %c0_i32_0 : i32, i32, i32
  }
  func.func @transform_1(%arg0: i32) -> (i32, i32) {
    %c0_i32 = arith.constant 0 : i32
    %c0_i32_0 = arith.constant 0 : i32
    return %arg0, %c0_i32 : i32, i32
  }
  func.func @transform_2(%arg0: i32) -> (i32, i32) {
    %c0_i32 = arith.constant 0 : i32
    %c0_i32_0 = arith.constant 0 : i32
    %c0_i32_1 = arith.constant 0 : i32
    return %c0_i32, %c0_i32_0 : i32, i32
  }
  func.func @transform_3(%arg0: i32) -> (i32, i32) {
    %c0_i32 = arith.constant 0 : i32
    %c0_i32_0 = arith.constant 0 : i32
    %c0_i32_1 = arith.constant 0 : i32
    return %c0_i32, %c0_i32_0 : i32, i32
  }
  func.func @transform_4(%arg0: i32) -> (i32, i32) {
    %c0_i32 = arith.constant 0 : i32
    %c0_i32_0 = arith.constant 0 : i32
    %c0_i32_1 = arith.constant 0 : i32
    return %c0_i32, %c0_i32_0 : i32, i32
  }
  func.func @transform_5(%arg0: i32) -> (i32, i32) {
    %c0_i32 = arith.constant 0 : i32
    %c0_i32_0 = arith.constant 0 : i32
    return %arg0, %c0_i32 : i32, i32
  }
  func.func @transform_6(%arg0: i32) -> (i32, i32) {
    %c0_i32 = arith.constant 0 : i32
    %c0_i32_0 = arith.constant 0 : i32
    %c0_i32_1 = arith.constant 0 : i32
    return %c0_i32, %c0_i32_0 : i32, i32
  }
  func.func @transform_7(%arg0: i32) -> (i32, i32) {
    %c0_i32 = arith.constant 0 : i32
    %c0_i32_0 = arith.constant 0 : i32
    %c0_i32_1 = arith.constant 0 : i32
    return %c0_i32, %c0_i32_0 : i32, i32
  }
}

</mosaic_0001>

<sc_bundles>
// kernel: kernel.12.cloned.1.call-start
scs
__scs_entry_jumppad:
0x0: {  	(pc) =	sbr.rel $0x88, $3  }
0x1: {  	(tag) =	ssettag $0x0;
	lr =	simm.s32 $0x1  }
0x2: {  	[smem:$0x3F96] =	sst lr;
	_ =	strace $0xD0000000  }
0x3: {  	_ = 	snop  }
0x4: {  	_ = 	snop  }
0x5: {  	_ = 	snop  }
0x6: {  	_ = 	snop  }
0x7: {  	_ = 	snop  }
__scs_overlays_trampoline_lowered:
0x8: {  	[smem:$0x3FA5] =	sst s0  }
0x9: {  	[smem:$0x3FA6] =	sst s1  }
0xa: {  	[smem:$0x3FA7] =	sst s2  }
0xb: {  	[smem:$0x3FA8] =	sst s3  }
0xc: {  	[smem:$0x3FA9] =	sst s4  }
0xd: {  	[smem:$0x3FAA] =	sst s5  }
0xe: {  	[smem:$0x3FAB] =	sst s6  }
0xf: {  	[smem:$0x3FAC] =	sst s7  }
0x10: {  	[smem:$0x3FAD] =	sst s8  }
0x11: {  	[smem:$0x3FAE] =	sst s9;
	s0 =	simm.s32 @!p0 $0x0  }
0x12: {  	s1 =	sld [smem:$0x3F94];
	s0 =	simm.s32 @p0 $0x1  }
0x13: {  	[smem:$0x3FAF] =	sst s0;
	s0 =	simm.s32 @!p1 $0x0  }
0x14: {  	s2 =	sld [smem:$0x3F93];
	s0 =	simm.s32 @p1 $0x1  }
0x15: {  	[smem:$0x3FB0] =	sst s0;
	s0 =	simm.s32 @!p2 $0x0  }
0x16: {  	s3 =	sld [smem:$0x3FDB];
	s0 =	simm.s32 @p2 $0x1  }
0x17: {  	s4 =	simm.s32 $0x1BF5;
	[smem:$0x3FB2] =	sst s0  }
0x18: {  	s0 =	sld [smem:$0x3F95];
	_ =	swait.ge [sflag:s4], $0x0  }
0x19: {  	s7 =	sld [smem:$0x3F96]  }
0x1a: {  	s8 =	sadd.s32 $0xFFFFE003, lr  }
0x1b: {  	s9 =	sadd.s32 $0xFFFFFEF7, lr;
	s5 =	simm.s32 $0xFFFFFFFF;
	p2 =	slt.u32 s8, $0xFFFFF086  }
0x1c: {  	p1 =	slt.u32 s9, $0xF7A;
	s5 =	simm.s32 @!p2 $0x0  }
0x1d: {  	s5 =	simm.s32 @p1 $0x1;
	p0 =	seq.s32 s7, s2  }
0x1e: {  	s7 =	smul.u32 @!p0 $0xF7A, s2;
	p2 =	seq.s32 @!p0 s5, $0x0  }
0x1f: {  	s9 =	smul.u32 $0xF7A, s1;
	s8 =	simm.s32 @!p0 $0x1BF5;
	p2 =	por !p2, p0  }
0x20: {  	[sflag:s8] =	ssyncset.s32 @!p0 $0xFFFFF086;
	s6 =	sadd.s32 @!p0 s3, s7;
	s7 =	simm.s32 @!p0 $0x108  }
0x21: {  	s3 =	sadd.s32 s3, s9;
	s6 =	sadd.s32 @!p0 $0x88, s6;
	s7 =	simm.s32 @p2 $0x1082  }
0x22: {  	[simem:s7], [sflag:s8] =	dma.local @!p0 [hbm:s6], $0xF7A  }
0x23: {  	s9 =	sor.u32 $0xD0000000, s2;
	s6 =	simm.s32 $0x108;
	_ =	swait.ge @!p0 [sflag:s8], $0x0  }
0x24: {  	s3 =	sadd.s32 $0x88, s3;
	s6 =	simm.s32 @!p1 $0x1082;
	[sflag:s4] =	ssyncset.s32 $0xFFFFF086  }
0x25: {  	[simem:s6], [sflag:s4] =	dma.local [hbm:s3], $0xF7A  }
0x26: {  	[smem:$0x3F96] =	sst s1;
	(tag) =	ssettag s2;
	_ =	strace s9  }
0x27: {  	s1 =	sld [smem:$0x3FA6]  }
0x28: {  	s2 =	sld [smem:$0x3FA7]  }
0x29: {  	s4 =	sld [smem:$0x3FA9]  }
0x2a: {  	p0 =	seq.s32 s5, $0x0;
	s5 =	sld [smem:$0x3FAA]  }
0x2b: {  	s6 =	sld [smem:$0x3FAB]  }
0x2c: {  	s7 =	sld [smem:$0x3FAC]  }
0x2d: {  	s3 =	simm.s32 $0x108;
	s8 =	sld [smem:$0x3FAD]  }
0x2e: {  	s3 =	simm.s32 @!p0 $0x1082;
	s9 =	sld [smem:$0x3FAE]  }
0x2f: {  	lr =	sadd.s32 s0, s3;
	s0 =	sld [smem:$0x3FA5]  }
0x30: {  	s3 =	sld [smem:$0x3FA8]  }
0x31: {  	[smem:$0x3FB1] =	sst s10  }
0x32: {  	s10 =	sld [smem:$0x3FAF];
	_ =	sdelay $0x3  }
0x33: {  	p0 =	seq.s32 s10, $0x1;
	s10 =	sld [smem:$0x3FB1];
	_ =	sdelay $0x3  }
0x34: {  	[smem:$0x3FB1] =	sst s10  }
0x35: {  	s10 =	sld [smem:$0x3FB0];
	_ =	sdelay $0x3  }
0x36: {  	p1 =	seq.s32 s10, $0x1;
	s10 =	sld [smem:$0x3FB1];
	_ =	sdelay $0x3  }
0x37: {  	[smem:$0x3FB1] =	sst s10  }
0x38: {  	s10 =	sld [smem:$0x3FB2]  }
0x39: {  	_ = 	snop;
	(pc) =	sbr.ind lr, $3  }
0x3a: {  	_ = 	snop  }
0x3b: {  	_ = 	snop  }
0x3c: {  	p2 =	seq.s32 s10, $0x1;
	s10 =	sld [smem:$0x3FB1]  }
0x3d: {  	_ =	shalt  }
0x3e: {  	_ =	shalt  }
0x3f: {  	_ =	shalt  }
0x40: {  	_ =	shalt  }
0x41: {  	_ =	shalt  }
0x42: {  	_ =	shalt  }
0x43: {  	_ =	shalt  }
0x44: {  	_ =	shalt  }
0x45: {  	_ =	shalt  }
0x46: {  	_ =	shalt  }
0x47: {  	_ =	shalt  }
0x48: {  	_ =	shalt  }
0x49: {  	_ =	shalt  }
0x4a: {  	_ =	shalt  }
0x4b: {  	_ =	shalt  }
0x4c: {  	_ =	shalt  }
0x4d: {  	_ =	shalt  }
0x4e: {  	_ =	shalt  }
0x4f: {  	_ =	shalt  }
0x50: {  	_ =	shalt  }
0x51: {  	_ =	shalt  }
0x52: {  	_ =	shalt  }
0x53: {  	_ =	shalt  }
0x54: {  	_ =	shalt  }
0x55: {  	_ =	shalt  }
0x56: {  	_ =	shalt  }
0x57: {  	_ =	shalt  }
0x58: {  	_ =	shalt  }
0x59: {  	_ =	shalt  }
0x5a: {  	_ =	shalt  }
0x5b: {  	_ =	shalt  }
0x5c: {  	_ =	shalt  }
0x5d: {  	_ =	shalt  }
0x5e: {  	_ =	shalt  }
0x5f: {  	_ =	shalt  }
0x60: {  	_ =	shalt  }
0x61: {  	_ =	shalt  }
0x62: {  	_ =	shalt  }
0x63: {  	_ =	shalt  }
0x64: {  	_ =	shalt  }
0x65: {  	_ =	shalt  }
0x66: {  	_ =	shalt  }
0x67: {  	_ =	shalt  }
0x68: {  	_ =	shalt  }
0x69: {  	_ =	shalt  }
0x6a: {  	_ =	shalt  }
0x6b: {  	_ =	shalt  }
0x6c: {  	_ =	shalt  }
0x6d: {  	_ =	shalt  }
0x6e: {  	_ =	shalt  }
0x6f: {  	_ =	shalt  }
0x70: {  	_ =	shalt  }
0x71: {  	_ =	shalt  }
0x72: {  	_ =	shalt  }
0x73: {  	_ =	shalt  }
0x74: {  	_ =	shalt  }
0x75: {  	_ =	shalt  }
0x76: {  	_ =	shalt  }
0x77: {  	_ =	shalt  }
0x78: {  	_ =	shalt  }
0x79: {  	_ =	shalt  }
0x7a: {  	_ =	shalt  }
0x7b: {  	_ =	shalt  }
0x7c: {  	_ =	shalt  }
0x7d: {  	_ =	shalt  }
0x7e: {  	_ =	shalt  }
0x7f: {  	_ =	shalt  }
0x80: {  	_ =	shalt  }
0x81: {  	_ =	shalt  }
0x82: {  	_ =	shalt  }
0x83: {  	_ =	shalt  }
0x84: {  	_ =	shalt  }
0x85: {  	_ =	shalt  }
0x86: {  	_ =	shalt  }
0x87: {  	_ =	shalt  }
.Lfunc_end0:
.L_simem_size_0:
called_computation_lowered:
.L_overlay_start_0:
0x88: {  	s2 =	sld [smem:$0x3FD9]  }
0x89: {  	s3 =	sld [smem:$0x3FFE];
	_ =	sdelay $0x1  }
0x8a: {  	s1 =	srdreg.scid  }
0x8b: {  	s0 =	sand.u32 $0x1, s1  }
0x8c: {  	s16 =	sshll.u32 s0, $0xA;
	s2 =	sadd.s32 s3, s2  }
0x8d: {  	s2 =	sadd.s32 s2, s16  }
0x8e: {  	[smem:$0x3FBD] =	sst s2  }
0x8f: {  	_ = 	snop  }
0x90: {  	(tm) =	ssettm $0x1  }
0x91: {  	s17 =	sld [smem:$0x3FFB];
	_ =	sdelay $0x3  }
0x92: {  	_ =	strace s17  }
0x93: {  	s2 =	sld [smem:$0x3FFC];
	_ =	sdelay $0x3  }
0x94: {  	_ =	strace s2  }
0x95: {  	s2 =	sld [smem:$0x3FFD];
	_ =	sdelay $0x3  }
0x96: {  	_ =	strace s2  }
0x97: {  	_ =	strace $0x8FFFFFFF  }
0x98: {  	s18 =	sld [smem:$0x3FDB];
	_ =	sdelay $0x1  }
0x99: {  	s19 =	simm.s32 $_scs_section_size  }
0x9a: {  	s4 =	simm.s32 $_size__tile_overlayer_lowered;
	s5 =	simm.s32 $_tile_overlayer_lowered  }
0x9b: {  	s22 =	simm.s32 $0x1BFF;
	s21 =	sshll.u32 s5, $0x1;
	s2 =	sadd.s32 s19, s18  }
0x9c: {  	s6 =	simm.s32 $0x0;
	s20 =	sshll.u32 s4, $0x1;
	s4 =	sadd.s32 s21, s2  }
0x9d: {  	[timem:s6], [sflag:s22] =	dma.local [hbm:s4], s20  }
0x9e: {  	_ =	swait.ge [sflag:s22], s20  }
0x9f: {  	s3 =	ssub.s32 $0x0, s20;
	[sflag:s22] =	ssyncset.done $0x0  }
0xa0: {  	[sflag:s22] =	ssyncadd.s32 s3;
	_ =	sdelay $0x1  }
0xa1: {  	s23 =	simm.s32 $0x1B8B  }
0xa2: {  	_ =	swait.ge [sflag:s23], $0x1  }
0xa3: {  	[sflag:s23] =	ssyncset.done $0x0  }
0xa4: {  	s25 =	simm.s32 $0x1B8E;
	s24 =	sld [smem:$0x3FFE];
	[sflag:s23] =	ssyncadd.s32 $0xFFFFFFFF  }
0xa5: {  	s26 =	simm.s32 $execute0_lowered;
	[smem:$0x3FD2] =	sst s25  }
0xa6: {  	s4 =	sshll.u32 s26, $0x1;
	_ =	strace $0x80000046;
	[dreg:$0x1] =	wrdreg $0xFFFFFFFF  }
0xa7: {  	s28 =	simm.s32 $_size_execute0_lowered;
	s2 =	sadd.s32 s2, s4;
	[dreg:$0x0] =	wrdreg $0x0  }
0xa8: {  	s4 =	sshll.u32 s28, $0x1;
	[dreg:$0x2] =	wrdreg s2  }
0xa9: {  	[dreg:$0x3] =	wrdreg s4  }
0xaa: {  	[dreg:$0x4] =	wrdreg $0xC0  }
0xab: {  	_ =	task [dreg:s6], $0x5FFFF  }
0xac: {  	[dreg:$0x1] =	wrdreg $0xFFFFFFFF  }
0xad: {  	[dreg:$0x0] =	wrdreg $0x60  }
0xae: {  	[dreg:$0x2] =	wrdreg s24  }
0xaf: {  	[dreg:$0x3] =	wrdreg $0x6C800  }
0xb0: {  	[dreg:$0x4] =	wrdreg $0x9  }
0xb1: {  	_ =	task.clear_ibuf [dreg:s6], $0x5FFFF;
	_ =	strace $0x90000046  }
0xb2: {  	s29 =	simm.s32 $0x9;
	_ =	strace $0x80000048  }
0xb3: {  	_ =	swait.ge [sflag:s29], $0x1  }
0xb4: {  	[sflag:s29] =	ssyncadd.s32 $0xFFFFFFFF  }
0xb5: {  	_ =	strace $0x90000048  }
0xb6: {  	_ =	sfence  }
0xb7: {  	s30 =	sld [smem:$0x0];
	_ =	sdelay $0x2  }
0xb8: {  	s31 =	sshll.u32 s1, $0xD;
	s1 =	sshrl.u32 s1, $0x2  }
0xb9: {  	s3 =	sand.u32 $0x4000, s31;
	s1 =	sadd.s32 s1, s30  }
0xba: {  	s0 =	sor.u32 s3, s0;
	s1 =	sshll.u32 s1, $0x11  }
0xbb: {  	s0 =	sor.u32 s1, s0  }
0xbc: {  	s0 =	sadd.s32 $0x8F2B, s0  }
0xbd: {  	[sflag:s0] =	ssyncadd.remote.s32 $0x1  }
0xbe: {  	_ =	sfence.sel $0xFFFF  }
0xbf: {  	[dreg:$0x0] =	wrdreg $0xFFFFFFFF;
	(pc) =	sbr.abs _section_cstart, $3  }
0xc0: {  	[dreg:$0x1] =	wrdreg $0xFFFFFFFF  }
0xc1: {  	_ =	task.clear_ibuf [dreg:s6], $0x2FFFF;
	_ =	strace $0x9FFFFFFF  }
0xc2: {  	(tm) =	ssettm $0x7FFFFFFF  }
0xc3: {  	_ =	shalt  }
tec
execute0_lowered:
.L_overlay_start_1:
0x0: {  	(tag) =	ssettag $0x1  }
0x1: {  	s1 =	srdreg.scid;
	s5 =	rddreg [dreg:$0x0]  }
0x2: {  	s0 =	stileid.u32;
	s2 =	rddreg [dreg:$0x1];
	s3 =	simm.s32 $0x0  }
0x3: {  	s13 =	simm.s32 $0x1;
	s14 =	simm.s32 $0x80;
	s15 =	simm.s32 $0x6C00  }
0x4: {  	s4 =	sand.u32 $0x1, s1;
	s26 =	sshll.u32 s0, $0x1;
	s8 =	smul.u32 $0x14000, s0  }
0x5: {  	[smem:$0x7FF] =	sst s3;
	s9 =	smul.u32 $0x50000, s0;
	s16 =	sshll.u32 s0, $0x6  }
0x6: {  	s1 =	sor.u32 s4, s26;
	s7 =	smul.u32 $0x140000, s4;
	s29 =	ssub.s32 $0x2, s4  }
0x7: {  	s16 =	sor.u32 $0x1C01, s16;
	s6 =	smul.u32 $0x580, s1;
	s1 =	rddreg [dreg:$0x2]  }
0x8: {  	_ =	strace $0x80000047;
	s30 =	sshrl.u32 s9, $0x2;
	s31 =	sshrl.u32 s29, $0x1  }
0x9: {  	s28 =	sadd.s32 s8, s7;
	s4 =	sadd.s32 s30, s2;
	s12 =	ssub.s32 s29, s31  }
0xa: {  	s10 =	sadd.s32 s6, s5;
	s6 =	sshrl.u32 s28, $0x3;
	s7 =	sadd.s32 $0xC000, s4  }
0xb: {  	s8 =	sadd.s32 $0x10000, s4;
	s17 =	sshrl.u32 s4, $0x3;
	s11 =	sadd.s32 s6, s5  }
0xc: {  	s5 =	sadd.s32 $0x4000, s4;
	s6 =	sadd.s32 $0x8000, s4;
	s9 =	sadd.s32 $0x3A00, s10  }
0xd: {  	v0 =	vimm.f32 $0.0e+00;
	v1 =	vimm.f32 $1.000000000e+00;
	s10 =	sadd.s32 $0xEA00, s11;
	s11 =	smax.u32 s12, $0x1;
	s12 =	simm.s32 $0x2C00  }
.LBB2_1:
0xe: {  	s18 =	simm.s32 $0x0;
	s19 =	simm.s32 $0x200  }
.LBB2_2:
0xf: {  	p0 =	sne.s32 s19, $0xFE00;
	[tilespmem:s18+$0x2C70] =	vst v0  }
0x10: {  	[tilespmem:s18+$0x2C00] =	vst v0  }
0x11: {  	[tilespmem:s18+$0x2C10] =	vst v0  }
.Ltmp0:
0x12: {  	[tilespmem:s18+$0x2C20] =	vst v0;
	(pc) =	sbr.rel @p0 .LBB2_2-.Ltmp0, $4  }
0x13: {  	[tilespmem:s18+$0x2C30] =	vst v0  }
0x14: {  	[tilespmem:s18+$0x2C40] =	vst v0  }
0x15: {  	[tilespmem:s18+$0x2C50] =	vst v0  }
0x16: {  	[tilespmem:s18+$0x2C60] =	vst v0;
	s18 =	sshra.s32 s19, $0x2;
	s19 =	sadd.s32 $0x200, s19  }
0x17: {  	[tilespmem:s18+$0x2C70] =	vst v0  }
0x18: {  	[tilespmem:s18+$0x2C00] =	vst v0  }
0x19: {  	[tilespmem:s18+$0x2C10] =	vst v0  }
0x1a: {  	[tilespmem:s18+$0x2C20] =	vst v0  }
0x1b: {  	[tilespmem:s18+$0x2C30] =	vst v0  }
0x1c: {  	[tilespmem:s18+$0x2C40] =	vst v0  }
0x1d: {  	[tilespmem:s18+$0x2C50] =	vst v0  }
0x1e: {  	[tilespmem:s18+$0x2C60] =	vst v0  }
0x1f: {  	[spmem:s4] =	stream.linear.scatter [tilespmem:s12], [sflag:$0x1], $0x4000, $0x38;
	[tilespmem:$0x1AC80] =	vst v63  }
0x20: {  	_ =	swait.ge [sflag:s13], $0x4000  }
0x21: {  	[sflag:s13] =	ssyncset.done $0x0  }
0x22: {  	[sflag:s13] =	ssyncadd.s32 $0xFFFFC000  }
0x23: {  	[spmem:s5] =	stream.linear.scatter [tilespmem:s12], [sflag:$0x1], $0x4000, $0x38;
	[tilespmem:$0x1AC80] =	vst v63  }
0x24: {  	_ =	swait.ge [sflag:s13], $0x4000  }
0x25: {  	[sflag:s13] =	ssyncset.done $0x0  }
0x26: {  	[sflag:s13] =	ssyncadd.s32 $0xFFFFC000  }
0x27: {  	[spmem:s6] =	stream.linear.scatter [tilespmem:s12], [sflag:$0x1], $0x4000, $0x38;
	[tilespmem:$0x1AC80] =	vst v63  }
0x28: {  	_ =	swait.ge [sflag:s13], $0x4000  }
0x29: {  	[sflag:s13] =	ssyncset.done $0x0  }
0x2a: {  	[sflag:s13] =	ssyncadd.s32 $0xFFFFC000  }
0x2b: {  	[spmem:s7] =	stream.linear.scatter [tilespmem:s12], [sflag:$0x1], $0x4000, $0x38;
	[tilespmem:$0x1AC80] =	vst v63  }
0x2c: {  	_ =	swait.ge [sflag:s13], $0x4000  }
0x2d: {  	[sflag:s13] =	ssyncset.done $0x0  }
0x2e: {  	[sflag:s13] =	ssyncadd.s32 $0xFFFFC000  }
0x2f: {  	[spmem:s8] =	stream.linear.scatter [tilespmem:s12], [sflag:$0x1], $0x4000, $0x38;
	[tilespmem:$0x1AC80] =	vst v63  }
0x30: {  	_ =	swait.ge [sflag:s13], $0x4000  }
0x31: {  	[sflag:s13] =	ssyncset.done $0x0  }
0x32: {  	s18 =	simm.s32 $0x0;
	s19 =	simm.s32 $0x200;
	[sflag:s13] =	ssyncadd.s32 $0xFFFFC000  }
.LBB2_4:
0x33: {  	p0 =	sne.s32 s19, $0xFE00;
	[tilespmem:s18+$0x2C70] =	vst v1  }
0x34: {  	[tilespmem:s18+$0x2C00] =	vst v1  }
0x35: {  	[tilespmem:s18+$0x2C10] =	vst v1  }
.Ltmp1:
0x36: {  	[tilespmem:s18+$0x2C20] =	vst v1;
	(pc) =	sbr.rel @p0 .LBB2_4-.Ltmp1, $4  }
0x37: {  	[tilespmem:s18+$0x2C30] =	vst v1  }
0x38: {  	[tilespmem:s18+$0x2C40] =	vst v1  }
0x39: {  	[tilespmem:s18+$0x2C50] =	vst v1  }
0x3a: {  	[tilespmem:s18+$0x2C60] =	vst v1;
	s18 =	sshra.s32 s19, $0x2;
	s19 =	sadd.s32 $0x200, s19  }
0x3b: {  	[tilespmem:s18+$0x2C70] =	vst v1  }
0x3c: {  	[tilespmem:s18+$0x2C00] =	vst v1  }
0x3d: {  	[tilespmem:s18+$0x2C10] =	vst v1  }
0x3e: {  	[tilespmem:s18+$0x2C20] =	vst v1  }
0x3f: {  	[tilespmem:s18+$0x2C30] =	vst v1  }
0x40: {  	[tilespmem:s18+$0x2C40] =	vst v1  }
0x41: {  	[tilespmem:s18+$0x2C50] =	vst v1  }
0x42: {  	[tilespmem:s18+$0x2C60] =	vst v1  }
0x43: {  	s30 =	simm.s32 $0x0;
	[bflag:$0x0] =	sbarrier.arrive $0xFFFF  }
0x44: {  	[tilespmem:s30], [sflag:$0x1] =	stream.linear.gather [hbm4b:s9+s30], $0x2900, $0x38;
	[tilespmem:$0x1AC80] =	vst v63  }
0x45: {  	_ =	swait.ge [sflag:s13], $0x2900  }
0x46: {  	[sflag:s13] =	ssyncset.done $0x0  }
0x47: {  	s31 =	simm.s32 $0x0;
	[sflag:s13] =	ssyncadd.s32 $0xFFFFD700  }
0x48: {  	v2 =	vld [tilespmem:s31+$0x0];
	_ =	sdelay $0x4  }
0x49: {  	v2 =	vshra.s32 v2, $0x10  }
0x4a: {  	[tilespmem:$0x6C00] =	vst v2  }
0x4b: {  	v2 =	vld [tilespmem:s31+$0x10];
	_ =	sdelay $0x4  }
0x4c: {  	v2 =	vshra.s32 v2, $0x10  }
0x4d: {  	[tilespmem:$0x6C10] =	vst v2  }
0x4e: {  	v2 =	vld [tilespmem:s31+$0x20];
	_ =	sdelay $0x4  }
0x4f: {  	v2 =	vshra.s32 v2, $0x10  }
0x50: {  	[tilespmem:$0x6C20] =	vst v2  }
0x51: {  	v2 =	vld [tilespmem:s31+$0x30];
	_ =	sdelay $0x4  }
0x52: {  	v2 =	vshra.s32 v2, $0x10  }
0x53: {  	[tilespmem:$0x6C30] =	vst v2  }
0x54: {  	v2 =	vld [tilespmem:s31+$0x40];
	_ =	sdelay $0x4  }
0x55: {  	v2 =	vshra.s32 v2, $0x10  }
0x56: {  	[tilespmem:$0x6C40] =	vst v2  }
0x57: {  	v2 =	vld [tilespmem:s31+$0x50];
	_ =	sdelay $0x4  }
0x58: {  	v2 =	vshra.s32 v2, $0x10  }
0x59: {  	[tilespmem:$0x6C50] =	vst v2  }
0x5a: {  	v2 =	vld [tilespmem:s31+$0x60];
	_ =	sdelay $0x4  }
0x5b: {  	v2 =	vshra.s32 v2, $0x10  }
0x5c: {  	[tilespmem:$0x6C60] =	vst v2  }
0x5d: {  	v2 =	vld [tilespmem:s31+$0x70];
	_ =	sdelay $0x4  }
0x5e: {  	v2 =	vshra.s32 v2, $0x10  }
0x5f: {  	[tilespmem:$0x6C70] =	vst v2  }
0x60: {  	[spmem:s2] =	stream.indirect.scatter.add.f32 [tilespmem:s12], [sflag:$0x1], $0x80, s15, s14, $0xb8;
	[tilespmem:$0x1AC80] =	vst v63  }
0x61: {  	_ =	swait.ge [sflag:s13], $0x4000  }
0x62: {  	s18 =	simm.s32 $0x200;
	s21 =	simm.s32 $0x400;
	[sflag:s13] =	ssyncset.done $0x0  }
.LBB2_6:
0x63: {  	s20 =	sshra.s32 s18, $0x2  }
0x64: {  	[sflag:s13] =	ssyncadd.s32 $0xFFFFC000;
	s18 =	smov.u32 s21;
	s19 =	sadd.s32 $0x200, s21  }
0x65: {  	p0 =	sne.s32 s21, $0xA200;
	v2 =	vld [tilespmem:s20+$0x0];
	_ =	sdelay $0x4  }
0x66: {  	v2 =	vshra.s32 v2, $0x10  }
0x67: {  	[tilespmem:$0x6C00] =	vst v2  }
0x68: {  	v2 =	vld [tilespmem:s20+$0x10];
	_ =	sdelay $0x4  }
0x69: {  	v2 =	vshra.s32 v2, $0x10  }
0x6a: {  	[tilespmem:$0x6C10] =	vst v2  }
0x6b: {  	v2 =	vld [tilespmem:s20+$0x20];
	_ =	sdelay $0x4  }
0x6c: {  	v2 =	vshra.s32 v2, $0x10  }
0x6d: {  	[tilespmem:$0x6C20] =	vst v2  }
0x6e: {  	v2 =	vld [tilespmem:s20+$0x30];
	_ =	sdelay $0x4  }
0x6f: {  	v2 =	vshra.s32 v2, $0x10  }
0x70: {  	[tilespmem:$0x6C30] =	vst v2  }
0x71: {  	v2 =	vld [tilespmem:s20+$0x40];
	_ =	sdelay $0x4  }
0x72: {  	v2 =	vshra.s32 v2, $0x10  }
0x73: {  	[tilespmem:$0x6C40] =	vst v2  }
0x74: {  	v2 =	vld [tilespmem:s20+$0x50];
	_ =	sdelay $0x4  }
0x75: {  	v2 =	vshra.s32 v2, $0x10  }
0x76: {  	[tilespmem:$0x6C50] =	vst v2  }
0x77: {  	v2 =	vld [tilespmem:s20+$0x60];
	_ =	sdelay $0x4  }
0x78: {  	v2 =	vshra.s32 v2, $0x10  }
0x79: {  	[tilespmem:$0x6C60] =	vst v2  }
0x7a: {  	v2 =	vld [tilespmem:s20+$0x70];
	_ =	sdelay $0x4  }
.Ltmp2:
0x7b: {  	v2 =	vshra.s32 v2, $0x10;
	(pc) =	sbr.rel @p0 .LBB2_6-.Ltmp2, $4  }
0x7c: {  	[tilespmem:$0x6C70] =	vst v2  }
0x7d: {  	[spmem:s2] =	stream.indirect.scatter.add.f32 [tilespmem:s12], [sflag:$0x1], $0x80, s15, s14, $0xb8;
	[tilespmem:$0x1AC80] =	vst v63  }
0x7e: {  	_ =	swait.ge [sflag:s13], $0x4000  }
0x7f: {  	s21 =	smov.u32 s19;
	[sflag:s13] =	ssyncset.done $0x0  }
0x80: {  	s18 =	sshra.s32 s18, $0x2;
	[sflag:s13] =	ssyncadd.s32 $0xFFFFC000  }
0x81: {  	v2 =	vld [tilespmem:s18+$0x0];
	_ =	sdelay $0x4  }
0x82: {  	v2 =	vshra.s32 v2, $0x10  }
0x83: {  	[tilespmem:$0x6C00] =	vst v2  }
0x84: {  	v2 =	vld [tilespmem:s18+$0x10];
	_ =	sdelay $0x4  }
0x85: {  	v2 =	vshra.s32 v2, $0x10  }
0x86: {  	[tilespmem:$0x6C10] =	vst v2  }
0x87: {  	v2 =	vld [tilespmem:s18+$0x20];
	_ =	sdelay $0x4  }
0x88: {  	v2 =	vshra.s32 v2, $0x10  }
0x89: {  	[tilespmem:$0x6C20] =	vst v2  }
0x8a: {  	v2 =	vld [tilespmem:s18+$0x30];
	_ =	sdelay $0x4  }
0x8b: {  	v2 =	vshra.s32 v2, $0x10  }
0x8c: {  	[tilespmem:$0x6C30] =	vst v2  }
0x8d: {  	v2 =	vld [tilespmem:s18+$0x40];
	_ =	sdelay $0x4  }
0x8e: {  	v2 =	vshra.s32 v2, $0x10  }
0x8f: {  	[tilespmem:$0x6C40] =	vst v2  }
0x90: {  	v2 =	vld [tilespmem:s18+$0x50];
	_ =	sdelay $0x4  }
0x91: {  	v2 =	vshra.s32 v2, $0x10  }
0x92: {  	[tilespmem:$0x6C50] =	vst v2  }
0x93: {  	v2 =	vld [tilespmem:s18+$0x60];
	_ =	sdelay $0x4  }
0x94: {  	v2 =	vshra.s32 v2, $0x10  }
0x95: {  	[tilespmem:$0x6C60] =	vst v2  }
0x96: {  	v2 =	vld [tilespmem:s18+$0x70];
	_ =	sdelay $0x4  }
0x97: {  	v2 =	vshra.s32 v2, $0x10  }
0x98: {  	[tilespmem:$0x6C70] =	vst v2  }
0x99: {  	[spmem:s2] =	stream.indirect.scatter.add.f32 [tilespmem:s12], [sflag:$0x1], $0x80, s15, s14, $0xb8;
	[tilespmem:$0x1AC80] =	vst v63  }
0x9a: {  	_ =	swait.ge [sflag:s13], $0x4000  }
0x9b: {  	s3 =	sadd.s32 $0x1, s3;
	[sflag:s13] =	ssyncset.done $0x0  }
0x9c: {  	p0 =	sne.s32 s3, s11;
	[sflag:s13] =	ssyncadd.s32 $0xFFFFC000  }
.Ltmp3:
0x9d: {  	[bflag:$0x0] =	sbarrier.arrive $0xFFFF;
	(pc) =	sbr.rel @p0 .LBB2_1-.Ltmp3, $4  }
0x9e: {  	[hbm:s10], [sflag:s16] =	dma.local [spmem:s17], $0x2800  }
0x9f: {  	_ =	swait.ge [sflag:s13], $0x2800  }
0xa0: {  	[sflag:s13] =	ssyncset.done $0x0  }
0xa1: {  	[sflag:s13] =	ssyncadd.s32 $0xFFFFD800  }
0xa2: {  	_ =	sfence.sel $0x180000  }
0xa3: {  	[bflag:$0x0] =	sbarrier.arrive $0xFFFF  }
0xa4: {  	p0 =	sne.s32 s0, $0x0;
	_ =	strace $0x90000047  }
0xa5: {  	s0 =	sadd.s32 @!p0 $0x100000, s1;
	[bflag:$0x2] =	sbarrier.arrive $0xFFFF  }
0xa6: {  	[sflag:s0] =	ssyncadd.tile.s32 @!p0 $0x1;
	_ =	shalt  }
.Lfunc_end2:
_tile_overlayer_lowered:
.L_overlay_start_2:
0xa7: {  	(tag) =	ssettag $0x2  }
0xa8: {  	s0 =	rddreg [dreg:$0x0];
	s2 =	stileid.u32  }
0xa9: {  	s1 =	rddreg [dreg:$0x1];
	p0 =	sne.s32 s2, $0x0  }
0xaa: {  	s3 =	rddreg [dreg:$0x2];
	[bflag:$0x3] =	sbarrier.arrive $0xFFFF;
	s2 =	simm.s32 @!p0 $0x1C01  }
0xab: {  	[timem:s3], [sflag:s2] =	dma.local @!p0 [hbm:s0], s1  }
0xac: {  	s0 =	simm.s32 @!p0 $0x1  }
0xad: {  	_ =	swait.ge @!p0 [sflag:s0], s1  }
0xae: {  	s1 =	ssub.s32 @!p0 $0x0, s1;
	[sflag:s0] =	ssyncset.done @!p0 $0x0  }
0xaf: {  	[sflag:s0] =	ssyncadd.s32 @!p0 s1  }
0xb0: {  	[bflag:$0x3] =	sbarrier.arrive $0xFFFF  }
0xb1: {  	_ =	shalt  }

// kernel: kernel.15.cloned.1.call-start
scs
__scs_entry_jumppad:
0x0: {  	(pc) =	sbr.rel $0x88, $3  }
0x1: {  	(tag) =	ssettag $0x0;
	lr =	simm.s32 $0x1  }
0x2: {  	[smem:$0x3F96] =	sst lr;
	_ =	strace $0xD0000000  }
0x3: {  	_ = 	snop  }
0x4: {  	_ = 	snop  }
0x5: {  	_ = 	snop  }
0x6: {  	_ = 	snop  }
0x7: {  	_ = 	snop  }
__scs_overlays_trampoline_lowered:
0x8: {  	[smem:$0x3FA5] =	sst s0  }
0x9: {  	[smem:$0x3FA6] =	sst s1  }
0xa: {  	[smem:$0x3FA7] =	sst s2  }
0xb: {  	[smem:$0x3FA8] =	sst s3  }
0xc: {  	[smem:$0x3FA9] =	sst s4  }
0xd: {  	[smem:$0x3FAA] =	sst s5  }
0xe: {  	[smem:$0x3FAB] =	sst s6  }
0xf: {  	[smem:$0x3FAC] =	sst s7  }
0x10: {  	[smem:$0x3FAD] =	sst s8  }
0x11: {  	[smem:$0x3FAE] =	sst s9;
	s0 =	simm.s32 @!p0 $0x0  }
0x12: {  	s1 =	sld [smem:$0x3F94];
	s0 =	simm.s32 @p0 $0x1  }
0x13: {  	[smem:$0x3FAF] =	sst s0;
	s0 =	simm.s32 @!p1 $0x0  }
0x14: {  	s2 =	sld [smem:$0x3F93];
	s0 =	simm.s32 @p1 $0x1  }
0x15: {  	[smem:$0x3FB0] =	sst s0;
	s0 =	simm.s32 @!p2 $0x0  }
0x16: {  	s3 =	sld [smem:$0x3FDB];
	s0 =	simm.s32 @p2 $0x1  }
0x17: {  	s4 =	simm.s32 $0x1BF5;
	[smem:$0x3FB2] =	sst s0  }
0x18: {  	s0 =	sld [smem:$0x3F95];
	_ =	swait.ge [sflag:s4], $0x0  }
0x19: {  	s7 =	sld [smem:$0x3F96]  }
0x1a: {  	s8 =	sadd.s32 $0xFFFFE003, lr  }
0x1b: {  	s9 =	sadd.s32 $0xFFFFFEF7, lr;
	s5 =	simm.s32 $0xFFFFFFFF;
	p2 =	slt.u32 s8, $0xFFFFF086  }
0x1c: {  	p1 =	slt.u32 s9, $0xF7A;
	s5 =	simm.s32 @!p2 $0x0  }
0x1d: {  	s5 =	simm.s32 @p1 $0x1;
	p0 =	seq.s32 s7, s2  }
0x1e: {  	s7 =	smul.u32 @!p0 $0xF7A, s2;
	p2 =	seq.s32 @!p0 s5, $0x0  }
0x1f: {  	s9 =	smul.u32 $0xF7A, s1;
	s8 =	simm.s32 @!p0 $0x1BF5;
	p2 =	por !p2, p0  }
0x20: {  	[sflag:s8] =	ssyncset.s32 @!p0 $0xFFFFF086;
	s6 =	sadd.s32 @!p0 s3, s7;
	s7 =	simm.s32 @!p0 $0x108  }
0x21: {  	s3 =	sadd.s32 s3, s9;
	s6 =	sadd.s32 @!p0 $0x88, s6;
	s7 =	simm.s32 @p2 $0x1082  }
0x22: {  	[simem:s7], [sflag:s8] =	dma.local @!p0 [hbm:s6], $0xF7A  }
0x23: {  	s9 =	sor.u32 $0xD0000000, s2;
	s6 =	simm.s32 $0x108;
	_ =	swait.ge @!p0 [sflag:s8], $0x0  }
0x24: {  	s3 =	sadd.s32 $0x88, s3;
	s6 =	simm.s32 @!p1 $0x1082;
	[sflag:s4] =	ssyncset.s32 $0xFFFFF086  }
0x25: {  	[simem:s6], [sflag:s4] =	dma.local [hbm:s3], $0xF7A  }
0x26: {  	[smem:$0x3F96] =	sst s1;
	(tag) =	ssettag s2;
	_ =	strace s9  }
0x27: {  	s1 =	sld [smem:$0x3FA6]  }
0x28: {  	s2 =	sld [smem:$0x3FA7]  }
0x29: {  	s4 =	sld [smem:$0x3FA9]  }
0x2a: {  	p0 =	seq.s32 s5, $0x0;
	s5 =	sld [smem:$0x3FAA]  }
0x2b: {  	s6 =	sld [smem:$0x3FAB]  }
0x2c: {  	s7 =	sld [smem:$0x3FAC]  }
0x2d: {  	s3 =	simm.s32 $0x108;
	s8 =	sld [smem:$0x3FAD]  }
0x2e: {  	s3 =	simm.s32 @!p0 $0x1082;
	s9 =	sld [smem:$0x3FAE]  }
0x2f: {  	lr =	sadd.s32 s0, s3;
	s0 =	sld [smem:$0x3FA5]  }
0x30: {  	s3 =	sld [smem:$0x3FA8]  }
0x31: {  	[smem:$0x3FB1] =	sst s10  }
0x32: {  	s10 =	sld [smem:$0x3FAF];
	_ =	sdelay $0x3  }
0x33: {  	p0 =	seq.s32 s10, $0x1;
	s10 =	sld [smem:$0x3FB1];
	_ =	sdelay $0x3  }
0x34: {  	[smem:$0x3FB1] =	sst s10  }
0x35: {  	s10 =	sld [smem:$0x3FB0];
	_ =	sdelay $0x3  }
0x36: {  	p1 =	seq.s32 s10, $0x1;
	s10 =	sld [smem:$0x3FB1];
	_ =	sdelay $0x3  }
0x37: {  	[smem:$0x3FB1] =	sst s10  }
0x38: {  	s10 =	sld [smem:$0x3FB2]  }
0x39: {  	_ = 	snop;
	(pc) =	sbr.ind lr, $3  }
0x3a: {  	_ = 	snop  }
0x3b: {  	_ = 	snop  }
0x3c: {  	p2 =	seq.s32 s10, $0x1;
	s10 =	sld [smem:$0x3FB1]  }
0x3d: {  	_ =	shalt  }
0x3e: {  	_ =	shalt  }
0x3f: {  	_ =	shalt  }
0x40: {  	_ =	shalt  }
0x41: {  	_ =	shalt  }
0x42: {  	_ =	shalt  }
0x43: {  	_ =	shalt  }
0x44: {  	_ =	shalt  }
0x45: {  	_ =	shalt  }
0x46: {  	_ =	shalt  }
0x47: {  	_ =	shalt  }
0x48: {  	_ =	shalt  }
0x49: {  	_ =	shalt  }
0x4a: {  	_ =	shalt  }
0x4b: {  	_ =	shalt  }
0x4c: {  	_ =	shalt  }
0x4d: {  	_ =	shalt  }
0x4e: {  	_ =	shalt  }
0x4f: {  	_ =	shalt  }
0x50: {  	_ =	shalt  }
0x51: {  	_ =	shalt  }
0x52: {  	_ =	shalt  }
0x53: {  	_ =	shalt  }
0x54: {  	_ =	shalt  }
0x55: {  	_ =	shalt  }
0x56: {  	_ =	shalt  }
0x57: {  	_ =	shalt  }
0x58: {  	_ =	shalt  }
0x59: {  	_ =	shalt  }
0x5a: {  	_ =	shalt  }
0x5b: {  	_ =	shalt  }
0x5c: {  	_ =	shalt  }
0x5d: {  	_ =	shalt  }
0x5e: {  	_ =	shalt  }
0x5f: {  	_ =	shalt  }
0x60: {  	_ =	shalt  }
0x61: {  	_ =	shalt  }
0x62: {  	_ =	shalt  }
0x63: {  	_ =	shalt  }
0x64: {  	_ =	shalt  }
0x65: {  	_ =	shalt  }
0x66: {  	_ =	shalt  }
0x67: {  	_ =	shalt  }
0x68: {  	_ =	shalt  }
0x69: {  	_ =	shalt  }
0x6a: {  	_ =	shalt  }
0x6b: {  	_ =	shalt  }
0x6c: {  	_ =	shalt  }
0x6d: {  	_ =	shalt  }
0x6e: {  	_ =	shalt  }
0x6f: {  	_ =	shalt  }
0x70: {  	_ =	shalt  }
0x71: {  	_ =	shalt  }
0x72: {  	_ =	shalt  }
0x73: {  	_ =	shalt  }
0x74: {  	_ =	shalt  }
0x75: {  	_ =	shalt  }
0x76: {  	_ =	shalt  }
0x77: {  	_ =	shalt  }
0x78: {  	_ =	shalt  }
0x79: {  	_ =	shalt  }
0x7a: {  	_ =	shalt  }
0x7b: {  	_ =	shalt  }
0x7c: {  	_ =	shalt  }
0x7d: {  	_ =	shalt  }
0x7e: {  	_ =	shalt  }
0x7f: {  	_ =	shalt  }
0x80: {  	_ =	shalt  }
0x81: {  	_ =	shalt  }
0x82: {  	_ =	shalt  }
0x83: {  	_ =	shalt  }
0x84: {  	_ =	shalt  }
0x85: {  	_ =	shalt  }
0x86: {  	_ =	shalt  }
0x87: {  	_ =	shalt  }
.Lfunc_end0:
.L_simem_size_0:
called_computation.1_lowered:
.L_overlay_start_0:
0x88: {  	s2 =	sld [smem:$0x3FD9]  }
0x89: {  	s3 =	sld [smem:$0x3FFE];
	_ =	sdelay $0x1  }
0x8a: {  	s1 =	srdreg.scid  }
0x8b: {  	s0 =	sand.u32 $0x1, s1  }
0x8c: {  	s16 =	sshll.u32 s0, $0xA;
	s2 =	sadd.s32 s3, s2  }
0x8d: {  	s2 =	sadd.s32 s2, s16  }
0x8e: {  	[smem:$0x3FBD] =	sst s2  }
0x8f: {  	_ = 	snop  }
0x90: {  	(tm) =	ssettm $0x1  }
0x91: {  	s17 =	sld [smem:$0x3FFB];
	_ =	sdelay $0x3  }
0x92: {  	_ =	strace s17  }
0x93: {  	s2 =	sld [smem:$0x3FFC];
	_ =	sdelay $0x3  }
0x94: {  	_ =	strace s2  }
0x95: {  	s2 =	sld [smem:$0x3FFD];
	_ =	sdelay $0x3  }
0x96: {  	_ =	strace s2  }
0x97: {  	_ =	strace $0x8FFFFFFF  }
0x98: {  	s18 =	sld [smem:$0x3FDB];
	_ =	sdelay $0x1  }
0x99: {  	s19 =	simm.s32 $_scs_section_size  }
0x9a: {  	s4 =	simm.s32 $_size__tile_overlayer_lowered;
	s5 =	simm.s32 $_tile_overlayer_lowered  }
0x9b: {  	s22 =	simm.s32 $0x1BFF;
	s21 =	sshll.u32 s5, $0x1;
	s2 =	sadd.s32 s19, s18  }
0x9c: {  	s6 =	simm.s32 $0x0;
	s20 =	sshll.u32 s4, $0x1;
	s4 =	sadd.s32 s21, s2  }
0x9d: {  	[timem:s6], [sflag:s22] =	dma.local [hbm:s4], s20  }
0x9e: {  	_ =	swait.ge [sflag:s22], s20  }
0x9f: {  	s3 =	ssub.s32 $0x0, s20;
	[sflag:s22] =	ssyncset.done $0x0  }
0xa0: {  	[sflag:s22] =	ssyncadd.s32 s3;
	_ =	sdelay $0x1  }
0xa1: {  	s23 =	simm.s32 $0x1B8B  }
0xa2: {  	_ =	swait.ge [sflag:s23], $0x1  }
0xa3: {  	[sflag:s23] =	ssyncset.done $0x0  }
0xa4: {  	s25 =	simm.s32 $0x1B8E;
	s24 =	sld [smem:$0x3FFE];
	[sflag:s23] =	ssyncadd.s32 $0xFFFFFFFF  }
0xa5: {  	s26 =	simm.s32 $execute0_lowered;
	[smem:$0x3FD2] =	sst s25  }
0xa6: {  	s4 =	sshll.u32 s26, $0x1;
	_ =	strace $0x80000049;
	[dreg:$0x1] =	wrdreg $0xFFFFFFFF  }
0xa7: {  	s28 =	simm.s32 $_size_execute0_lowered;
	s2 =	sadd.s32 s2, s4;
	[dreg:$0x0] =	wrdreg $0x0  }
0xa8: {  	s4 =	sshll.u32 s28, $0x1;
	[dreg:$0x2] =	wrdreg s2  }
0xa9: {  	[dreg:$0x3] =	wrdreg s4  }
0xaa: {  	[dreg:$0x4] =	wrdreg $0xC0  }
0xab: {  	_ =	task [dreg:s6], $0x5FFFF  }
0xac: {  	[dreg:$0x1] =	wrdreg $0xFFFFFFFF  }
0xad: {  	[dreg:$0x0] =	wrdreg $0x60  }
0xae: {  	[dreg:$0x2] =	wrdreg s24  }
0xaf: {  	[dreg:$0x3] =	wrdreg $0xAE000  }
0xb0: {  	[dreg:$0x4] =	wrdreg $0x9  }
0xb1: {  	_ =	task.clear_ibuf [dreg:s6], $0x5FFFF;
	_ =	strace $0x90000049  }
0xb2: {  	s29 =	simm.s32 $0x9;
	_ =	strace $0x8000004B  }
0xb3: {  	_ =	swait.ge [sflag:s29], $0x1  }
0xb4: {  	[sflag:s29] =	ssyncadd.s32 $0xFFFFFFFF  }
0xb5: {  	_ =	strace $0x9000004B  }
0xb6: {  	_ =	sfence  }
0xb7: {  	s30 =	sld [smem:$0x0];
	_ =	sdelay $0x2  }
0xb8: {  	s31 =	sshll.u32 s1, $0xD;
	s1 =	sshrl.u32 s1, $0x2  }
0xb9: {  	s3 =	sand.u32 $0x4000, s31;
	s1 =	sadd.s32 s1, s30  }
0xba: {  	s0 =	sor.u32 s3, s0;
	s1 =	sshll.u32 s1, $0x11  }
0xbb: {  	s0 =	sor.u32 s1, s0  }
0xbc: {  	s0 =	sadd.s32 $0x8F2B, s0  }
0xbd: {  	[sflag:s0] =	ssyncadd.remote.s32 $0x1  }
0xbe: {  	_ =	sfence.sel $0xFFFF  }
0xbf: {  	[dreg:$0x0] =	wrdreg $0xFFFFFFFF;
	(pc) =	sbr.abs _section_cstart, $3  }
0xc0: {  	[dreg:$0x1] =	wrdreg $0xFFFFFFFF  }
0xc1: {  	_ =	task.clear_ibuf [dreg:s6], $0x2FFFF;
	_ =	strace $0x9FFFFFFF  }
0xc2: {  	(tm) =	ssettm $0x7FFFFFFF  }
0xc3: {  	_ =	shalt  }
tec
execute0_lowered:
.L_overlay_start_1:
0x0: {  	(tag) =	ssettag $0x1  }
0x1: {  	s1 =	srdreg.scid  }
0x2: {  	s0 =	stileid.u32;
	s6 =	rddreg [dreg:$0x0]  }
0x3: {  	s2 =	rddreg [dreg:$0x1];
	s3 =	simm.s32 $0x0;
	s14 =	simm.s32 $0x3  }
0x4: {  	s15 =	simm.s32 $0x80;
	s16 =	simm.s32 $0x2C00;
	s17 =	simm.s32 $0x2D00  }
0x5: {  	s18 =	simm.s32 $0x6E00;
	s19 =	simm.s32 $0x1;
	s20 =	simm.s32 $0x2C80  }
0x6: {  	s21 =	simm.s32 $0x2;
	s22 =	simm.s32 $0x2D80;
	s9 =	smul.u32 $0x14000, s0  }
0x7: {  	s5 =	sand.u32 $0x1, s1;
	s26 =	sshll.u32 s0, $0x1;
	s10 =	smul.u32 $0x50000, s0  }
0x8: {  	[smem:$0x7FF] =	sst s3;
	s1 =	sor.u32 s5, s26;
	s8 =	smul.u32 $0x140000, s5  }
0x9: {  	s4 =	sadd.s32 $0xEA00, s6;
	s29 =	ssub.s32 $0x2, s5;
	s7 =	smul.u32 $0x580, s1  }
0xa: {  	s1 =	rddreg [dreg:$0x2];
	_ =	strace $0x8000004A;
	s30 =	sshrl.u32 s10, $0x2  }
0xb: {  	s31 =	sshrl.u32 s29, $0x1;
	s28 =	sadd.s32 s9, s8;
	s5 =	sadd.s32 s30, s2  }
0xc: {  	s13 =	ssub.s32 s29, s31;
	s11 =	sadd.s32 s7, s6;
	s7 =	sshrl.u32 s28, $0x3  }
0xd: {  	s8 =	sadd.s32 $0xC000, s5;
	s9 =	sadd.s32 $0x10000, s5;
	s12 =	sadd.s32 s7, s6  }
0xe: {  	s6 =	sadd.s32 $0x4000, s5;
	s7 =	sadd.s32 $0x8000, s5;
	s10 =	sadd.s32 $0x3A00, s11  }
0xf: {  	v0 =	vimm.f32 $0.0e+00;
	s11 =	sadd.s32 $0x36A00, s12;
	s12 =	smax.u32 s13, $0x1;
	s13 =	simm.s32 $0x2E00  }
.LBB2_1:
0x10: {  	s23 =	simm.s32 $0x0;
	s24 =	simm.s32 $0x200  }
.LBB2_2:
0x11: {  	p0 =	sne.s32 s24, $0xFE00;
	[tilespmem:s23+$0x2E70] =	vst v0  }
0x12: {  	[tilespmem:s23+$0x2E00] =	vst v0  }
0x13: {  	[tilespmem:s23+$0x2E10] =	vst v0  }
.Ltmp0:
0x14: {  	[tilespmem:s23+$0x2E20] =	vst v0;
	(pc) =	sbr.rel @p0 .LBB2_2-.Ltmp0, $4  }
0x15: {  	[tilespmem:s23+$0x2E30] =	vst v0  }
0x16: {  	[tilespmem:s23+$0x2E40] =	vst v0  }
0x17: {  	[tilespmem:s23+$0x2E50] =	vst v0  }
0x18: {  	[tilespmem:s23+$0x2E60] =	vst v0;
	s23 =	sshra.s32 s24, $0x2;
	s24 =	sadd.s32 $0x200, s24  }
0x19: {  	[tilespmem:s23+$0x2E70] =	vst v0  }
0x1a: {  	[tilespmem:s23+$0x2E00] =	vst v0  }
0x1b: {  	[tilespmem:s23+$0x2E10] =	vst v0  }
0x1c: {  	[tilespmem:s23+$0x2E20] =	vst v0  }
0x1d: {  	[tilespmem:s23+$0x2E30] =	vst v0  }
0x1e: {  	[tilespmem:s23+$0x2E40] =	vst v0  }
0x1f: {  	[tilespmem:s23+$0x2E50] =	vst v0  }
0x20: {  	[tilespmem:s23+$0x2E60] =	vst v0  }
0x21: {  	[spmem:s5] =	stream.linear.scatter [tilespmem:s13], [sflag:$0x3], $0x4000, $0x38;
	[tilespmem:$0x1EE00] =	vst v63  }
0x22: {  	_ =	swait.ge [sflag:s14], $0x4000  }
0x23: {  	[sflag:s14] =	ssyncset.done $0x0  }
0x24: {  	[sflag:s14] =	ssyncadd.s32 $0xFFFFC000  }
0x25: {  	[spmem:s6] =	stream.linear.scatter [tilespmem:s13], [sflag:$0x3], $0x4000, $0x38;
	[tilespmem:$0x1EE00] =	vst v63  }
0x26: {  	_ =	swait.ge [sflag:s14], $0x4000  }
0x27: {  	[sflag:s14] =	ssyncset.done $0x0  }
0x28: {  	[sflag:s14] =	ssyncadd.s32 $0xFFFFC000  }
0x29: {  	[spmem:s7] =	stream.linear.scatter [tilespmem:s13], [sflag:$0x3], $0x4000, $0x38;
	[tilespmem:$0x1EE00] =	vst v63  }
0x2a: {  	_ =	swait.ge [sflag:s14], $0x4000  }
0x2b: {  	[sflag:s14] =	ssyncset.done $0x0  }
0x2c: {  	[sflag:s14] =	ssyncadd.s32 $0xFFFFC000  }
0x2d: {  	[spmem:s8] =	stream.linear.scatter [tilespmem:s13], [sflag:$0x3], $0x4000, $0x38;
	[tilespmem:$0x1EE00] =	vst v63  }
0x2e: {  	_ =	swait.ge [sflag:s14], $0x4000  }
0x2f: {  	[sflag:s14] =	ssyncset.done $0x0  }
0x30: {  	[sflag:s14] =	ssyncadd.s32 $0xFFFFC000  }
0x31: {  	[spmem:s9] =	stream.linear.scatter [tilespmem:s13], [sflag:$0x3], $0x4000, $0x38;
	[tilespmem:$0x1EE00] =	vst v63  }
0x32: {  	_ =	swait.ge [sflag:s14], $0x4000  }
0x33: {  	[sflag:s14] =	ssyncset.done $0x0  }
0x34: {  	[sflag:s14] =	ssyncadd.s32 $0xFFFFC000  }
0x35: {  	s24 =	simm.s32 $0x0;
	[bflag:$0x0] =	sbarrier.arrive $0xFFFF  }
0x36: {  	[tilespmem:s24], [sflag:$0x3] =	stream.linear.gather [hbm4b:s10+s24], $0x2900, $0x38;
	[tilespmem:$0x1EE00] =	vst v63  }
0x37: {  	_ =	swait.ge [sflag:s14], $0x2900  }
0x38: {  	[sflag:s14] =	ssyncset.done $0x0  }
0x39: {  	[sflag:s14] =	ssyncadd.s32 $0xFFFFD700  }
0x3a: {  	v1 =	vld [tilespmem:$0x0];
	_ =	sdelay $0x1  }
0x3b: {  	v2 =	vld [tilespmem:$0x10];
	_ =	sdelay $0x1  }
0x3c: {  	v3 =	vld [tilespmem:$0x20]  }
0x3d: {  	v4 =	vand.u32 $0xFFFF, v1  }
0x3e: {  	v62 =	vld [tilespmem:$0x30];
	v1 =	vshra.s32 v1, $0x10;
	[tilespmem:$0x2C00] =	vst v4  }
0x3f: {  	[tilespmem:$0x2C80] =	vst v1;
	v1 =	vand.u32 $0xFFFF, v2  }
0x40: {  	[tilespmem:$0x2C10] =	vst v1;
	v1 =	vshra.s32 v2, $0x10;
	v2 =	vld [tilespmem:$0x40]  }
0x41: {  	[tilespmem:$0x2C90] =	vst v1;
	v1 =	vand.u32 $0xFFFF, v3  }
0x42: {  	[tilespmem:$0x2C20] =	vst v1;
	v1 =	vshra.s32 v3, $0x10;
	v3 =	vld [tilespmem:$0x50]  }
0x43: {  	[tilespmem:$0x2CA0] =	vst v1;
	v1 =	vand.u32 $0xFFFF, v62  }
0x44: {  	v63 =	vld [tilespmem:$0x60];
	[tilespmem:$0x2C30] =	vst v1;
	v1 =	vshra.s32 v62, $0x10  }
0x45: {  	[tilespmem:$0x2CB0] =	vst v1;
	v1 =	vand.u32 $0xFFFF, v2  }
0x46: {  	[tilespmem:$0x2C40] =	vst v1;
	v1 =	vshra.s32 v2, $0x10;
	v2 =	vld [tilespmem:$0x70]  }
0x47: {  	[tilespmem:$0x2CC0] =	vst v1;
	v1 =	vand.u32 $0xFFFF, v3  }
0x48: {  	[tilespmem:$0x2C50] =	vst v1;
	v1 =	vshra.s32 v3, $0x10  }
0x49: {  	[tilespmem:$0x2CD0] =	vst v1;
	v1 =	vand.u32 $0xFFFF, v63  }
0x4a: {  	[tilespmem:$0x2C60] =	vst v1;
	v1 =	vshra.s32 v63, $0x10  }
0x4b: {  	[tilespmem:$0x2CE0] =	vst v1;
	v1 =	vand.u32 $0xFFFF, v2  }
0x4c: {  	[tilespmem:$0x2C70] =	vst v1;
	v1 =	vshra.s32 v2, $0x10  }
0x4d: {  	s23 =	simm.s32 $0xF0;
	[tilespmem:$0x2CF0] =	vst v1  }
0x4e: {  	[tilespmem:s13], [sflag:$0x1] =	stream.indirect.gather [hbm4b:s4+s15], $0x80, s16, s15, $0xb8;
	[tilespmem:$0x1EE00] =	vst v63  }
0x4f: {  	v1 =	vld [tilespmem:s23+$0xFFFFFF90];
	_ =	sdelay $0x4  }
0x50: {  	v2 =	vand.u32 $0xFFFF, v1  }
0x51: {  	v1 =	vshra.s32 v1, $0x10;
	[tilespmem:$0x2D00] =	vst v2  }
0x52: {  	[tilespmem:$0x2D80] =	vst v1  }
0x53: {  	v1 =	vld [tilespmem:s23+$0xFFFFFFA0];
	_ =	sdelay $0x4  }
0x54: {  	v2 =	vand.u32 $0xFFFF, v1  }
0x55: {  	v1 =	vshra.s32 v1, $0x10;
	[tilespmem:$0x2D10] =	vst v2  }
0x56: {  	[tilespmem:$0x2D90] =	vst v1  }
0x57: {  	v1 =	vld [tilespmem:s23+$0xFFFFFFB0];
	_ =	sdelay $0x4  }
0x58: {  	v2 =	vand.u32 $0xFFFF, v1  }
0x59: {  	v1 =	vshra.s32 v1, $0x10;
	[tilespmem:$0x2D20] =	vst v2  }
0x5a: {  	[tilespmem:$0x2DA0] =	vst v1  }
0x5b: {  	v1 =	vld [tilespmem:s23+$0xFFFFFFC0];
	_ =	sdelay $0x4  }
0x5c: {  	v2 =	vand.u32 $0xFFFF, v1  }
0x5d: {  	v1 =	vshra.s32 v1, $0x10;
	[tilespmem:$0x2D30] =	vst v2  }
0x5e: {  	[tilespmem:$0x2DB0] =	vst v1  }
0x5f: {  	v1 =	vld [tilespmem:s23+$0xFFFFFFD0];
	_ =	sdelay $0x4  }
0x60: {  	v2 =	vand.u32 $0xFFFF, v1  }
0x61: {  	v1 =	vshra.s32 v1, $0x10;
	[tilespmem:$0x2D40] =	vst v2  }
0x62: {  	[tilespmem:$0x2DC0] =	vst v1  }
0x63: {  	v1 =	vld [tilespmem:s23+$0xFFFFFFE0];
	_ =	sdelay $0x4  }
0x64: {  	v2 =	vand.u32 $0xFFFF, v1  }
0x65: {  	v1 =	vshra.s32 v1, $0x10;
	[tilespmem:$0x2D50] =	vst v2  }
0x66: {  	[tilespmem:$0x2DD0] =	vst v1  }
0x67: {  	v1 =	vld [tilespmem:s23+$0xFFFFFFF0];
	_ =	sdelay $0x4  }
0x68: {  	v2 =	vand.u32 $0xFFFF, v1  }
0x69: {  	v1 =	vshra.s32 v1, $0x10;
	[tilespmem:$0x2D60] =	vst v2  }
0x6a: {  	[tilespmem:$0x2DE0] =	vst v1  }
0x6b: {  	v1 =	vld [tilespmem:s23+$0x0];
	_ =	sdelay $0x4  }
0x6c: {  	v2 =	vand.u32 $0xFFFF, v1  }
0x6d: {  	v1 =	vshra.s32 v1, $0x10;
	[tilespmem:$0x2D70] =	vst v2  }
0x6e: {  	[tilespmem:$0x2DF0] =	vst v1  }
0x6f: {  	[tilespmem:s18], [sflag:$0x2] =	stream.indirect.gather [hbm4b:s4+s15], $0x80, s17, s15, $0xb8;
	[tilespmem:$0x1EE00] =	vst v63  }
0x70: {  	_ =	swait.ge [sflag:s19], $0x4000  }
0x71: {  	[sflag:s19] =	ssyncset.done $0x0  }
0x72: {  	[sflag:s19] =	ssyncadd.s32 $0xFFFFC000  }
0x73: {  	[spmem:s2] =	stream.indirect.scatter.add.f32 [tilespmem:s13], [sflag:$0x3], $0x80, s20, s15, $0xb8;
	[tilespmem:$0x1EE00] =	vst v63  }
0x74: {  	_ =	swait.ge [sflag:s14], $0x4000  }
0x75: {  	s24 =	smin.u32 s24, $0x4F;
	[sflag:s14] =	ssyncset.done $0x0  }
0x76: {  	s25 =	sshll.u32 s24, $0x7;
	[sflag:s14] =	ssyncadd.s32 $0xFFFFC000  }
0x77: {  	v1 =	vld [tilespmem:s25+$0x100];
	_ =	sdelay $0x4  }
0x78: {  	v2 =	vand.u32 $0xFFFF, v1  }
0x79: {  	v1 =	vshra.s32 v1, $0x10;
	[tilespmem:$0x2C00] =	vst v2  }
0x7a: {  	[tilespmem:$0x2C80] =	vst v1  }
0x7b: {  	v1 =	vld [tilespmem:s25+$0x110];
	_ =	sdelay $0x4  }
0x7c: {  	v2 =	vand.u32 $0xFFFF, v1  }
0x7d: {  	v1 =	vshra.s32 v1, $0x10;
	[tilespmem:$0x2C10] =	vst v2  }
0x7e: {  	[tilespmem:$0x2C90] =	vst v1  }
0x7f: {  	v1 =	vld [tilespmem:s25+$0x120];
	_ =	sdelay $0x4  }
0x80: {  	v2 =	vand.u32 $0xFFFF, v1  }
0x81: {  	v1 =	vshra.s32 v1, $0x10;
	[tilespmem:$0x2C20] =	vst v2  }
0x82: {  	[tilespmem:$0x2CA0] =	vst v1  }
0x83: {  	v1 =	vld [tilespmem:s25+$0x130];
	_ =	sdelay $0x4  }
0x84: {  	v2 =	vand.u32 $0xFFFF, v1  }
0x85: {  	v1 =	vshra.s32 v1, $0x10;
	[tilespmem:$0x2C30] =	vst v2  }
0x86: {  	[tilespmem:$0x2CB0] =	vst v1  }
0x87: {  	v1 =	vld [tilespmem:s25+$0x140];
	_ =	sdelay $0x4  }
0x88: {  	v2 =	vand.u32 $0xFFFF, v1  }
0x89: {  	v1 =	vshra.s32 v1, $0x10;
	[tilespmem:$0x2C40] =	vst v2  }
0x8a: {  	[tilespmem:$0x2CC0] =	vst v1  }
0x8b: {  	v1 =	vld [tilespmem:s25+$0x150];
	_ =	sdelay $0x4  }
0x8c: {  	v2 =	vand.u32 $0xFFFF, v1  }
0x8d: {  	v1 =	vshra.s32 v1, $0x10;
	[tilespmem:$0x2C50] =	vst v2  }
0x8e: {  	[tilespmem:$0x2CD0] =	vst v1  }
0x8f: {  	v1 =	vld [tilespmem:s25+$0x160];
	_ =	sdelay $0x4  }
0x90: {  	v2 =	vand.u32 $0xFFFF, v1  }
0x91: {  	s24 =	simm.s32 $0x2;
	v1 =	vshra.s32 v1, $0x10;
	[tilespmem:$0x2C60] =	vst v2  }
.LBB2_4:
0x92: {  	p0 =	sne.s32 s24, $0x50  }
0x93: {  	[tilespmem:$0x2CE0] =	vst v1;
	s23 =	sadd.s32 $0x100, s23;
	s26 =	smov.u32 s24;
	s24 =	sadd.s32 $0x2, s24  }
0x94: {  	v1 =	vld [tilespmem:s25+$0x170];
	_ =	sdelay $0x4  }
0x95: {  	v2 =	vand.u32 $0xFFFF, v1;
	v1 =	vshra.s32 v1, $0x10  }
0x96: {  	[tilespmem:$0x2C70] =	vst v2  }
0x97: {  	[tilespmem:$0x2CF0] =	vst v1  }
0x98: {  	[tilespmem:s13], [sflag:$0x1] =	stream.indirect.gather [hbm4b:s4+s15], $0x80, s16, s15, $0xb8;
	[tilespmem:$0x1EE00] =	vst v63  }
0x99: {  	_ =	swait.ge [sflag:s21], $0x4000  }
0x9a: {  	[sflag:s21] =	ssyncset.done $0x0  }
0x9b: {  	[sflag:s21] =	ssyncadd.s32 $0xFFFFC000  }
0x9c: {  	[spmem:s2] =	stream.indirect.scatter.add.f32 [tilespmem:s18], [sflag:$0x3], $0x80, s22, s15, $0xb8;
	[tilespmem:$0x1EE00] =	vst v63  }
0x9d: {  	_ =	swait.ge [sflag:s14], $0x4000  }
0x9e: {  	[sflag:s14] =	ssyncset.done $0x0  }
0x9f: {  	[sflag:s14] =	ssyncadd.s32 $0xFFFFC000  }
0xa0: {  	v1 =	vld [tilespmem:s23+$0xFFFFFF90];
	_ =	sdelay $0x4  }
0xa1: {  	v2 =	vand.u32 $0xFFFF, v1;
	v1 =	vshra.s32 v1, $0x10  }
0xa2: {  	[tilespmem:$0x2D00] =	vst v2  }
0xa3: {  	[tilespmem:$0x2D80] =	vst v1  }
0xa4: {  	v1 =	vld [tilespmem:s23+$0xFFFFFFA0];
	_ =	sdelay $0x4  }
0xa5: {  	v2 =	vand.u32 $0xFFFF, v1;
	v1 =	vshra.s32 v1, $0x10  }
0xa6: {  	[tilespmem:$0x2D10] =	vst v2  }
0xa7: {  	[tilespmem:$0x2D90] =	vst v1  }
0xa8: {  	v1 =	vld [tilespmem:s23+$0xFFFFFFB0];
	_ =	sdelay $0x4  }
0xa9: {  	v2 =	vand.u32 $0xFFFF, v1;
	v1 =	vshra.s32 v1, $0x10  }
0xaa: {  	[tilespmem:$0x2D20] =	vst v2  }
0xab: {  	[tilespmem:$0x2DA0] =	vst v1  }
0xac: {  	v1 =	vld [tilespmem:s23+$0xFFFFFFC0];
	_ =	sdelay $0x4  }
0xad: {  	v2 =	vand.u32 $0xFFFF, v1;
	v1 =	vshra.s32 v1, $0x10  }
0xae: {  	[tilespmem:$0x2D30] =	vst v2  }
0xaf: {  	[tilespmem:$0x2DB0] =	vst v1  }
0xb0: {  	v1 =	vld [tilespmem:s23+$0xFFFFFFD0];
	_ =	sdelay $0x4  }
0xb1: {  	v2 =	vand.u32 $0xFFFF, v1;
	v1 =	vshra.s32 v1, $0x10  }
0xb2: {  	[tilespmem:$0x2D40] =	vst v2  }
0xb3: {  	[tilespmem:$0x2DC0] =	vst v1  }
0xb4: {  	v1 =	vld [tilespmem:s23+$0xFFFFFFE0];
	_ =	sdelay $0x4  }
0xb5: {  	v2 =	vand.u32 $0xFFFF, v1;
	v1 =	vshra.s32 v1, $0x10  }
0xb6: {  	[tilespmem:$0x2D50] =	vst v2  }
0xb7: {  	[tilespmem:$0x2DD0] =	vst v1  }
0xb8: {  	v1 =	vld [tilespmem:s23+$0xFFFFFFF0];
	_ =	sdelay $0x4  }
0xb9: {  	v2 =	vand.u32 $0xFFFF, v1;
	v1 =	vshra.s32 v1, $0x10  }
0xba: {  	[tilespmem:$0x2D60] =	vst v2  }
0xbb: {  	[tilespmem:$0x2DE0] =	vst v1  }
0xbc: {  	v1 =	vld [tilespmem:s23+$0x0];
	_ =	sdelay $0x4  }
0xbd: {  	v2 =	vand.u32 $0xFFFF, v1;
	v1 =	vshra.s32 v1, $0x10  }
0xbe: {  	s25 =	smin.u32 s26, $0x4F;
	[tilespmem:$0x2D70] =	vst v2  }
0xbf: {  	s25 =	sshll.u32 s25, $0x7;
	[tilespmem:$0x2DF0] =	vst v1  }
0xc0: {  	[tilespmem:s18], [sflag:$0x2] =	stream.indirect.gather [hbm4b:s4+s15], $0x80, s17, s15, $0xb8;
	[tilespmem:$0x1EE00] =	vst v63  }
0xc1: {  	_ =	swait.ge [sflag:s19], $0x4000  }
0xc2: {  	[sflag:s19] =	ssyncset.done $0x0  }
0xc3: {  	[sflag:s19] =	ssyncadd.s32 $0xFFFFC000  }
0xc4: {  	[spmem:s2] =	stream.indirect.scatter.add.f32 [tilespmem:s13], [sflag:$0x3], $0x80, s20, s15, $0xb8;
	[tilespmem:$0x1EE00] =	vst v63  }
0xc5: {  	_ =	swait.ge [sflag:s14], $0x4000  }
0xc6: {  	[sflag:s14] =	ssyncset.done $0x0  }
0xc7: {  	[sflag:s14] =	ssyncadd.s32 $0xFFFFC000  }
0xc8: {  	v1 =	vld [tilespmem:s25+$0x100];
	_ =	sdelay $0x4  }
0xc9: {  	v2 =	vand.u32 $0xFFFF, v1;
	v1 =	vshra.s32 v1, $0x10  }
0xca: {  	[tilespmem:$0x2C00] =	vst v2  }
0xcb: {  	[tilespmem:$0x2C80] =	vst v1  }
0xcc: {  	v1 =	vld [tilespmem:s25+$0x110];
	_ =	sdelay $0x4  }
0xcd: {  	v2 =	vand.u32 $0xFFFF, v1;
	v1 =	vshra.s32 v1, $0x10  }
0xce: {  	[tilespmem:$0x2C10] =	vst v2  }
0xcf: {  	[tilespmem:$0x2C90] =	vst v1  }
0xd0: {  	v1 =	vld [tilespmem:s25+$0x120];
	_ =	sdelay $0x4  }
0xd1: {  	v2 =	vand.u32 $0xFFFF, v1;
	v1 =	vshra.s32 v1, $0x10  }
0xd2: {  	[tilespmem:$0x2C20] =	vst v2  }
0xd3: {  	[tilespmem:$0x2CA0] =	vst v1  }
0xd4: {  	v1 =	vld [tilespmem:s25+$0x130];
	_ =	sdelay $0x4  }
0xd5: {  	v2 =	vand.u32 $0xFFFF, v1;
	v1 =	vshra.s32 v1, $0x10  }
0xd6: {  	[tilespmem:$0x2C30] =	vst v2  }
0xd7: {  	[tilespmem:$0x2CB0] =	vst v1  }
0xd8: {  	v1 =	vld [tilespmem:s25+$0x140];
	_ =	sdelay $0x4  }
0xd9: {  	v2 =	vand.u32 $0xFFFF, v1;
	v1 =	vshra.s32 v1, $0x10  }
0xda: {  	[tilespmem:$0x2C40] =	vst v2  }
0xdb: {  	[tilespmem:$0x2CC0] =	vst v1  }
0xdc: {  	v1 =	vld [tilespmem:s25+$0x150];
	_ =	sdelay $0x4  }
0xdd: {  	v2 =	vand.u32 $0xFFFF, v1;
	v1 =	vshra.s32 v1, $0x10  }
0xde: {  	[tilespmem:$0x2C50] =	vst v2  }
0xdf: {  	[tilespmem:$0x2CD0] =	vst v1  }
0xe0: {  	v1 =	vld [tilespmem:s25+$0x160];
	_ =	sdelay $0x1  }
.Ltmp1:
0xe1: {  	(pc) =	sbr.rel @p0 .LBB2_4-.Ltmp1, $3  }
0xe2: {  	_ =	sdelay $0x1  }
0xe3: {  	v2 =	vand.u32 $0xFFFF, v1;
	v1 =	vshra.s32 v1, $0x10  }
0xe4: {  	[tilespmem:$0x2C60] =	vst v2  }
0xe5: {  	[tilespmem:$0x2CE0] =	vst v1  }
0xe6: {  	v1 =	vld [tilespmem:s25+$0x170];
	_ =	sdelay $0x4  }
0xe7: {  	v2 =	vand.u32 $0xFFFF, v1  }
0xe8: {  	v1 =	vshra.s32 v1, $0x10;
	[tilespmem:$0x2C70] =	vst v2  }
0xe9: {  	[tilespmem:$0x2CF0] =	vst v1  }
0xea: {  	[tilespmem:s13], [sflag:$0x1] =	stream.indirect.gather [hbm4b:s4+s15], $0x80, s16, s15, $0xb8;
	[tilespmem:$0x1EE00] =	vst v63  }
0xeb: {  	_ =	swait.ge [sflag:s21], $0x4000  }
0xec: {  	[sflag:s21] =	ssyncset.done $0x0  }
0xed: {  	[sflag:s21] =	ssyncadd.s32 $0xFFFFC000  }
0xee: {  	[spmem:s2] =	stream.indirect.scatter.add.f32 [tilespmem:s18], [sflag:$0x3], $0x80, s22, s15, $0xb8;
	[tilespmem:$0x1EE00] =	vst v63  }
0xef: {  	_ =	swait.ge [sflag:s14], $0x4000  }
0xf0: {  	[sflag:s14] =	ssyncset.done $0x0  }
0xf1: {  	[sflag:s14] =	ssyncadd.s32 $0xFFFFC000  }
0xf2: {  	_ =	swait.ge [sflag:s19], $0x4000  }
0xf3: {  	s23 =	sshll.u32 s0, $0x6;
	s3 =	sadd.s32 $0x1, s3;
	[sflag:s19] =	ssyncset.done $0x0  }
0xf4: {  	s24 =	sshrl.u32 s5, $0x3;
	p0 =	sne.s32 s3, s12;
	[sflag:s19] =	ssyncadd.s32 $0xFFFFC000  }
.Ltmp2:
0xf5: {  	s23 =	sor.u32 $0x1C03, s23;
	[bflag:$0x0] =	sbarrier.arrive $0xFFFF;
	(pc) =	sbr.rel @p0 .LBB2_1-.Ltmp2, $4  }
0xf6: {  	[hbm:s11], [sflag:s23] =	dma.local [spmem:s24], $0x2800  }
0xf7: {  	_ =	swait.ge [sflag:s14], $0x2800  }
0xf8: {  	[sflag:s14] =	ssyncset.done $0x0  }
0xf9: {  	[sflag:s14] =	ssyncadd.s32 $0xFFFFD800  }
0xfa: {  	_ =	sfence.sel $0x180000  }
0xfb: {  	[bflag:$0x0] =	sbarrier.arrive $0xFFFF  }
0xfc: {  	p0 =	sne.s32 s0, $0x0;
	_ =	strace $0x9000004A  }
0xfd: {  	s0 =	sadd.s32 @!p0 $0x100000, s1;
	[bflag:$0x2] =	sbarrier.arrive $0xFFFF  }
0xfe: {  	[sflag:s0] =	ssyncadd.tile.s32 @!p0 $0x1;
	_ =	shalt  }
.Lfunc_end2:
_tile_overlayer_lowered:
.L_overlay_start_2:
0xff: {  	(tag) =	ssettag $0x2  }
0x100: {  	s0 =	rddreg [dreg:$0x0];
	s2 =	stileid.u32  }
0x101: {  	s1 =	rddreg [dreg:$0x1];
	p0 =	sne.s32 s2, $0x0  }
0x102: {  	s3 =	rddreg [dreg:$0x2];
	[bflag:$0x3] =	sbarrier.arrive $0xFFFF;
	s2 =	simm.s32 @!p0 $0x1C03  }
0x103: {  	[timem:s3], [sflag:s2] =	dma.local @!p0 [hbm:s0], s1  }
0x104: {  	s0 =	simm.s32 @!p0 $0x3  }
0x105: {  	_ =	swait.ge @!p0 [sflag:s0], s1  }
0x106: {  	s1 =	ssub.s32 @!p0 $0x0, s1;
	[sflag:s0] =	ssyncset.done @!p0 $0x0  }
0x107: {  	[sflag:s0] =	ssyncadd.s32 @!p0 s1  }
0x108: {  	[bflag:$0x3] =	sbarrier.arrive $0xFFFF  }
0x109: {  	_ =	shalt  }

// kernel: kernel.18.cloned.1.call-start
scs
__scs_entry_jumppad:
0x0: {  	(pc) =	sbr.rel $0x88, $3  }
0x1: {  	(tag) =	ssettag $0x0;
	lr =	simm.s32 $0x1  }
0x2: {  	[smem:$0x3F96] =	sst lr;
	_ =	strace $0xD0000000  }
0x3: {  	_ = 	snop  }
0x4: {  	_ = 	snop  }
0x5: {  	_ = 	snop  }
0x6: {  	_ = 	snop  }
0x7: {  	_ = 	snop  }
__scs_overlays_trampoline_lowered:
0x8: {  	[smem:$0x3FA5] =	sst s0  }
0x9: {  	[smem:$0x3FA6] =	sst s1  }
0xa: {  	[smem:$0x3FA7] =	sst s2  }
0xb: {  	[smem:$0x3FA8] =	sst s3  }
0xc: {  	[smem:$0x3FA9] =	sst s4  }
0xd: {  	[smem:$0x3FAA] =	sst s5  }
0xe: {  	[smem:$0x3FAB] =	sst s6  }
0xf: {  	[smem:$0x3FAC] =	sst s7  }
0x10: {  	[smem:$0x3FAD] =	sst s8  }
0x11: {  	[smem:$0x3FAE] =	sst s9;
	s0 =	simm.s32 @!p0 $0x0  }
0x12: {  	s1 =	sld [smem:$0x3F94];
	s0 =	simm.s32 @p0 $0x1  }
0x13: {  	[smem:$0x3FAF] =	sst s0;
	s0 =	simm.s32 @!p1 $0x0  }
0x14: {  	s2 =	sld [smem:$0x3F93];
	s0 =	simm.s32 @p1 $0x1  }
0x15: {  	[smem:$0x3FB0] =	sst s0;
	s0 =	simm.s32 @!p2 $0x0  }
0x16: {  	s3 =	sld [smem:$0x3FDB];
	s0 =	simm.s32 @p2 $0x1  }
0x17: {  	s4 =	simm.s32 $0x1BF5;
	[smem:$0x3FB2] =	sst s0  }
0x18: {  	s0 =	sld [smem:$0x3F95];
	_ =	swait.ge [sflag:s4], $0x0  }
0x19: {  	s7 =	sld [smem:$0x3F96]  }
0x1a: {  	s8 =	sadd.s32 $0xFFFFE003, lr  }
0x1b: {  	s9 =	sadd.s32 $0xFFFFFEF7, lr;
	s5 =	simm.s32 $0xFFFFFFFF;
	p2 =	slt.u32 s8, $0xFFFFF086  }
0x1c: {  	p1 =	slt.u32 s9, $0xF7A;
	s5 =	simm.s32 @!p2 $0x0  }
0x1d: {  	s5 =	simm.s32 @p1 $0x1;
	p0 =	seq.s32 s7, s2  }
0x1e: {  	s7 =	smul.u32 @!p0 $0xF7A, s2;
	p2 =	seq.s32 @!p0 s5, $0x0  }
0x1f: {  	s9 =	smul.u32 $0xF7A, s1;
	s8 =	simm.s32 @!p0 $0x1BF5;
	p2 =	por !p2, p0  }
0x20: {  	[sflag:s8] =	ssyncset.s32 @!p0 $0xFFFFF086;
	s6 =	sadd.s32 @!p0 s3, s7;
	s7 =	simm.s32 @!p0 $0x108  }
0x21: {  	s3 =	sadd.s32 s3, s9;
	s6 =	sadd.s32 @!p0 $0x88, s6;
	s7 =	simm.s32 @p2 $0x1082  }
0x22: {  	[simem:s7], [sflag:s8] =	dma.local @!p0 [hbm:s6], $0xF7A  }
0x23: {  	s9 =	sor.u32 $0xD0000000, s2;
	s6 =	simm.s32 $0x108;
	_ =	swait.ge @!p0 [sflag:s8], $0x0  }
0x24: {  	s3 =	sadd.s32 $0x88, s3;
	s6 =	simm.s32 @!p1 $0x1082;
	[sflag:s4] =	ssyncset.s32 $0xFFFFF086  }
0x25: {  	[simem:s6], [sflag:s4] =	dma.local [hbm:s3], $0xF7A  }
0x26: {  	[smem:$0x3F96] =	sst s1;
	(tag) =	ssettag s2;
	_ =	strace s9  }
0x27: {  	s1 =	sld [smem:$0x3FA6]  }
0x28: {  	s2 =	sld [smem:$0x3FA7]  }
0x29: {  	s4 =	sld [smem:$0x3FA9]  }
0x2a: {  	p0 =	seq.s32 s5, $0x0;
	s5 =	sld [smem:$0x3FAA]  }
0x2b: {  	s6 =	sld [smem:$0x3FAB]  }
0x2c: {  	s7 =	sld [smem:$0x3FAC]  }
0x2d: {  	s3 =	simm.s32 $0x108;
	s8 =	sld [smem:$0x3FAD]  }
0x2e: {  	s3 =	simm.s32 @!p0 $0x1082;
	s9 =	sld [smem:$0x3FAE]  }
0x2f: {  	lr =	sadd.s32 s0, s3;
	s0 =	sld [smem:$0x3FA5]  }
0x30: {  	s3 =	sld [smem:$0x3FA8]  }
0x31: {  	[smem:$0x3FB1] =	sst s10  }
0x32: {  	s10 =	sld [smem:$0x3FAF];
	_ =	sdelay $0x3  }
0x33: {  	p0 =	seq.s32 s10, $0x1;
	s10 =	sld [smem:$0x3FB1];
	_ =	sdelay $0x3  }
0x34: {  	[smem:$0x3FB1] =	sst s10  }
0x35: {  	s10 =	sld [smem:$0x3FB0];
	_ =	sdelay $0x3  }
0x36: {  	p1 =	seq.s32 s10, $0x1;
	s10 =	sld [smem:$0x3FB1];
	_ =	sdelay $0x3  }
0x37: {  	[smem:$0x3FB1] =	sst s10  }
0x38: {  	s10 =	sld [smem:$0x3FB2]  }
0x39: {  	_ = 	snop;
	(pc) =	sbr.ind lr, $3  }
0x3a: {  	_ = 	snop  }
0x3b: {  	_ = 	snop  }
0x3c: {  	p2 =	seq.s32 s10, $0x1;
	s10 =	sld [smem:$0x3FB1]  }
0x3d: {  	_ =	shalt  }
0x3e: {  	_ =	shalt  }
0x3f: {  	_ =	shalt  }
0x40: {  	_ =	shalt  }
0x41: {  	_ =	shalt  }
0x42: {  	_ =	shalt  }
0x43: {  	_ =	shalt  }
0x44: {  	_ =	shalt  }
0x45: {  	_ =	shalt  }
0x46: {  	_ =	shalt  }
0x47: {  	_ =	shalt  }
0x48: {  	_ =	shalt  }
0x49: {  	_ =	shalt  }
0x4a: {  	_ =	shalt  }
0x4b: {  	_ =	shalt  }
0x4c: {  	_ =	shalt  }
0x4d: {  	_ =	shalt  }
0x4e: {  	_ =	shalt  }
0x4f: {  	_ =	shalt  }
0x50: {  	_ =	shalt  }
0x51: {  	_ =	shalt  }
0x52: {  	_ =	shalt  }
0x53: {  	_ =	shalt  }
0x54: {  	_ =	shalt  }
0x55: {  	_ =	shalt  }
0x56: {  	_ =	shalt  }
0x57: {  	_ =	shalt  }
0x58: {  	_ =	shalt  }
0x59: {  	_ =	shalt  }
0x5a: {  	_ =	shalt  }
0x5b: {  	_ =	shalt  }
0x5c: {  	_ =	shalt  }
0x5d: {  	_ =	shalt  }
0x5e: {  	_ =	shalt  }
0x5f: {  	_ =	shalt  }
0x60: {  	_ =	shalt  }
0x61: {  	_ =	shalt  }
0x62: {  	_ =	shalt  }
0x63: {  	_ =	shalt  }
0x64: {  	_ =	shalt  }
0x65: {  	_ =	shalt  }
0x66: {  	_ =	shalt  }
0x67: {  	_ =	shalt  }
0x68: {  	_ =	shalt  }
0x69: {  	_ =	shalt  }
0x6a: {  	_ =	shalt  }
0x6b: {  	_ =	shalt  }
0x6c: {  	_ =	shalt  }
0x6d: {  	_ =	shalt  }
0x6e: {  	_ =	shalt  }
0x6f: {  	_ =	shalt  }
0x70: {  	_ =	shalt  }
0x71: {  	_ =	shalt  }
0x72: {  	_ =	shalt  }
0x73: {  	_ =	shalt  }
0x74: {  	_ =	shalt  }
0x75: {  	_ =	shalt  }
0x76: {  	_ =	shalt  }
0x77: {  	_ =	shalt  }
0x78: {  	_ =	shalt  }
0x79: {  	_ =	shalt  }
0x7a: {  	_ =	shalt  }
0x7b: {  	_ =	shalt  }
0x7c: {  	_ =	shalt  }
0x7d: {  	_ =	shalt  }
0x7e: {  	_ =	shalt  }
0x7f: {  	_ =	shalt  }
0x80: {  	_ =	shalt  }
0x81: {  	_ =	shalt  }
0x82: {  	_ =	shalt  }
0x83: {  	_ =	shalt  }
0x84: {  	_ =	shalt  }
0x85: {  	_ =	shalt  }
0x86: {  	_ =	shalt  }
0x87: {  	_ =	shalt  }
.Lfunc_end0:
.L_simem_size_0:
called_computation.2_lowered:
.L_overlay_start_0:
0x88: {  	s2 =	sld [smem:$0x3FD9]  }
0x89: {  	s3 =	sld [smem:$0x3FFE];
	_ =	sdelay $0x1  }
0x8a: {  	s1 =	srdreg.scid  }
0x8b: {  	s0 =	sand.u32 $0x1, s1  }
0x8c: {  	s16 =	sshll.u32 s0, $0xA;
	s2 =	sadd.s32 s3, s2  }
0x8d: {  	s2 =	sadd.s32 s2, s16  }
0x8e: {  	[smem:$0x3FBD] =	sst s2  }
0x8f: {  	_ = 	snop  }
0x90: {  	(tm) =	ssettm $0x1  }
0x91: {  	s17 =	sld [smem:$0x3FFB];
	_ =	sdelay $0x3  }
0x92: {  	_ =	strace s17  }
0x93: {  	s2 =	sld [smem:$0x3FFC];
	_ =	sdelay $0x3  }
0x94: {  	_ =	strace s2  }
0x95: {  	s2 =	sld [smem:$0x3FFD];
	_ =	sdelay $0x3  }
0x96: {  	_ =	strace s2  }
0x97: {  	_ =	strace $0x8FFFFFFF  }
0x98: {  	s18 =	sld [smem:$0x3FDB];
	_ =	sdelay $0x1  }
0x99: {  	s19 =	simm.s32 $_scs_section_size  }
0x9a: {  	s4 =	simm.s32 $_size__tile_overlayer_lowered;
	s5 =	simm.s32 $_tile_overlayer_lowered  }
0x9b: {  	s22 =	simm.s32 $0x1BFF;
	s21 =	sshll.u32 s5, $0x1;
	s2 =	sadd.s32 s19, s18  }
0x9c: {  	s6 =	simm.s32 $0x0;
	s20 =	sshll.u32 s4, $0x1;
	s4 =	sadd.s32 s21, s2  }
0x9d: {  	[timem:s6], [sflag:s22] =	dma.local [hbm:s4], s20  }
0x9e: {  	_ =	swait.ge [sflag:s22], s20  }
0x9f: {  	s3 =	ssub.s32 $0x0, s20;
	[sflag:s22] =	ssyncset.done $0x0  }
0xa0: {  	[sflag:s22] =	ssyncadd.s32 s3;
	_ =	sdelay $0x1  }
0xa1: {  	s23 =	simm.s32 $0x1B8B  }
0xa2: {  	_ =	swait.ge [sflag:s23], $0x1  }
0xa3: {  	[sflag:s23] =	ssyncset.done $0x0  }
0xa4: {  	s25 =	simm.s32 $0x1B8E;
	s24 =	sld [smem:$0x3FFE];
	[sflag:s23] =	ssyncadd.s32 $0xFFFFFFFF  }
0xa5: {  	s26 =	simm.s32 $execute0_lowered;
	[smem:$0x3FD2] =	sst s25  }
0xa6: {  	s4 =	sshll.u32 s26, $0x1;
	_ =	strace $0x8000004C;
	[dreg:$0x1] =	wrdreg $0xFFFFFFFF  }
0xa7: {  	s28 =	simm.s32 $_size_execute0_lowered;
	s2 =	sadd.s32 s2, s4;
	[dreg:$0x0] =	wrdreg $0x0  }
0xa8: {  	s4 =	sshll.u32 s28, $0x1;
	[dreg:$0x2] =	wrdreg s2  }
0xa9: {  	[dreg:$0x3] =	wrdreg s4  }
0xaa: {  	[dreg:$0x4] =	wrdreg $0xC0  }
0xab: {  	_ =	task [dreg:s6], $0x5FFFF  }
0xac: {  	[dreg:$0x1] =	wrdreg $0xFFFFFFFF  }
0xad: {  	[dreg:$0x0] =	wrdreg $0x60  }
0xae: {  	[dreg:$0x2] =	wrdreg s24  }
0xaf: {  	[dreg:$0x3] =	wrdreg $0xAE000  }
0xb0: {  	[dreg:$0x4] =	wrdreg $0x9  }
0xb1: {  	_ =	task.clear_ibuf [dreg:s6], $0x5FFFF;
	_ =	strace $0x9000004C  }
0xb2: {  	s29 =	simm.s32 $0x9;
	_ =	strace $0x8000004E  }
0xb3: {  	_ =	swait.ge [sflag:s29], $0x1  }
0xb4: {  	[sflag:s29] =	ssyncadd.s32 $0xFFFFFFFF  }
0xb5: {  	_ =	strace $0x9000004E  }
0xb6: {  	_ =	sfence  }
0xb7: {  	s30 =	sld [smem:$0x0];
	_ =	sdelay $0x2  }
0xb8: {  	s31 =	sshll.u32 s1, $0xD;
	s1 =	sshrl.u32 s1, $0x2  }
0xb9: {  	s3 =	sand.u32 $0x4000, s31;
	s1 =	sadd.s32 s1, s30  }
0xba: {  	s0 =	sor.u32 s3, s0;
	s1 =	sshll.u32 s1, $0x11  }
0xbb: {  	s0 =	sor.u32 s1, s0  }
0xbc: {  	s0 =	sadd.s32 $0x8F2B, s0  }
0xbd: {  	[sflag:s0] =	ssyncadd.remote.s32 $0x1  }
0xbe: {  	_ =	sfence.sel $0xFFFF  }
0xbf: {  	[dreg:$0x0] =	wrdreg $0xFFFFFFFF;
	(pc) =	sbr.abs _section_cstart, $3  }
0xc0: {  	[dreg:$0x1] =	wrdreg $0xFFFFFFFF  }
0xc1: {  	_ =	task.clear_ibuf [dreg:s6], $0x2FFFF;
	_ =	strace $0x9FFFFFFF  }
0xc2: {  	(tm) =	ssettm $0x7FFFFFFF  }
0xc3: {  	_ =	shalt  }
tec
execute0_lowered:
.L_overlay_start_1:
0x0: {  	(tag) =	ssettag $0x1  }
0x1: {  	s1 =	srdreg.scid  }
0x2: {  	s0 =	stileid.u32;
	s6 =	rddreg [dreg:$0x0]  }
0x3: {  	s2 =	rddreg [dreg:$0x1];
	s3 =	simm.s32 $0x0;
	s14 =	simm.s32 $0x3  }
0x4: {  	s15 =	simm.s32 $0x80;
	s16 =	simm.s32 $0x2C00;
	s17 =	simm.s32 $0x2D00  }
0x5: {  	s18 =	simm.s32 $0x6E00;
	s19 =	simm.s32 $0x1;
	s20 =	simm.s32 $0x2C80  }
0x6: {  	s21 =	simm.s32 $0x2;
	s22 =	simm.s32 $0x2D80;
	s9 =	smul.u32 $0x14000, s0  }
0x7: {  	s5 =	sand.u32 $0x1, s1;
	s26 =	sshll.u32 s0, $0x1;
	s10 =	smul.u32 $0x50000, s0  }
0x8: {  	[smem:$0x7FF] =	sst s3;
	s1 =	sor.u32 s5, s26;
	s8 =	smul.u32 $0x140000, s5  }
0x9: {  	s4 =	sadd.s32 $0xEA00, s6;
	s29 =	ssub.s32 $0x2, s5;
	s7 =	smul.u32 $0x580, s1  }
0xa: {  	s1 =	rddreg [dreg:$0x2];
	_ =	strace $0x8000004D;
	s30 =	sshrl.u32 s10, $0x2  }
0xb: {  	s31 =	sshrl.u32 s29, $0x1;
	s28 =	sadd.s32 s9, s8;
	s5 =	sadd.s32 s30, s2  }
0xc: {  	s13 =	ssub.s32 s29, s31;
	s11 =	sadd.s32 s7, s6;
	s7 =	sshrl.u32 s28, $0x3  }
0xd: {  	s8 =	sadd.s32 $0xC000, s5;
	s9 =	sadd.s32 $0x10000, s5;
	s12 =	sadd.s32 s7, s6  }
0xe: {  	s6 =	sadd.s32 $0x4000, s5;
	s7 =	sadd.s32 $0x8000, s5;
	s10 =	sadd.s32 $0x3A00, s11  }
0xf: {  	v0 =	vimm.f32 $0.0e+00;
	s11 =	sadd.s32 $0x36A00, s12;
	s12 =	smax.u32 s13, $0x1;
	s13 =	simm.s32 $0x2E00  }
.LBB2_1:
0x10: {  	s23 =	simm.s32 $0x0;
	s24 =	simm.s32 $0x200  }
.LBB2_2:
0x11: {  	p0 =	sne.s32 s24, $0xFE00;
	[tilespmem:s23+$0x2E70] =	vst v0  }
0x12: {  	[tilespmem:s23+$0x2E00] =	vst v0  }
0x13: {  	[tilespmem:s23+$0x2E10] =	vst v0  }
.Ltmp0:
0x14: {  	[tilespmem:s23+$0x2E20] =	vst v0;
	(pc) =	sbr.rel @p0 .LBB2_2-.Ltmp0, $4  }
0x15: {  	[tilespmem:s23+$0x2E30] =	vst v0  }
0x16: {  	[tilespmem:s23+$0x2E40] =	vst v0  }
0x17: {  	[tilespmem:s23+$0x2E50] =	vst v0  }
0x18: {  	[tilespmem:s23+$0x2E60] =	vst v0;
	s23 =	sshra.s32 s24, $0x2;
	s24 =	sadd.s32 $0x200, s24  }
0x19: {  	[tilespmem:s23+$0x2E70] =	vst v0  }
0x1a: {  	[tilespmem:s23+$0x2E00] =	vst v0  }
0x1b: {  	[tilespmem:s23+$0x2E10] =	vst v0  }
0x1c: {  	[tilespmem:s23+$0x2E20] =	vst v0  }
0x1d: {  	[tilespmem:s23+$0x2E30] =	vst v0  }
0x1e: {  	[tilespmem:s23+$0x2E40] =	vst v0  }
0x1f: {  	[tilespmem:s23+$0x2E50] =	vst v0  }
0x20: {  	[tilespmem:s23+$0x2E60] =	vst v0  }
0x21: {  	[spmem:s5] =	stream.linear.scatter [tilespmem:s13], [sflag:$0x3], $0x4000, $0x38;
	[tilespmem:$0x1EE00] =	vst v63  }
0x22: {  	_ =	swait.ge [sflag:s14], $0x4000  }
0x23: {  	[sflag:s14] =	ssyncset.done $0x0  }
0x24: {  	[sflag:s14] =	ssyncadd.s32 $0xFFFFC000  }
0x25: {  	[spmem:s6] =	stream.linear.scatter [tilespmem:s13], [sflag:$0x3], $0x4000, $0x38;
	[tilespmem:$0x1EE00] =	vst v63  }
0x26: {  	_ =	swait.ge [sflag:s14], $0x4000  }
0x27: {  	[sflag:s14] =	ssyncset.done $0x0  }
0x28: {  	[sflag:s14] =	ssyncadd.s32 $0xFFFFC000  }
0x29: {  	[spmem:s7] =	stream.linear.scatter [tilespmem:s13], [sflag:$0x3], $0x4000, $0x38;
	[tilespmem:$0x1EE00] =	vst v63  }
0x2a: {  	_ =	swait.ge [sflag:s14], $0x4000  }
0x2b: {  	[sflag:s14] =	ssyncset.done $0x0  }
0x2c: {  	[sflag:s14] =	ssyncadd.s32 $0xFFFFC000  }
0x2d: {  	[spmem:s8] =	stream.linear.scatter [tilespmem:s13], [sflag:$0x3], $0x4000, $0x38;
	[tilespmem:$0x1EE00] =	vst v63  }
0x2e: {  	_ =	swait.ge [sflag:s14], $0x4000  }
0x2f: {  	[sflag:s14] =	ssyncset.done $0x0  }
0x30: {  	[sflag:s14] =	ssyncadd.s32 $0xFFFFC000  }
0x31: {  	[spmem:s9] =	stream.linear.scatter [tilespmem:s13], [sflag:$0x3], $0x4000, $0x38;
	[tilespmem:$0x1EE00] =	vst v63  }
0x32: {  	_ =	swait.ge [sflag:s14], $0x4000  }
0x33: {  	[sflag:s14] =	ssyncset.done $0x0  }
0x34: {  	[sflag:s14] =	ssyncadd.s32 $0xFFFFC000  }
0x35: {  	s24 =	simm.s32 $0x0;
	[bflag:$0x0] =	sbarrier.arrive $0xFFFF  }
0x36: {  	[tilespmem:s24], [sflag:$0x3] =	stream.linear.gather [hbm4b:s10+s24], $0x2900, $0x38;
	[tilespmem:$0x1EE00] =	vst v63  }
0x37: {  	_ =	swait.ge [sflag:s14], $0x2900  }
0x38: {  	[sflag:s14] =	ssyncset.done $0x0  }
0x39: {  	[sflag:s14] =	ssyncadd.s32 $0xFFFFD700  }
0x3a: {  	v1 =	vld [tilespmem:$0x0];
	_ =	sdelay $0x1  }
0x3b: {  	v2 =	vld [tilespmem:$0x10];
	_ =	sdelay $0x1  }
0x3c: {  	v3 =	vld [tilespmem:$0x20]  }
0x3d: {  	v4 =	vand.u32 $0xFFFF, v1  }
0x3e: {  	v62 =	vld [tilespmem:$0x30];
	v1 =	vshra.s32 v1, $0x10;
	[tilespmem:$0x2C00] =	vst v4  }
0x3f: {  	[tilespmem:$0x2C80] =	vst v1;
	v1 =	vand.u32 $0xFFFF, v2  }
0x40: {  	[tilespmem:$0x2C10] =	vst v1;
	v1 =	vshra.s32 v2, $0x10;
	v2 =	vld [tilespmem:$0x40]  }
0x41: {  	[tilespmem:$0x2C90] =	vst v1;
	v1 =	vand.u32 $0xFFFF, v3  }
0x42: {  	[tilespmem:$0x2C20] =	vst v1;
	v1 =	vshra.s32 v3, $0x10;
	v3 =	vld [tilespmem:$0x50]  }
0x43: {  	[tilespmem:$0x2CA0] =	vst v1;
	v1 =	vand.u32 $0xFFFF, v62  }
0x44: {  	v63 =	vld [tilespmem:$0x60];
	[tilespmem:$0x2C30] =	vst v1;
	v1 =	vshra.s32 v62, $0x10  }
0x45: {  	[tilespmem:$0x2CB0] =	vst v1;
	v1 =	vand.u32 $0xFFFF, v2  }
0x46: {  	[tilespmem:$0x2C40] =	vst v1;
	v1 =	vshra.s32 v2, $0x10;
	v2 =	vld [tilespmem:$0x70]  }
0x47: {  	[tilespmem:$0x2CC0] =	vst v1;
	v1 =	vand.u32 $0xFFFF, v3  }
0x48: {  	[tilespmem:$0x2C50] =	vst v1;
	v1 =	vshra.s32 v3, $0x10  }
0x49: {  	[tilespmem:$0x2CD0] =	vst v1;
	v1 =	vand.u32 $0xFFFF, v63  }
0x4a: {  	[tilespmem:$0x2C60] =	vst v1;
	v1 =	vshra.s32 v63, $0x10  }
0x4b: {  	[tilespmem:$0x2CE0] =	vst v1;
	v1 =	vand.u32 $0xFFFF, v2  }
0x4c: {  	[tilespmem:$0x2C70] =	vst v1;
	v1 =	vshra.s32 v2, $0x10  }
0x4d: {  	s23 =	simm.s32 $0xF0;
	[tilespmem:$0x2CF0] =	vst v1  }
0x4e: {  	[tilespmem:s13], [sflag:$0x1] =	stream.indirect.gather [hbm4b:s4+s15], $0x80, s16, s15, $0xb8;
	[tilespmem:$0x1EE00] =	vst v63  }
0x4f: {  	v1 =	vld [tilespmem:s23+$0xFFFFFF90];
	_ =	sdelay $0x4  }
0x50: {  	v2 =	vand.u32 $0xFFFF, v1  }
0x51: {  	v1 =	vshra.s32 v1, $0x10;
	[tilespmem:$0x2D00] =	vst v2  }
0x52: {  	[tilespmem:$0x2D80] =	vst v1  }
0x53: {  	v1 =	vld [tilespmem:s23+$0xFFFFFFA0];
	_ =	sdelay $0x4  }
0x54: {  	v2 =	vand.u32 $0xFFFF, v1  }
0x55: {  	v1 =	vshra.s32 v1, $0x10;
	[tilespmem:$0x2D10] =	vst v2  }
0x56: {  	[tilespmem:$0x2D90] =	vst v1  }
0x57: {  	v1 =	vld [tilespmem:s23+$0xFFFFFFB0];
	_ =	sdelay $0x4  }
0x58: {  	v2 =	vand.u32 $0xFFFF, v1  }
0x59: {  	v1 =	vshra.s32 v1, $0x10;
	[tilespmem:$0x2D20] =	vst v2  }
0x5a: {  	[tilespmem:$0x2DA0] =	vst v1  }
0x5b: {  	v1 =	vld [tilespmem:s23+$0xFFFFFFC0];
	_ =	sdelay $0x4  }
0x5c: {  	v2 =	vand.u32 $0xFFFF, v1  }
0x5d: {  	v1 =	vshra.s32 v1, $0x10;
	[tilespmem:$0x2D30] =	vst v2  }
0x5e: {  	[tilespmem:$0x2DB0] =	vst v1  }
0x5f: {  	v1 =	vld [tilespmem:s23+$0xFFFFFFD0];
	_ =	sdelay $0x4  }
0x60: {  	v2 =	vand.u32 $0xFFFF, v1  }
0x61: {  	v1 =	vshra.s32 v1, $0x10;
	[tilespmem:$0x2D40] =	vst v2  }
0x62: {  	[tilespmem:$0x2DC0] =	vst v1  }
0x63: {  	v1 =	vld [tilespmem:s23+$0xFFFFFFE0];
	_ =	sdelay $0x4  }
0x64: {  	v2 =	vand.u32 $0xFFFF, v1  }
0x65: {  	v1 =	vshra.s32 v1, $0x10;
	[tilespmem:$0x2D50] =	vst v2  }
0x66: {  	[tilespmem:$0x2DD0] =	vst v1  }
0x67: {  	v1 =	vld [tilespmem:s23+$0xFFFFFFF0];
	_ =	sdelay $0x4  }
0x68: {  	v2 =	vand.u32 $0xFFFF, v1  }
0x69: {  	v1 =	vshra.s32 v1, $0x10;
	[tilespmem:$0x2D60] =	vst v2  }
0x6a: {  	[tilespmem:$0x2DE0] =	vst v1  }
0x6b: {  	v1 =	vld [tilespmem:s23+$0x0];
	_ =	sdelay $0x4  }
0x6c: {  	v2 =	vand.u32 $0xFFFF, v1  }
0x6d: {  	v1 =	vshra.s32 v1, $0x10;
	[tilespmem:$0x2D70] =	vst v2  }
0x6e: {  	[tilespmem:$0x2DF0] =	vst v1  }
0x6f: {  	[tilespmem:s18], [sflag:$0x2] =	stream.indirect.gather [hbm4b:s4+s15], $0x80, s17, s15, $0xb8;
	[tilespmem:$0x1EE00] =	vst v63  }
0x70: {  	_ =	swait.ge [sflag:s19], $0x4000  }
0x71: {  	[sflag:s19] =	ssyncset.done $0x0  }
0x72: {  	[sflag:s19] =	ssyncadd.s32 $0xFFFFC000  }
0x73: {  	[spmem:s2] =	stream.indirect.scatter.add.f32 [tilespmem:s13], [sflag:$0x3], $0x80, s20, s15, $0xb8;
	[tilespmem:$0x1EE00] =	vst v63  }
0x74: {  	_ =	swait.ge [sflag:s14], $0x4000  }
0x75: {  	s24 =	smin.u32 s24, $0x4F;
	[sflag:s14] =	ssyncset.done $0x0  }
0x76: {  	s25 =	sshll.u32 s24, $0x7;
	[sflag:s14] =	ssyncadd.s32 $0xFFFFC000  }
0x77: {  	v1 =	vld [tilespmem:s25+$0x100];
	_ =	sdelay $0x4  }
0x78: {  	v2 =	vand.u32 $0xFFFF, v1  }
0x79: {  	v1 =	vshra.s32 v1, $0x10;
	[tilespmem:$0x2C00] =	vst v2  }
0x7a: {  	[tilespmem:$0x2C80] =	vst v1  }
0x7b: {  	v1 =	vld [tilespmem:s25+$0x110];
	_ =	sdelay $0x4  }
0x7c: {  	v2 =	vand.u32 $0xFFFF, v1  }
0x7d: {  	v1 =	vshra.s32 v1, $0x10;
	[tilespmem:$0x2C10] =	vst v2  }
0x7e: {  	[tilespmem:$0x2C90] =	vst v1  }
0x7f: {  	v1 =	vld [tilespmem:s25+$0x120];
	_ =	sdelay $0x4  }
0x80: {  	v2 =	vand.u32 $0xFFFF, v1  }
0x81: {  	v1 =	vshra.s32 v1, $0x10;
	[tilespmem:$0x2C20] =	vst v2  }
0x82: {  	[tilespmem:$0x2CA0] =	vst v1  }
0x83: {  	v1 =	vld [tilespmem:s25+$0x130];
	_ =	sdelay $0x4  }
0x84: {  	v2 =	vand.u32 $0xFFFF, v1  }
0x85: {  	v1 =	vshra.s32 v1, $0x10;
	[tilespmem:$0x2C30] =	vst v2  }
0x86: {  	[tilespmem:$0x2CB0] =	vst v1  }
0x87: {  	v1 =	vld [tilespmem:s25+$0x140];
	_ =	sdelay $0x4  }
0x88: {  	v2 =	vand.u32 $0xFFFF, v1  }
0x89: {  	v1 =	vshra.s32 v1, $0x10;
	[tilespmem:$0x2C40] =	vst v2  }
0x8a: {  	[tilespmem:$0x2CC0] =	vst v1  }
0x8b: {  	v1 =	vld [tilespmem:s25+$0x150];
	_ =	sdelay $0x4  }
0x8c: {  	v2 =	vand.u32 $0xFFFF, v1  }
0x8d: {  	v1 =	vshra.s32 v1, $0x10;
	[tilespmem:$0x2C50] =	vst v2  }
0x8e: {  	[tilespmem:$0x2CD0] =	vst v1  }
0x8f: {  	v1 =	vld [tilespmem:s25+$0x160];
	_ =	sdelay $0x4  }
0x90: {  	v2 =	vand.u32 $0xFFFF, v1  }
0x91: {  	s24 =	simm.s32 $0x2;
	v1 =	vshra.s32 v1, $0x10;
	[tilespmem:$0x2C60] =	vst v2  }
.LBB2_4:
0x92: {  	p0 =	sne.s32 s24, $0x50  }
0x93: {  	[tilespmem:$0x2CE0] =	vst v1;
	s23 =	sadd.s32 $0x100, s23;
	s26 =	smov.u32 s24;
	s24 =	sadd.s32 $0x2, s24  }
0x94: {  	v1 =	vld [tilespmem:s25+$0x170];
	_ =	sdelay $0x4  }
0x95: {  	v2 =	vand.u32 $0xFFFF, v1;
	v1 =	vshra.s32 v1, $0x10  }
0x96: {  	[tilespmem:$0x2C70] =	vst v2  }
0x97: {  	[tilespmem:$0x2CF0] =	vst v1  }
0x98: {  	[tilespmem:s13], [sflag:$0x1] =	stream.indirect.gather [hbm4b:s4+s15], $0x80, s16, s15, $0xb8;
	[tilespmem:$0x1EE00] =	vst v63  }
0x99: {  	_ =	swait.ge [sflag:s21], $0x4000  }
0x9a: {  	[sflag:s21] =	ssyncset.done $0x0  }
0x9b: {  	[sflag:s21] =	ssyncadd.s32 $0xFFFFC000  }
0x9c: {  	[spmem:s2] =	stream.indirect.scatter.add.f32 [tilespmem:s18], [sflag:$0x3], $0x80, s22, s15, $0xb8;
	[tilespmem:$0x1EE00] =	vst v63  }
0x9d: {  	_ =	swait.ge [sflag:s14], $0x4000  }
0x9e: {  	[sflag:s14] =	ssyncset.done $0x0  }
0x9f: {  	[sflag:s14] =	ssyncadd.s32 $0xFFFFC000  }
0xa0: {  	v1 =	vld [tilespmem:s23+$0xFFFFFF90];
	_ =	sdelay $0x4  }
0xa1: {  	v2 =	vand.u32 $0xFFFF, v1;
	v1 =	vshra.s32 v1, $0x10  }
0xa2: {  	[tilespmem:$0x2D00] =	vst v2  }
0xa3: {  	[tilespmem:$0x2D80] =	vst v1  }
0xa4: {  	v1 =	vld [tilespmem:s23+$0xFFFFFFA0];
	_ =	sdelay $0x4  }
0xa5: {  	v2 =	vand.u32 $0xFFFF, v1;
	v1 =	vshra.s32 v1, $0x10  }
0xa6: {  	[tilespmem:$0x2D10] =	vst v2  }
0xa7: {  	[tilespmem:$0x2D90] =	vst v1  }
0xa8: {  	v1 =	vld [tilespmem:s23+$0xFFFFFFB0];
	_ =	sdelay $0x4  }
0xa9: {  	v2 =	vand.u32 $0xFFFF, v1;
	v1 =	vshra.s32 v1, $0x10  }
0xaa: {  	[tilespmem:$0x2D20] =	vst v2  }
0xab: {  	[tilespmem:$0x2DA0] =	vst v1  }
0xac: {  	v1 =	vld [tilespmem:s23+$0xFFFFFFC0];
	_ =	sdelay $0x4  }
0xad: {  	v2 =	vand.u32 $0xFFFF, v1;
	v1 =	vshra.s32 v1, $0x10  }
0xae: {  	[tilespmem:$0x2D30] =	vst v2  }
0xaf: {  	[tilespmem:$0x2DB0] =	vst v1  }
0xb0: {  	v1 =	vld [tilespmem:s23+$0xFFFFFFD0];
	_ =	sdelay $0x4  }
0xb1: {  	v2 =	vand.u32 $0xFFFF, v1;
	v1 =	vshra.s32 v1, $0x10  }
0xb2: {  	[tilespmem:$0x2D40] =	vst v2  }
0xb3: {  	[tilespmem:$0x2DC0] =	vst v1  }
0xb4: {  	v1 =	vld [tilespmem:s23+$0xFFFFFFE0];
	_ =	sdelay $0x4  }
0xb5: {  	v2 =	vand.u32 $0xFFFF, v1;
	v1 =	vshra.s32 v1, $0x10  }
0xb6: {  	[tilespmem:$0x2D50] =	vst v2  }
0xb7: {  	[tilespmem:$0x2DD0] =	vst v1  }
0xb8: {  	v1 =	vld [tilespmem:s23+$0xFFFFFFF0];
	_ =	sdelay $0x4  }
0xb9: {  	v2 =	vand.u32 $0xFFFF, v1;
	v1 =	vshra.s32 v1, $0x10  }
0xba: {  	[tilespmem:$0x2D60] =	vst v2  }
0xbb: {  	[tilespmem:$0x2DE0] =	vst v1  }
0xbc: {  	v1 =	vld [tilespmem:s23+$0x0];
	_ =	sdelay $0x4  }
0xbd: {  	v2 =	vand.u32 $0xFFFF, v1;
	v1 =	vshra.s32 v1, $0x10  }
0xbe: {  	s25 =	smin.u32 s26, $0x4F;
	[tilespmem:$0x2D70] =	vst v2  }
0xbf: {  	s25 =	sshll.u32 s25, $0x7;
	[tilespmem:$0x2DF0] =	vst v1  }
0xc0: {  	[tilespmem:s18], [sflag:$0x2] =	stream.indirect.gather [hbm4b:s4+s15], $0x80, s17, s15, $0xb8;
	[tilespmem:$0x1EE00] =	vst v63  }
0xc1: {  	_ =	swait.ge [sflag:s19], $0x4000  }
0xc2: {  	[sflag:s19] =	ssyncset.done $0x0  }
0xc3: {  	[sflag:s19] =	ssyncadd.s32 $0xFFFFC000  }
0xc4: {  	[spmem:s2] =	stream.indirect.scatter.add.f32 [tilespmem:s13], [sflag:$0x3], $0x80, s20, s15, $0xb8;
	[tilespmem:$0x1EE00] =	vst v63  }
0xc5: {  	_ =	swait.ge [sflag:s14], $0x4000  }
0xc6: {  	[sflag:s14] =	ssyncset.done $0x0  }
0xc7: {  	[sflag:s14] =	ssyncadd.s32 $0xFFFFC000  }
0xc8: {  	v1 =	vld [tilespmem:s25+$0x100];
	_ =	sdelay $0x4  }
0xc9: {  	v2 =	vand.u32 $0xFFFF, v1;
	v1 =	vshra.s32 v1, $0x10  }
0xca: {  	[tilespmem:$0x2C00] =	vst v2  }
0xcb: {  	[tilespmem:$0x2C80] =	vst v1  }
0xcc: {  	v1 =	vld [tilespmem:s25+$0x110];
	_ =	sdelay $0x4  }
0xcd: {  	v2 =	vand.u32 $0xFFFF, v1;
	v1 =	vshra.s32 v1, $0x10  }
0xce: {  	[tilespmem:$0x2C10] =	vst v2  }
0xcf: {  	[tilespmem:$0x2C90] =	vst v1  }
0xd0: {  	v1 =	vld [tilespmem:s25+$0x120];
	_ =	sdelay $0x4  }
0xd1: {  	v2 =	vand.u32 $0xFFFF, v1;
	v1 =	vshra.s32 v1, $0x10  }
0xd2: {  	[tilespmem:$0x2C20] =	vst v2  }
0xd3: {  	[tilespmem:$0x2CA0] =	vst v1  }
0xd4: {  	v1 =	vld [tilespmem:s25+$0x130];
	_ =	sdelay $0x4  }
0xd5: {  	v2 =	vand.u32 $0xFFFF, v1;
	v1 =	vshra.s32 v1, $0x10  }
0xd6: {  	[tilespmem:$0x2C30] =	vst v2  }
0xd7: {  	[tilespmem:$0x2CB0] =	vst v1  }
0xd8: {  	v1 =	vld [tilespmem:s25+$0x140];
	_ =	sdelay $0x4  }
0xd9: {  	v2 =	vand.u32 $0xFFFF, v1;
	v1 =	vshra.s32 v1, $0x10  }
0xda: {  	[tilespmem:$0x2C40] =	vst v2  }
0xdb: {  	[tilespmem:$0x2CC0] =	vst v1  }
0xdc: {  	v1 =	vld [tilespmem:s25+$0x150];
	_ =	sdelay $0x4  }
0xdd: {  	v2 =	vand.u32 $0xFFFF, v1;
	v1 =	vshra.s32 v1, $0x10  }
0xde: {  	[tilespmem:$0x2C50] =	vst v2  }
0xdf: {  	[tilespmem:$0x2CD0] =	vst v1  }
0xe0: {  	v1 =	vld [tilespmem:s25+$0x160];
	_ =	sdelay $0x1  }
.Ltmp1:
0xe1: {  	(pc) =	sbr.rel @p0 .LBB2_4-.Ltmp1, $3  }
0xe2: {  	_ =	sdelay $0x1  }
0xe3: {  	v2 =	vand.u32 $0xFFFF, v1;
	v1 =	vshra.s32 v1, $0x10  }
0xe4: {  	[tilespmem:$0x2C60] =	vst v2  }
0xe5: {  	[tilespmem:$0x2CE0] =	vst v1  }
0xe6: {  	v1 =	vld [tilespmem:s25+$0x170];
	_ =	sdelay $0x4  }
0xe7: {  	v2 =	vand.u32 $0xFFFF, v1  }
0xe8: {  	v1 =	vshra.s32 v1, $0x10;
	[tilespmem:$0x2C70] =	vst v2  }
0xe9: {  	[tilespmem:$0x2CF0] =	vst v1  }
0xea: {  	[tilespmem:s13], [sflag:$0x1] =	stream.indirect.gather [hbm4b:s4+s15], $0x80, s16, s15, $0xb8;
	[tilespmem:$0x1EE00] =	vst v63  }
0xeb: {  	_ =	swait.ge [sflag:s21], $0x4000  }
0xec: {  	[sflag:s21] =	ssyncset.done $0x0  }
0xed: {  	[sflag:s21] =	ssyncadd.s32 $0xFFFFC000  }
0xee: {  	[spmem:s2] =	stream.indirect.scatter.add.f32 [tilespmem:s18], [sflag:$0x3], $0x80, s22, s15, $0xb8;
	[tilespmem:$0x1EE00] =	vst v63  }
0xef: {  	_ =	swait.ge [sflag:s14], $0x4000  }
0xf0: {  	[sflag:s14] =	ssyncset.done $0x0  }
0xf1: {  	[sflag:s14] =	ssyncadd.s32 $0xFFFFC000  }
0xf2: {  	_ =	swait.ge [sflag:s19], $0x4000  }
0xf3: {  	s23 =	sshll.u32 s0, $0x6;
	s3 =	sadd.s32 $0x1, s3;
	[sflag:s19] =	ssyncset.done $0x0  }
0xf4: {  	s24 =	sshrl.u32 s5, $0x3;
	p0 =	sne.s32 s3, s12;
	[sflag:s19] =	ssyncadd.s32 $0xFFFFC000  }
.Ltmp2:
0xf5: {  	s23 =	sor.u32 $0x1C03, s23;
	[bflag:$0x0] =	sbarrier.arrive $0xFFFF;
	(pc) =	sbr.rel @p0 .LBB2_1-.Ltmp2, $4  }
0xf6: {  	[hbm:s11], [sflag:s23] =	dma.local [spmem:s24], $0x2800  }
0xf7: {  	_ =	swait.ge [sflag:s14], $0x2800  }
0xf8: {  	[sflag:s14] =	ssyncset.done $0x0  }
0xf9: {  	[sflag:s14] =	ssyncadd.s32 $0xFFFFD800  }
0xfa: {  	_ =	sfence.sel $0x180000  }
0xfb: {  	[bflag:$0x0] =	sbarrier.arrive $0xFFFF  }
0xfc: {  	p0 =	sne.s32 s0, $0x0;
	_ =	strace $0x9000004D  }
0xfd: {  	s0 =	sadd.s32 @!p0 $0x100000, s1;
	[bflag:$0x2] =	sbarrier.arrive $0xFFFF  }
0xfe: {  	[sflag:s0] =	ssyncadd.tile.s32 @!p0 $0x1;
	_ =	shalt  }
.Lfunc_end2:
_tile_overlayer_lowered:
.L_overlay_start_2:
0xff: {  	(tag) =	ssettag $0x2  }
0x100: {  	s0 =	rddreg [dreg:$0x0];
	s2 =	stileid.u32  }
0x101: {  	s1 =	rddreg [dreg:$0x1];
	p0 =	sne.s32 s2, $0x0  }
0x102: {  	s3 =	rddreg [dreg:$0x2];
	[bflag:$0x3] =	sbarrier.arrive $0xFFFF;
	s2 =	simm.s32 @!p0 $0x1C03  }
0x103: {  	[timem:s3], [sflag:s2] =	dma.local @!p0 [hbm:s0], s1  }
0x104: {  	s0 =	simm.s32 @!p0 $0x3  }
0x105: {  	_ =	swait.ge @!p0 [sflag:s0], s1  }
0x106: {  	s1 =	ssub.s32 @!p0 $0x0, s1;
	[sflag:s0] =	ssyncset.done @!p0 $0x0  }
0x107: {  	[sflag:s0] =	ssyncadd.s32 @!p0 s1  }
0x108: {  	[bflag:$0x3] =	sbarrier.arrive $0xFFFF  }
0x109: {  	_ =	shalt  }

// kernel: kernel.21.cloned.1.call-start
scs
__scs_entry_jumppad:
0x0: {  	(pc) =	sbr.rel $0x88, $3  }
0x1: {  	(tag) =	ssettag $0x0;
	lr =	simm.s32 $0x1  }
0x2: {  	[smem:$0x3F96] =	sst lr;
	_ =	strace $0xD0000000  }
0x3: {  	_ = 	snop  }
0x4: {  	_ = 	snop  }
0x5: {  	_ = 	snop  }
0x6: {  	_ = 	snop  }
0x7: {  	_ = 	snop  }
__scs_overlays_trampoline_lowered:
0x8: {  	[smem:$0x3FA5] =	sst s0  }
0x9: {  	[smem:$0x3FA6] =	sst s1  }
0xa: {  	[smem:$0x3FA7] =	sst s2  }
0xb: {  	[smem:$0x3FA8] =	sst s3  }
0xc: {  	[smem:$0x3FA9] =	sst s4  }
0xd: {  	[smem:$0x3FAA] =	sst s5  }
0xe: {  	[smem:$0x3FAB] =	sst s6  }
0xf: {  	[smem:$0x3FAC] =	sst s7  }
0x10: {  	[smem:$0x3FAD] =	sst s8  }
0x11: {  	[smem:$0x3FAE] =	sst s9;
	s0 =	simm.s32 @!p0 $0x0  }
0x12: {  	s1 =	sld [smem:$0x3F94];
	s0 =	simm.s32 @p0 $0x1  }
0x13: {  	[smem:$0x3FAF] =	sst s0;
	s0 =	simm.s32 @!p1 $0x0  }
0x14: {  	s2 =	sld [smem:$0x3F93];
	s0 =	simm.s32 @p1 $0x1  }
0x15: {  	[smem:$0x3FB0] =	sst s0;
	s0 =	simm.s32 @!p2 $0x0  }
0x16: {  	s3 =	sld [smem:$0x3FDB];
	s0 =	simm.s32 @p2 $0x1  }
0x17: {  	s4 =	simm.s32 $0x1BF5;
	[smem:$0x3FB2] =	sst s0  }
0x18: {  	s0 =	sld [smem:$0x3F95];
	_ =	swait.ge [sflag:s4], $0x0  }
0x19: {  	s7 =	sld [smem:$0x3F96]  }
0x1a: {  	s8 =	sadd.s32 $0xFFFFE003, lr  }
0x1b: {  	s9 =	sadd.s32 $0xFFFFFEF7, lr;
	s5 =	simm.s32 $0xFFFFFFFF;
	p2 =	slt.u32 s8, $0xFFFFF086  }
0x1c: {  	p1 =	slt.u32 s9, $0xF7A;
	s5 =	simm.s32 @!p2 $0x0  }
0x1d: {  	s5 =	simm.s32 @p1 $0x1;
	p0 =	seq.s32 s7, s2  }
0x1e: {  	s7 =	smul.u32 @!p0 $0xF7A, s2;
	p2 =	seq.s32 @!p0 s5, $0x0  }
0x1f: {  	s9 =	smul.u32 $0xF7A, s1;
	s8 =	simm.s32 @!p0 $0x1BF5;
	p2 =	por !p2, p0  }
0x20: {  	[sflag:s8] =	ssyncset.s32 @!p0 $0xFFFFF086;
	s6 =	sadd.s32 @!p0 s3, s7;
	s7 =	simm.s32 @!p0 $0x108  }
0x21: {  	s3 =	sadd.s32 s3, s9;
	s6 =	sadd.s32 @!p0 $0x88, s6;
	s7 =	simm.s32 @p2 $0x1082  }
0x22: {  	[simem:s7], [sflag:s8] =	dma.local @!p0 [hbm:s6], $0xF7A  }
0x23: {  	s9 =	sor.u32 $0xD0000000, s2;
	s6 =	simm.s32 $0x108;
	_ =	swait.ge @!p0 [sflag:s8], $0x0  }
0x24: {  	s3 =	sadd.s32 $0x88, s3;
	s6 =	simm.s32 @!p1 $0x1082;
	[sflag:s4] =	ssyncset.s32 $0xFFFFF086  }
0x25: {  	[simem:s6], [sflag:s4] =	dma.local [hbm:s3], $0xF7A  }
0x26: {  	[smem:$0x3F96] =	sst s1;
	(tag) =	ssettag s2;
	_ =	strace s9  }
0x27: {  	s1 =	sld [smem:$0x3FA6]  }
0x28: {  	s2 =	sld [smem:$0x3FA7]  }
0x29: {  	s4 =	sld [smem:$0x3FA9]  }
0x2a: {  	p0 =	seq.s32 s5, $0x0;
	s5 =	sld [smem:$0x3FAA]  }
0x2b: {  	s6 =	sld [smem:$0x3FAB]  }
0x2c: {  	s7 =	sld [smem:$0x3FAC]  }
0x2d: {  	s3 =	simm.s32 $0x108;
	s8 =	sld [smem:$0x3FAD]  }
0x2e: {  	s3 =	simm.s32 @!p0 $0x1082;
	s9 =	sld [smem:$0x3FAE]  }
0x2f: {  	lr =	sadd.s32 s0, s3;
	s0 =	sld [smem:$0x3FA5]  }
0x30: {  	s3 =	sld [smem:$0x3FA8]  }
0x31: {  	[smem:$0x3FB1] =	sst s10  }
0x32: {  	s10 =	sld [smem:$0x3FAF];
	_ =	sdelay $0x3  }
0x33: {  	p0 =	seq.s32 s10, $0x1;
	s10 =	sld [smem:$0x3FB1];
	_ =	sdelay $0x3  }
0x34: {  	[smem:$0x3FB1] =	sst s10  }
0x35: {  	s10 =	sld [smem:$0x3FB0];
	_ =	sdelay $0x3  }
0x36: {  	p1 =	seq.s32 s10, $0x1;
	s10 =	sld [smem:$0x3FB1];
	_ =	sdelay $0x3  }
0x37: {  	[smem:$0x3FB1] =	sst s10  }
0x38: {  	s10 =	sld [smem:$0x3FB2]  }
0x39: {  	_ = 	snop;
	(pc) =	sbr.ind lr, $3  }
0x3a: {  	_ = 	snop  }
0x3b: {  	_ = 	snop  }
0x3c: {  	p2 =	seq.s32 s10, $0x1;
	s10 =	sld [smem:$0x3FB1]  }
0x3d: {  	_ =	shalt  }
0x3e: {  	_ =	shalt  }
0x3f: {  	_ =	shalt  }
0x40: {  	_ =	shalt  }
0x41: {  	_ =	shalt  }
0x42: {  	_ =	shalt  }
0x43: {  	_ =	shalt  }
0x44: {  	_ =	shalt  }
0x45: {  	_ =	shalt  }
0x46: {  	_ =	shalt  }
0x47: {  	_ =	shalt  }
0x48: {  	_ =	shalt  }
0x49: {  	_ =	shalt  }
0x4a: {  	_ =	shalt  }
0x4b: {  	_ =	shalt  }
0x4c: {  	_ =	shalt  }
0x4d: {  	_ =	shalt  }
0x4e: {  	_ =	shalt  }
0x4f: {  	_ =	shalt  }
0x50: {  	_ =	shalt  }
0x51: {  	_ =	shalt  }
0x52: {  	_ =	shalt  }
0x53: {  	_ =	shalt  }
0x54: {  	_ =	shalt  }
0x55: {  	_ =	shalt  }
0x56: {  	_ =	shalt  }
0x57: {  	_ =	shalt  }
0x58: {  	_ =	shalt  }
0x59: {  	_ =	shalt  }
0x5a: {  	_ =	shalt  }
0x5b: {  	_ =	shalt  }
0x5c: {  	_ =	shalt  }
0x5d: {  	_ =	shalt  }
0x5e: {  	_ =	shalt  }
0x5f: {  	_ =	shalt  }
0x60: {  	_ =	shalt  }
0x61: {  	_ =	shalt  }
0x62: {  	_ =	shalt  }
0x63: {  	_ =	shalt  }
0x64: {  	_ =	shalt  }
0x65: {  	_ =	shalt  }
0x66: {  	_ =	shalt  }
0x67: {  	_ =	shalt  }
0x68: {  	_ =	shalt  }
0x69: {  	_ =	shalt  }
0x6a: {  	_ =	shalt  }
0x6b: {  	_ =	shalt  }
0x6c: {  	_ =	shalt  }
0x6d: {  	_ =	shalt  }
0x6e: {  	_ =	shalt  }
0x6f: {  	_ =	shalt  }
0x70: {  	_ =	shalt  }
0x71: {  	_ =	shalt  }
0x72: {  	_ =	shalt  }
0x73: {  	_ =	shalt  }
0x74: {  	_ =	shalt  }
0x75: {  	_ =	shalt  }
0x76: {  	_ =	shalt  }
0x77: {  	_ =	shalt  }
0x78: {  	_ =	shalt  }
0x79: {  	_ =	shalt  }
0x7a: {  	_ =	shalt  }
0x7b: {  	_ =	shalt  }
0x7c: {  	_ =	shalt  }
0x7d: {  	_ =	shalt  }
0x7e: {  	_ =	shalt  }
0x7f: {  	_ =	shalt  }
0x80: {  	_ =	shalt  }
0x81: {  	_ =	shalt  }
0x82: {  	_ =	shalt  }
0x83: {  	_ =	shalt  }
0x84: {  	_ =	shalt  }
0x85: {  	_ =	shalt  }
0x86: {  	_ =	shalt  }
0x87: {  	_ =	shalt  }
.Lfunc_end0:
.L_simem_size_0:
called_computation.3_lowered:
.L_overlay_start_0:
0x88: {  	s2 =	sld [smem:$0x3FD9]  }
0x89: {  	s3 =	sld [smem:$0x3FFE];
	_ =	sdelay $0x1  }
0x8a: {  	s1 =	srdreg.scid  }
0x8b: {  	s0 =	sand.u32 $0x1, s1  }
0x8c: {  	s16 =	sshll.u32 s0, $0xA;
	s2 =	sadd.s32 s3, s2  }
0x8d: {  	s2 =	sadd.s32 s2, s16  }
0x8e: {  	[smem:$0x3FBD] =	sst s2  }
0x8f: {  	_ = 	snop  }
0x90: {  	(tm) =	ssettm $0x1  }
0x91: {  	s17 =	sld [smem:$0x3FFB];
	_ =	sdelay $0x3  }
0x92: {  	_ =	strace s17  }
0x93: {  	s2 =	sld [smem:$0x3FFC];
	_ =	sdelay $0x3  }
0x94: {  	_ =	strace s2  }
0x95: {  	s2 =	sld [smem:$0x3FFD];
	_ =	sdelay $0x3  }
0x96: {  	_ =	strace s2  }
0x97: {  	_ =	strace $0x8FFFFFFF  }
0x98: {  	s18 =	sld [smem:$0x3FDB];
	_ =	sdelay $0x1  }
0x99: {  	s19 =	simm.s32 $_scs_section_size  }
0x9a: {  	s4 =	simm.s32 $_size__tile_overlayer_lowered;
	s5 =	simm.s32 $_tile_overlayer_lowered  }
0x9b: {  	s22 =	simm.s32 $0x1BFF;
	s21 =	sshll.u32 s5, $0x1;
	s2 =	sadd.s32 s19, s18  }
0x9c: {  	s6 =	simm.s32 $0x0;
	s20 =	sshll.u32 s4, $0x1;
	s4 =	sadd.s32 s21, s2  }
0x9d: {  	[timem:s6], [sflag:s22] =	dma.local [hbm:s4], s20  }
0x9e: {  	_ =	swait.ge [sflag:s22], s20  }
0x9f: {  	s3 =	ssub.s32 $0x0, s20;
	[sflag:s22] =	ssyncset.done $0x0  }
0xa0: {  	[sflag:s22] =	ssyncadd.s32 s3;
	_ =	sdelay $0x1  }
0xa1: {  	s23 =	simm.s32 $0x1B8B  }
0xa2: {  	_ =	swait.ge [sflag:s23], $0x1  }
0xa3: {  	[sflag:s23] =	ssyncset.done $0x0  }
0xa4: {  	s25 =	simm.s32 $0x1B8E;
	s24 =	sld [smem:$0x3FFE];
	[sflag:s23] =	ssyncadd.s32 $0xFFFFFFFF  }
0xa5: {  	s26 =	simm.s32 $execute0_lowered;
	[smem:$0x3FD2] =	sst s25  }
0xa6: {  	s4 =	sshll.u32 s26, $0x1;
	_ =	strace $0x8000004F;
	[dreg:$0x1] =	wrdreg $0xFFFFFFFF  }
0xa7: {  	s28 =	simm.s32 $_size_execute0_lowered;
	s2 =	sadd.s32 s2, s4;
	[dreg:$0x0] =	wrdreg $0x0  }
0xa8: {  	s4 =	sshll.u32 s28, $0x1;
	[dreg:$0x2] =	wrdreg s2  }
0xa9: {  	[dreg:$0x3] =	wrdreg s4  }
0xaa: {  	[dreg:$0x4] =	wrdreg $0xC0  }
0xab: {  	_ =	task [dreg:s6], $0x5FFFF  }
0xac: {  	[dreg:$0x1] =	wrdreg $0xFFFFFFFF  }
0xad: {  	[dreg:$0x0] =	wrdreg $0x60  }
0xae: {  	[dreg:$0x2] =	wrdreg s24  }
0xaf: {  	[dreg:$0x3] =	wrdreg $0xAE000  }
0xb0: {  	[dreg:$0x4] =	wrdreg $0x9  }
0xb1: {  	_ =	task.clear_ibuf [dreg:s6], $0x5FFFF;
	_ =	strace $0x9000004F  }
0xb2: {  	s29 =	simm.s32 $0x9;
	_ =	strace $0x80000051  }
0xb3: {  	_ =	swait.ge [sflag:s29], $0x1  }
0xb4: {  	[sflag:s29] =	ssyncadd.s32 $0xFFFFFFFF  }
0xb5: {  	_ =	strace $0x90000051  }
0xb6: {  	_ =	sfence  }
0xb7: {  	s30 =	sld [smem:$0x0];
	_ =	sdelay $0x2  }
0xb8: {  	s31 =	sshll.u32 s1, $0xD;
	s1 =	sshrl.u32 s1, $0x2  }
0xb9: {  	s3 =	sand.u32 $0x4000, s31;
	s1 =	sadd.s32 s1, s30  }
0xba: {  	s0 =	sor.u32 s3, s0;
	s1 =	sshll.u32 s1, $0x11  }
0xbb: {  	s0 =	sor.u32 s1, s0  }
0xbc: {  	s0 =	sadd.s32 $0x8F2B, s0  }
0xbd: {  	[sflag:s0] =	ssyncadd.remote.s32 $0x1  }
0xbe: {  	_ =	sfence.sel $0xFFFF  }
0xbf: {  	[dreg:$0x0] =	wrdreg $0xFFFFFFFF;
	(pc) =	sbr.abs _section_cstart, $3  }
0xc0: {  	[dreg:$0x1] =	wrdreg $0xFFFFFFFF  }
0xc1: {  	_ =	task.clear_ibuf [dreg:s6], $0x2FFFF;
	_ =	strace $0x9FFFFFFF  }
0xc2: {  	(tm) =	ssettm $0x7FFFFFFF  }
0xc3: {  	_ =	shalt  }
tec
execute0_lowered:
.L_overlay_start_1:
0x0: {  	(tag) =	ssettag $0x1  }
0x1: {  	s1 =	srdreg.scid  }
0x2: {  	s0 =	stileid.u32;
	s6 =	rddreg [dreg:$0x0]  }
0x3: {  	s2 =	rddreg [dreg:$0x1];
	s3 =	simm.s32 $0x0;
	s14 =	simm.s32 $0x3  }
0x4: {  	s15 =	simm.s32 $0x80;
	s16 =	simm.s32 $0x2C00;
	s17 =	simm.s32 $0x2D00  }
0x5: {  	s18 =	simm.s32 $0x6E00;
	s19 =	simm.s32 $0x1;
	s20 =	simm.s32 $0x2C80  }
0x6: {  	s21 =	simm.s32 $0x2;
	s22 =	simm.s32 $0x2D80;
	s9 =	smul.u32 $0x14000, s0  }
0x7: {  	s5 =	sand.u32 $0x1, s1;
	s26 =	sshll.u32 s0, $0x1;
	s10 =	smul.u32 $0x50000, s0  }
0x8: {  	[smem:$0x7FF] =	sst s3;
	s1 =	sor.u32 s5, s26;
	s8 =	smul.u32 $0x140000, s5  }
0x9: {  	s4 =	sadd.s32 $0xEA00, s6;
	s29 =	ssub.s32 $0x2, s5;
	s7 =	smul.u32 $0x580, s1  }
0xa: {  	s1 =	rddreg [dreg:$0x2];
	_ =	strace $0x80000050;
	s30 =	sshrl.u32 s10, $0x2  }
0xb: {  	s31 =	sshrl.u32 s29, $0x1;
	s28 =	sadd.s32 s9, s8;
	s5 =	sadd.s32 s30, s2  }
0xc: {  	s13 =	ssub.s32 s29, s31;
	s11 =	sadd.s32 s7, s6;
	s7 =	sshrl.u32 s28, $0x3  }
0xd: {  	s8 =	sadd.s32 $0xC000, s5;
	s9 =	sadd.s32 $0x10000, s5;
	s12 =	sadd.s32 s7, s6  }
0xe: {  	s6 =	sadd.s32 $0x4000, s5;
	s7 =	sadd.s32 $0x8000, s5;
	s10 =	sadd.s32 $0x3A00, s11  }
0xf: {  	v0 =	vimm.f32 $0.0e+00;
	s11 =	sadd.s32 $0x36A00, s12;
	s12 =	smax.u32 s13, $0x1;
	s13 =	simm.s32 $0x2E00  }
.LBB2_1:
0x10: {  	s23 =	simm.s32 $0x0;
	s24 =	simm.s32 $0x200  }
.LBB2_2:
0x11: {  	p0 =	sne.s32 s24, $0xFE00;
	[tilespmem:s23+$0x2E70] =	vst v0  }
0x12: {  	[tilespmem:s23+$0x2E00] =	vst v0  }
0x13: {  	[tilespmem:s23+$0x2E10] =	vst v0  }
.Ltmp0:
0x14: {  	[tilespmem:s23+$0x2E20] =	vst v0;
	(pc) =	sbr.rel @p0 .LBB2_2-.Ltmp0, $4  }
0x15: {  	[tilespmem:s23+$0x2E30] =	vst v0  }
0x16: {  	[tilespmem:s23+$0x2E40] =	vst v0  }
0x17: {  	[tilespmem:s23+$0x2E50] =	vst v0  }
0x18: {  	[tilespmem:s23+$0x2E60] =	vst v0;
	s23 =	sshra.s32 s24, $0x2;
	s24 =	sadd.s32 $0x200, s24  }
0x19: {  	[tilespmem:s23+$0x2E70] =	vst v0  }
0x1a: {  	[tilespmem:s23+$0x2E00] =	vst v0  }
0x1b: {  	[tilespmem:s23+$0x2E10] =	vst v0  }
0x1c: {  	[tilespmem:s23+$0x2E20] =	vst v0  }
0x1d: {  	[tilespmem:s23+$0x2E30] =	vst v0  }
0x1e: {  	[tilespmem:s23+$0x2E40] =	vst v0  }
0x1f: {  	[tilespmem:s23+$0x2E50] =	vst v0  }
0x20: {  	[tilespmem:s23+$0x2E60] =	vst v0  }
0x21: {  	[spmem:s5] =	stream.linear.scatter [tilespmem:s13], [sflag:$0x3], $0x4000, $0x38;
	[tilespmem:$0x1EE00] =	vst v63  }
0x22: {  	_ =	swait.ge [sflag:s14], $0x4000  }
0x23: {  	[sflag:s14] =	ssyncset.done $0x0  }
0x24: {  	[sflag:s14] =	ssyncadd.s32 $0xFFFFC000  }
0x25: {  	[spmem:s6] =	stream.linear.scatter [tilespmem:s13], [sflag:$0x3], $0x4000, $0x38;
	[tilespmem:$0x1EE00] =	vst v63  }
0x26: {  	_ =	swait.ge [sflag:s14], $0x4000  }
0x27: {  	[sflag:s14] =	ssyncset.done $0x0  }
0x28: {  	[sflag:s14] =	ssyncadd.s32 $0xFFFFC000  }
0x29: {  	[spmem:s7] =	stream.linear.scatter [tilespmem:s13], [sflag:$0x3], $0x4000, $0x38;
	[tilespmem:$0x1EE00] =	vst v63  }
0x2a: {  	_ =	swait.ge [sflag:s14], $0x4000  }
0x2b: {  	[sflag:s14] =	ssyncset.done $0x0  }
0x2c: {  	[sflag:s14] =	ssyncadd.s32 $0xFFFFC000  }
0x2d: {  	[spmem:s8] =	stream.linear.scatter [tilespmem:s13], [sflag:$0x3], $0x4000, $0x38;
	[tilespmem:$0x1EE00] =	vst v63  }
0x2e: {  	_ =	swait.ge [sflag:s14], $0x4000  }
0x2f: {  	[sflag:s14] =	ssyncset.done $0x0  }
0x30: {  	[sflag:s14] =	ssyncadd.s32 $0xFFFFC000  }
0x31: {  	[spmem:s9] =	stream.linear.scatter [tilespmem:s13], [sflag:$0x3], $0x4000, $0x38;
	[tilespmem:$0x1EE00] =	vst v63  }
0x32: {  	_ =	swait.ge [sflag:s14], $0x4000  }
0x33: {  	[sflag:s14] =	ssyncset.done $0x0  }
0x34: {  	[sflag:s14] =	ssyncadd.s32 $0xFFFFC000  }
0x35: {  	s24 =	simm.s32 $0x0;
	[bflag:$0x0] =	sbarrier.arrive $0xFFFF  }
0x36: {  	[tilespmem:s24], [sflag:$0x3] =	stream.linear.gather [hbm4b:s10+s24], $0x2900, $0x38;
	[tilespmem:$0x1EE00] =	vst v63  }
0x37: {  	_ =	swait.ge [sflag:s14], $0x2900  }
0x38: {  	[sflag:s14] =	ssyncset.done $0x0  }
0x39: {  	[sflag:s14] =	ssyncadd.s32 $0xFFFFD700  }
0x3a: {  	v1 =	vld [tilespmem:$0x0];
	_ =	sdelay $0x1  }
0x3b: {  	v2 =	vld [tilespmem:$0x10];
	_ =	sdelay $0x1  }
0x3c: {  	v3 =	vld [tilespmem:$0x20]  }
0x3d: {  	v4 =	vand.u32 $0xFFFF, v1  }
0x3e: {  	v62 =	vld [tilespmem:$0x30];
	v1 =	vshra.s32 v1, $0x10;
	[tilespmem:$0x2C00] =	vst v4  }
0x3f: {  	[tilespmem:$0x2C80] =	vst v1;
	v1 =	vand.u32 $0xFFFF, v2  }
0x40: {  	[tilespmem:$0x2C10] =	vst v1;
	v1 =	vshra.s32 v2, $0x10;
	v2 =	vld [tilespmem:$0x40]  }
0x41: {  	[tilespmem:$0x2C90] =	vst v1;
	v1 =	vand.u32 $0xFFFF, v3  }
0x42: {  	[tilespmem:$0x2C20] =	vst v1;
	v1 =	vshra.s32 v3, $0x10;
	v3 =	vld [tilespmem:$0x50]  }
0x43: {  	[tilespmem:$0x2CA0] =	vst v1;
	v1 =	vand.u32 $0xFFFF, v62  }
0x44: {  	v63 =	vld [tilespmem:$0x60];
	[tilespmem:$0x2C30] =	vst v1;
	v1 =	vshra.s32 v62, $0x10  }
0x45: {  	[tilespmem:$0x2CB0] =	vst v1;
	v1 =	vand.u32 $0xFFFF, v2  }
0x46: {  	[tilespmem:$0x2C40] =	vst v1;
	v1 =	vshra.s32 v2, $0x10;
	v2 =	vld [tilespmem:$0x70]  }
0x47: {  	[tilespmem:$0x2CC0] =	vst v1;
	v1 =	vand.u32 $0xFFFF, v3  }
0x48: {  	[tilespmem:$0x2C50] =	vst v1;
	v1 =	vshra.s32 v3, $0x10  }
0x49: {  	[tilespmem:$0x2CD0] =	vst v1;
	v1 =	vand.u32 $0xFFFF, v63  }
0x4a: {  	[tilespmem:$0x2C60] =	vst v1;
	v1 =	vshra.s32 v63, $0x10  }
0x4b: {  	[tilespmem:$0x2CE0] =	vst v1;
	v1 =	vand.u32 $0xFFFF, v2  }
0x4c: {  	[tilespmem:$0x2C70] =	vst v1;
	v1 =	vshra.s32 v2, $0x10  }
0x4d: {  	s23 =	simm.s32 $0xF0;
	[tilespmem:$0x2CF0] =	vst v1  }
0x4e: {  	[tilespmem:s13], [sflag:$0x1] =	stream.indirect.gather [hbm4b:s4+s15], $0x80, s16, s15, $0xb8;
	[tilespmem:$0x1EE00] =	vst v63  }
0x4f: {  	v1 =	vld [tilespmem:s23+$0xFFFFFF90];
	_ =	sdelay $0x4  }
0x50: {  	v2 =	vand.u32 $0xFFFF, v1  }
0x51: {  	v1 =	vshra.s32 v1, $0x10;
	[tilespmem:$0x2D00] =	vst v2  }
0x52: {  	[tilespmem:$0x2D80] =	vst v1  }
0x53: {  	v1 =	vld [tilespmem:s23+$0xFFFFFFA0];
	_ =	sdelay $0x4  }
0x54: {  	v2 =	vand.u32 $0xFFFF, v1  }
0x55: {  	v1 =	vshra.s32 v1, $0x10;
	[tilespmem:$0x2D10] =	vst v2  }
0x56: {  	[tilespmem:$0x2D90] =	vst v1  }
0x57: {  	v1 =	vld [tilespmem:s23+$0xFFFFFFB0];
	_ =	sdelay $0x4  }
0x58: {  	v2 =	vand.u32 $0xFFFF, v1  }
0x59: {  	v1 =	vshra.s32 v1, $0x10;
	[tilespmem:$0x2D20] =	vst v2  }
0x5a: {  	[tilespmem:$0x2DA0] =	vst v1  }
0x5b: {  	v1 =	vld [tilespmem:s23+$0xFFFFFFC0];
	_ =	sdelay $0x4  }
0x5c: {  	v2 =	vand.u32 $0xFFFF, v1  }
0x5d: {  	v1 =	vshra.s32 v1, $0x10;
	[tilespmem:$0x2D30] =	vst v2  }
0x5e: {  	[tilespmem:$0x2DB0] =	vst v1  }
0x5f: {  	v1 =	vld [tilespmem:s23+$0xFFFFFFD0];
	_ =	sdelay $0x4  }
0x60: {  	v2 =	vand.u32 $0xFFFF, v1  }
0x61: {  	v1 =	vshra.s32 v1, $0x10;
	[tilespmem:$0x2D40] =	vst v2  }
0x62: {  	[tilespmem:$0x2DC0] =	vst v1  }
0x63: {  	v1 =	vld [tilespmem:s23+$0xFFFFFFE0];
	_ =	sdelay $0x4  }
0x64: {  	v2 =	vand.u32 $0xFFFF, v1  }
0x65: {  	v1 =	vshra.s32 v1, $0x10;
	[tilespmem:$0x2D50] =	vst v2  }
0x66: {  	[tilespmem:$0x2DD0] =	vst v1  }
0x67: {  	v1 =	vld [tilespmem:s23+$0xFFFFFFF0];
	_ =	sdelay $0x4  }
0x68: {  	v2 =	vand.u32 $0xFFFF, v1  }
0x69: {  	v1 =	vshra.s32 v1, $0x10;
	[tilespmem:$0x2D60] =	vst v2  }
0x6a: {  	[tilespmem:$0x2DE0] =	vst v1  }
0x6b: {  	v1 =	vld [tilespmem:s23+$0x0];
	_ =	sdelay $0x4  }
0x6c: {  	v2 =	vand.u32 $0xFFFF, v1  }
0x6d: {  	v1 =	vshra.s32 v1, $0x10;
	[tilespmem:$0x2D70] =	vst v2  }
0x6e: {  	[tilespmem:$0x2DF0] =	vst v1  }
0x6f: {  	[tilespmem:s18], [sflag:$0x2] =	stream.indirect.gather [hbm4b:s4+s15], $0x80, s17, s15, $0xb8;
	[tilespmem:$0x1EE00] =	vst v63  }
0x70: {  	_ =	swait.ge [sflag:s19], $0x4000  }
0x71: {  	[sflag:s19] =	ssyncset.done $0x0  }
0x72: {  	[sflag:s19] =	ssyncadd.s32 $0xFFFFC000  }
0x73: {  	[spmem:s2] =	stream.indirect.scatter.add.f32 [tilespmem:s13], [sflag:$0x3], $0x80, s20, s15, $0xb8;
	[tilespmem:$0x1EE00] =	vst v63  }
0x74: {  	_ =	swait.ge [sflag:s14], $0x4000  }
0x75: {  	s24 =	smin.u32 s24, $0x4F;
	[sflag:s14] =	ssyncset.done $0x0  }
0x76: {  	s25 =	sshll.u32 s24, $0x7;
	[sflag:s14] =	ssyncadd.s32 $0xFFFFC000  }
0x77: {  	v1 =	vld [tilespmem:s25+$0x100];
	_ =	sdelay $0x4  }
0x78: {  	v2 =	vand.u32 $0xFFFF, v1  }
0x79: {  	v1 =	vshra.s32 v1, $0x10;
	[tilespmem:$0x2C00] =	vst v2  }
0x7a: {  	[tilespmem:$0x2C80] =	vst v1  }
0x7b: {  	v1 =	vld [tilespmem:s25+$0x110];
	_ =	sdelay $0x4  }
0x7c: {  	v2 =	vand.u32 $0xFFFF, v1  }
0x7d: {  	v1 =	vshra.s32 v1, $0x10;
	[tilespmem:$0x2C10] =	vst v2  }
0x7e: {  	[tilespmem:$0x2C90] =	vst v1  }
0x7f: {  	v1 =	vld [tilespmem:s25+$0x120];
	_ =	sdelay $0x4  }
0x80: {  	v2 =	vand.u32 $0xFFFF, v1  }
0x81: {  	v1 =	vshra.s32 v1, $0x10;
	[tilespmem:$0x2C20] =	vst v2  }
0x82: {  	[tilespmem:$0x2CA0] =	vst v1  }
0x83: {  	v1 =	vld [tilespmem:s25+$0x130];
	_ =	sdelay $0x4  }
0x84: {  	v2 =	vand.u32 $0xFFFF, v1  }
0x85: {  	v1 =	vshra.s32 v1, $0x10;
	[tilespmem:$0x2C30] =	vst v2  }
0x86: {  	[tilespmem:$0x2CB0] =	vst v1  }
0x87: {  	v1 =	vld [tilespmem:s25+$0x140];
	_ =	sdelay $0x4  }
0x88: {  	v2 =	vand.u32 $0xFFFF, v1  }
0x89: {  	v1 =	vshra.s32 v1, $0x10;
	[tilespmem:$0x2C40] =	vst v2  }
0x8a: {  	[tilespmem:$0x2CC0] =	vst v1  }
0x8b: {  	v1 =	vld [tilespmem:s25+$0x150];
	_ =	sdelay $0x4  }
0x8c: {  	v2 =	vand.u32 $0xFFFF, v1  }
0x8d: {  	v1 =	vshra.s32 v1, $0x10;
	[tilespmem:$0x2C50] =	vst v2  }
0x8e: {  	[tilespmem:$0x2CD0] =	vst v1  }
0x8f: {  	v1 =	vld [tilespmem:s25+$0x160];
	_ =	sdelay $0x4  }
0x90: {  	v2 =	vand.u32 $0xFFFF, v1  }
0x91: {  	s24 =	simm.s32 $0x2;
	v1 =	vshra.s32 v1, $0x10;
	[tilespmem:$0x2C60] =	vst v2  }
.LBB2_4:
0x92: {  	p0 =	sne.s32 s24, $0x50  }
0x93: {  	[tilespmem:$0x2CE0] =	vst v1;
	s23 =	sadd.s32 $0x100, s23;
	s26 =	smov.u32 s24;
	s24 =	sadd.s32 $0x2, s24  }
0x94: {  	v1 =	vld [tilespmem:s25+$0x170];
	_ =	sdelay $0x4  }
0x95: {  	v2 =	vand.u32 $0xFFFF, v1;
	v1 =	vshra.s32 v1, $0x10  }
0x96: {  	[tilespmem:$0x2C70] =	vst v2  }
0x97: {  	[tilespmem:$0x2CF0] =	vst v1  }
0x98: {  	[tilespmem:s13], [sflag:$0x1] =	stream.indirect.gather [hbm4b:s4+s15], $0x80, s16, s15, $0xb8;
	[tilespmem:$0x1EE00] =	vst v63  }
0x99: {  	_ =	swait.ge [sflag:s21], $0x4000  }
0x9a: {  	[sflag:s21] =	ssyncset.done $0x0  }
0x9b: {  	[sflag:s21] =	ssyncadd.s32 $0xFFFFC000  }
0x9c: {  	[spmem:s2] =	stream.indirect.scatter.add.f32 [tilespmem:s18], [sflag:$0x3], $0x80, s22, s15, $0xb8;
	[tilespmem:$0x1EE00] =	vst v63  }
0x9d: {  	_ =	swait.ge [sflag:s14], $0x4000  }
0x9e: {  	[sflag:s14] =	ssyncset.done $0x0  }
0x9f: {  	[sflag:s14] =	ssyncadd.s32 $0xFFFFC000  }
0xa0: {  	v1 =	vld [tilespmem:s23+$0xFFFFFF90];
	_ =	sdelay $0x4  }
0xa1: {  	v2 =	vand.u32 $0xFFFF, v1;
	v1 =	vshra.s32 v1, $0x10  }
0xa2: {  	[tilespmem:$0x2D00] =	vst v2  }
0xa3: {  	[tilespmem:$0x2D80] =	vst v1  }
0xa4: {  	v1 =	vld [tilespmem:s23+$0xFFFFFFA0];
	_ =	sdelay $0x4  }
0xa5: {  	v2 =	vand.u32 $0xFFFF, v1;
	v1 =	vshra.s32 v1, $0x10  }
0xa6: {  	[tilespmem:$0x2D10] =	vst v2  }
0xa7: {  	[tilespmem:$0x2D90] =	vst v1  }
0xa8: {  	v1 =	vld [tilespmem:s23+$0xFFFFFFB0];
	_ =	sdelay $0x4  }
0xa9: {  	v2 =	vand.u32 $0xFFFF, v1;
	v1 =	vshra.s32 v1, $0x10  }
0xaa: {  	[tilespmem:$0x2D20] =	vst v2  }
0xab: {  	[tilespmem:$0x2DA0] =	vst v1  }
0xac: {  	v1 =	vld [tilespmem:s23+$0xFFFFFFC0];
	_ =	sdelay $0x4  }
0xad: {  	v2 =	vand.u32 $0xFFFF, v1;
	v1 =	vshra.s32 v1, $0x10  }
0xae: {  	[tilespmem:$0x2D30] =	vst v2  }
0xaf: {  	[tilespmem:$0x2DB0] =	vst v1  }
0xb0: {  	v1 =	vld [tilespmem:s23+$0xFFFFFFD0];
	_ =	sdelay $0x4  }
0xb1: {  	v2 =	vand.u32 $0xFFFF, v1;
	v1 =	vshra.s32 v1, $0x10  }
0xb2: {  	[tilespmem:$0x2D40] =	vst v2  }
0xb3: {  	[tilespmem:$0x2DC0] =	vst v1  }
0xb4: {  	v1 =	vld [tilespmem:s23+$0xFFFFFFE0];
	_ =	sdelay $0x4  }
0xb5: {  	v2 =	vand.u32 $0xFFFF, v1;
	v1 =	vshra.s32 v1, $0x10  }
0xb6: {  	[tilespmem:$0x2D50] =	vst v2  }
0xb7: {  	[tilespmem:$0x2DD0] =	vst v1  }
0xb8: {  	v1 =	vld [tilespmem:s23+$0xFFFFFFF0];
	_ =	sdelay $0x4  }
0xb9: {  	v2 =	vand.u32 $0xFFFF, v1;
	v1 =	vshra.s32 v1, $0x10  }
0xba: {  	[tilespmem:$0x2D60] =	vst v2  }
0xbb: {  	[tilespmem:$0x2DE0] =	vst v1  }
0xbc: {  	v1 =	vld [tilespmem:s23+$0x0];
	_ =	sdelay $0x4  }
0xbd: {  	v2 =	vand.u32 $0xFFFF, v1;
	v1 =	vshra.s32 v1, $0x10  }
0xbe: {  	s25 =	smin.u32 s26, $0x4F;
	[tilespmem:$0x2D70] =	vst v2  }
0xbf: {  	s25 =	sshll.u32 s25, $0x7;
	[tilespmem:$0x2DF0] =	vst v1  }
0xc0: {  	[tilespmem:s18], [sflag:$0x2] =	stream.indirect.gather [hbm4b:s4+s15], $0x80, s17, s15, $0xb8;
	[tilespmem:$0x1EE00] =	vst v63  }
0xc1: {  	_ =	swait.ge [sflag:s19], $0x4000  }
0xc2: {  	[sflag:s19] =	ssyncset.done $0x0  }
0xc3: {  	[sflag:s19] =	ssyncadd.s32 $0xFFFFC000  }
0xc4: {  	[spmem:s2] =	stream.indirect.scatter.add.f32 [tilespmem:s13], [sflag:$0x3], $0x80, s20, s15, $0xb8;
	[tilespmem:$0x1EE00] =	vst v63  }
0xc5: {  	_ =	swait.ge [sflag:s14], $0x4000  }
0xc6: {  	[sflag:s14] =	ssyncset.done $0x0  }
0xc7: {  	[sflag:s14] =	ssyncadd.s32 $0xFFFFC000  }
0xc8: {  	v1 =	vld [tilespmem:s25+$0x100];
	_ =	sdelay $0x4  }
0xc9: {  	v2 =	vand.u32 $0xFFFF, v1;
	v1 =	vshra.s32 v1, $0x10  }
0xca: {  	[tilespmem:$0x2C00] =	vst v2  }
0xcb: {  	[tilespmem:$0x2C80] =	vst v1  }
0xcc: {  	v1 =	vld [tilespmem:s25+$0x110];
	_ =	sdelay $0x4  }
0xcd: {  	v2 =	vand.u32 $0xFFFF, v1;
	v1 =	vshra.s32 v1, $0x10  }
0xce: {  	[tilespmem:$0x2C10] =	vst v2  }
0xcf: {  	[tilespmem:$0x2C90] =	vst v1  }
0xd0: {  	v1 =	vld [tilespmem:s25+$0x120];
	_ =	sdelay $0x4  }
0xd1: {  	v2 =	vand.u32 $0xFFFF, v1;
	v1 =	vshra.s32 v1, $0x10  }
0xd2: {  	[tilespmem:$0x2C20] =	vst v2  }
0xd3: {  	[tilespmem:$0x2CA0] =	vst v1  }
0xd4: {  	v1 =	vld [tilespmem:s25+$0x130];
	_ =	sdelay $0x4  }
0xd5: {  	v2 =	vand.u32 $0xFFFF, v1;
	v1 =	vshra.s32 v1, $0x10  }
0xd6: {  	[tilespmem:$0x2C30] =	vst v2  }
0xd7: {  	[tilespmem:$0x2CB0] =	vst v1  }
0xd8: {  	v1 =	vld [tilespmem:s25+$0x140];
	_ =	sdelay $0x4  }
0xd9: {  	v2 =	vand.u32 $0xFFFF, v1;
	v1 =	vshra.s32 v1, $0x10  }
0xda: {  	[tilespmem:$0x2C40] =	vst v2  }
0xdb: {  	[tilespmem:$0x2CC0] =	vst v1  }
0xdc: {  	v1 =	vld [tilespmem:s25+$0x150];
	_ =	sdelay $0x4  }
0xdd: {  	v2 =	vand.u32 $0xFFFF, v1;
	v1 =	vshra.s32 v1, $0x10  }
0xde: {  	[tilespmem:$0x2C50] =	vst v2  }
0xdf: {  	[tilespmem:$0x2CD0] =	vst v1  }
0xe0: {  	v1 =	vld [tilespmem:s25+$0x160];
	_ =	sdelay $0x1  }
.Ltmp1:
0xe1: {  	(pc) =	sbr.rel @p0 .LBB2_4-.Ltmp1, $3  }
0xe2: {  	_ =	sdelay $0x1  }
0xe3: {  	v2 =	vand.u32 $0xFFFF, v1;
	v1 =	vshra.s32 v1, $0x10  }
0xe4: {  	[tilespmem:$0x2C60] =	vst v2  }
0xe5: {  	[tilespmem:$0x2CE0] =	vst v1  }
0xe6: {  	v1 =	vld [tilespmem:s25+$0x170];
	_ =	sdelay $0x4  }
0xe7: {  	v2 =	vand.u32 $0xFFFF, v1  }
0xe8: {  	v1 =	vshra.s32 v1, $0x10;
	[tilespmem:$0x2C70] =	vst v2  }
0xe9: {  	[tilespmem:$0x2CF0] =	vst v1  }
0xea: {  	[tilespmem:s13], [sflag:$0x1] =	stream.indirect.gather [hbm4b:s4+s15], $0x80, s16, s15, $0xb8;
	[tilespmem:$0x1EE00] =	vst v63  }
0xeb: {  	_ =	swait.ge [sflag:s21], $0x4000  }
0xec: {  	[sflag:s21] =	ssyncset.done $0x0  }
0xed: {  	[sflag:s21] =	ssyncadd.s32 $0xFFFFC000  }
0xee: {  	[spmem:s2] =	stream.indirect.scatter.add.f32 [tilespmem:s18], [sflag:$0x3], $0x80, s22, s15, $0xb8;
	[tilespmem:$0x1EE00] =	vst v63  }
0xef: {  	_ =	swait.ge [sflag:s14], $0x4000  }
0xf0: {  	[sflag:s14] =	ssyncset.done $0x0  }
0xf1: {  	[sflag:s14] =	ssyncadd.s32 $0xFFFFC000  }
0xf2: {  	_ =	swait.ge [sflag:s19], $0x4000  }
0xf3: {  	s23 =	sshll.u32 s0, $0x6;
	s3 =	sadd.s32 $0x1, s3;
	[sflag:s19] =	ssyncset.done $0x0  }
0xf4: {  	s24 =	sshrl.u32 s5, $0x3;
	p0 =	sne.s32 s3, s12;
	[sflag:s19] =	ssyncadd.s32 $0xFFFFC000  }
.Ltmp2:
0xf5: {  	s23 =	sor.u32 $0x1C03, s23;
	[bflag:$0x0] =	sbarrier.arrive $0xFFFF;
	(pc) =	sbr.rel @p0 .LBB2_1-.Ltmp2, $4  }
0xf6: {  	[hbm:s11], [sflag:s23] =	dma.local [spmem:s24], $0x2800  }
0xf7: {  	_ =	swait.ge [sflag:s14], $0x2800  }
0xf8: {  	[sflag:s14] =	ssyncset.done $0x0  }
0xf9: {  	[sflag:s14] =	ssyncadd.s32 $0xFFFFD800  }
0xfa: {  	_ =	sfence.sel $0x180000  }
0xfb: {  	[bflag:$0x0] =	sbarrier.arrive $0xFFFF  }
0xfc: {  	p0 =	sne.s32 s0, $0x0;
	_ =	strace $0x90000050  }
0xfd: {  	s0 =	sadd.s32 @!p0 $0x100000, s1;
	[bflag:$0x2] =	sbarrier.arrive $0xFFFF  }
0xfe: {  	[sflag:s0] =	ssyncadd.tile.s32 @!p0 $0x1;
	_ =	shalt  }
.Lfunc_end2:
_tile_overlayer_lowered:
.L_overlay_start_2:
0xff: {  	(tag) =	ssettag $0x2  }
0x100: {  	s0 =	rddreg [dreg:$0x0];
	s2 =	stileid.u32  }
0x101: {  	s1 =	rddreg [dreg:$0x1];
	p0 =	sne.s32 s2, $0x0  }
0x102: {  	s3 =	rddreg [dreg:$0x2];
	[bflag:$0x3] =	sbarrier.arrive $0xFFFF;
	s2 =	simm.s32 @!p0 $0x1C03  }
0x103: {  	[timem:s3], [sflag:s2] =	dma.local @!p0 [hbm:s0], s1  }
0x104: {  	s0 =	simm.s32 @!p0 $0x3  }
0x105: {  	_ =	swait.ge @!p0 [sflag:s0], s1  }
0x106: {  	s1 =	ssub.s32 @!p0 $0x0, s1;
	[sflag:s0] =	ssyncset.done @!p0 $0x0  }
0x107: {  	[sflag:s0] =	ssyncadd.s32 @!p0 s1  }
0x108: {  	[bflag:$0x3] =	sbarrier.arrive $0xFFFF  }
0x109: {  	_ =	shalt  }

</sc_bundles>
